<compile_context>
chip_gen: v7x
topology: tpu7x:2x2x1
jax: 0.10.2.dev20260603
libtpu: 0.0.44.dev20260713+nightly
codegen_flags: <defaults>
</compile_context>

<pallas_src>
import jax
import jax.numpy as jnp
from jax import lax
from jax.experimental import pallas as pl
from jax.experimental.pallas import tpu as pltpu
from jax.experimental.pallas import tpu_sc as plsc

N_NODES = 10000
N_EDGES = 320000
D = 128
N_GRAPHS = 64

NC, NS = 2, 16
NW = NC * NS
CHUNK = 64
BLK = 4
TOT_CH = 5120
CPW0 = 288
CPW1 = TOT_CH // NS - CPW0
E_PAD = TOT_CH * CHUNK
N_PAD = 10240
DUMMY_ROW = 10016
RPT = N_PAD // NS
RB = RPT // CHUNK

ROW_BLK = 512
N_BLKS = N_PAD // ROW_BLK


def _mesh():
    return plsc.VectorSubcoreMesh(core_axis_name="c", subcore_axis_name="s",
                                  num_cores=NC, num_subcores=NS)


def _make_edge_pass(with_cnt):
    out_types = [jax.ShapeDtypeStruct((NC, N_PAD, D), jnp.float32)]
    scratch = [
        pltpu.VMEM((BLK, CHUNK), jnp.int32),
        pltpu.VMEM((BLK, CHUNK), jnp.int32),
        pltpu.VMEM((BLK, CHUNK), jnp.int32),
        pltpu.VMEM((BLK, CHUNK), jnp.int32),
        pltpu.VMEM((CHUNK, D), jnp.float32),
        pltpu.VMEM((CHUNK, D), jnp.float32),
        pltpu.VMEM((CHUNK, D), jnp.float32),
        pltpu.VMEM((CHUNK, D), jnp.float32),
        pltpu.VMEM_SHARED((N_PAD, D), jnp.float32),
    ] + [pltpu.SemaphoreType.DMA] * 12
    if with_cnt:
        out_types.append(jax.ShapeDtypeStruct((NC, N_PAD), jnp.float32))
        scratch += [pltpu.VMEM((CHUNK,), jnp.float32),
                    pltpu.VMEM((RPT,), jnp.float32),
                    pltpu.VMEM_SHARED((N_PAD,), jnp.float32)] + [pltpu.SemaphoreType.DMA] * 4

    def body(*refs):
        if with_cnt:
            (table, src2, dst2, zrows, out, deg_out,
             is0, is1, id0, id1, b0, b1, b2, b3, acc,
             g0, g1, g2, g3, s0, s1, s2, s3, i0, i1, x0, x1,
             cbuf, degv, cnt, c0, c1, c2, c3) = refs
        else:
            (table, src2, dst2, zrows, out,
             is0, is1, id0, id1, b0, b1, b2, b3, acc,
             g0, g1, g2, g3, s0, s1, s2, s3, i0, i1, x0, x1) = refs
            deg_out = cbuf = degv = cnt = c0 = c1 = c2 = c3 = None
        bufs = (b0, b1, b2, b3)
        isb = (is0, is1)
        idb = (id0, id1)
        gsem = (g0, g1, g2, g3)
        ssem = (s0, s1, s2, s3)
        csem = (c0, c1, c2, c3)
        isem = (i0, i1)
        c = lax.axis_index("c")
        s = lax.axis_index("s")
        brow0 = jnp.where(c == 0, s * CPW0, NS * CPW0 + s * CPW1)
        nblk2 = jnp.where(c == 0, (CPW0 // BLK) // 2, (CPW1 // BLK) // 2)

        def idx_issue(parity, blkid):
            r = brow0 + blkid * BLK
            pltpu.async_copy(src2.at[pl.ds(r, BLK)], isb[parity],
                             isem[parity])
            pltpu.async_copy(dst2.at[pl.ds(r, BLK)], idb[parity],
                             isem[parity])

        def idx_wait(parity):
            pltpu.make_async_copy(src2.at[pl.ds(brow0, BLK)], isb[parity],
                                  isem[parity]).wait()
            pltpu.make_async_copy(dst2.at[pl.ds(brow0, BLK)], idb[parity],
                                  isem[parity]).wait()

        idx_issue(0, 0)
        pltpu.sync_copy(zrows, b0)
        if with_cnt:
            zero16 = jnp.zeros((16,), jnp.float32)
            for i in range(CHUNK // 16):
                cbuf[pl.ds(i * 16, 16)] = zero16
        for k in range(RB):
            r0 = s * RPT + k * CHUNK
            pltpu.sync_copy(b0, acc.at[pl.ds(r0, CHUNK)])
            if with_cnt:
                pltpu.sync_copy(cbuf, cnt.at[pl.ds(r0, CHUNK)])
        if with_cnt:
            one16 = jnp.ones((16,), jnp.float32)
            for i in range(CHUNK // 16):
                cbuf[pl.ds(i * 16, 16)] = one16
        plsc.subcore_barrier()

        def drain(parity):
            for b in range(BLK):
                pltpu.make_async_copy(bufs[b], acc.at[idb[parity].at[b]],
                                      ssem[b]).wait()
                if with_cnt:
                    pltpu.make_async_copy(cbuf, cnt.at[idb[parity].at[b]],
                                          csem[b]).wait()

        def halfblock(jj, parity, first):
            idx_wait(parity)
            if first:
                @pl.when(jj > 0)
                def _():
                    drain(parity)
            else:
                drain(parity)
            nxt = 2 * jj + (1 if parity == 0 else 2)
            if parity == 0:
                idx_issue(1, nxt)
            else:
                @pl.when(jj < nblk2 - 1)
                def _():
                    idx_issue(0, nxt)
            for b in range(BLK):
                pltpu.async_copy(table.at[isb[parity].at[b]], bufs[b],
                                 gsem[b])
            for b in range(BLK):
                pltpu.make_async_copy(table.at[isb[parity].at[b]], bufs[b],
                                      gsem[b]).wait()
                pltpu.async_copy(bufs[b], acc.at[idb[parity].at[b]],
                                 ssem[b], add=True)
                if with_cnt:
                    pltpu.async_copy(cbuf, cnt.at[idb[parity].at[b]],
                                     csem[b], add=True)

        def step(jj, carry):
            halfblock(jj, 0, True)
            halfblock(jj, 1, False)
            return carry

        lax.fori_loop(0, nblk2, step, 0)
        for b in range(BLK):
            pltpu.make_async_copy(bufs[b], acc.at[idb[0].at[b]],
                                  ssem[b]).wait()
            if with_cnt:
                pltpu.make_async_copy(cbuf, cnt.at[idb[0].at[b]],
                                      csem[b]).wait()
        plsc.subcore_barrier()

        for k in range(RB):
            r0 = s * RPT + k * CHUNK
            pltpu.sync_copy(acc.at[pl.ds(r0, CHUNK)], b0)
            pltpu.sync_copy(b0, out.at[c, pl.ds(r0, CHUNK)])
        if with_cnt:
            pltpu.sync_copy(cnt.at[pl.ds(s * RPT, RPT)], degv)
            pltpu.sync_copy(degv, deg_out.at[c, pl.ds(s * RPT, RPT)])

    return pl.kernel(body, out_type=tuple(out_types), mesh=_mesh(),
                     scratch_types=scratch)


def _mm2_body(x_ref, wl_ref, wr_ref, b_ref, y_ref, r_ref):
    xb = x_ref[...]
    y_ref[...] = jnp.dot(xb, wl_ref[...], preferred_element_type=jnp.float32)
    r_ref[...] = (jnp.dot(xb, wr_ref[...], preferred_element_type=jnp.float32)
                  + b_ref[...])


def _stage1_body(p1_ref, degm_ref, r1_ref, b3_ref, w2l_ref,
                 z_ref, ph1_ref):
    i = pl.program_id(0)
    p = p1_ref[0] + p1_ref[1]
    h = jnp.maximum(p / degm_ref[...] + r1_ref[...], 0.0)
    z_ref[...] = jnp.dot(h, w2l_ref[...], preferred_element_type=jnp.float32)
    bb = b3_ref[0]
    ohT = (bb == lax.broadcasted_iota(jnp.int32, (N_GRAPHS, ROW_BLK), 0)
           ).astype(jnp.float32)

    @pl.when(i == 0)
    def _():
        ph1_ref[...] = jnp.zeros_like(ph1_ref)

    ph1_ref[...] += jnp.dot(ohT, h, preferred_element_type=jnp.float32)


def _stage2_body(p2_ref, degm_ref, b3_ref, ph1_ref, w2r_ref, b2_ref,
                 wfc_ref, bfc_ref, out_ref, s_scr, cb_scr):
    i = pl.program_id(0)
    p = p2_ref[0] + p2_ref[1]
    aggm = p / degm_ref[...]
    bb = b3_ref[0]
    ohT = (bb == lax.broadcasted_iota(jnp.int32, (N_GRAPHS, ROW_BLK), 0)
           ).astype(jnp.float32)

    @pl.when(i == 0)
    def _():
        s_scr[...] = jnp.zeros_like(s_scr)
        cb_scr[...] = jnp.zeros_like(cb_scr)

    s_scr[...] += jnp.dot(ohT, aggm, preferred_element_type=jnp.float32)
    cb_scr[...] += jnp.dot(ohT, jnp.ones((ROW_BLK, D), jnp.float32),
                           preferred_element_type=jnp.float32)

    @pl.when(i == N_BLKS - 1)
    def _():
        cb = jnp.maximum(cb_scr[:, 0:1], 1.0)
        g = (s_scr[...] / cb
             + jnp.dot(ph1_ref[...] / cb, w2r_ref[...],
                       preferred_element_type=jnp.float32)
             + b2_ref[...])
        out_ref[...] = (jnp.dot(g, wfc_ref[...],
                                preferred_element_type=jnp.float32)
                        + bfc_ref[...])


def kernel(x, edge_index, batch, W1l, b1, W1r, W2l, b2, W2r, Wfc, bfc):
    src = edge_index[0].astype(jnp.int32)
    dst = edge_index[1].astype(jnp.int32)
    epad = E_PAD - N_EDGES
    src_p = jnp.concatenate([src, jnp.zeros((epad,), jnp.int32)]
                            ).reshape(E_PAD // CHUNK, CHUNK)
    dst_p = jnp.concatenate([dst, jnp.full((epad,), DUMMY_ROW, jnp.int32)]
                            ).reshape(E_PAD // CHUNK, CHUNK)
    npad = N_PAD - N_NODES
    x_p = jnp.concatenate([x, jnp.zeros((npad, D), x.dtype)])
    batch3 = jnp.concatenate([batch.astype(jnp.int32),
                              jnp.full((npad,), N_GRAPHS, jnp.int32)]
                             ).reshape(N_BLKS, 1, ROW_BLK)
    zrows = jnp.zeros((CHUNK, D), jnp.float32)

    full = pl.BlockSpec((D, D), lambda i: (0, 0))
    rowb = pl.BlockSpec((ROW_BLK, D), lambda i: (i, 0))

    y1, r1 = pl.pallas_call(
        _mm2_body,
        grid=(N_BLKS,),
        in_specs=[rowb, full, full, pl.BlockSpec((1, D), lambda i: (0, 0))],
        out_specs=[rowb, rowb],
        out_shape=[jax.ShapeDtypeStruct((N_PAD, D), jnp.float32)] * 2,
    )(x_p, W1l, W1r, b1.reshape(1, D))

    p1, deg = _make_edge_pass(True)(y1, src_p, dst_p, zrows)
    degm = jnp.maximum(deg[0] + deg[1], 1.0).reshape(N_PAD, 1)

    pblk = pl.BlockSpec((NC, ROW_BLK, D), lambda i: (0, i, 0))
    dblk = pl.BlockSpec((ROW_BLK, 1), lambda i: (i, 0))
    bblk = pl.BlockSpec((1, 1, ROW_BLK), lambda i: (i, 0, 0))
    gfull = pl.BlockSpec((N_GRAPHS, D), lambda i: (0, 0))

    z, ph1 = pl.pallas_call(
        _stage1_body,
        grid=(N_BLKS,),
        in_specs=[pblk, dblk, rowb, bblk, full],
        out_specs=[rowb, gfull],
        out_shape=[jax.ShapeDtypeStruct((N_PAD, D), jnp.float32),
                   jax.ShapeDtypeStruct((N_GRAPHS, D), jnp.float32)],
    )(p1, degm, r1, batch3, W2l)

    (p2,) = _make_edge_pass(False)(z, src_p, dst_p, zrows)

    out = pl.pallas_call(
        _stage2_body,
        grid=(N_BLKS,),
        in_specs=[pblk, dblk, bblk, gfull, full,
                  pl.BlockSpec((1, D), lambda i: (0, 0)),
                  pl.BlockSpec((D, 4), lambda i: (0, 0)),
                  pl.BlockSpec((1, 4), lambda i: (0, 0))],
        out_specs=pl.BlockSpec((N_GRAPHS, 4), lambda i: (0, 0)),
        out_shape=jax.ShapeDtypeStruct((N_GRAPHS, 4), jnp.float32),
        scratch_shapes=[pltpu.VMEM((N_GRAPHS, D), jnp.float32),
                        pltpu.VMEM((N_GRAPHS, D), jnp.float32)],
    )(p2, degm, batch3, ph1, W2r, b2.reshape(1, D), Wfc, bfc.reshape(1, 4))

    return out

# --- scband reference (transcript-rebuilt; emitter-appended) ---
"""Pipeline reference for scband-eegemotion-gnnsage-19628000543387 (READ-ONLY COPY).

The authoritative reference and input builder live on the scoring server;
editing this copy changes nothing except your own understanding.
"""

import jax, jax.numpy as jnp
import numpy as np

N_NODES = 10000
N_EDGES = 320000
D_FEAT = 128
HIDDEN = 128
N_CLASSES = 4
N_GRAPHS = 64


def setup_inputs(seed: int = 0) -> dict:
    key = jax.random.key(seed)
    ks = jax.random.split(key, 12)
    x = jax.random.normal(ks[0], (N_NODES, D_FEAT), dtype=jnp.float32)
    edge_index = jax.random.randint(ks[1], (2, N_EDGES), 0, N_NODES, dtype=jnp.int64)
    batch = jnp.sort(jax.random.randint(ks[2], (N_NODES,), 0, N_GRAPHS, dtype=jnp.int64))
    s1 = 1.0 / np.sqrt(D_FEAT)
    s2 = 1.0 / np.sqrt(HIDDEN)
    W1l = jax.random.normal(ks[3], (D_FEAT, HIDDEN), dtype=jnp.float32) * s1
    W1r = jax.random.normal(ks[4], (D_FEAT, HIDDEN), dtype=jnp.float32) * s1
    b1 = jnp.zeros((HIDDEN,), dtype=jnp.float32)
    W2l = jax.random.normal(ks[5], (HIDDEN, HIDDEN), dtype=jnp.float32) * s2
    W2r = jax.random.normal(ks[6], (HIDDEN, HIDDEN), dtype=jnp.float32) * s2
    b2 = jnp.zeros((HIDDEN,), dtype=jnp.float32)
    Wfc = jax.random.normal(ks[7], (HIDDEN, N_CLASSES), dtype=jnp.float32) * s2
    bfc = jnp.zeros((N_CLASSES,), dtype=jnp.float32)
    return {"x": x, "edge_index": edge_index, "batch": batch,
            "W1l": W1l, "b1": b1, "W1r": W1r,
            "W2l": W2l, "b2": b2, "W2r": W2r,
            "Wfc": Wfc, "bfc": bfc}


def _sage_conv(x, edge_index, Wl, b, Wr):
    # PyG SAGEConv (mean aggregation): out = lin_l(mean_j x_j) + lin_r(x_i)
    src = edge_index[0]
    dst = edge_index[1]
    n = x.shape[0]
    msg = jnp.take(x, src, axis=0)                       # gather  [E, d]
    s = jax.ops.segment_sum(msg, dst, num_segments=n)    # scatter-add
    cnt = jax.ops.segment_sum(jnp.ones((edge_index.shape[1],), x.dtype), dst, num_segments=n)
    agg = s / jnp.maximum(cnt, 1.0)[:, None]
    return agg @ Wl + b + x @ Wr


def _global_mean_pool(h, batch, num_graphs):
    s = jax.ops.segment_sum(h, batch, num_segments=num_graphs)
    cnt = jax.ops.segment_sum(jnp.ones((h.shape[0],), h.dtype), batch, num_segments=num_graphs)
    return s / jnp.maximum(cnt, 1.0)[:, None]


def reference(x, edge_index, batch, W1l, b1, W1r, W2l, b2, W2r, Wfc, bfc):
    h = _sage_conv(x, edge_index, W1l, b1, W1r)
    h = jax.nn.relu(h)
    h = _sage_conv(h, edge_index, W2l, b2, W2r)
    # dropout(p=0.3) is identity in eval mode
    g = _global_mean_pool(h, batch, N_GRAPHS)
    return g @ Wfc + bfc

if __name__ == "__main__":
    import jax
    _d = setup_inputs()
    print(jax.jit(kernel)(*tuple(_d.values())))

</pallas_src>

<mosaic_0001>
#map = affine_map<(d0, d1) -> (0, 0)>
#map1 = affine_map<(d0, d1) -> (0, 0, 0)>
module attributes {stable_mosaic.version = 14 : i64} {
  func.func @body(%arg0: i32, %arg1: i32, %arg2: memref<10240x128xf32, #tpu.memory_space<hbm>>, %arg3: memref<5120x64xi32, #tpu.memory_space<hbm>>, %arg4: memref<5120x64xi32, #tpu.memory_space<hbm>>, %arg5: memref<64x128xf32, #tpu.memory_space<hbm>>, %arg6: memref<2x10240x128xf32, #tpu.memory_space<hbm>>, %arg7: memref<2x10240xf32, #tpu.memory_space<hbm>>, %arg8: memref<4x64xi32, #tpu.memory_space<vmem>>, %arg9: memref<4x64xi32, #tpu.memory_space<vmem>>, %arg10: memref<4x64xi32, #tpu.memory_space<vmem>>, %arg11: memref<4x64xi32, #tpu.memory_space<vmem>>, %arg12: memref<64x128xf32, #tpu.memory_space<vmem>>, %arg13: memref<64x128xf32, #tpu.memory_space<vmem>>, %arg14: memref<64x128xf32, #tpu.memory_space<vmem>>, %arg15: memref<64x128xf32, #tpu.memory_space<vmem>>, %arg16: memref<10240x128xf32, #tpu.memory_space<vmem_shared>>, %arg17: memref<!tpu.dma_semaphore, #tpu.memory_space<semaphore_mem>>, %arg18: memref<!tpu.dma_semaphore, #tpu.memory_space<semaphore_mem>>, %arg19: memref<!tpu.dma_semaphore, #tpu.memory_space<semaphore_mem>>, %arg20: memref<!tpu.dma_semaphore, #tpu.memory_space<semaphore_mem>>, %arg21: memref<!tpu.dma_semaphore, #tpu.memory_space<semaphore_mem>>, %arg22: memref<!tpu.dma_semaphore, #tpu.memory_space<semaphore_mem>>, %arg23: memref<!tpu.dma_semaphore, #tpu.memory_space<semaphore_mem>>, %arg24: memref<!tpu.dma_semaphore, #tpu.memory_space<semaphore_mem>>, %arg25: memref<!tpu.dma_semaphore, #tpu.memory_space<semaphore_mem>>, %arg26: memref<!tpu.dma_semaphore, #tpu.memory_space<semaphore_mem>>, %arg27: memref<!tpu.dma_semaphore, #tpu.memory_space<semaphore_mem>>, %arg28: memref<!tpu.dma_semaphore, #tpu.memory_space<semaphore_mem>>, %arg29: memref<64xf32, #tpu.memory_space<vmem>>, %arg30: memref<640xf32, #tpu.memory_space<vmem>>, %arg31: memref<10240xf32, #tpu.memory_space<vmem_shared>>, %arg32: memref<!tpu.dma_semaphore, #tpu.memory_space<semaphore_mem>>, %arg33: memref<!tpu.dma_semaphore, #tpu.memory_space<semaphore_mem>>, %arg34: memref<!tpu.dma_semaphore, #tpu.memory_space<semaphore_mem>>, %arg35: memref<!tpu.dma_semaphore, #tpu.memory_space<semaphore_mem>>) attributes {dimension_semantics = [#tpu.dimension_semantics<core_parallel>, #tpu.dimension_semantics<subcore_parallel>], iteration_bounds = array<i64: 2, 16>, scalar_prefetch = 0 : i64, scratch_operands = 28 : i64, tpu.core_type = #tpu.core_type<sc_vector_subcore>, window_params = [{transform_indices = #map}, {transform_indices = #map}, {transform_indices = #map}, {transform_indices = #map}, {transform_indices = #map1}, {transform_indices = #map}]} {
    %eq3A = arith.constant 0 : i32
    %eq3A_0 = arith.cmpi eq, %arg0, %eq3A : i32
    %mul3A = arith.constant 288 : i32
    %mul3A_1 = arith.muli %arg1, %mul3A : i32
    %mul3A_2 = arith.constant 32 : i32
    %mul3A_3 = arith.muli %arg1, %mul3A_2 : i32
    %add3A = arith.constant 4608 : i32
    %add3A_4 = arith.addi %add3A, %mul3A_3 : i32
    %select_n3A = arith.select %eq3A_0, %mul3A_1, %add3A_4 : i32
    %eq3A_5 = arith.constant 0 : i32
    %eq3A_6 = arith.cmpi eq, %arg0, %eq3A_5 : i32
    %jit3A = arith.constant 36 : i32
    %jit3A_7 = arith.constant 4 : i32
    %select_n3A_8 = arith.select %eq3A_6, %jit3A, %jit3A_7 : i32
    %add3A_9 = arith.constant 0 : i32
    %add3A_10 = arith.addi %select_n3A, %add3A_9 : i32
    %dma_start3A = arith.constant 0 : i32
    %dma_start3A_11 = tpu.memref_slice %arg3[%add3A_10, %dma_start3A] : memref<5120x64xi32, #tpu.memory_space<hbm>> -> memref<4x64xi32, #tpu.memory_space<hbm>>
    %dma_start3A_12 = arith.constant 0 : i32
    %dma_start3A_13 = tpu.memref_slice %arg3[%add3A_10, %dma_start3A_12] : memref<5120x64xi32, #tpu.memory_space<hbm>> -> memref<4x64xi32, #tpu.memory_space<hbm>>
    tpu.enqueue_dma source(%dma_start3A_13 : memref<4x64xi32, #tpu.memory_space<hbm>>) target(%arg8 : memref<4x64xi32, #tpu.memory_space<vmem>>) target_semaphore(%arg25 : memref<!tpu.dma_semaphore, #tpu.memory_space<semaphore_mem>>)
    %dma_start3A_14 = arith.constant 0 : i32
    %dma_start3A_15 = tpu.memref_slice %arg4[%add3A_10, %dma_start3A_14] : memref<5120x64xi32, #tpu.memory_space<hbm>> -> memref<4x64xi32, #tpu.memory_space<hbm>>
    %dma_start3A_16 = arith.constant 0 : i32
    %dma_start3A_17 = tpu.memref_slice %arg4[%add3A_10, %dma_start3A_16] : memref<5120x64xi32, #tpu.memory_space<hbm>> -> memref<4x64xi32, #tpu.memory_space<hbm>>
    tpu.enqueue_dma source(%dma_start3A_17 : memref<4x64xi32, #tpu.memory_space<hbm>>) target(%arg10 : memref<4x64xi32, #tpu.memory_space<vmem>>) target_semaphore(%arg25 : memref<!tpu.dma_semaphore, #tpu.memory_space<semaphore_mem>>)
    "tpu.region"() ({
      %run_scoped3A = tpu.sem_alloc : memref<!tpu.dma_semaphore, #tpu.memory_space<semaphore_mem>>
      tpu.enqueue_dma source(%arg5 : memref<64x128xf32, #tpu.memory_space<hbm>>) target(%arg12 : memref<64x128xf32, #tpu.memory_space<vmem>>) target_semaphore(%run_scoped3A : memref<!tpu.dma_semaphore, #tpu.memory_space<semaphore_mem>>)
      tpu.wait_dma2 semaphore(%run_scoped3A : memref<!tpu.dma_semaphore, #tpu.memory_space<semaphore_mem>>) src(%arg5 : memref<64x128xf32, #tpu.memory_space<hbm>>) dst(%arg12 : memref<64x128xf32, #tpu.memory_space<vmem>>)
      tpu.yield
    }) : () -> ()
    %broadcast_in_dim3A = arith.constant 0.000000e+00 : f32
    %broadcast_in_dim3A_18 = vector.broadcast %broadcast_in_dim3A : f32 to vector<16xf32>
    %swap3A = arith.constant 0 : index
    %swap3A_19 = tpu.vector_load %arg29[%swap3A] {strides = array<i32>} : memref<64xf32, #tpu.memory_space<vmem>>, vector<16xf32>,
    %swap3A_20 = vector.shape_cast %swap3A_19 : vector<16xf32> to vector<16xf32>
    %swap3A_21 = vector.shape_cast %broadcast_in_dim3A_18 : vector<16xf32> to vector<16xf32>
    tpu.vector_store %arg29[%swap3A], %swap3A_21 {strides = array<i32>} : memref<64xf32, #tpu.memory_space<vmem>>, vector<16xf32>,
    %swap3A_22 = arith.constant 16 : index
    %swap3A_23 = tpu.vector_load %arg29[%swap3A_22] {strides = array<i32>} : memref<64xf32, #tpu.memory_space<vmem>>, vector<16xf32>,
    %swap3A_24 = vector.shape_cast %swap3A_23 : vector<16xf32> to vector<16xf32>
    %swap3A_25 = vector.shape_cast %broadcast_in_dim3A_18 : vector<16xf32> to vector<16xf32>
    tpu.vector_store %arg29[%swap3A_22], %swap3A_25 {strides = array<i32>} : memref<64xf32, #tpu.memory_space<vmem>>, vector<16xf32>,
    %swap3A_26 = arith.constant 32 : index
    %swap3A_27 = tpu.vector_load %arg29[%swap3A_26] {strides = array<i32>} : memref<64xf32, #tpu.memory_space<vmem>>, vector<16xf32>,
    %swap3A_28 = vector.shape_cast %swap3A_27 : vector<16xf32> to vector<16xf32>
    %swap3A_29 = vector.shape_cast %broadcast_in_dim3A_18 : vector<16xf32> to vector<16xf32>
    tpu.vector_store %arg29[%swap3A_26], %swap3A_29 {strides = array<i32>} : memref<64xf32, #tpu.memory_space<vmem>>, vector<16xf32>,
    %swap3A_30 = arith.constant 48 : index
    %swap3A_31 = tpu.vector_load %arg29[%swap3A_30] {strides = array<i32>} : memref<64xf32, #tpu.memory_space<vmem>>, vector<16xf32>,
    %swap3A_32 = vector.shape_cast %swap3A_31 : vector<16xf32> to vector<16xf32>
    %swap3A_33 = vector.shape_cast %broadcast_in_dim3A_18 : vector<16xf32> to vector<16xf32>
    tpu.vector_store %arg29[%swap3A_30], %swap3A_33 {strides = array<i32>} : memref<64xf32, #tpu.memory_space<vmem>>, vector<16xf32>,
    %mul3A_34 = arith.constant 640 : i32
    %mul3A_35 = arith.muli %arg1, %mul3A_34 : i32
    %add3A_36 = arith.constant 0 : i32
    %add3A_37 = arith.addi %mul3A_35, %add3A_36 : i32
    "tpu.region"() ({
      %run_scoped3A = tpu.sem_alloc : memref<!tpu.dma_semaphore, #tpu.memory_space<semaphore_mem>>
      %dma_start3A_197 = arith.constant 0 : i32
      %dma_start3A_198 = tpu.memref_slice %arg16[%add3A_37, %dma_start3A_197] : memref<10240x128xf32, #tpu.memory_space<vmem_shared>> -> memref<64x128xf32, #tpu.memory_space<vmem_shared>>
      %dma_start3A_199 = arith.constant 0 : i32
      %dma_start3A_200 = tpu.memref_slice %arg16[%add3A_37, %dma_start3A_199] : memref<10240x128xf32, #tpu.memory_space<vmem_shared>> -> memref<64x128xf32, #tpu.memory_space<vmem_shared>>
      tpu.enqueue_dma source(%arg12 : memref<64x128xf32, #tpu.memory_space<vmem>>) target(%dma_start3A_200 : memref<64x128xf32, #tpu.memory_space<vmem_shared>>) target_semaphore(%run_scoped3A : memref<!tpu.dma_semaphore, #tpu.memory_space<semaphore_mem>>)
      %dma_wait3A_201 = arith.constant 0 : i32
      %dma_wait3A_202 = tpu.memref_slice %arg16[%add3A_37, %dma_wait3A_201] : memref<10240x128xf32, #tpu.memory_space<vmem_shared>> -> memref<64x128xf32, #tpu.memory_space<vmem_shared>>
      %dma_wait3A_203 = arith.constant 0 : i32
      %dma_wait3A_204 = tpu.memref_slice %arg16[%add3A_37, %dma_wait3A_203] : memref<10240x128xf32, #tpu.memory_space<vmem_shared>> -> memref<64x128xf32, #tpu.memory_space<vmem_shared>>
      tpu.wait_dma2 semaphore(%run_scoped3A : memref<!tpu.dma_semaphore, #tpu.memory_space<semaphore_mem>>) src(%arg12 : memref<64x128xf32, #tpu.memory_space<vmem>>) dst(%dma_wait3A_204 : memref<64x128xf32, #tpu.memory_space<vmem_shared>>)
      tpu.yield
    }) : () -> ()
    "tpu.region"() ({
      %run_scoped3A = tpu.sem_alloc : memref<!tpu.dma_semaphore, #tpu.memory_space<semaphore_mem>>
      %dma_start3A_197 = tpu.memref_slice %arg31[%add3A_37] : memref<10240xf32, #tpu.memory_space<vmem_shared>> -> memref<64xf32, #tpu.memory_space<vmem_shared>>
      %dma_start3A_198 = tpu.memref_slice %arg31[%add3A_37] : memref<10240xf32, #tpu.memory_space<vmem_shared>> -> memref<64xf32, #tpu.memory_space<vmem_shared>>
      tpu.enqueue_dma source(%arg29 : memref<64xf32, #tpu.memory_space<vmem>>) target(%dma_start3A_198 : memref<64xf32, #tpu.memory_space<vmem_shared>>) target_semaphore(%run_scoped3A : memref<!tpu.dma_semaphore, #tpu.memory_space<semaphore_mem>>)
      %dma_wait3A_199 = tpu.memref_slice %arg31[%add3A_37] : memref<10240xf32, #tpu.memory_space<vmem_shared>> -> memref<64xf32, #tpu.memory_space<vmem_shared>>
      %dma_wait3A_200 = tpu.memref_slice %arg31[%add3A_37] : memref<10240xf32, #tpu.memory_space<vmem_shared>> -> memref<64xf32, #tpu.memory_space<vmem_shared>>
      tpu.wait_dma2 semaphore(%run_scoped3A : memref<!tpu.dma_semaphore, #tpu.memory_space<semaphore_mem>>) src(%arg29 : memref<64xf32, #tpu.memory_space<vmem>>) dst(%dma_wait3A_200 : memref<64xf32, #tpu.memory_space<vmem_shared>>)
      tpu.yield
    }) : () -> ()
    %mul3A_38 = arith.constant 640 : i32
    %mul3A_39 = arith.muli %arg1, %mul3A_38 : i32
    %add3A_40 = arith.constant 64 : i32
    %add3A_41 = arith.addi %mul3A_39, %add3A_40 : i32
    "tpu.region"() ({
      %run_scoped3A = tpu.sem_alloc : memref<!tpu.dma_semaphore, #tpu.memory_space<semaphore_mem>>
      %dma_start3A_197 = arith.constant 0 : i32
      %dma_start3A_198 = tpu.memref_slice %arg16[%add3A_41, %dma_start3A_197] : memref<10240x128xf32, #tpu.memory_space<vmem_shared>> -> memref<64x128xf32, #tpu.memory_space<vmem_shared>>
      %dma_start3A_199 = arith.constant 0 : i32
      %dma_start3A_200 = tpu.memref_slice %arg16[%add3A_41, %dma_start3A_199] : memref<10240x128xf32, #tpu.memory_space<vmem_shared>> -> memref<64x128xf32, #tpu.memory_space<vmem_shared>>
      tpu.enqueue_dma source(%arg12 : memref<64x128xf32, #tpu.memory_space<vmem>>) target(%dma_start3A_200 : memref<64x128xf32, #tpu.memory_space<vmem_shared>>) target_semaphore(%run_scoped3A : memref<!tpu.dma_semaphore, #tpu.memory_space<semaphore_mem>>)
      %dma_wait3A_201 = arith.constant 0 : i32
      %dma_wait3A_202 = tpu.memref_slice %arg16[%add3A_41, %dma_wait3A_201] : memref<10240x128xf32, #tpu.memory_space<vmem_shared>> -> memref<64x128xf32, #tpu.memory_space<vmem_shared>>
      %dma_wait3A_203 = arith.constant 0 : i32
      %dma_wait3A_204 = tpu.memref_slice %arg16[%add3A_41, %dma_wait3A_203] : memref<10240x128xf32, #tpu.memory_space<vmem_shared>> -> memref<64x128xf32, #tpu.memory_space<vmem_shared>>
      tpu.wait_dma2 semaphore(%run_scoped3A : memref<!tpu.dma_semaphore, #tpu.memory_space<semaphore_mem>>) src(%arg12 : memref<64x128xf32, #tpu.memory_space<vmem>>) dst(%dma_wait3A_204 : memref<64x128xf32, #tpu.memory_space<vmem_shared>>)
      tpu.yield
    }) : () -> ()
    "tpu.region"() ({
      %run_scoped3A = tpu.sem_alloc : memref<!tpu.dma_semaphore, #tpu.memory_space<semaphore_mem>>
      %dma_start3A_197 = tpu.memref_slice %arg31[%add3A_41] : memref<10240xf32, #tpu.memory_space<vmem_shared>> -> memref<64xf32, #tpu.memory_space<vmem_shared>>
      %dma_start3A_198 = tpu.memref_slice %arg31[%add3A_41] : memref<10240xf32, #tpu.memory_space<vmem_shared>> -> memref<64xf32, #tpu.memory_space<vmem_shared>>
      tpu.enqueue_dma source(%arg29 : memref<64xf32, #tpu.memory_space<vmem>>) target(%dma_start3A_198 : memref<64xf32, #tpu.memory_space<vmem_shared>>) target_semaphore(%run_scoped3A : memref<!tpu.dma_semaphore, #tpu.memory_space<semaphore_mem>>)
      %dma_wait3A_199 = tpu.memref_slice %arg31[%add3A_41] : memref<10240xf32, #tpu.memory_space<vmem_shared>> -> memref<64xf32, #tpu.memory_space<vmem_shared>>
      %dma_wait3A_200 = tpu.memref_slice %arg31[%add3A_41] : memref<10240xf32, #tpu.memory_space<vmem_shared>> -> memref<64xf32, #tpu.memory_space<vmem_shared>>
      tpu.wait_dma2 semaphore(%run_scoped3A : memref<!tpu.dma_semaphore, #tpu.memory_space<semaphore_mem>>) src(%arg29 : memref<64xf32, #tpu.memory_space<vmem>>) dst(%dma_wait3A_200 : memref<64xf32, #tpu.memory_space<vmem_shared>>)
      tpu.yield
    }) : () -> ()
    %mul3A_42 = arith.constant 640 : i32
    %mul3A_43 = arith.muli %arg1, %mul3A_42 : i32
    %add3A_44 = arith.constant 128 : i32
    %add3A_45 = arith.addi %mul3A_43, %add3A_44 : i32
    "tpu.region"() ({
      %run_scoped3A = tpu.sem_alloc : memref<!tpu.dma_semaphore, #tpu.memory_space<semaphore_mem>>
      %dma_start3A_197 = arith.constant 0 : i32
      %dma_start3A_198 = tpu.memref_slice %arg16[%add3A_45, %dma_start3A_197] : memref<10240x128xf32, #tpu.memory_space<vmem_shared>> -> memref<64x128xf32, #tpu.memory_space<vmem_shared>>
      %dma_start3A_199 = arith.constant 0 : i32
      %dma_start3A_200 = tpu.memref_slice %arg16[%add3A_45, %dma_start3A_199] : memref<10240x128xf32, #tpu.memory_space<vmem_shared>> -> memref<64x128xf32, #tpu.memory_space<vmem_shared>>
      tpu.enqueue_dma source(%arg12 : memref<64x128xf32, #tpu.memory_space<vmem>>) target(%dma_start3A_200 : memref<64x128xf32, #tpu.memory_space<vmem_shared>>) target_semaphore(%run_scoped3A : memref<!tpu.dma_semaphore, #tpu.memory_space<semaphore_mem>>)
      %dma_wait3A_201 = arith.constant 0 : i32
      %dma_wait3A_202 = tpu.memref_slice %arg16[%add3A_45, %dma_wait3A_201] : memref<10240x128xf32, #tpu.memory_space<vmem_shared>> -> memref<64x128xf32, #tpu.memory_space<vmem_shared>>
      %dma_wait3A_203 = arith.constant 0 : i32
      %dma_wait3A_204 = tpu.memref_slice %arg16[%add3A_45, %dma_wait3A_203] : memref<10240x128xf32, #tpu.memory_space<vmem_shared>> -> memref<64x128xf32, #tpu.memory_space<vmem_shared>>
      tpu.wait_dma2 semaphore(%run_scoped3A : memref<!tpu.dma_semaphore, #tpu.memory_space<semaphore_mem>>) src(%arg12 : memref<64x128xf32, #tpu.memory_space<vmem>>) dst(%dma_wait3A_204 : memref<64x128xf32, #tpu.memory_space<vmem_shared>>)
      tpu.yield
    }) : () -> ()
    "tpu.region"() ({
      %run_scoped3A = tpu.sem_alloc : memref<!tpu.dma_semaphore, #tpu.memory_space<semaphore_mem>>
      %dma_start3A_197 = tpu.memref_slice %arg31[%add3A_45] : memref<10240xf32, #tpu.memory_space<vmem_shared>> -> memref<64xf32, #tpu.memory_space<vmem_shared>>
      %dma_start3A_198 = tpu.memref_slice %arg31[%add3A_45] : memref<10240xf32, #tpu.memory_space<vmem_shared>> -> memref<64xf32, #tpu.memory_space<vmem_shared>>
      tpu.enqueue_dma source(%arg29 : memref<64xf32, #tpu.memory_space<vmem>>) target(%dma_start3A_198 : memref<64xf32, #tpu.memory_space<vmem_shared>>) target_semaphore(%run_scoped3A : memref<!tpu.dma_semaphore, #tpu.memory_space<semaphore_mem>>)
      %dma_wait3A_199 = tpu.memref_slice %arg31[%add3A_45] : memref<10240xf32, #tpu.memory_space<vmem_shared>> -> memref<64xf32, #tpu.memory_space<vmem_shared>>
      %dma_wait3A_200 = tpu.memref_slice %arg31[%add3A_45] : memref<10240xf32, #tpu.memory_space<vmem_shared>> -> memref<64xf32, #tpu.memory_space<vmem_shared>>
      tpu.wait_dma2 semaphore(%run_scoped3A : memref<!tpu.dma_semaphore, #tpu.memory_space<semaphore_mem>>) src(%arg29 : memref<64xf32, #tpu.memory_space<vmem>>) dst(%dma_wait3A_200 : memref<64xf32, #tpu.memory_space<vmem_shared>>)
      tpu.yield
    }) : () -> ()
    %mul3A_46 = arith.constant 640 : i32
    %mul3A_47 = arith.muli %arg1, %mul3A_46 : i32
    %add3A_48 = arith.constant 192 : i32
    %add3A_49 = arith.addi %mul3A_47, %add3A_48 : i32
    "tpu.region"() ({
      %run_scoped3A = tpu.sem_alloc : memref<!tpu.dma_semaphore, #tpu.memory_space<semaphore_mem>>
      %dma_start3A_197 = arith.constant 0 : i32
      %dma_start3A_198 = tpu.memref_slice %arg16[%add3A_49, %dma_start3A_197] : memref<10240x128xf32, #tpu.memory_space<vmem_shared>> -> memref<64x128xf32, #tpu.memory_space<vmem_shared>>
      %dma_start3A_199 = arith.constant 0 : i32
      %dma_start3A_200 = tpu.memref_slice %arg16[%add3A_49, %dma_start3A_199] : memref<10240x128xf32, #tpu.memory_space<vmem_shared>> -> memref<64x128xf32, #tpu.memory_space<vmem_shared>>
      tpu.enqueue_dma source(%arg12 : memref<64x128xf32, #tpu.memory_space<vmem>>) target(%dma_start3A_200 : memref<64x128xf32, #tpu.memory_space<vmem_shared>>) target_semaphore(%run_scoped3A : memref<!tpu.dma_semaphore, #tpu.memory_space<semaphore_mem>>)
      %dma_wait3A_201 = arith.constant 0 : i32
      %dma_wait3A_202 = tpu.memref_slice %arg16[%add3A_49, %dma_wait3A_201] : memref<10240x128xf32, #tpu.memory_space<vmem_shared>> -> memref<64x128xf32, #tpu.memory_space<vmem_shared>>
      %dma_wait3A_203 = arith.constant 0 : i32
      %dma_wait3A_204 = tpu.memref_slice %arg16[%add3A_49, %dma_wait3A_203] : memref<10240x128xf32, #tpu.memory_space<vmem_shared>> -> memref<64x128xf32, #tpu.memory_space<vmem_shared>>
      tpu.wait_dma2 semaphore(%run_scoped3A : memref<!tpu.dma_semaphore, #tpu.memory_space<semaphore_mem>>) src(%arg12 : memref<64x128xf32, #tpu.memory_space<vmem>>) dst(%dma_wait3A_204 : memref<64x128xf32, #tpu.memory_space<vmem_shared>>)
      tpu.yield
    }) : () -> ()
    "tpu.region"() ({
      %run_scoped3A = tpu.sem_alloc : memref<!tpu.dma_semaphore, #tpu.memory_space<semaphore_mem>>
      %dma_start3A_197 = tpu.memref_slice %arg31[%add3A_49] : memref<10240xf32, #tpu.memory_space<vmem_shared>> -> memref<64xf32, #tpu.memory_space<vmem_shared>>
      %dma_start3A_198 = tpu.memref_slice %arg31[%add3A_49] : memref<10240xf32, #tpu.memory_space<vmem_shared>> -> memref<64xf32, #tpu.memory_space<vmem_shared>>
      tpu.enqueue_dma source(%arg29 : memref<64xf32, #tpu.memory_space<vmem>>) target(%dma_start3A_198 : memref<64xf32, #tpu.memory_space<vmem_shared>>) target_semaphore(%run_scoped3A : memref<!tpu.dma_semaphore, #tpu.memory_space<semaphore_mem>>)
      %dma_wait3A_199 = tpu.memref_slice %arg31[%add3A_49] : memref<10240xf32, #tpu.memory_space<vmem_shared>> -> memref<64xf32, #tpu.memory_space<vmem_shared>>
      %dma_wait3A_200 = tpu.memref_slice %arg31[%add3A_49] : memref<10240xf32, #tpu.memory_space<vmem_shared>> -> memref<64xf32, #tpu.memory_space<vmem_shared>>
      tpu.wait_dma2 semaphore(%run_scoped3A : memref<!tpu.dma_semaphore, #tpu.memory_space<semaphore_mem>>) src(%arg29 : memref<64xf32, #tpu.memory_space<vmem>>) dst(%dma_wait3A_200 : memref<64xf32, #tpu.memory_space<vmem_shared>>)
      tpu.yield
    }) : () -> ()
    %mul3A_50 = arith.constant 640 : i32
    %mul3A_51 = arith.muli %arg1, %mul3A_50 : i32
    %add3A_52 = arith.constant 256 : i32
    %add3A_53 = arith.addi %mul3A_51, %add3A_52 : i32
    "tpu.region"() ({
      %run_scoped3A = tpu.sem_alloc : memref<!tpu.dma_semaphore, #tpu.memory_space<semaphore_mem>>
      %dma_start3A_197 = arith.constant 0 : i32
      %dma_start3A_198 = tpu.memref_slice %arg16[%add3A_53, %dma_start3A_197] : memref<10240x128xf32, #tpu.memory_space<vmem_shared>> -> memref<64x128xf32, #tpu.memory_space<vmem_shared>>
      %dma_start3A_199 = arith.constant 0 : i32
      %dma_start3A_200 = tpu.memref_slice %arg16[%add3A_53, %dma_start3A_199] : memref<10240x128xf32, #tpu.memory_space<vmem_shared>> -> memref<64x128xf32, #tpu.memory_space<vmem_shared>>
      tpu.enqueue_dma source(%arg12 : memref<64x128xf32, #tpu.memory_space<vmem>>) target(%dma_start3A_200 : memref<64x128xf32, #tpu.memory_space<vmem_shared>>) target_semaphore(%run_scoped3A : memref<!tpu.dma_semaphore, #tpu.memory_space<semaphore_mem>>)
      %dma_wait3A_201 = arith.constant 0 : i32
      %dma_wait3A_202 = tpu.memref_slice %arg16[%add3A_53, %dma_wait3A_201] : memref<10240x128xf32, #tpu.memory_space<vmem_shared>> -> memref<64x128xf32, #tpu.memory_space<vmem_shared>>
      %dma_wait3A_203 = arith.constant 0 : i32
      %dma_wait3A_204 = tpu.memref_slice %arg16[%add3A_53, %dma_wait3A_203] : memref<10240x128xf32, #tpu.memory_space<vmem_shared>> -> memref<64x128xf32, #tpu.memory_space<vmem_shared>>
      tpu.wait_dma2 semaphore(%run_scoped3A : memref<!tpu.dma_semaphore, #tpu.memory_space<semaphore_mem>>) src(%arg12 : memref<64x128xf32, #tpu.memory_space<vmem>>) dst(%dma_wait3A_204 : memref<64x128xf32, #tpu.memory_space<vmem_shared>>)
      tpu.yield
    }) : () -> ()
    "tpu.region"() ({
      %run_scoped3A = tpu.sem_alloc : memref<!tpu.dma_semaphore, #tpu.memory_space<semaphore_mem>>
      %dma_start3A_197 = tpu.memref_slice %arg31[%add3A_53] : memref<10240xf32, #tpu.memory_space<vmem_shared>> -> memref<64xf32, #tpu.memory_space<vmem_shared>>
      %dma_start3A_198 = tpu.memref_slice %arg31[%add3A_53] : memref<10240xf32, #tpu.memory_space<vmem_shared>> -> memref<64xf32, #tpu.memory_space<vmem_shared>>
      tpu.enqueue_dma source(%arg29 : memref<64xf32, #tpu.memory_space<vmem>>) target(%dma_start3A_198 : memref<64xf32, #tpu.memory_space<vmem_shared>>) target_semaphore(%run_scoped3A : memref<!tpu.dma_semaphore, #tpu.memory_space<semaphore_mem>>)
      %dma_wait3A_199 = tpu.memref_slice %arg31[%add3A_53] : memref<10240xf32, #tpu.memory_space<vmem_shared>> -> memref<64xf32, #tpu.memory_space<vmem_shared>>
      %dma_wait3A_200 = tpu.memref_slice %arg31[%add3A_53] : memref<10240xf32, #tpu.memory_space<vmem_shared>> -> memref<64xf32, #tpu.memory_space<vmem_shared>>
      tpu.wait_dma2 semaphore(%run_scoped3A : memref<!tpu.dma_semaphore, #tpu.memory_space<semaphore_mem>>) src(%arg29 : memref<64xf32, #tpu.memory_space<vmem>>) dst(%dma_wait3A_200 : memref<64xf32, #tpu.memory_space<vmem_shared>>)
      tpu.yield
    }) : () -> ()
    %mul3A_54 = arith.constant 640 : i32
    %mul3A_55 = arith.muli %arg1, %mul3A_54 : i32
    %add3A_56 = arith.constant 320 : i32
    %add3A_57 = arith.addi %mul3A_55, %add3A_56 : i32
    "tpu.region"() ({
      %run_scoped3A = tpu.sem_alloc : memref<!tpu.dma_semaphore, #tpu.memory_space<semaphore_mem>>
      %dma_start3A_197 = arith.constant 0 : i32
      %dma_start3A_198 = tpu.memref_slice %arg16[%add3A_57, %dma_start3A_197] : memref<10240x128xf32, #tpu.memory_space<vmem_shared>> -> memref<64x128xf32, #tpu.memory_space<vmem_shared>>
      %dma_start3A_199 = arith.constant 0 : i32
      %dma_start3A_200 = tpu.memref_slice %arg16[%add3A_57, %dma_start3A_199] : memref<10240x128xf32, #tpu.memory_space<vmem_shared>> -> memref<64x128xf32, #tpu.memory_space<vmem_shared>>
      tpu.enqueue_dma source(%arg12 : memref<64x128xf32, #tpu.memory_space<vmem>>) target(%dma_start3A_200 : memref<64x128xf32, #tpu.memory_space<vmem_shared>>) target_semaphore(%run_scoped3A : memref<!tpu.dma_semaphore, #tpu.memory_space<semaphore_mem>>)
      %dma_wait3A_201 = arith.constant 0 : i32
      %dma_wait3A_202 = tpu.memref_slice %arg16[%add3A_57, %dma_wait3A_201] : memref<10240x128xf32, #tpu.memory_space<vmem_shared>> -> memref<64x128xf32, #tpu.memory_space<vmem_shared>>
      %dma_wait3A_203 = arith.constant 0 : i32
      %dma_wait3A_204 = tpu.memref_slice %arg16[%add3A_57, %dma_wait3A_203] : memref<10240x128xf32, #tpu.memory_space<vmem_shared>> -> memref<64x128xf32, #tpu.memory_space<vmem_shared>>
      tpu.wait_dma2 semaphore(%run_scoped3A : memref<!tpu.dma_semaphore, #tpu.memory_space<semaphore_mem>>) src(%arg12 : memref<64x128xf32, #tpu.memory_space<vmem>>) dst(%dma_wait3A_204 : memref<64x128xf32, #tpu.memory_space<vmem_shared>>)
      tpu.yield
    }) : () -> ()
    "tpu.region"() ({
      %run_scoped3A = tpu.sem_alloc : memref<!tpu.dma_semaphore, #tpu.memory_space<semaphore_mem>>
      %dma_start3A_197 = tpu.memref_slice %arg31[%add3A_57] : memref<10240xf32, #tpu.memory_space<vmem_shared>> -> memref<64xf32, #tpu.memory_space<vmem_shared>>
      %dma_start3A_198 = tpu.memref_slice %arg31[%add3A_57] : memref<10240xf32, #tpu.memory_space<vmem_shared>> -> memref<64xf32, #tpu.memory_space<vmem_shared>>
      tpu.enqueue_dma source(%arg29 : memref<64xf32, #tpu.memory_space<vmem>>) target(%dma_start3A_198 : memref<64xf32, #tpu.memory_space<vmem_shared>>) target_semaphore(%run_scoped3A : memref<!tpu.dma_semaphore, #tpu.memory_space<semaphore_mem>>)
      %dma_wait3A_199 = tpu.memref_slice %arg31[%add3A_57] : memref<10240xf32, #tpu.memory_space<vmem_shared>> -> memref<64xf32, #tpu.memory_space<vmem_shared>>
      %dma_wait3A_200 = tpu.memref_slice %arg31[%add3A_57] : memref<10240xf32, #tpu.memory_space<vmem_shared>> -> memref<64xf32, #tpu.memory_space<vmem_shared>>
      tpu.wait_dma2 semaphore(%run_scoped3A : memref<!tpu.dma_semaphore, #tpu.memory_space<semaphore_mem>>) src(%arg29 : memref<64xf32, #tpu.memory_space<vmem>>) dst(%dma_wait3A_200 : memref<64xf32, #tpu.memory_space<vmem_shared>>)
      tpu.yield
    }) : () -> ()
    %mul3A_58 = arith.constant 640 : i32
    %mul3A_59 = arith.muli %arg1, %mul3A_58 : i32
    %add3A_60 = arith.constant 384 : i32
    %add3A_61 = arith.addi %mul3A_59, %add3A_60 : i32
    "tpu.region"() ({
      %run_scoped3A = tpu.sem_alloc : memref<!tpu.dma_semaphore, #tpu.memory_space<semaphore_mem>>
      %dma_start3A_197 = arith.constant 0 : i32
      %dma_start3A_198 = tpu.memref_slice %arg16[%add3A_61, %dma_start3A_197] : memref<10240x128xf32, #tpu.memory_space<vmem_shared>> -> memref<64x128xf32, #tpu.memory_space<vmem_shared>>
      %dma_start3A_199 = arith.constant 0 : i32
      %dma_start3A_200 = tpu.memref_slice %arg16[%add3A_61, %dma_start3A_199] : memref<10240x128xf32, #tpu.memory_space<vmem_shared>> -> memref<64x128xf32, #tpu.memory_space<vmem_shared>>
      tpu.enqueue_dma source(%arg12 : memref<64x128xf32, #tpu.memory_space<vmem>>) target(%dma_start3A_200 : memref<64x128xf32, #tpu.memory_space<vmem_shared>>) target_semaphore(%run_scoped3A : memref<!tpu.dma_semaphore, #tpu.memory_space<semaphore_mem>>)
      %dma_wait3A_201 = arith.constant 0 : i32
      %dma_wait3A_202 = tpu.memref_slice %arg16[%add3A_61, %dma_wait3A_201] : memref<10240x128xf32, #tpu.memory_space<vmem_shared>> -> memref<64x128xf32, #tpu.memory_space<vmem_shared>>
      %dma_wait3A_203 = arith.constant 0 : i32
      %dma_wait3A_204 = tpu.memref_slice %arg16[%add3A_61, %dma_wait3A_203] : memref<10240x128xf32, #tpu.memory_space<vmem_shared>> -> memref<64x128xf32, #tpu.memory_space<vmem_shared>>
      tpu.wait_dma2 semaphore(%run_scoped3A : memref<!tpu.dma_semaphore, #tpu.memory_space<semaphore_mem>>) src(%arg12 : memref<64x128xf32, #tpu.memory_space<vmem>>) dst(%dma_wait3A_204 : memref<64x128xf32, #tpu.memory_space<vmem_shared>>)
      tpu.yield
    }) : () -> ()
    "tpu.region"() ({
      %run_scoped3A = tpu.sem_alloc : memref<!tpu.dma_semaphore, #tpu.memory_space<semaphore_mem>>
      %dma_start3A_197 = tpu.memref_slice %arg31[%add3A_61] : memref<10240xf32, #tpu.memory_space<vmem_shared>> -> memref<64xf32, #tpu.memory_space<vmem_shared>>
      %dma_start3A_198 = tpu.memref_slice %arg31[%add3A_61] : memref<10240xf32, #tpu.memory_space<vmem_shared>> -> memref<64xf32, #tpu.memory_space<vmem_shared>>
      tpu.enqueue_dma source(%arg29 : memref<64xf32, #tpu.memory_space<vmem>>) target(%dma_start3A_198 : memref<64xf32, #tpu.memory_space<vmem_shared>>) target_semaphore(%run_scoped3A : memref<!tpu.dma_semaphore, #tpu.memory_space<semaphore_mem>>)
      %dma_wait3A_199 = tpu.memref_slice %arg31[%add3A_61] : memref<10240xf32, #tpu.memory_space<vmem_shared>> -> memref<64xf32, #tpu.memory_space<vmem_shared>>
      %dma_wait3A_200 = tpu.memref_slice %arg31[%add3A_61] : memref<10240xf32, #tpu.memory_space<vmem_shared>> -> memref<64xf32, #tpu.memory_space<vmem_shared>>
      tpu.wait_dma2 semaphore(%run_scoped3A : memref<!tpu.dma_semaphore, #tpu.memory_space<semaphore_mem>>) src(%arg29 : memref<64xf32, #tpu.memory_space<vmem>>) dst(%dma_wait3A_200 : memref<64xf32, #tpu.memory_space<vmem_shared>>)
      tpu.yield
    }) : () -> ()
    %mul3A_62 = arith.constant 640 : i32
    %mul3A_63 = arith.muli %arg1, %mul3A_62 : i32
    %add3A_64 = arith.constant 448 : i32
    %add3A_65 = arith.addi %mul3A_63, %add3A_64 : i32
    "tpu.region"() ({
      %run_scoped3A = tpu.sem_alloc : memref<!tpu.dma_semaphore, #tpu.memory_space<semaphore_mem>>
      %dma_start3A_197 = arith.constant 0 : i32
      %dma_start3A_198 = tpu.memref_slice %arg16[%add3A_65, %dma_start3A_197] : memref<10240x128xf32, #tpu.memory_space<vmem_shared>> -> memref<64x128xf32, #tpu.memory_space<vmem_shared>>
      %dma_start3A_199 = arith.constant 0 : i32
      %dma_start3A_200 = tpu.memref_slice %arg16[%add3A_65, %dma_start3A_199] : memref<10240x128xf32, #tpu.memory_space<vmem_shared>> -> memref<64x128xf32, #tpu.memory_space<vmem_shared>>
      tpu.enqueue_dma source(%arg12 : memref<64x128xf32, #tpu.memory_space<vmem>>) target(%dma_start3A_200 : memref<64x128xf32, #tpu.memory_space<vmem_shared>>) target_semaphore(%run_scoped3A : memref<!tpu.dma_semaphore, #tpu.memory_space<semaphore_mem>>)
      %dma_wait3A_201 = arith.constant 0 : i32
      %dma_wait3A_202 = tpu.memref_slice %arg16[%add3A_65, %dma_wait3A_201] : memref<10240x128xf32, #tpu.memory_space<vmem_shared>> -> memref<64x128xf32, #tpu.memory_space<vmem_shared>>
      %dma_wait3A_203 = arith.constant 0 : i32
      %dma_wait3A_204 = tpu.memref_slice %arg16[%add3A_65, %dma_wait3A_203] : memref<10240x128xf32, #tpu.memory_space<vmem_shared>> -> memref<64x128xf32, #tpu.memory_space<vmem_shared>>
      tpu.wait_dma2 semaphore(%run_scoped3A : memref<!tpu.dma_semaphore, #tpu.memory_space<semaphore_mem>>) src(%arg12 : memref<64x128xf32, #tpu.memory_space<vmem>>) dst(%dma_wait3A_204 : memref<64x128xf32, #tpu.memory_space<vmem_shared>>)
      tpu.yield
    }) : () -> ()
    "tpu.region"() ({
      %run_scoped3A = tpu.sem_alloc : memref<!tpu.dma_semaphore, #tpu.memory_space<semaphore_mem>>
      %dma_start3A_197 = tpu.memref_slice %arg31[%add3A_65] : memref<10240xf32, #tpu.memory_space<vmem_shared>> -> memref<64xf32, #tpu.memory_space<vmem_shared>>
      %dma_start3A_198 = tpu.memref_slice %arg31[%add3A_65] : memref<10240xf32, #tpu.memory_space<vmem_shared>> -> memref<64xf32, #tpu.memory_space<vmem_shared>>
      tpu.enqueue_dma source(%arg29 : memref<64xf32, #tpu.memory_space<vmem>>) target(%dma_start3A_198 : memref<64xf32, #tpu.memory_space<vmem_shared>>) target_semaphore(%run_scoped3A : memref<!tpu.dma_semaphore, #tpu.memory_space<semaphore_mem>>)
      %dma_wait3A_199 = tpu.memref_slice %arg31[%add3A_65] : memref<10240xf32, #tpu.memory_space<vmem_shared>> -> memref<64xf32, #tpu.memory_space<vmem_shared>>
      %dma_wait3A_200 = tpu.memref_slice %arg31[%add3A_65] : memref<10240xf32, #tpu.memory_space<vmem_shared>> -> memref<64xf32, #tpu.memory_space<vmem_shared>>
      tpu.wait_dma2 semaphore(%run_scoped3A : memref<!tpu.dma_semaphore, #tpu.memory_space<semaphore_mem>>) src(%arg29 : memref<64xf32, #tpu.memory_space<vmem>>) dst(%dma_wait3A_200 : memref<64xf32, #tpu.memory_space<vmem_shared>>)
      tpu.yield
    }) : () -> ()
    %mul3A_66 = arith.constant 640 : i32
    %mul3A_67 = arith.muli %arg1, %mul3A_66 : i32
    %add3A_68 = arith.constant 512 : i32
    %add3A_69 = arith.addi %mul3A_67, %add3A_68 : i32
    "tpu.region"() ({
      %run_scoped3A = tpu.sem_alloc : memref<!tpu.dma_semaphore, #tpu.memory_space<semaphore_mem>>
      %dma_start3A_197 = arith.constant 0 : i32
      %dma_start3A_198 = tpu.memref_slice %arg16[%add3A_69, %dma_start3A_197] : memref<10240x128xf32, #tpu.memory_space<vmem_shared>> -> memref<64x128xf32, #tpu.memory_space<vmem_shared>>
      %dma_start3A_199 = arith.constant 0 : i32
      %dma_start3A_200 = tpu.memref_slice %arg16[%add3A_69, %dma_start3A_199] : memref<10240x128xf32, #tpu.memory_space<vmem_shared>> -> memref<64x128xf32, #tpu.memory_space<vmem_shared>>
      tpu.enqueue_dma source(%arg12 : memref<64x128xf32, #tpu.memory_space<vmem>>) target(%dma_start3A_200 : memref<64x128xf32, #tpu.memory_space<vmem_shared>>) target_semaphore(%run_scoped3A : memref<!tpu.dma_semaphore, #tpu.memory_space<semaphore_mem>>)
      %dma_wait3A_201 = arith.constant 0 : i32
      %dma_wait3A_202 = tpu.memref_slice %arg16[%add3A_69, %dma_wait3A_201] : memref<10240x128xf32, #tpu.memory_space<vmem_shared>> -> memref<64x128xf32, #tpu.memory_space<vmem_shared>>
      %dma_wait3A_203 = arith.constant 0 : i32
      %dma_wait3A_204 = tpu.memref_slice %arg16[%add3A_69, %dma_wait3A_203] : memref<10240x128xf32, #tpu.memory_space<vmem_shared>> -> memref<64x128xf32, #tpu.memory_space<vmem_shared>>
      tpu.wait_dma2 semaphore(%run_scoped3A : memref<!tpu.dma_semaphore, #tpu.memory_space<semaphore_mem>>) src(%arg12 : memref<64x128xf32, #tpu.memory_space<vmem>>) dst(%dma_wait3A_204 : memref<64x128xf32, #tpu.memory_space<vmem_shared>>)
      tpu.yield
    }) : () -> ()
    "tpu.region"() ({
      %run_scoped3A = tpu.sem_alloc : memref<!tpu.dma_semaphore, #tpu.memory_space<semaphore_mem>>
      %dma_start3A_197 = tpu.memref_slice %arg31[%add3A_69] : memref<10240xf32, #tpu.memory_space<vmem_shared>> -> memref<64xf32, #tpu.memory_space<vmem_shared>>
      %dma_start3A_198 = tpu.memref_slice %arg31[%add3A_69] : memref<10240xf32, #tpu.memory_space<vmem_shared>> -> memref<64xf32, #tpu.memory_space<vmem_shared>>
      tpu.enqueue_dma source(%arg29 : memref<64xf32, #tpu.memory_space<vmem>>) target(%dma_start3A_198 : memref<64xf32, #tpu.memory_space<vmem_shared>>) target_semaphore(%run_scoped3A : memref<!tpu.dma_semaphore, #tpu.memory_space<semaphore_mem>>)
      %dma_wait3A_199 = tpu.memref_slice %arg31[%add3A_69] : memref<10240xf32, #tpu.memory_space<vmem_shared>> -> memref<64xf32, #tpu.memory_space<vmem_shared>>
      %dma_wait3A_200 = tpu.memref_slice %arg31[%add3A_69] : memref<10240xf32, #tpu.memory_space<vmem_shared>> -> memref<64xf32, #tpu.memory_space<vmem_shared>>
      tpu.wait_dma2 semaphore(%run_scoped3A : memref<!tpu.dma_semaphore, #tpu.memory_space<semaphore_mem>>) src(%arg29 : memref<64xf32, #tpu.memory_space<vmem>>) dst(%dma_wait3A_200 : memref<64xf32, #tpu.memory_space<vmem_shared>>)
      tpu.yield
    }) : () -> ()
    %mul3A_70 = arith.constant 640 : i32
    %mul3A_71 = arith.muli %arg1, %mul3A_70 : i32
    %add3A_72 = arith.constant 576 : i32
    %add3A_73 = arith.addi %mul3A_71, %add3A_72 : i32
    "tpu.region"() ({
      %run_scoped3A = tpu.sem_alloc : memref<!tpu.dma_semaphore, #tpu.memory_space<semaphore_mem>>
      %dma_start3A_197 = arith.constant 0 : i32
      %dma_start3A_198 = tpu.memref_slice %arg16[%add3A_73, %dma_start3A_197] : memref<10240x128xf32, #tpu.memory_space<vmem_shared>> -> memref<64x128xf32, #tpu.memory_space<vmem_shared>>
      %dma_start3A_199 = arith.constant 0 : i32
      %dma_start3A_200 = tpu.memref_slice %arg16[%add3A_73, %dma_start3A_199] : memref<10240x128xf32, #tpu.memory_space<vmem_shared>> -> memref<64x128xf32, #tpu.memory_space<vmem_shared>>
      tpu.enqueue_dma source(%arg12 : memref<64x128xf32, #tpu.memory_space<vmem>>) target(%dma_start3A_200 : memref<64x128xf32, #tpu.memory_space<vmem_shared>>) target_semaphore(%run_scoped3A : memref<!tpu.dma_semaphore, #tpu.memory_space<semaphore_mem>>)
      %dma_wait3A_201 = arith.constant 0 : i32
      %dma_wait3A_202 = tpu.memref_slice %arg16[%add3A_73, %dma_wait3A_201] : memref<10240x128xf32, #tpu.memory_space<vmem_shared>> -> memref<64x128xf32, #tpu.memory_space<vmem_shared>>
      %dma_wait3A_203 = arith.constant 0 : i32
      %dma_wait3A_204 = tpu.memref_slice %arg16[%add3A_73, %dma_wait3A_203] : memref<10240x128xf32, #tpu.memory_space<vmem_shared>> -> memref<64x128xf32, #tpu.memory_space<vmem_shared>>
      tpu.wait_dma2 semaphore(%run_scoped3A : memref<!tpu.dma_semaphore, #tpu.memory_space<semaphore_mem>>) src(%arg12 : memref<64x128xf32, #tpu.memory_space<vmem>>) dst(%dma_wait3A_204 : memref<64x128xf32, #tpu.memory_space<vmem_shared>>)
      tpu.yield
    }) : () -> ()
    "tpu.region"() ({
      %run_scoped3A = tpu.sem_alloc : memref<!tpu.dma_semaphore, #tpu.memory_space<semaphore_mem>>
      %dma_start3A_197 = tpu.memref_slice %arg31[%add3A_73] : memref<10240xf32, #tpu.memory_space<vmem_shared>> -> memref<64xf32, #tpu.memory_space<vmem_shared>>
      %dma_start3A_198 = tpu.memref_slice %arg31[%add3A_73] : memref<10240xf32, #tpu.memory_space<vmem_shared>> -> memref<64xf32, #tpu.memory_space<vmem_shared>>
      tpu.enqueue_dma source(%arg29 : memref<64xf32, #tpu.memory_space<vmem>>) target(%dma_start3A_198 : memref<64xf32, #tpu.memory_space<vmem_shared>>) target_semaphore(%run_scoped3A : memref<!tpu.dma_semaphore, #tpu.memory_space<semaphore_mem>>)
      %dma_wait3A_199 = tpu.memref_slice %arg31[%add3A_73] : memref<10240xf32, #tpu.memory_space<vmem_shared>> -> memref<64xf32, #tpu.memory_space<vmem_shared>>
      %dma_wait3A_200 = tpu.memref_slice %arg31[%add3A_73] : memref<10240xf32, #tpu.memory_space<vmem_shared>> -> memref<64xf32, #tpu.memory_space<vmem_shared>>
      tpu.wait_dma2 semaphore(%run_scoped3A : memref<!tpu.dma_semaphore, #tpu.memory_space<semaphore_mem>>) src(%arg29 : memref<64xf32, #tpu.memory_space<vmem>>) dst(%dma_wait3A_200 : memref<64xf32, #tpu.memory_space<vmem_shared>>)
      tpu.yield
    }) : () -> ()
    %broadcast_in_dim3A_74 = arith.constant 1.000000e+00 : f32
    %broadcast_in_dim3A_75 = vector.broadcast %broadcast_in_dim3A_74 : f32 to vector<16xf32>
    %swap3A_76 = arith.constant 0 : index
    %swap3A_77 = tpu.vector_load %arg29[%swap3A_76] {strides = array<i32>} : memref<64xf32, #tpu.memory_space<vmem>>, vector<16xf32>,
    %swap3A_78 = vector.shape_cast %swap3A_77 : vector<16xf32> to vector<16xf32>
    %swap3A_79 = vector.shape_cast %broadcast_in_dim3A_75 : vector<16xf32> to vector<16xf32>
    tpu.vector_store %arg29[%swap3A_76], %swap3A_79 {strides = array<i32>} : memref<64xf32, #tpu.memory_space<vmem>>, vector<16xf32>,
    %swap3A_80 = arith.constant 16 : index
    %swap3A_81 = tpu.vector_load %arg29[%swap3A_80] {strides = array<i32>} : memref<64xf32, #tpu.memory_space<vmem>>, vector<16xf32>,
    %swap3A_82 = vector.shape_cast %swap3A_81 : vector<16xf32> to vector<16xf32>
    %swap3A_83 = vector.shape_cast %broadcast_in_dim3A_75 : vector<16xf32> to vector<16xf32>
    tpu.vector_store %arg29[%swap3A_80], %swap3A_83 {strides = array<i32>} : memref<64xf32, #tpu.memory_space<vmem>>, vector<16xf32>,
    %swap3A_84 = arith.constant 32 : index
    %swap3A_85 = tpu.vector_load %arg29[%swap3A_84] {strides = array<i32>} : memref<64xf32, #tpu.memory_space<vmem>>, vector<16xf32>,
    %swap3A_86 = vector.shape_cast %swap3A_85 : vector<16xf32> to vector<16xf32>
    %swap3A_87 = vector.shape_cast %broadcast_in_dim3A_75 : vector<16xf32> to vector<16xf32>
    tpu.vector_store %arg29[%swap3A_84], %swap3A_87 {strides = array<i32>} : memref<64xf32, #tpu.memory_space<vmem>>, vector<16xf32>,
    %swap3A_88 = arith.constant 48 : index
    %swap3A_89 = tpu.vector_load %arg29[%swap3A_88] {strides = array<i32>} : memref<64xf32, #tpu.memory_space<vmem>>, vector<16xf32>,
    %swap3A_90 = vector.shape_cast %swap3A_89 : vector<16xf32> to vector<16xf32>
    %swap3A_91 = vector.shape_cast %broadcast_in_dim3A_75 : vector<16xf32> to vector<16xf32>
    tpu.vector_store %arg29[%swap3A_88], %swap3A_91 {strides = array<i32>} : memref<64xf32, #tpu.memory_space<vmem>>, vector<16xf32>,
    %barrier3A = arith.constant 0 : index
    tpu.barrier barrier_id(%barrier3A)
    %while3A = arith.constant 0 : i32
    %while3A_92 = arith.constant 0 : i32
    %while3A_93 = arith.subi %select_n3A_8, %while3A_92 : i32
    %while3A_94 = arith.addi %while3A_92, %while3A_93 : i32
    %while3A_95 = arith.constant 1 : i32
    %while3A_96 = arith.divsi %while3A_93, %while3A_95 : i32
    %while3A_97 = arith.muli %while3A_96, %while3A_95 : i32
    %while3A_98 = arith.addi %while3A_92, %while3A_97 : i32
    %while3A_99 = arith.constant 1 : i32
    scf.for %while3A_197 = %while3A_92 to %while3A_98 step %while3A_99  : i32 {
      %dma_wait3A_198 = arith.constant 0 : i32
      %dma_wait3A_199 = tpu.memref_slice %arg3[%select_n3A, %dma_wait3A_198] : memref<5120x64xi32, #tpu.memory_space<hbm>> -> memref<4x64xi32, #tpu.memory_space<hbm>>
      %dma_wait3A_200 = arith.constant 0 : i32
      %dma_wait3A_201 = tpu.memref_slice %arg3[%select_n3A, %dma_wait3A_200] : memref<5120x64xi32, #tpu.memory_space<hbm>> -> memref<4x64xi32, #tpu.memory_space<hbm>>
      tpu.wait_dma2 semaphore(%arg25 : memref<!tpu.dma_semaphore, #tpu.memory_space<semaphore_mem>>) src(%dma_wait3A_201 : memref<4x64xi32, #tpu.memory_space<hbm>>) dst(%arg8 : memref<4x64xi32, #tpu.memory_space<vmem>>)
      %dma_wait3A_202 = arith.constant 0 : i32
      %dma_wait3A_203 = tpu.memref_slice %arg4[%select_n3A, %dma_wait3A_202] : memref<5120x64xi32, #tpu.memory_space<hbm>> -> memref<4x64xi32, #tpu.memory_space<hbm>>
      %dma_wait3A_204 = arith.constant 0 : i32
      %dma_wait3A_205 = tpu.memref_slice %arg4[%select_n3A, %dma_wait3A_204] : memref<5120x64xi32, #tpu.memory_space<hbm>> -> memref<4x64xi32, #tpu.memory_space<hbm>>
      tpu.wait_dma2 semaphore(%arg25 : memref<!tpu.dma_semaphore, #tpu.memory_space<semaphore_mem>>) src(%dma_wait3A_205 : memref<4x64xi32, #tpu.memory_space<hbm>>) dst(%arg10 : memref<4x64xi32, #tpu.memory_space<vmem>>)
      %gt3A = arith.constant 0 : i32
      %gt3A_206 = arith.cmpi sgt, %while3A_197, %gt3A : i32
      %convert_element_type3A = arith.extui %gt3A_206 : i1 to i32
      %cond3A = arith.constant 0 : i32
      %cond3A_207 = arith.cmpi ne, %convert_element_type3A, %cond3A : i32
      scf.if %cond3A_207 {
        %dma_wait3A_507 = arith.constant 0 : i32
        %dma_wait3A_508 = arith.constant 0 : i32
        %dma_wait3A_509 = tpu.memref_slice %arg10[%dma_wait3A_507, %dma_wait3A_508] : memref<4x64xi32, #tpu.memory_space<vmem>> -> memref<1x64xi32, #tpu.memory_space<vmem>>
        %dma_wait3A_510 = tpu.memref_squeeze %dma_wait3A_509 : memref<1x64xi32, #tpu.memory_space<vmem>> -> memref<64xi32, #tpu.memory_space<vmem>>
        %dma_wait3A_511 = arith.constant 0 : i32
        %dma_wait3A_512 = arith.constant 0 : i32
        %dma_wait3A_513 = tpu.memref_slice %arg16[%dma_wait3A_511, %dma_wait3A_512] : memref<10240x128xf32, #tpu.memory_space<vmem_shared>> -> memref<10240x128xf32, #tpu.memory_space<vmem_shared>>
        tpu.wait_indirect_dma semaphore(%arg21 : memref<!tpu.dma_semaphore, #tpu.memory_space<semaphore_mem>>) src(%arg12 : memref<64x128xf32, #tpu.memory_space<vmem>>) dst(%dma_wait3A_513 : memref<10240x128xf32, #tpu.memory_space<vmem_shared>>)
        %dma_wait3A_514 = arith.constant 0 : i32
        %dma_wait3A_515 = arith.constant 0 : i32
        %dma_wait3A_516 = tpu.memref_slice %arg10[%dma_wait3A_514, %dma_wait3A_515] : memref<4x64xi32, #tpu.memory_space<vmem>> -> memref<1x64xi32, #tpu.memory_space<vmem>>
        %dma_wait3A_517 = tpu.memref_squeeze %dma_wait3A_516 : memref<1x64xi32, #tpu.memory_space<vmem>> -> memref<64xi32, #tpu.memory_space<vmem>>
        %dma_wait3A_518 = arith.constant 0 : i32
        %dma_wait3A_519 = tpu.memref_slice %arg31[%dma_wait3A_518] : memref<10240xf32, #tpu.memory_space<vmem_shared>> -> memref<10240xf32, #tpu.memory_space<vmem_shared>>
        tpu.wait_indirect_dma semaphore(%arg32 : memref<!tpu.dma_semaphore, #tpu.memory_space<semaphore_mem>>) src(%arg29 : memref<64xf32, #tpu.memory_space<vmem>>) dst(%dma_wait3A_519 : memref<10240xf32, #tpu.memory_space<vmem_shared>>)
        %dma_wait3A_520 = arith.constant 1 : i32
        %dma_wait3A_521 = arith.constant 0 : i32
        %dma_wait3A_522 = tpu.memref_slice %arg10[%dma_wait3A_520, %dma_wait3A_521] : memref<4x64xi32, #tpu.memory_space<vmem>> -> memref<1x64xi32, #tpu.memory_space<vmem>>
        %dma_wait3A_523 = tpu.memref_squeeze %dma_wait3A_522 : memref<1x64xi32, #tpu.memory_space<vmem>> -> memref<64xi32, #tpu.memory_space<vmem>>
        %dma_wait3A_524 = arith.constant 0 : i32
        %dma_wait3A_525 = arith.constant 0 : i32
        %dma_wait3A_526 = tpu.memref_slice %arg16[%dma_wait3A_524, %dma_wait3A_525] : memref<10240x128xf32, #tpu.memory_space<vmem_shared>> -> memref<10240x128xf32, #tpu.memory_space<vmem_shared>>
        tpu.wait_indirect_dma semaphore(%arg22 : memref<!tpu.dma_semaphore, #tpu.memory_space<semaphore_mem>>) src(%arg13 : memref<64x128xf32, #tpu.memory_space<vmem>>) dst(%dma_wait3A_526 : memref<10240x128xf32, #tpu.memory_space<vmem_shared>>)
        %dma_wait3A_527 = arith.constant 1 : i32
        %dma_wait3A_528 = arith.constant 0 : i32
        %dma_wait3A_529 = tpu.memref_slice %arg10[%dma_wait3A_527, %dma_wait3A_528] : memref<4x64xi32, #tpu.memory_space<vmem>> -> memref<1x64xi32, #tpu.memory_space<vmem>>
        %dma_wait3A_530 = tpu.memref_squeeze %dma_wait3A_529 : memref<1x64xi32, #tpu.memory_space<vmem>> -> memref<64xi32, #tpu.memory_space<vmem>>
        %dma_wait3A_531 = arith.constant 0 : i32
        %dma_wait3A_532 = tpu.memref_slice %arg31[%dma_wait3A_531] : memref<10240xf32, #tpu.memory_space<vmem_shared>> -> memref<10240xf32, #tpu.memory_space<vmem_shared>>
        tpu.wait_indirect_dma semaphore(%arg33 : memref<!tpu.dma_semaphore, #tpu.memory_space<semaphore_mem>>) src(%arg29 : memref<64xf32, #tpu.memory_space<vmem>>) dst(%dma_wait3A_532 : memref<10240xf32, #tpu.memory_space<vmem_shared>>)
        %dma_wait3A_533 = arith.constant 2 : i32
        %dma_wait3A_534 = arith.constant 0 : i32
        %dma_wait3A_535 = tpu.memref_slice %arg10[%dma_wait3A_533, %dma_wait3A_534] : memref<4x64xi32, #tpu.memory_space<vmem>> -> memref<1x64xi32, #tpu.memory_space<vmem>>
        %dma_wait3A_536 = tpu.memref_squeeze %dma_wait3A_535 : memref<1x64xi32, #tpu.memory_space<vmem>> -> memref<64xi32, #tpu.memory_space<vmem>>
        %dma_wait3A_537 = arith.constant 0 : i32
        %dma_wait3A_538 = arith.constant 0 : i32
        %dma_wait3A_539 = tpu.memref_slice %arg16[%dma_wait3A_537, %dma_wait3A_538] : memref<10240x128xf32, #tpu.memory_space<vmem_shared>> -> memref<10240x128xf32, #tpu.memory_space<vmem_shared>>
        tpu.wait_indirect_dma semaphore(%arg23 : memref<!tpu.dma_semaphore, #tpu.memory_space<semaphore_mem>>) src(%arg14 : memref<64x128xf32, #tpu.memory_space<vmem>>) dst(%dma_wait3A_539 : memref<10240x128xf32, #tpu.memory_space<vmem_shared>>)
        %dma_wait3A_540 = arith.constant 2 : i32
        %dma_wait3A_541 = arith.constant 0 : i32
        %dma_wait3A_542 = tpu.memref_slice %arg10[%dma_wait3A_540, %dma_wait3A_541] : memref<4x64xi32, #tpu.memory_space<vmem>> -> memref<1x64xi32, #tpu.memory_space<vmem>>
        %dma_wait3A_543 = tpu.memref_squeeze %dma_wait3A_542 : memref<1x64xi32, #tpu.memory_space<vmem>> -> memref<64xi32, #tpu.memory_space<vmem>>
        %dma_wait3A_544 = arith.constant 0 : i32
        %dma_wait3A_545 = tpu.memref_slice %arg31[%dma_wait3A_544] : memref<10240xf32, #tpu.memory_space<vmem_shared>> -> memref<10240xf32, #tpu.memory_space<vmem_shared>>
        tpu.wait_indirect_dma semaphore(%arg34 : memref<!tpu.dma_semaphore, #tpu.memory_space<semaphore_mem>>) src(%arg29 : memref<64xf32, #tpu.memory_space<vmem>>) dst(%dma_wait3A_545 : memref<10240xf32, #tpu.memory_space<vmem_shared>>)
        %dma_wait3A_546 = arith.constant 3 : i32
        %dma_wait3A_547 = arith.constant 0 : i32
        %dma_wait3A_548 = tpu.memref_slice %arg10[%dma_wait3A_546, %dma_wait3A_547] : memref<4x64xi32, #tpu.memory_space<vmem>> -> memref<1x64xi32, #tpu.memory_space<vmem>>
        %dma_wait3A_549 = tpu.memref_squeeze %dma_wait3A_548 : memref<1x64xi32, #tpu.memory_space<vmem>> -> memref<64xi32, #tpu.memory_space<vmem>>
        %dma_wait3A_550 = arith.constant 0 : i32
        %dma_wait3A_551 = arith.constant 0 : i32
        %dma_wait3A_552 = tpu.memref_slice %arg16[%dma_wait3A_550, %dma_wait3A_551] : memref<10240x128xf32, #tpu.memory_space<vmem_shared>> -> memref<10240x128xf32, #tpu.memory_space<vmem_shared>>
        tpu.wait_indirect_dma semaphore(%arg24 : memref<!tpu.dma_semaphore, #tpu.memory_space<semaphore_mem>>) src(%arg15 : memref<64x128xf32, #tpu.memory_space<vmem>>) dst(%dma_wait3A_552 : memref<10240x128xf32, #tpu.memory_space<vmem_shared>>)
        %dma_wait3A_553 = arith.constant 3 : i32
        %dma_wait3A_554 = arith.constant 0 : i32
        %dma_wait3A_555 = tpu.memref_slice %arg10[%dma_wait3A_553, %dma_wait3A_554] : memref<4x64xi32, #tpu.memory_space<vmem>> -> memref<1x64xi32, #tpu.memory_space<vmem>>
        %dma_wait3A_556 = tpu.memref_squeeze %dma_wait3A_555 : memref<1x64xi32, #tpu.memory_space<vmem>> -> memref<64xi32, #tpu.memory_space<vmem>>
        %dma_wait3A_557 = arith.constant 0 : i32
        %dma_wait3A_558 = tpu.memref_slice %arg31[%dma_wait3A_557] : memref<10240xf32, #tpu.memory_space<vmem_shared>> -> memref<10240xf32, #tpu.memory_space<vmem_shared>>
        tpu.wait_indirect_dma semaphore(%arg35 : memref<!tpu.dma_semaphore, #tpu.memory_space<semaphore_mem>>) src(%arg29 : memref<64xf32, #tpu.memory_space<vmem>>) dst(%dma_wait3A_558 : memref<10240xf32, #tpu.memory_space<vmem_shared>>)
      } else {
      }
      %mul3A_208 = arith.constant 2 : i32
      %mul3A_209 = arith.muli %mul3A_208, %while3A_197 : i32
      %add3A_210 = arith.constant 1 : i32
      %add3A_211 = arith.addi %mul3A_209, %add3A_210 : i32
      %mul3A_212 = arith.constant 4 : i32
      %mul3A_213 = arith.muli %add3A_211, %mul3A_212 : i32
      %add3A_214 = arith.addi %select_n3A, %mul3A_213 : i32
      %dma_start3A_215 = arith.constant 0 : i32
      %dma_start3A_216 = tpu.memref_slice %arg3[%add3A_214, %dma_start3A_215] : memref<5120x64xi32, #tpu.memory_space<hbm>> -> memref<4x64xi32, #tpu.memory_space<hbm>>
      %dma_start3A_217 = arith.constant 0 : i32
      %dma_start3A_218 = tpu.memref_slice %arg3[%add3A_214, %dma_start3A_217] : memref<5120x64xi32, #tpu.memory_space<hbm>> -> memref<4x64xi32, #tpu.memory_space<hbm>>
      tpu.enqueue_dma source(%dma_start3A_218 : memref<4x64xi32, #tpu.memory_space<hbm>>) target(%arg9 : memref<4x64xi32, #tpu.memory_space<vmem>>) target_semaphore(%arg26 : memref<!tpu.dma_semaphore, #tpu.memory_space<semaphore_mem>>)
      %dma_start3A_219 = arith.constant 0 : i32
      %dma_start3A_220 = tpu.memref_slice %arg4[%add3A_214, %dma_start3A_219] : memref<5120x64xi32, #tpu.memory_space<hbm>> -> memref<4x64xi32, #tpu.memory_space<hbm>>
      %dma_start3A_221 = arith.constant 0 : i32
      %dma_start3A_222 = tpu.memref_slice %arg4[%add3A_214, %dma_start3A_221] : memref<5120x64xi32, #tpu.memory_space<hbm>> -> memref<4x64xi32, #tpu.memory_space<hbm>>
      tpu.enqueue_dma source(%dma_start3A_222 : memref<4x64xi32, #tpu.memory_space<hbm>>) target(%arg11 : memref<4x64xi32, #tpu.memory_space<vmem>>) target_semaphore(%arg26 : memref<!tpu.dma_semaphore, #tpu.memory_space<semaphore_mem>>)
      %dma_start3A_223 = arith.constant 0 : i32
      %dma_start3A_224 = arith.constant 0 : i32
      %dma_start3A_225 = tpu.memref_slice %arg8[%dma_start3A_223, %dma_start3A_224] : memref<4x64xi32, #tpu.memory_space<vmem>> -> memref<1x64xi32, #tpu.memory_space<vmem>>
      %dma_start3A_226 = tpu.memref_squeeze %dma_start3A_225 : memref<1x64xi32, #tpu.memory_space<vmem>> -> memref<64xi32, #tpu.memory_space<vmem>>
      %dma_start3A_227 = arith.constant 0 : i32
      %dma_start3A_228 = arith.constant 0 : i32
      %dma_start3A_229 = tpu.memref_slice %arg2[%dma_start3A_227, %dma_start3A_228] : memref<10240x128xf32, #tpu.memory_space<hbm>> -> memref<10240x128xf32, #tpu.memory_space<hbm>>
      tpu.enqueue_indirect_dma source(%dma_start3A_229 : memref<10240x128xf32, #tpu.memory_space<hbm>>) target(%arg12 : memref<64x128xf32, #tpu.memory_space<vmem>>) offsets(%dma_start3A_226 : memref<64xi32, #tpu.memory_space<vmem>>) semaphore(%arg17 : memref<!tpu.dma_semaphore, #tpu.memory_space<semaphore_mem>>)
      %dma_start3A_230 = arith.constant 1 : i32
      %dma_start3A_231 = arith.constant 0 : i32
      %dma_start3A_232 = tpu.memref_slice %arg8[%dma_start3A_230, %dma_start3A_231] : memref<4x64xi32, #tpu.memory_space<vmem>> -> memref<1x64xi32, #tpu.memory_space<vmem>>
      %dma_start3A_233 = tpu.memref_squeeze %dma_start3A_232 : memref<1x64xi32, #tpu.memory_space<vmem>> -> memref<64xi32, #tpu.memory_space<vmem>>
      %dma_start3A_234 = arith.constant 0 : i32
      %dma_start3A_235 = arith.constant 0 : i32
      %dma_start3A_236 = tpu.memref_slice %arg2[%dma_start3A_234, %dma_start3A_235] : memref<10240x128xf32, #tpu.memory_space<hbm>> -> memref<10240x128xf32, #tpu.memory_space<hbm>>
      tpu.enqueue_indirect_dma source(%dma_start3A_236 : memref<10240x128xf32, #tpu.memory_space<hbm>>) target(%arg13 : memref<64x128xf32, #tpu.memory_space<vmem>>) offsets(%dma_start3A_233 : memref<64xi32, #tpu.memory_space<vmem>>) semaphore(%arg18 : memref<!tpu.dma_semaphore, #tpu.memory_space<semaphore_mem>>)
      %dma_start3A_237 = arith.constant 2 : i32
      %dma_start3A_238 = arith.constant 0 : i32
      %dma_start3A_239 = tpu.memref_slice %arg8[%dma_start3A_237, %dma_start3A_238] : memref<4x64xi32, #tpu.memory_space<vmem>> -> memref<1x64xi32, #tpu.memory_space<vmem>>
      %dma_start3A_240 = tpu.memref_squeeze %dma_start3A_239 : memref<1x64xi32, #tpu.memory_space<vmem>> -> memref<64xi32, #tpu.memory_space<vmem>>
      %dma_start3A_241 = arith.constant 0 : i32
      %dma_start3A_242 = arith.constant 0 : i32
      %dma_start3A_243 = tpu.memref_slice %arg2[%dma_start3A_241, %dma_start3A_242] : memref<10240x128xf32, #tpu.memory_space<hbm>> -> memref<10240x128xf32, #tpu.memory_space<hbm>>
      tpu.enqueue_indirect_dma source(%dma_start3A_243 : memref<10240x128xf32, #tpu.memory_space<hbm>>) target(%arg14 : memref<64x128xf32, #tpu.memory_space<vmem>>) offsets(%dma_start3A_240 : memref<64xi32, #tpu.memory_space<vmem>>) semaphore(%arg19 : memref<!tpu.dma_semaphore, #tpu.memory_space<semaphore_mem>>)
      %dma_start3A_244 = arith.constant 3 : i32
      %dma_start3A_245 = arith.constant 0 : i32
      %dma_start3A_246 = tpu.memref_slice %arg8[%dma_start3A_244, %dma_start3A_245] : memref<4x64xi32, #tpu.memory_space<vmem>> -> memref<1x64xi32, #tpu.memory_space<vmem>>
      %dma_start3A_247 = tpu.memref_squeeze %dma_start3A_246 : memref<1x64xi32, #tpu.memory_space<vmem>> -> memref<64xi32, #tpu.memory_space<vmem>>
      %dma_start3A_248 = arith.constant 0 : i32
      %dma_start3A_249 = arith.constant 0 : i32
      %dma_start3A_250 = tpu.memref_slice %arg2[%dma_start3A_248, %dma_start3A_249] : memref<10240x128xf32, #tpu.memory_space<hbm>> -> memref<10240x128xf32, #tpu.memory_space<hbm>>
      tpu.enqueue_indirect_dma source(%dma_start3A_250 : memref<10240x128xf32, #tpu.memory_space<hbm>>) target(%arg15 : memref<64x128xf32, #tpu.memory_space<vmem>>) offsets(%dma_start3A_247 : memref<64xi32, #tpu.memory_space<vmem>>) semaphore(%arg20 : memref<!tpu.dma_semaphore, #tpu.memory_space<semaphore_mem>>)
      %dma_wait3A_251 = arith.constant 0 : i32
      %dma_wait3A_252 = arith.constant 0 : i32
      %dma_wait3A_253 = tpu.memref_slice %arg8[%dma_wait3A_251, %dma_wait3A_252] : memref<4x64xi32, #tpu.memory_space<vmem>> -> memref<1x64xi32, #tpu.memory_space<vmem>>
      %dma_wait3A_254 = tpu.memref_squeeze %dma_wait3A_253 : memref<1x64xi32, #tpu.memory_space<vmem>> -> memref<64xi32, #tpu.memory_space<vmem>>
      %dma_wait3A_255 = arith.constant 0 : i32
      %dma_wait3A_256 = arith.constant 0 : i32
      %dma_wait3A_257 = tpu.memref_slice %arg2[%dma_wait3A_255, %dma_wait3A_256] : memref<10240x128xf32, #tpu.memory_space<hbm>> -> memref<10240x128xf32, #tpu.memory_space<hbm>>
      tpu.wait_indirect_dma semaphore(%arg17 : memref<!tpu.dma_semaphore, #tpu.memory_space<semaphore_mem>>) src(%dma_wait3A_257 : memref<10240x128xf32, #tpu.memory_space<hbm>>) dst(%arg12 : memref<64x128xf32, #tpu.memory_space<vmem>>)
      %dma_start3A_258 = arith.constant 0 : i32
      %dma_start3A_259 = arith.constant 0 : i32
      %dma_start3A_260 = tpu.memref_slice %arg10[%dma_start3A_258, %dma_start3A_259] : memref<4x64xi32, #tpu.memory_space<vmem>> -> memref<1x64xi32, #tpu.memory_space<vmem>>
      %dma_start3A_261 = tpu.memref_squeeze %dma_start3A_260 : memref<1x64xi32, #tpu.memory_space<vmem>> -> memref<64xi32, #tpu.memory_space<vmem>>
      %dma_start3A_262 = arith.constant 0 : i32
      %dma_start3A_263 = arith.constant 0 : i32
      %dma_start3A_264 = tpu.memref_slice %arg16[%dma_start3A_262, %dma_start3A_263] : memref<10240x128xf32, #tpu.memory_space<vmem_shared>> -> memref<10240x128xf32, #tpu.memory_space<vmem_shared>>
      tpu.enqueue_indirect_dma source(%arg12 : memref<64x128xf32, #tpu.memory_space<vmem>>) target(%dma_start3A_264 : memref<10240x128xf32, #tpu.memory_space<vmem_shared>>) offsets(%dma_start3A_261 : memref<64xi32, #tpu.memory_space<vmem>>) semaphore(%arg21 : memref<!tpu.dma_semaphore, #tpu.memory_space<semaphore_mem>>) {add = true}
      %dma_start3A_265 = arith.constant 0 : i32
      %dma_start3A_266 = arith.constant 0 : i32
      %dma_start3A_267 = tpu.memref_slice %arg10[%dma_start3A_265, %dma_start3A_266] : memref<4x64xi32, #tpu.memory_space<vmem>> -> memref<1x64xi32, #tpu.memory_space<vmem>>
      %dma_start3A_268 = tpu.memref_squeeze %dma_start3A_267 : memref<1x64xi32, #tpu.memory_space<vmem>> -> memref<64xi32, #tpu.memory_space<vmem>>
      %dma_start3A_269 = arith.constant 0 : i32
      %dma_start3A_270 = tpu.memref_slice %arg31[%dma_start3A_269] : memref<10240xf32, #tpu.memory_space<vmem_shared>> -> memref<10240xf32, #tpu.memory_space<vmem_shared>>
      tpu.enqueue_indirect_dma source(%arg29 : memref<64xf32, #tpu.memory_space<vmem>>) target(%dma_start3A_270 : memref<10240xf32, #tpu.memory_space<vmem_shared>>) offsets(%dma_start3A_268 : memref<64xi32, #tpu.memory_space<vmem>>) semaphore(%arg32 : memref<!tpu.dma_semaphore, #tpu.memory_space<semaphore_mem>>) {add = true}
      %dma_wait3A_271 = arith.constant 1 : i32
      %dma_wait3A_272 = arith.constant 0 : i32
      %dma_wait3A_273 = tpu.memref_slice %arg8[%dma_wait3A_271, %dma_wait3A_272] : memref<4x64xi32, #tpu.memory_space<vmem>> -> memref<1x64xi32, #tpu.memory_space<vmem>>
      %dma_wait3A_274 = tpu.memref_squeeze %dma_wait3A_273 : memref<1x64xi32, #tpu.memory_space<vmem>> -> memref<64xi32, #tpu.memory_space<vmem>>
      %dma_wait3A_275 = arith.constant 0 : i32
      %dma_wait3A_276 = arith.constant 0 : i32
      %dma_wait3A_277 = tpu.memref_slice %arg2[%dma_wait3A_275, %dma_wait3A_276] : memref<10240x128xf32, #tpu.memory_space<hbm>> -> memref<10240x128xf32, #tpu.memory_space<hbm>>
      tpu.wait_indirect_dma semaphore(%arg18 : memref<!tpu.dma_semaphore, #tpu.memory_space<semaphore_mem>>) src(%dma_wait3A_277 : memref<10240x128xf32, #tpu.memory_space<hbm>>) dst(%arg13 : memref<64x128xf32, #tpu.memory_space<vmem>>)
      %dma_start3A_278 = arith.constant 1 : i32
      %dma_start3A_279 = arith.constant 0 : i32
      %dma_start3A_280 = tpu.memref_slice %arg10[%dma_start3A_278, %dma_start3A_279] : memref<4x64xi32, #tpu.memory_space<vmem>> -> memref<1x64xi32, #tpu.memory_space<vmem>>
      %dma_start3A_281 = tpu.memref_squeeze %dma_start3A_280 : memref<1x64xi32, #tpu.memory_space<vmem>> -> memref<64xi32, #tpu.memory_space<vmem>>
      %dma_start3A_282 = arith.constant 0 : i32
      %dma_start3A_283 = arith.constant 0 : i32
      %dma_start3A_284 = tpu.memref_slice %arg16[%dma_start3A_282, %dma_start3A_283] : memref<10240x128xf32, #tpu.memory_space<vmem_shared>> -> memref<10240x128xf32, #tpu.memory_space<vmem_shared>>
      tpu.enqueue_indirect_dma source(%arg13 : memref<64x128xf32, #tpu.memory_space<vmem>>) target(%dma_start3A_284 : memref<10240x128xf32, #tpu.memory_space<vmem_shared>>) offsets(%dma_start3A_281 : memref<64xi32, #tpu.memory_space<vmem>>) semaphore(%arg22 : memref<!tpu.dma_semaphore, #tpu.memory_space<semaphore_mem>>) {add = true}
      %dma_start3A_285 = arith.constant 1 : i32
      %dma_start3A_286 = arith.constant 0 : i32
      %dma_start3A_287 = tpu.memref_slice %arg10[%dma_start3A_285, %dma_start3A_286] : memref<4x64xi32, #tpu.memory_space<vmem>> -> memref<1x64xi32, #tpu.memory_space<vmem>>
      %dma_start3A_288 = tpu.memref_squeeze %dma_start3A_287 : memref<1x64xi32, #tpu.memory_space<vmem>> -> memref<64xi32, #tpu.memory_space<vmem>>
      %dma_start3A_289 = arith.constant 0 : i32
      %dma_start3A_290 = tpu.memref_slice %arg31[%dma_start3A_289] : memref<10240xf32, #tpu.memory_space<vmem_shared>> -> memref<10240xf32, #tpu.memory_space<vmem_shared>>
      tpu.enqueue_indirect_dma source(%arg29 : memref<64xf32, #tpu.memory_space<vmem>>) target(%dma_start3A_290 : memref<10240xf32, #tpu.memory_space<vmem_shared>>) offsets(%dma_start3A_288 : memref<64xi32, #tpu.memory_space<vmem>>) semaphore(%arg33 : memref<!tpu.dma_semaphore, #tpu.memory_space<semaphore_mem>>) {add = true}
      %dma_wait3A_291 = arith.constant 2 : i32
      %dma_wait3A_292 = arith.constant 0 : i32
      %dma_wait3A_293 = tpu.memref_slice %arg8[%dma_wait3A_291, %dma_wait3A_292] : memref<4x64xi32, #tpu.memory_space<vmem>> -> memref<1x64xi32, #tpu.memory_space<vmem>>
      %dma_wait3A_294 = tpu.memref_squeeze %dma_wait3A_293 : memref<1x64xi32, #tpu.memory_space<vmem>> -> memref<64xi32, #tpu.memory_space<vmem>>
      %dma_wait3A_295 = arith.constant 0 : i32
      %dma_wait3A_296 = arith.constant 0 : i32
      %dma_wait3A_297 = tpu.memref_slice %arg2[%dma_wait3A_295, %dma_wait3A_296] : memref<10240x128xf32, #tpu.memory_space<hbm>> -> memref<10240x128xf32, #tpu.memory_space<hbm>>
      tpu.wait_indirect_dma semaphore(%arg19 : memref<!tpu.dma_semaphore, #tpu.memory_space<semaphore_mem>>) src(%dma_wait3A_297 : memref<10240x128xf32, #tpu.memory_space<hbm>>) dst(%arg14 : memref<64x128xf32, #tpu.memory_space<vmem>>)
      %dma_start3A_298 = arith.constant 2 : i32
      %dma_start3A_299 = arith.constant 0 : i32
      %dma_start3A_300 = tpu.memref_slice %arg10[%dma_start3A_298, %dma_start3A_299] : memref<4x64xi32, #tpu.memory_space<vmem>> -> memref<1x64xi32, #tpu.memory_space<vmem>>
      %dma_start3A_301 = tpu.memref_squeeze %dma_start3A_300 : memref<1x64xi32, #tpu.memory_space<vmem>> -> memref<64xi32, #tpu.memory_space<vmem>>
      %dma_start3A_302 = arith.constant 0 : i32
      %dma_start3A_303 = arith.constant 0 : i32
      %dma_start3A_304 = tpu.memref_slice %arg16[%dma_start3A_302, %dma_start3A_303] : memref<10240x128xf32, #tpu.memory_space<vmem_shared>> -> memref<10240x128xf32, #tpu.memory_space<vmem_shared>>
      tpu.enqueue_indirect_dma source(%arg14 : memref<64x128xf32, #tpu.memory_space<vmem>>) target(%dma_start3A_304 : memref<10240x128xf32, #tpu.memory_space<vmem_shared>>) offsets(%dma_start3A_301 : memref<64xi32, #tpu.memory_space<vmem>>) semaphore(%arg23 : memref<!tpu.dma_semaphore, #tpu.memory_space<semaphore_mem>>) {add = true}
      %dma_start3A_305 = arith.constant 2 : i32
      %dma_start3A_306 = arith.constant 0 : i32
      %dma_start3A_307 = tpu.memref_slice %arg10[%dma_start3A_305, %dma_start3A_306] : memref<4x64xi32, #tpu.memory_space<vmem>> -> memref<1x64xi32, #tpu.memory_space<vmem>>
      %dma_start3A_308 = tpu.memref_squeeze %dma_start3A_307 : memref<1x64xi32, #tpu.memory_space<vmem>> -> memref<64xi32, #tpu.memory_space<vmem>>
      %dma_start3A_309 = arith.constant 0 : i32
      %dma_start3A_310 = tpu.memref_slice %arg31[%dma_start3A_309] : memref<10240xf32, #tpu.memory_space<vmem_shared>> -> memref<10240xf32, #tpu.memory_space<vmem_shared>>
      tpu.enqueue_indirect_dma source(%arg29 : memref<64xf32, #tpu.memory_space<vmem>>) target(%dma_start3A_310 : memref<10240xf32, #tpu.memory_space<vmem_shared>>) offsets(%dma_start3A_308 : memref<64xi32, #tpu.memory_space<vmem>>) semaphore(%arg34 : memref<!tpu.dma_semaphore, #tpu.memory_space<semaphore_mem>>) {add = true}
      %dma_wait3A_311 = arith.constant 3 : i32
      %dma_wait3A_312 = arith.constant 0 : i32
      %dma_wait3A_313 = tpu.memref_slice %arg8[%dma_wait3A_311, %dma_wait3A_312] : memref<4x64xi32, #tpu.memory_space<vmem>> -> memref<1x64xi32, #tpu.memory_space<vmem>>
      %dma_wait3A_314 = tpu.memref_squeeze %dma_wait3A_313 : memref<1x64xi32, #tpu.memory_space<vmem>> -> memref<64xi32, #tpu.memory_space<vmem>>
      %dma_wait3A_315 = arith.constant 0 : i32
      %dma_wait3A_316 = arith.constant 0 : i32
      %dma_wait3A_317 = tpu.memref_slice %arg2[%dma_wait3A_315, %dma_wait3A_316] : memref<10240x128xf32, #tpu.memory_space<hbm>> -> memref<10240x128xf32, #tpu.memory_space<hbm>>
      tpu.wait_indirect_dma semaphore(%arg20 : memref<!tpu.dma_semaphore, #tpu.memory_space<semaphore_mem>>) src(%dma_wait3A_317 : memref<10240x128xf32, #tpu.memory_space<hbm>>) dst(%arg15 : memref<64x128xf32, #tpu.memory_space<vmem>>)
      %dma_start3A_318 = arith.constant 3 : i32
      %dma_start3A_319 = arith.constant 0 : i32
      %dma_start3A_320 = tpu.memref_slice %arg10[%dma_start3A_318, %dma_start3A_319] : memref<4x64xi32, #tpu.memory_space<vmem>> -> memref<1x64xi32, #tpu.memory_space<vmem>>
      %dma_start3A_321 = tpu.memref_squeeze %dma_start3A_320 : memref<1x64xi32, #tpu.memory_space<vmem>> -> memref<64xi32, #tpu.memory_space<vmem>>
      %dma_start3A_322 = arith.constant 0 : i32
      %dma_start3A_323 = arith.constant 0 : i32
      %dma_start3A_324 = tpu.memref_slice %arg16[%dma_start3A_322, %dma_start3A_323] : memref<10240x128xf32, #tpu.memory_space<vmem_shared>> -> memref<10240x128xf32, #tpu.memory_space<vmem_shared>>
      tpu.enqueue_indirect_dma source(%arg15 : memref<64x128xf32, #tpu.memory_space<vmem>>) target(%dma_start3A_324 : memref<10240x128xf32, #tpu.memory_space<vmem_shared>>) offsets(%dma_start3A_321 : memref<64xi32, #tpu.memory_space<vmem>>) semaphore(%arg24 : memref<!tpu.dma_semaphore, #tpu.memory_space<semaphore_mem>>) {add = true}
      %dma_start3A_325 = arith.constant 3 : i32
      %dma_start3A_326 = arith.constant 0 : i32
      %dma_start3A_327 = tpu.memref_slice %arg10[%dma_start3A_325, %dma_start3A_326] : memref<4x64xi32, #tpu.memory_space<vmem>> -> memref<1x64xi32, #tpu.memory_space<vmem>>
      %dma_start3A_328 = tpu.memref_squeeze %dma_start3A_327 : memref<1x64xi32, #tpu.memory_space<vmem>> -> memref<64xi32, #tpu.memory_space<vmem>>
      %dma_start3A_329 = arith.constant 0 : i32
      %dma_start3A_330 = tpu.memref_slice %arg31[%dma_start3A_329] : memref<10240xf32, #tpu.memory_space<vmem_shared>> -> memref<10240xf32, #tpu.memory_space<vmem_shared>>
      tpu.enqueue_indirect_dma source(%arg29 : memref<64xf32, #tpu.memory_space<vmem>>) target(%dma_start3A_330 : memref<10240xf32, #tpu.memory_space<vmem_shared>>) offsets(%dma_start3A_328 : memref<64xi32, #tpu.memory_space<vmem>>) semaphore(%arg35 : memref<!tpu.dma_semaphore, #tpu.memory_space<semaphore_mem>>) {add = true}
      %dma_wait3A_331 = arith.constant 0 : i32
      %dma_wait3A_332 = tpu.memref_slice %arg3[%select_n3A, %dma_wait3A_331] : memref<5120x64xi32, #tpu.memory_space<hbm>> -> memref<4x64xi32, #tpu.memory_space<hbm>>
      %dma_wait3A_333 = arith.constant 0 : i32
      %dma_wait3A_334 = tpu.memref_slice %arg3[%select_n3A, %dma_wait3A_333] : memref<5120x64xi32, #tpu.memory_space<hbm>> -> memref<4x64xi32, #tpu.memory_space<hbm>>
      tpu.wait_dma2 semaphore(%arg26 : memref<!tpu.dma_semaphore, #tpu.memory_space<semaphore_mem>>) src(%dma_wait3A_334 : memref<4x64xi32, #tpu.memory_space<hbm>>) dst(%arg9 : memref<4x64xi32, #tpu.memory_space<vmem>>)
      %dma_wait3A_335 = arith.constant 0 : i32
      %dma_wait3A_336 = tpu.memref_slice %arg4[%select_n3A, %dma_wait3A_335] : memref<5120x64xi32, #tpu.memory_space<hbm>> -> memref<4x64xi32, #tpu.memory_space<hbm>>
      %dma_wait3A_337 = arith.constant 0 : i32
      %dma_wait3A_338 = tpu.memref_slice %arg4[%select_n3A, %dma_wait3A_337] : memref<5120x64xi32, #tpu.memory_space<hbm>> -> memref<4x64xi32, #tpu.memory_space<hbm>>
      tpu.wait_dma2 semaphore(%arg26 : memref<!tpu.dma_semaphore, #tpu.memory_space<semaphore_mem>>) src(%dma_wait3A_338 : memref<4x64xi32, #tpu.memory_space<hbm>>) dst(%arg11 : memref<4x64xi32, #tpu.memory_space<vmem>>)
      %dma_wait3A_339 = arith.constant 0 : i32
      %dma_wait3A_340 = arith.constant 0 : i32
      %dma_wait3A_341 = tpu.memref_slice %arg11[%dma_wait3A_339, %dma_wait3A_340] : memref<4x64xi32, #tpu.memory_space<vmem>> -> memref<1x64xi32, #tpu.memory_space<vmem>>
      %dma_wait3A_342 = tpu.memref_squeeze %dma_wait3A_341 : memref<1x64xi32, #tpu.memory_space<vmem>> -> memref<64xi32, #tpu.memory_space<vmem>>
      %dma_wait3A_343 = arith.constant 0 : i32
      %dma_wait3A_344 = arith.constant 0 : i32
      %dma_wait3A_345 = tpu.memref_slice %arg16[%dma_wait3A_343, %dma_wait3A_344] : memref<10240x128xf32, #tpu.memory_space<vmem_shared>> -> memref<10240x128xf32, #tpu.memory_space<vmem_shared>>
      tpu.wait_indirect_dma semaphore(%arg21 : memref<!tpu.dma_semaphore, #tpu.memory_space<semaphore_mem>>) src(%arg12 : memref<64x128xf32, #tpu.memory_space<vmem>>) dst(%dma_wait3A_345 : memref<10240x128xf32, #tpu.memory_space<vmem_shared>>)
      %dma_wait3A_346 = arith.constant 0 : i32
      %dma_wait3A_347 = arith.constant 0 : i32
      %dma_wait3A_348 = tpu.memref_slice %arg11[%dma_wait3A_346, %dma_wait3A_347] : memref<4x64xi32, #tpu.memory_space<vmem>> -> memref<1x64xi32, #tpu.memory_space<vmem>>
      %dma_wait3A_349 = tpu.memref_squeeze %dma_wait3A_348 : memref<1x64xi32, #tpu.memory_space<vmem>> -> memref<64xi32, #tpu.memory_space<vmem>>
      %dma_wait3A_350 = arith.constant 0 : i32
      %dma_wait3A_351 = tpu.memref_slice %arg31[%dma_wait3A_350] : memref<10240xf32, #tpu.memory_space<vmem_shared>> -> memref<10240xf32, #tpu.memory_space<vmem_shared>>
      tpu.wait_indirect_dma semaphore(%arg32 : memref<!tpu.dma_semaphore, #tpu.memory_space<semaphore_mem>>) src(%arg29 : memref<64xf32, #tpu.memory_space<vmem>>) dst(%dma_wait3A_351 : memref<10240xf32, #tpu.memory_space<vmem_shared>>)
      %dma_wait3A_352 = arith.constant 1 : i32
      %dma_wait3A_353 = arith.constant 0 : i32
      %dma_wait3A_354 = tpu.memref_slice %arg11[%dma_wait3A_352, %dma_wait3A_353] : memref<4x64xi32, #tpu.memory_space<vmem>> -> memref<1x64xi32, #tpu.memory_space<vmem>>
      %dma_wait3A_355 = tpu.memref_squeeze %dma_wait3A_354 : memref<1x64xi32, #tpu.memory_space<vmem>> -> memref<64xi32, #tpu.memory_space<vmem>>
      %dma_wait3A_356 = arith.constant 0 : i32
      %dma_wait3A_357 = arith.constant 0 : i32
      %dma_wait3A_358 = tpu.memref_slice %arg16[%dma_wait3A_356, %dma_wait3A_357] : memref<10240x128xf32, #tpu.memory_space<vmem_shared>> -> memref<10240x128xf32, #tpu.memory_space<vmem_shared>>
      tpu.wait_indirect_dma semaphore(%arg22 : memref<!tpu.dma_semaphore, #tpu.memory_space<semaphore_mem>>) src(%arg13 : memref<64x128xf32, #tpu.memory_space<vmem>>) dst(%dma_wait3A_358 : memref<10240x128xf32, #tpu.memory_space<vmem_shared>>)
      %dma_wait3A_359 = arith.constant 1 : i32
      %dma_wait3A_360 = arith.constant 0 : i32
      %dma_wait3A_361 = tpu.memref_slice %arg11[%dma_wait3A_359, %dma_wait3A_360] : memref<4x64xi32, #tpu.memory_space<vmem>> -> memref<1x64xi32, #tpu.memory_space<vmem>>
      %dma_wait3A_362 = tpu.memref_squeeze %dma_wait3A_361 : memref<1x64xi32, #tpu.memory_space<vmem>> -> memref<64xi32, #tpu.memory_space<vmem>>
      %dma_wait3A_363 = arith.constant 0 : i32
      %dma_wait3A_364 = tpu.memref_slice %arg31[%dma_wait3A_363] : memref<10240xf32, #tpu.memory_space<vmem_shared>> -> memref<10240xf32, #tpu.memory_space<vmem_shared>>
      tpu.wait_indirect_dma semaphore(%arg33 : memref<!tpu.dma_semaphore, #tpu.memory_space<semaphore_mem>>) src(%arg29 : memref<64xf32, #tpu.memory_space<vmem>>) dst(%dma_wait3A_364 : memref<10240xf32, #tpu.memory_space<vmem_shared>>)
      %dma_wait3A_365 = arith.constant 2 : i32
      %dma_wait3A_366 = arith.constant 0 : i32
      %dma_wait3A_367 = tpu.memref_slice %arg11[%dma_wait3A_365, %dma_wait3A_366] : memref<4x64xi32, #tpu.memory_space<vmem>> -> memref<1x64xi32, #tpu.memory_space<vmem>>
      %dma_wait3A_368 = tpu.memref_squeeze %dma_wait3A_367 : memref<1x64xi32, #tpu.memory_space<vmem>> -> memref<64xi32, #tpu.memory_space<vmem>>
      %dma_wait3A_369 = arith.constant 0 : i32
      %dma_wait3A_370 = arith.constant 0 : i32
      %dma_wait3A_371 = tpu.memref_slice %arg16[%dma_wait3A_369, %dma_wait3A_370] : memref<10240x128xf32, #tpu.memory_space<vmem_shared>> -> memref<10240x128xf32, #tpu.memory_space<vmem_shared>>
      tpu.wait_indirect_dma semaphore(%arg23 : memref<!tpu.dma_semaphore, #tpu.memory_space<semaphore_mem>>) src(%arg14 : memref<64x128xf32, #tpu.memory_space<vmem>>) dst(%dma_wait3A_371 : memref<10240x128xf32, #tpu.memory_space<vmem_shared>>)
      %dma_wait3A_372 = arith.constant 2 : i32
      %dma_wait3A_373 = arith.constant 0 : i32
      %dma_wait3A_374 = tpu.memref_slice %arg11[%dma_wait3A_372, %dma_wait3A_373] : memref<4x64xi32, #tpu.memory_space<vmem>> -> memref<1x64xi32, #tpu.memory_space<vmem>>
      %dma_wait3A_375 = tpu.memref_squeeze %dma_wait3A_374 : memref<1x64xi32, #tpu.memory_space<vmem>> -> memref<64xi32, #tpu.memory_space<vmem>>
      %dma_wait3A_376 = arith.constant 0 : i32
      %dma_wait3A_377 = tpu.memref_slice %arg31[%dma_wait3A_376] : memref<10240xf32, #tpu.memory_space<vmem_shared>> -> memref<10240xf32, #tpu.memory_space<vmem_shared>>
      tpu.wait_indirect_dma semaphore(%arg34 : memref<!tpu.dma_semaphore, #tpu.memory_space<semaphore_mem>>) src(%arg29 : memref<64xf32, #tpu.memory_space<vmem>>) dst(%dma_wait3A_377 : memref<10240xf32, #tpu.memory_space<vmem_shared>>)
      %dma_wait3A_378 = arith.constant 3 : i32
      %dma_wait3A_379 = arith.constant 0 : i32
      %dma_wait3A_380 = tpu.memref_slice %arg11[%dma_wait3A_378, %dma_wait3A_379] : memref<4x64xi32, #tpu.memory_space<vmem>> -> memref<1x64xi32, #tpu.memory_space<vmem>>
      %dma_wait3A_381 = tpu.memref_squeeze %dma_wait3A_380 : memref<1x64xi32, #tpu.memory_space<vmem>> -> memref<64xi32, #tpu.memory_space<vmem>>
      %dma_wait3A_382 = arith.constant 0 : i32
      %dma_wait3A_383 = arith.constant 0 : i32
      %dma_wait3A_384 = tpu.memref_slice %arg16[%dma_wait3A_382, %dma_wait3A_383] : memref<10240x128xf32, #tpu.memory_space<vmem_shared>> -> memref<10240x128xf32, #tpu.memory_space<vmem_shared>>
      tpu.wait_indirect_dma semaphore(%arg24 : memref<!tpu.dma_semaphore, #tpu.memory_space<semaphore_mem>>) src(%arg15 : memref<64x128xf32, #tpu.memory_space<vmem>>) dst(%dma_wait3A_384 : memref<10240x128xf32, #tpu.memory_space<vmem_shared>>)
      %dma_wait3A_385 = arith.constant 3 : i32
      %dma_wait3A_386 = arith.constant 0 : i32
      %dma_wait3A_387 = tpu.memref_slice %arg11[%dma_wait3A_385, %dma_wait3A_386] : memref<4x64xi32, #tpu.memory_space<vmem>> -> memref<1x64xi32, #tpu.memory_space<vmem>>
      %dma_wait3A_388 = tpu.memref_squeeze %dma_wait3A_387 : memref<1x64xi32, #tpu.memory_space<vmem>> -> memref<64xi32, #tpu.memory_space<vmem>>
      %dma_wait3A_389 = arith.constant 0 : i32
      %dma_wait3A_390 = tpu.memref_slice %arg31[%dma_wait3A_389] : memref<10240xf32, #tpu.memory_space<vmem_shared>> -> memref<10240xf32, #tpu.memory_space<vmem_shared>>
      tpu.wait_indirect_dma semaphore(%arg35 : memref<!tpu.dma_semaphore, #tpu.memory_space<semaphore_mem>>) src(%arg29 : memref<64xf32, #tpu.memory_space<vmem>>) dst(%dma_wait3A_390 : memref<10240xf32, #tpu.memory_space<vmem_shared>>)
      %mul3A_391 = arith.constant 2 : i32
      %mul3A_392 = arith.muli %mul3A_391, %while3A_197 : i32
      %add3A_393 = arith.constant 2 : i32
      %add3A_394 = arith.addi %mul3A_392, %add3A_393 : i32
      %sub3A = arith.constant 1 : i32
      %sub3A_395 = arith.subi %select_n3A_8, %sub3A : i32
      %lt3A = arith.cmpi slt, %while3A_197, %sub3A_395 : i32
      %convert_element_type3A_396 = arith.extui %lt3A : i1 to i32
      %cond3A_397 = arith.constant 0 : i32
      %cond3A_398 = arith.cmpi ne, %convert_element_type3A_396, %cond3A_397 : i32
      scf.if %cond3A_398 {
        %mul3A_507 = arith.constant 4 : i32
        %mul3A_508 = arith.muli %add3A_394, %mul3A_507 : i32
        %add3A_509 = arith.addi %select_n3A, %mul3A_508 : i32
        %dma_start3A_510 = arith.constant 0 : i32
        %dma_start3A_511 = tpu.memref_slice %arg3[%add3A_509, %dma_start3A_510] : memref<5120x64xi32, #tpu.memory_space<hbm>> -> memref<4x64xi32, #tpu.memory_space<hbm>>
        %dma_start3A_512 = arith.constant 0 : i32
        %dma_start3A_513 = tpu.memref_slice %arg3[%add3A_509, %dma_start3A_512] : memref<5120x64xi32, #tpu.memory_space<hbm>> -> memref<4x64xi32, #tpu.memory_space<hbm>>
        tpu.enqueue_dma source(%dma_start3A_513 : memref<4x64xi32, #tpu.memory_space<hbm>>) target(%arg8 : memref<4x64xi32, #tpu.memory_space<vmem>>) target_semaphore(%arg25 : memref<!tpu.dma_semaphore, #tpu.memory_space<semaphore_mem>>)
        %dma_start3A_514 = arith.constant 0 : i32
        %dma_start3A_515 = tpu.memref_slice %arg4[%add3A_509, %dma_start3A_514] : memref<5120x64xi32, #tpu.memory_space<hbm>> -> memref<4x64xi32, #tpu.memory_space<hbm>>
        %dma_start3A_516 = arith.constant 0 : i32
        %dma_start3A_517 = tpu.memref_slice %arg4[%add3A_509, %dma_start3A_516] : memref<5120x64xi32, #tpu.memory_space<hbm>> -> memref<4x64xi32, #tpu.memory_space<hbm>>
        tpu.enqueue_dma source(%dma_start3A_517 : memref<4x64xi32, #tpu.memory_space<hbm>>) target(%arg10 : memref<4x64xi32, #tpu.memory_space<vmem>>) target_semaphore(%arg25 : memref<!tpu.dma_semaphore, #tpu.memory_space<semaphore_mem>>)
      } else {
      }
      %dma_start3A_399 = arith.constant 0 : i32
      %dma_start3A_400 = arith.constant 0 : i32
      %dma_start3A_401 = tpu.memref_slice %arg9[%dma_start3A_399, %dma_start3A_400] : memref<4x64xi32, #tpu.memory_space<vmem>> -> memref<1x64xi32, #tpu.memory_space<vmem>>
      %dma_start3A_402 = tpu.memref_squeeze %dma_start3A_401 : memref<1x64xi32, #tpu.memory_space<vmem>> -> memref<64xi32, #tpu.memory_space<vmem>>
      %dma_start3A_403 = arith.constant 0 : i32
      %dma_start3A_404 = arith.constant 0 : i32
      %dma_start3A_405 = tpu.memref_slice %arg2[%dma_start3A_403, %dma_start3A_404] : memref<10240x128xf32, #tpu.memory_space<hbm>> -> memref<10240x128xf32, #tpu.memory_space<hbm>>
      tpu.enqueue_indirect_dma source(%dma_start3A_405 : memref<10240x128xf32, #tpu.memory_space<hbm>>) target(%arg12 : memref<64x128xf32, #tpu.memory_space<vmem>>) offsets(%dma_start3A_402 : memref<64xi32, #tpu.memory_space<vmem>>) semaphore(%arg17 : memref<!tpu.dma_semaphore, #tpu.memory_space<semaphore_mem>>)
      %dma_start3A_406 = arith.constant 1 : i32
      %dma_start3A_407 = arith.constant 0 : i32
      %dma_start3A_408 = tpu.memref_slice %arg9[%dma_start3A_406, %dma_start3A_407] : memref<4x64xi32, #tpu.memory_space<vmem>> -> memref<1x64xi32, #tpu.memory_space<vmem>>
      %dma_start3A_409 = tpu.memref_squeeze %dma_start3A_408 : memref<1x64xi32, #tpu.memory_space<vmem>> -> memref<64xi32, #tpu.memory_space<vmem>>
      %dma_start3A_410 = arith.constant 0 : i32
      %dma_start3A_411 = arith.constant 0 : i32
      %dma_start3A_412 = tpu.memref_slice %arg2[%dma_start3A_410, %dma_start3A_411] : memref<10240x128xf32, #tpu.memory_space<hbm>> -> memref<10240x128xf32, #tpu.memory_space<hbm>>
      tpu.enqueue_indirect_dma source(%dma_start3A_412 : memref<10240x128xf32, #tpu.memory_space<hbm>>) target(%arg13 : memref<64x128xf32, #tpu.memory_space<vmem>>) offsets(%dma_start3A_409 : memref<64xi32, #tpu.memory_space<vmem>>) semaphore(%arg18 : memref<!tpu.dma_semaphore, #tpu.memory_space<semaphore_mem>>)
      %dma_start3A_413 = arith.constant 2 : i32
      %dma_start3A_414 = arith.constant 0 : i32
      %dma_start3A_415 = tpu.memref_slice %arg9[%dma_start3A_413, %dma_start3A_414] : memref<4x64xi32, #tpu.memory_space<vmem>> -> memref<1x64xi32, #tpu.memory_space<vmem>>
      %dma_start3A_416 = tpu.memref_squeeze %dma_start3A_415 : memref<1x64xi32, #tpu.memory_space<vmem>> -> memref<64xi32, #tpu.memory_space<vmem>>
      %dma_start3A_417 = arith.constant 0 : i32
      %dma_start3A_418 = arith.constant 0 : i32
      %dma_start3A_419 = tpu.memref_slice %arg2[%dma_start3A_417, %dma_start3A_418] : memref<10240x128xf32, #tpu.memory_space<hbm>> -> memref<10240x128xf32, #tpu.memory_space<hbm>>
      tpu.enqueue_indirect_dma source(%dma_start3A_419 : memref<10240x128xf32, #tpu.memory_space<hbm>>) target(%arg14 : memref<64x128xf32, #tpu.memory_space<vmem>>) offsets(%dma_start3A_416 : memref<64xi32, #tpu.memory_space<vmem>>) semaphore(%arg19 : memref<!tpu.dma_semaphore, #tpu.memory_space<semaphore_mem>>)
      %dma_start3A_420 = arith.constant 3 : i32
      %dma_start3A_421 = arith.constant 0 : i32
      %dma_start3A_422 = tpu.memref_slice %arg9[%dma_start3A_420, %dma_start3A_421] : memref<4x64xi32, #tpu.memory_space<vmem>> -> memref<1x64xi32, #tpu.memory_space<vmem>>
      %dma_start3A_423 = tpu.memref_squeeze %dma_start3A_422 : memref<1x64xi32, #tpu.memory_space<vmem>> -> memref<64xi32, #tpu.memory_space<vmem>>
      %dma_start3A_424 = arith.constant 0 : i32
      %dma_start3A_425 = arith.constant 0 : i32
      %dma_start3A_426 = tpu.memref_slice %arg2[%dma_start3A_424, %dma_start3A_425] : memref<10240x128xf32, #tpu.memory_space<hbm>> -> memref<10240x128xf32, #tpu.memory_space<hbm>>
      tpu.enqueue_indirect_dma source(%dma_start3A_426 : memref<10240x128xf32, #tpu.memory_space<hbm>>) target(%arg15 : memref<64x128xf32, #tpu.memory_space<vmem>>) offsets(%dma_start3A_423 : memref<64xi32, #tpu.memory_space<vmem>>) semaphore(%arg20 : memref<!tpu.dma_semaphore, #tpu.memory_space<semaphore_mem>>)
      %dma_wait3A_427 = arith.constant 0 : i32
      %dma_wait3A_428 = arith.constant 0 : i32
      %dma_wait3A_429 = tpu.memref_slice %arg9[%dma_wait3A_427, %dma_wait3A_428] : memref<4x64xi32, #tpu.memory_space<vmem>> -> memref<1x64xi32, #tpu.memory_space<vmem>>
      %dma_wait3A_430 = tpu.memref_squeeze %dma_wait3A_429 : memref<1x64xi32, #tpu.memory_space<vmem>> -> memref<64xi32, #tpu.memory_space<vmem>>
      %dma_wait3A_431 = arith.constant 0 : i32
      %dma_wait3A_432 = arith.constant 0 : i32
      %dma_wait3A_433 = tpu.memref_slice %arg2[%dma_wait3A_431, %dma_wait3A_432] : memref<10240x128xf32, #tpu.memory_space<hbm>> -> memref<10240x128xf32, #tpu.memory_space<hbm>>
      tpu.wait_indirect_dma semaphore(%arg17 : memref<!tpu.dma_semaphore, #tpu.memory_space<semaphore_mem>>) src(%dma_wait3A_433 : memref<10240x128xf32, #tpu.memory_space<hbm>>) dst(%arg12 : memref<64x128xf32, #tpu.memory_space<vmem>>)
      %dma_start3A_434 = arith.constant 0 : i32
      %dma_start3A_435 = arith.constant 0 : i32
      %dma_start3A_436 = tpu.memref_slice %arg11[%dma_start3A_434, %dma_start3A_435] : memref<4x64xi32, #tpu.memory_space<vmem>> -> memref<1x64xi32, #tpu.memory_space<vmem>>
      %dma_start3A_437 = tpu.memref_squeeze %dma_start3A_436 : memref<1x64xi32, #tpu.memory_space<vmem>> -> memref<64xi32, #tpu.memory_space<vmem>>
      %dma_start3A_438 = arith.constant 0 : i32
      %dma_start3A_439 = arith.constant 0 : i32
      %dma_start3A_440 = tpu.memref_slice %arg16[%dma_start3A_438, %dma_start3A_439] : memref<10240x128xf32, #tpu.memory_space<vmem_shared>> -> memref<10240x128xf32, #tpu.memory_space<vmem_shared>>
      tpu.enqueue_indirect_dma source(%arg12 : memref<64x128xf32, #tpu.memory_space<vmem>>) target(%dma_start3A_440 : memref<10240x128xf32, #tpu.memory_space<vmem_shared>>) offsets(%dma_start3A_437 : memref<64xi32, #tpu.memory_space<vmem>>) semaphore(%arg21 : memref<!tpu.dma_semaphore, #tpu.memory_space<semaphore_mem>>) {add = true}
      %dma_start3A_441 = arith.constant 0 : i32
      %dma_start3A_442 = arith.constant 0 : i32
      %dma_start3A_443 = tpu.memref_slice %arg11[%dma_start3A_441, %dma_start3A_442] : memref<4x64xi32, #tpu.memory_space<vmem>> -> memref<1x64xi32, #tpu.memory_space<vmem>>
      %dma_start3A_444 = tpu.memref_squeeze %dma_start3A_443 : memref<1x64xi32, #tpu.memory_space<vmem>> -> memref<64xi32, #tpu.memory_space<vmem>>
      %dma_start3A_445 = arith.constant 0 : i32
      %dma_start3A_446 = tpu.memref_slice %arg31[%dma_start3A_445] : memref<10240xf32, #tpu.memory_space<vmem_shared>> -> memref<10240xf32, #tpu.memory_space<vmem_shared>>
      tpu.enqueue_indirect_dma source(%arg29 : memref<64xf32, #tpu.memory_space<vmem>>) target(%dma_start3A_446 : memref<10240xf32, #tpu.memory_space<vmem_shared>>) offsets(%dma_start3A_444 : memref<64xi32, #tpu.memory_space<vmem>>) semaphore(%arg32 : memref<!tpu.dma_semaphore, #tpu.memory_space<semaphore_mem>>) {add = true}
      %dma_wait3A_447 = arith.constant 1 : i32
      %dma_wait3A_448 = arith.constant 0 : i32
      %dma_wait3A_449 = tpu.memref_slice %arg9[%dma_wait3A_447, %dma_wait3A_448] : memref<4x64xi32, #tpu.memory_space<vmem>> -> memref<1x64xi32, #tpu.memory_space<vmem>>
      %dma_wait3A_450 = tpu.memref_squeeze %dma_wait3A_449 : memref<1x64xi32, #tpu.memory_space<vmem>> -> memref<64xi32, #tpu.memory_space<vmem>>
      %dma_wait3A_451 = arith.constant 0 : i32
      %dma_wait3A_452 = arith.constant 0 : i32
      %dma_wait3A_453 = tpu.memref_slice %arg2[%dma_wait3A_451, %dma_wait3A_452] : memref<10240x128xf32, #tpu.memory_space<hbm>> -> memref<10240x128xf32, #tpu.memory_space<hbm>>
      tpu.wait_indirect_dma semaphore(%arg18 : memref<!tpu.dma_semaphore, #tpu.memory_space<semaphore_mem>>) src(%dma_wait3A_453 : memref<10240x128xf32, #tpu.memory_space<hbm>>) dst(%arg13 : memref<64x128xf32, #tpu.memory_space<vmem>>)
      %dma_start3A_454 = arith.constant 1 : i32
      %dma_start3A_455 = arith.constant 0 : i32
      %dma_start3A_456 = tpu.memref_slice %arg11[%dma_start3A_454, %dma_start3A_455] : memref<4x64xi32, #tpu.memory_space<vmem>> -> memref<1x64xi32, #tpu.memory_space<vmem>>
      %dma_start3A_457 = tpu.memref_squeeze %dma_start3A_456 : memref<1x64xi32, #tpu.memory_space<vmem>> -> memref<64xi32, #tpu.memory_space<vmem>>
      %dma_start3A_458 = arith.constant 0 : i32
      %dma_start3A_459 = arith.constant 0 : i32
      %dma_start3A_460 = tpu.memref_slice %arg16[%dma_start3A_458, %dma_start3A_459] : memref<10240x128xf32, #tpu.memory_space<vmem_shared>> -> memref<10240x128xf32, #tpu.memory_space<vmem_shared>>
      tpu.enqueue_indirect_dma source(%arg13 : memref<64x128xf32, #tpu.memory_space<vmem>>) target(%dma_start3A_460 : memref<10240x128xf32, #tpu.memory_space<vmem_shared>>) offsets(%dma_start3A_457 : memref<64xi32, #tpu.memory_space<vmem>>) semaphore(%arg22 : memref<!tpu.dma_semaphore, #tpu.memory_space<semaphore_mem>>) {add = true}
      %dma_start3A_461 = arith.constant 1 : i32
      %dma_start3A_462 = arith.constant 0 : i32
      %dma_start3A_463 = tpu.memref_slice %arg11[%dma_start3A_461, %dma_start3A_462] : memref<4x64xi32, #tpu.memory_space<vmem>> -> memref<1x64xi32, #tpu.memory_space<vmem>>
      %dma_start3A_464 = tpu.memref_squeeze %dma_start3A_463 : memref<1x64xi32, #tpu.memory_space<vmem>> -> memref<64xi32, #tpu.memory_space<vmem>>
      %dma_start3A_465 = arith.constant 0 : i32
      %dma_start3A_466 = tpu.memref_slice %arg31[%dma_start3A_465] : memref<10240xf32, #tpu.memory_space<vmem_shared>> -> memref<10240xf32, #tpu.memory_space<vmem_shared>>
      tpu.enqueue_indirect_dma source(%arg29 : memref<64xf32, #tpu.memory_space<vmem>>) target(%dma_start3A_466 : memref<10240xf32, #tpu.memory_space<vmem_shared>>) offsets(%dma_start3A_464 : memref<64xi32, #tpu.memory_space<vmem>>) semaphore(%arg33 : memref<!tpu.dma_semaphore, #tpu.memory_space<semaphore_mem>>) {add = true}
      %dma_wait3A_467 = arith.constant 2 : i32
      %dma_wait3A_468 = arith.constant 0 : i32
      %dma_wait3A_469 = tpu.memref_slice %arg9[%dma_wait3A_467, %dma_wait3A_468] : memref<4x64xi32, #tpu.memory_space<vmem>> -> memref<1x64xi32, #tpu.memory_space<vmem>>
      %dma_wait3A_470 = tpu.memref_squeeze %dma_wait3A_469 : memref<1x64xi32, #tpu.memory_space<vmem>> -> memref<64xi32, #tpu.memory_space<vmem>>
      %dma_wait3A_471 = arith.constant 0 : i32
      %dma_wait3A_472 = arith.constant 0 : i32
      %dma_wait3A_473 = tpu.memref_slice %arg2[%dma_wait3A_471, %dma_wait3A_472] : memref<10240x128xf32, #tpu.memory_space<hbm>> -> memref<10240x128xf32, #tpu.memory_space<hbm>>
      tpu.wait_indirect_dma semaphore(%arg19 : memref<!tpu.dma_semaphore, #tpu.memory_space<semaphore_mem>>) src(%dma_wait3A_473 : memref<10240x128xf32, #tpu.memory_space<hbm>>) dst(%arg14 : memref<64x128xf32, #tpu.memory_space<vmem>>)
      %dma_start3A_474 = arith.constant 2 : i32
      %dma_start3A_475 = arith.constant 0 : i32
      %dma_start3A_476 = tpu.memref_slice %arg11[%dma_start3A_474, %dma_start3A_475] : memref<4x64xi32, #tpu.memory_space<vmem>> -> memref<1x64xi32, #tpu.memory_space<vmem>>
      %dma_start3A_477 = tpu.memref_squeeze %dma_start3A_476 : memref<1x64xi32, #tpu.memory_space<vmem>> -> memref<64xi32, #tpu.memory_space<vmem>>
      %dma_start3A_478 = arith.constant 0 : i32
      %dma_start3A_479 = arith.constant 0 : i32
      %dma_start3A_480 = tpu.memref_slice %arg16[%dma_start3A_478, %dma_start3A_479] : memref<10240x128xf32, #tpu.memory_space<vmem_shared>> -> memref<10240x128xf32, #tpu.memory_space<vmem_shared>>
      tpu.enqueue_indirect_dma source(%arg14 : memref<64x128xf32, #tpu.memory_space<vmem>>) target(%dma_start3A_480 : memref<10240x128xf32, #tpu.memory_space<vmem_shared>>) offsets(%dma_start3A_477 : memref<64xi32, #tpu.memory_space<vmem>>) semaphore(%arg23 : memref<!tpu.dma_semaphore, #tpu.memory_space<semaphore_mem>>) {add = true}
      %dma_start3A_481 = arith.constant 2 : i32
      %dma_start3A_482 = arith.constant 0 : i32
      %dma_start3A_483 = tpu.memref_slice %arg11[%dma_start3A_481, %dma_start3A_482] : memref<4x64xi32, #tpu.memory_space<vmem>> -> memref<1x64xi32, #tpu.memory_space<vmem>>
      %dma_start3A_484 = tpu.memref_squeeze %dma_start3A_483 : memref<1x64xi32, #tpu.memory_space<vmem>> -> memref<64xi32, #tpu.memory_space<vmem>>
      %dma_start3A_485 = arith.constant 0 : i32
      %dma_start3A_486 = tpu.memref_slice %arg31[%dma_start3A_485] : memref<10240xf32, #tpu.memory_space<vmem_shared>> -> memref<10240xf32, #tpu.memory_space<vmem_shared>>
      tpu.enqueue_indirect_dma source(%arg29 : memref<64xf32, #tpu.memory_space<vmem>>) target(%dma_start3A_486 : memref<10240xf32, #tpu.memory_space<vmem_shared>>) offsets(%dma_start3A_484 : memref<64xi32, #tpu.memory_space<vmem>>) semaphore(%arg34 : memref<!tpu.dma_semaphore, #tpu.memory_space<semaphore_mem>>) {add = true}
      %dma_wait3A_487 = arith.constant 3 : i32
      %dma_wait3A_488 = arith.constant 0 : i32
      %dma_wait3A_489 = tpu.memref_slice %arg9[%dma_wait3A_487, %dma_wait3A_488] : memref<4x64xi32, #tpu.memory_space<vmem>> -> memref<1x64xi32, #tpu.memory_space<vmem>>
      %dma_wait3A_490 = tpu.memref_squeeze %dma_wait3A_489 : memref<1x64xi32, #tpu.memory_space<vmem>> -> memref<64xi32, #tpu.memory_space<vmem>>
      %dma_wait3A_491 = arith.constant 0 : i32
      %dma_wait3A_492 = arith.constant 0 : i32
      %dma_wait3A_493 = tpu.memref_slice %arg2[%dma_wait3A_491, %dma_wait3A_492] : memref<10240x128xf32, #tpu.memory_space<hbm>> -> memref<10240x128xf32, #tpu.memory_space<hbm>>
      tpu.wait_indirect_dma semaphore(%arg20 : memref<!tpu.dma_semaphore, #tpu.memory_space<semaphore_mem>>) src(%dma_wait3A_493 : memref<10240x128xf32, #tpu.memory_space<hbm>>) dst(%arg15 : memref<64x128xf32, #tpu.memory_space<vmem>>)
      %dma_start3A_494 = arith.constant 3 : i32
      %dma_start3A_495 = arith.constant 0 : i32
      %dma_start3A_496 = tpu.memref_slice %arg11[%dma_start3A_494, %dma_start3A_495] : memref<4x64xi32, #tpu.memory_space<vmem>> -> memref<1x64xi32, #tpu.memory_space<vmem>>
      %dma_start3A_497 = tpu.memref_squeeze %dma_start3A_496 : memref<1x64xi32, #tpu.memory_space<vmem>> -> memref<64xi32, #tpu.memory_space<vmem>>
      %dma_start3A_498 = arith.constant 0 : i32
      %dma_start3A_499 = arith.constant 0 : i32
      %dma_start3A_500 = tpu.memref_slice %arg16[%dma_start3A_498, %dma_start3A_499] : memref<10240x128xf32, #tpu.memory_space<vmem_shared>> -> memref<10240x128xf32, #tpu.memory_space<vmem_shared>>
      tpu.enqueue_indirect_dma source(%arg15 : memref<64x128xf32, #tpu.memory_space<vmem>>) target(%dma_start3A_500 : memref<10240x128xf32, #tpu.memory_space<vmem_shared>>) offsets(%dma_start3A_497 : memref<64xi32, #tpu.memory_space<vmem>>) semaphore(%arg24 : memref<!tpu.dma_semaphore, #tpu.memory_space<semaphore_mem>>) {add = true}
      %dma_start3A_501 = arith.constant 3 : i32
      %dma_start3A_502 = arith.constant 0 : i32
      %dma_start3A_503 = tpu.memref_slice %arg11[%dma_start3A_501, %dma_start3A_502] : memref<4x64xi32, #tpu.memory_space<vmem>> -> memref<1x64xi32, #tpu.memory_space<vmem>>
      %dma_start3A_504 = tpu.memref_squeeze %dma_start3A_503 : memref<1x64xi32, #tpu.memory_space<vmem>> -> memref<64xi32, #tpu.memory_space<vmem>>
      %dma_start3A_505 = arith.constant 0 : i32
      %dma_start3A_506 = tpu.memref_slice %arg31[%dma_start3A_505] : memref<10240xf32, #tpu.memory_space<vmem_shared>> -> memref<10240xf32, #tpu.memory_space<vmem_shared>>
      tpu.enqueue_indirect_dma source(%arg29 : memref<64xf32, #tpu.memory_space<vmem>>) target(%dma_start3A_506 : memref<10240xf32, #tpu.memory_space<vmem_shared>>) offsets(%dma_start3A_504 : memref<64xi32, #tpu.memory_space<vmem>>) semaphore(%arg35 : memref<!tpu.dma_semaphore, #tpu.memory_space<semaphore_mem>>) {add = true}
    }
    %while3A_100 = arith.constant 1 : i32
    scf.for %while3A_197 = %while3A_98 to %while3A_94 step %while3A_100  : i32 {
      %dma_wait3A_198 = arith.constant 0 : i32
      %dma_wait3A_199 = tpu.memref_slice %arg3[%select_n3A, %dma_wait3A_198] : memref<5120x64xi32, #tpu.memory_space<hbm>> -> memref<4x64xi32, #tpu.memory_space<hbm>>
      %dma_wait3A_200 = arith.constant 0 : i32
      %dma_wait3A_201 = tpu.memref_slice %arg3[%select_n3A, %dma_wait3A_200] : memref<5120x64xi32, #tpu.memory_space<hbm>> -> memref<4x64xi32, #tpu.memory_space<hbm>>
      tpu.wait_dma2 semaphore(%arg25 : memref<!tpu.dma_semaphore, #tpu.memory_space<semaphore_mem>>) src(%dma_wait3A_201 : memref<4x64xi32, #tpu.memory_space<hbm>>) dst(%arg8 : memref<4x64xi32, #tpu.memory_space<vmem>>)
      %dma_wait3A_202 = arith.constant 0 : i32
      %dma_wait3A_203 = tpu.memref_slice %arg4[%select_n3A, %dma_wait3A_202] : memref<5120x64xi32, #tpu.memory_space<hbm>> -> memref<4x64xi32, #tpu.memory_space<hbm>>
      %dma_wait3A_204 = arith.constant 0 : i32
      %dma_wait3A_205 = tpu.memref_slice %arg4[%select_n3A, %dma_wait3A_204] : memref<5120x64xi32, #tpu.memory_space<hbm>> -> memref<4x64xi32, #tpu.memory_space<hbm>>
      tpu.wait_dma2 semaphore(%arg25 : memref<!tpu.dma_semaphore, #tpu.memory_space<semaphore_mem>>) src(%dma_wait3A_205 : memref<4x64xi32, #tpu.memory_space<hbm>>) dst(%arg10 : memref<4x64xi32, #tpu.memory_space<vmem>>)
      %gt3A = arith.constant 0 : i32
      %gt3A_206 = arith.cmpi sgt, %while3A_197, %gt3A : i32
      %convert_element_type3A = arith.extui %gt3A_206 : i1 to i32
      %cond3A = arith.constant 0 : i32
      %cond3A_207 = arith.cmpi ne, %convert_element_type3A, %cond3A : i32
      scf.if %cond3A_207 {
        %dma_wait3A_507 = arith.constant 0 : i32
        %dma_wait3A_508 = arith.constant 0 : i32
        %dma_wait3A_509 = tpu.memref_slice %arg10[%dma_wait3A_507, %dma_wait3A_508] : memref<4x64xi32, #tpu.memory_space<vmem>> -> memref<1x64xi32, #tpu.memory_space<vmem>>
        %dma_wait3A_510 = tpu.memref_squeeze %dma_wait3A_509 : memref<1x64xi32, #tpu.memory_space<vmem>> -> memref<64xi32, #tpu.memory_space<vmem>>
        %dma_wait3A_511 = arith.constant 0 : i32
        %dma_wait3A_512 = arith.constant 0 : i32
        %dma_wait3A_513 = tpu.memref_slice %arg16[%dma_wait3A_511, %dma_wait3A_512] : memref<10240x128xf32, #tpu.memory_space<vmem_shared>> -> memref<10240x128xf32, #tpu.memory_space<vmem_shared>>
        tpu.wait_indirect_dma semaphore(%arg21 : memref<!tpu.dma_semaphore, #tpu.memory_space<semaphore_mem>>) src(%arg12 : memref<64x128xf32, #tpu.memory_space<vmem>>) dst(%dma_wait3A_513 : memref<10240x128xf32, #tpu.memory_space<vmem_shared>>)
        %dma_wait3A_514 = arith.constant 0 : i32
        %dma_wait3A_515 = arith.constant 0 : i32
        %dma_wait3A_516 = tpu.memref_slice %arg10[%dma_wait3A_514, %dma_wait3A_515] : memref<4x64xi32, #tpu.memory_space<vmem>> -> memref<1x64xi32, #tpu.memory_space<vmem>>
        %dma_wait3A_517 = tpu.memref_squeeze %dma_wait3A_516 : memref<1x64xi32, #tpu.memory_space<vmem>> -> memref<64xi32, #tpu.memory_space<vmem>>
        %dma_wait3A_518 = arith.constant 0 : i32
        %dma_wait3A_519 = tpu.memref_slice %arg31[%dma_wait3A_518] : memref<10240xf32, #tpu.memory_space<vmem_shared>> -> memref<10240xf32, #tpu.memory_space<vmem_shared>>
        tpu.wait_indirect_dma semaphore(%arg32 : memref<!tpu.dma_semaphore, #tpu.memory_space<semaphore_mem>>) src(%arg29 : memref<64xf32, #tpu.memory_space<vmem>>) dst(%dma_wait3A_519 : memref<10240xf32, #tpu.memory_space<vmem_shared>>)
        %dma_wait3A_520 = arith.constant 1 : i32
        %dma_wait3A_521 = arith.constant 0 : i32
        %dma_wait3A_522 = tpu.memref_slice %arg10[%dma_wait3A_520, %dma_wait3A_521] : memref<4x64xi32, #tpu.memory_space<vmem>> -> memref<1x64xi32, #tpu.memory_space<vmem>>
        %dma_wait3A_523 = tpu.memref_squeeze %dma_wait3A_522 : memref<1x64xi32, #tpu.memory_space<vmem>> -> memref<64xi32, #tpu.memory_space<vmem>>
        %dma_wait3A_524 = arith.constant 0 : i32
        %dma_wait3A_525 = arith.constant 0 : i32
        %dma_wait3A_526 = tpu.memref_slice %arg16[%dma_wait3A_524, %dma_wait3A_525] : memref<10240x128xf32, #tpu.memory_space<vmem_shared>> -> memref<10240x128xf32, #tpu.memory_space<vmem_shared>>
        tpu.wait_indirect_dma semaphore(%arg22 : memref<!tpu.dma_semaphore, #tpu.memory_space<semaphore_mem>>) src(%arg13 : memref<64x128xf32, #tpu.memory_space<vmem>>) dst(%dma_wait3A_526 : memref<10240x128xf32, #tpu.memory_space<vmem_shared>>)
        %dma_wait3A_527 = arith.constant 1 : i32
        %dma_wait3A_528 = arith.constant 0 : i32
        %dma_wait3A_529 = tpu.memref_slice %arg10[%dma_wait3A_527, %dma_wait3A_528] : memref<4x64xi32, #tpu.memory_space<vmem>> -> memref<1x64xi32, #tpu.memory_space<vmem>>
        %dma_wait3A_530 = tpu.memref_squeeze %dma_wait3A_529 : memref<1x64xi32, #tpu.memory_space<vmem>> -> memref<64xi32, #tpu.memory_space<vmem>>
        %dma_wait3A_531 = arith.constant 0 : i32
        %dma_wait3A_532 = tpu.memref_slice %arg31[%dma_wait3A_531] : memref<10240xf32, #tpu.memory_space<vmem_shared>> -> memref<10240xf32, #tpu.memory_space<vmem_shared>>
        tpu.wait_indirect_dma semaphore(%arg33 : memref<!tpu.dma_semaphore, #tpu.memory_space<semaphore_mem>>) src(%arg29 : memref<64xf32, #tpu.memory_space<vmem>>) dst(%dma_wait3A_532 : memref<10240xf32, #tpu.memory_space<vmem_shared>>)
        %dma_wait3A_533 = arith.constant 2 : i32
        %dma_wait3A_534 = arith.constant 0 : i32
        %dma_wait3A_535 = tpu.memref_slice %arg10[%dma_wait3A_533, %dma_wait3A_534] : memref<4x64xi32, #tpu.memory_space<vmem>> -> memref<1x64xi32, #tpu.memory_space<vmem>>
        %dma_wait3A_536 = tpu.memref_squeeze %dma_wait3A_535 : memref<1x64xi32, #tpu.memory_space<vmem>> -> memref<64xi32, #tpu.memory_space<vmem>>
        %dma_wait3A_537 = arith.constant 0 : i32
        %dma_wait3A_538 = arith.constant 0 : i32
        %dma_wait3A_539 = tpu.memref_slice %arg16[%dma_wait3A_537, %dma_wait3A_538] : memref<10240x128xf32, #tpu.memory_space<vmem_shared>> -> memref<10240x128xf32, #tpu.memory_space<vmem_shared>>
        tpu.wait_indirect_dma semaphore(%arg23 : memref<!tpu.dma_semaphore, #tpu.memory_space<semaphore_mem>>) src(%arg14 : memref<64x128xf32, #tpu.memory_space<vmem>>) dst(%dma_wait3A_539 : memref<10240x128xf32, #tpu.memory_space<vmem_shared>>)
        %dma_wait3A_540 = arith.constant 2 : i32
        %dma_wait3A_541 = arith.constant 0 : i32
        %dma_wait3A_542 = tpu.memref_slice %arg10[%dma_wait3A_540, %dma_wait3A_541] : memref<4x64xi32, #tpu.memory_space<vmem>> -> memref<1x64xi32, #tpu.memory_space<vmem>>
        %dma_wait3A_543 = tpu.memref_squeeze %dma_wait3A_542 : memref<1x64xi32, #tpu.memory_space<vmem>> -> memref<64xi32, #tpu.memory_space<vmem>>
        %dma_wait3A_544 = arith.constant 0 : i32
        %dma_wait3A_545 = tpu.memref_slice %arg31[%dma_wait3A_544] : memref<10240xf32, #tpu.memory_space<vmem_shared>> -> memref<10240xf32, #tpu.memory_space<vmem_shared>>
        tpu.wait_indirect_dma semaphore(%arg34 : memref<!tpu.dma_semaphore, #tpu.memory_space<semaphore_mem>>) src(%arg29 : memref<64xf32, #tpu.memory_space<vmem>>) dst(%dma_wait3A_545 : memref<10240xf32, #tpu.memory_space<vmem_shared>>)
        %dma_wait3A_546 = arith.constant 3 : i32
        %dma_wait3A_547 = arith.constant 0 : i32
        %dma_wait3A_548 = tpu.memref_slice %arg10[%dma_wait3A_546, %dma_wait3A_547] : memref<4x64xi32, #tpu.memory_space<vmem>> -> memref<1x64xi32, #tpu.memory_space<vmem>>
        %dma_wait3A_549 = tpu.memref_squeeze %dma_wait3A_548 : memref<1x64xi32, #tpu.memory_space<vmem>> -> memref<64xi32, #tpu.memory_space<vmem>>
        %dma_wait3A_550 = arith.constant 0 : i32
        %dma_wait3A_551 = arith.constant 0 : i32
        %dma_wait3A_552 = tpu.memref_slice %arg16[%dma_wait3A_550, %dma_wait3A_551] : memref<10240x128xf32, #tpu.memory_space<vmem_shared>> -> memref<10240x128xf32, #tpu.memory_space<vmem_shared>>
        tpu.wait_indirect_dma semaphore(%arg24 : memref<!tpu.dma_semaphore, #tpu.memory_space<semaphore_mem>>) src(%arg15 : memref<64x128xf32, #tpu.memory_space<vmem>>) dst(%dma_wait3A_552 : memref<10240x128xf32, #tpu.memory_space<vmem_shared>>)
        %dma_wait3A_553 = arith.constant 3 : i32
        %dma_wait3A_554 = arith.constant 0 : i32
        %dma_wait3A_555 = tpu.memref_slice %arg10[%dma_wait3A_553, %dma_wait3A_554] : memref<4x64xi32, #tpu.memory_space<vmem>> -> memref<1x64xi32, #tpu.memory_space<vmem>>
        %dma_wait3A_556 = tpu.memref_squeeze %dma_wait3A_555 : memref<1x64xi32, #tpu.memory_space<vmem>> -> memref<64xi32, #tpu.memory_space<vmem>>
        %dma_wait3A_557 = arith.constant 0 : i32
        %dma_wait3A_558 = tpu.memref_slice %arg31[%dma_wait3A_557] : memref<10240xf32, #tpu.memory_space<vmem_shared>> -> memref<10240xf32, #tpu.memory_space<vmem_shared>>
        tpu.wait_indirect_dma semaphore(%arg35 : memref<!tpu.dma_semaphore, #tpu.memory_space<semaphore_mem>>) src(%arg29 : memref<64xf32, #tpu.memory_space<vmem>>) dst(%dma_wait3A_558 : memref<10240xf32, #tpu.memory_space<vmem_shared>>)
      } else {
      }
      %mul3A_208 = arith.constant 2 : i32
      %mul3A_209 = arith.muli %mul3A_208, %while3A_197 : i32
      %add3A_210 = arith.constant 1 : i32
      %add3A_211 = arith.addi %mul3A_209, %add3A_210 : i32
      %mul3A_212 = arith.constant 4 : i32
      %mul3A_213 = arith.muli %add3A_211, %mul3A_212 : i32
      %add3A_214 = arith.addi %select_n3A, %mul3A_213 : i32
      %dma_start3A_215 = arith.constant 0 : i32
      %dma_start3A_216 = tpu.memref_slice %arg3[%add3A_214, %dma_start3A_215] : memref<5120x64xi32, #tpu.memory_space<hbm>> -> memref<4x64xi32, #tpu.memory_space<hbm>>
      %dma_start3A_217 = arith.constant 0 : i32
      %dma_start3A_218 = tpu.memref_slice %arg3[%add3A_214, %dma_start3A_217] : memref<5120x64xi32, #tpu.memory_space<hbm>> -> memref<4x64xi32, #tpu.memory_space<hbm>>
      tpu.enqueue_dma source(%dma_start3A_218 : memref<4x64xi32, #tpu.memory_space<hbm>>) target(%arg9 : memref<4x64xi32, #tpu.memory_space<vmem>>) target_semaphore(%arg26 : memref<!tpu.dma_semaphore, #tpu.memory_space<semaphore_mem>>)
      %dma_start3A_219 = arith.constant 0 : i32
      %dma_start3A_220 = tpu.memref_slice %arg4[%add3A_214, %dma_start3A_219] : memref<5120x64xi32, #tpu.memory_space<hbm>> -> memref<4x64xi32, #tpu.memory_space<hbm>>
      %dma_start3A_221 = arith.constant 0 : i32
      %dma_start3A_222 = tpu.memref_slice %arg4[%add3A_214, %dma_start3A_221] : memref<5120x64xi32, #tpu.memory_space<hbm>> -> memref<4x64xi32, #tpu.memory_space<hbm>>
      tpu.enqueue_dma source(%dma_start3A_222 : memref<4x64xi32, #tpu.memory_space<hbm>>) target(%arg11 : memref<4x64xi32, #tpu.memory_space<vmem>>) target_semaphore(%arg26 : memref<!tpu.dma_semaphore, #tpu.memory_space<semaphore_mem>>)
      %dma_start3A_223 = arith.constant 0 : i32
      %dma_start3A_224 = arith.constant 0 : i32
      %dma_start3A_225 = tpu.memref_slice %arg8[%dma_start3A_223, %dma_start3A_224] : memref<4x64xi32, #tpu.memory_space<vmem>> -> memref<1x64xi32, #tpu.memory_space<vmem>>
      %dma_start3A_226 = tpu.memref_squeeze %dma_start3A_225 : memref<1x64xi32, #tpu.memory_space<vmem>> -> memref<64xi32, #tpu.memory_space<vmem>>
      %dma_start3A_227 = arith.constant 0 : i32
      %dma_start3A_228 = arith.constant 0 : i32
      %dma_start3A_229 = tpu.memref_slice %arg2[%dma_start3A_227, %dma_start3A_228] : memref<10240x128xf32, #tpu.memory_space<hbm>> -> memref<10240x128xf32, #tpu.memory_space<hbm>>
      tpu.enqueue_indirect_dma source(%dma_start3A_229 : memref<10240x128xf32, #tpu.memory_space<hbm>>) target(%arg12 : memref<64x128xf32, #tpu.memory_space<vmem>>) offsets(%dma_start3A_226 : memref<64xi32, #tpu.memory_space<vmem>>) semaphore(%arg17 : memref<!tpu.dma_semaphore, #tpu.memory_space<semaphore_mem>>)
      %dma_start3A_230 = arith.constant 1 : i32
      %dma_start3A_231 = arith.constant 0 : i32
      %dma_start3A_232 = tpu.memref_slice %arg8[%dma_start3A_230, %dma_start3A_231] : memref<4x64xi32, #tpu.memory_space<vmem>> -> memref<1x64xi32, #tpu.memory_space<vmem>>
      %dma_start3A_233 = tpu.memref_squeeze %dma_start3A_232 : memref<1x64xi32, #tpu.memory_space<vmem>> -> memref<64xi32, #tpu.memory_space<vmem>>
      %dma_start3A_234 = arith.constant 0 : i32
      %dma_start3A_235 = arith.constant 0 : i32
      %dma_start3A_236 = tpu.memref_slice %arg2[%dma_start3A_234, %dma_start3A_235] : memref<10240x128xf32, #tpu.memory_space<hbm>> -> memref<10240x128xf32, #tpu.memory_space<hbm>>
      tpu.enqueue_indirect_dma source(%dma_start3A_236 : memref<10240x128xf32, #tpu.memory_space<hbm>>) target(%arg13 : memref<64x128xf32, #tpu.memory_space<vmem>>) offsets(%dma_start3A_233 : memref<64xi32, #tpu.memory_space<vmem>>) semaphore(%arg18 : memref<!tpu.dma_semaphore, #tpu.memory_space<semaphore_mem>>)
      %dma_start3A_237 = arith.constant 2 : i32
      %dma_start3A_238 = arith.constant 0 : i32
      %dma_start3A_239 = tpu.memref_slice %arg8[%dma_start3A_237, %dma_start3A_238] : memref<4x64xi32, #tpu.memory_space<vmem>> -> memref<1x64xi32, #tpu.memory_space<vmem>>
      %dma_start3A_240 = tpu.memref_squeeze %dma_start3A_239 : memref<1x64xi32, #tpu.memory_space<vmem>> -> memref<64xi32, #tpu.memory_space<vmem>>
      %dma_start3A_241 = arith.constant 0 : i32
      %dma_start3A_242 = arith.constant 0 : i32
      %dma_start3A_243 = tpu.memref_slice %arg2[%dma_start3A_241, %dma_start3A_242] : memref<10240x128xf32, #tpu.memory_space<hbm>> -> memref<10240x128xf32, #tpu.memory_space<hbm>>
      tpu.enqueue_indirect_dma source(%dma_start3A_243 : memref<10240x128xf32, #tpu.memory_space<hbm>>) target(%arg14 : memref<64x128xf32, #tpu.memory_space<vmem>>) offsets(%dma_start3A_240 : memref<64xi32, #tpu.memory_space<vmem>>) semaphore(%arg19 : memref<!tpu.dma_semaphore, #tpu.memory_space<semaphore_mem>>)
      %dma_start3A_244 = arith.constant 3 : i32
      %dma_start3A_245 = arith.constant 0 : i32
      %dma_start3A_246 = tpu.memref_slice %arg8[%dma_start3A_244, %dma_start3A_245] : memref<4x64xi32, #tpu.memory_space<vmem>> -> memref<1x64xi32, #tpu.memory_space<vmem>>
      %dma_start3A_247 = tpu.memref_squeeze %dma_start3A_246 : memref<1x64xi32, #tpu.memory_space<vmem>> -> memref<64xi32, #tpu.memory_space<vmem>>
      %dma_start3A_248 = arith.constant 0 : i32
      %dma_start3A_249 = arith.constant 0 : i32
      %dma_start3A_250 = tpu.memref_slice %arg2[%dma_start3A_248, %dma_start3A_249] : memref<10240x128xf32, #tpu.memory_space<hbm>> -> memref<10240x128xf32, #tpu.memory_space<hbm>>
      tpu.enqueue_indirect_dma source(%dma_start3A_250 : memref<10240x128xf32, #tpu.memory_space<hbm>>) target(%arg15 : memref<64x128xf32, #tpu.memory_space<vmem>>) offsets(%dma_start3A_247 : memref<64xi32, #tpu.memory_space<vmem>>) semaphore(%arg20 : memref<!tpu.dma_semaphore, #tpu.memory_space<semaphore_mem>>)
      %dma_wait3A_251 = arith.constant 0 : i32
      %dma_wait3A_252 = arith.constant 0 : i32
      %dma_wait3A_253 = tpu.memref_slice %arg8[%dma_wait3A_251, %dma_wait3A_252] : memref<4x64xi32, #tpu.memory_space<vmem>> -> memref<1x64xi32, #tpu.memory_space<vmem>>
      %dma_wait3A_254 = tpu.memref_squeeze %dma_wait3A_253 : memref<1x64xi32, #tpu.memory_space<vmem>> -> memref<64xi32, #tpu.memory_space<vmem>>
      %dma_wait3A_255 = arith.constant 0 : i32
      %dma_wait3A_256 = arith.constant 0 : i32
      %dma_wait3A_257 = tpu.memref_slice %arg2[%dma_wait3A_255, %dma_wait3A_256] : memref<10240x128xf32, #tpu.memory_space<hbm>> -> memref<10240x128xf32, #tpu.memory_space<hbm>>
      tpu.wait_indirect_dma semaphore(%arg17 : memref<!tpu.dma_semaphore, #tpu.memory_space<semaphore_mem>>) src(%dma_wait3A_257 : memref<10240x128xf32, #tpu.memory_space<hbm>>) dst(%arg12 : memref<64x128xf32, #tpu.memory_space<vmem>>)
      %dma_start3A_258 = arith.constant 0 : i32
      %dma_start3A_259 = arith.constant 0 : i32
      %dma_start3A_260 = tpu.memref_slice %arg10[%dma_start3A_258, %dma_start3A_259] : memref<4x64xi32, #tpu.memory_space<vmem>> -> memref<1x64xi32, #tpu.memory_space<vmem>>
      %dma_start3A_261 = tpu.memref_squeeze %dma_start3A_260 : memref<1x64xi32, #tpu.memory_space<vmem>> -> memref<64xi32, #tpu.memory_space<vmem>>
      %dma_start3A_262 = arith.constant 0 : i32
      %dma_start3A_263 = arith.constant 0 : i32
      %dma_start3A_264 = tpu.memref_slice %arg16[%dma_start3A_262, %dma_start3A_263] : memref<10240x128xf32, #tpu.memory_space<vmem_shared>> -> memref<10240x128xf32, #tpu.memory_space<vmem_shared>>
      tpu.enqueue_indirect_dma source(%arg12 : memref<64x128xf32, #tpu.memory_space<vmem>>) target(%dma_start3A_264 : memref<10240x128xf32, #tpu.memory_space<vmem_shared>>) offsets(%dma_start3A_261 : memref<64xi32, #tpu.memory_space<vmem>>) semaphore(%arg21 : memref<!tpu.dma_semaphore, #tpu.memory_space<semaphore_mem>>) {add = true}
      %dma_start3A_265 = arith.constant 0 : i32
      %dma_start3A_266 = arith.constant 0 : i32
      %dma_start3A_267 = tpu.memref_slice %arg10[%dma_start3A_265, %dma_start3A_266] : memref<4x64xi32, #tpu.memory_space<vmem>> -> memref<1x64xi32, #tpu.memory_space<vmem>>
      %dma_start3A_268 = tpu.memref_squeeze %dma_start3A_267 : memref<1x64xi32, #tpu.memory_space<vmem>> -> memref<64xi32, #tpu.memory_space<vmem>>
      %dma_start3A_269 = arith.constant 0 : i32
      %dma_start3A_270 = tpu.memref_slice %arg31[%dma_start3A_269] : memref<10240xf32, #tpu.memory_space<vmem_shared>> -> memref<10240xf32, #tpu.memory_space<vmem_shared>>
      tpu.enqueue_indirect_dma source(%arg29 : memref<64xf32, #tpu.memory_space<vmem>>) target(%dma_start3A_270 : memref<10240xf32, #tpu.memory_space<vmem_shared>>) offsets(%dma_start3A_268 : memref<64xi32, #tpu.memory_space<vmem>>) semaphore(%arg32 : memref<!tpu.dma_semaphore, #tpu.memory_space<semaphore_mem>>) {add = true}
      %dma_wait3A_271 = arith.constant 1 : i32
      %dma_wait3A_272 = arith.constant 0 : i32
      %dma_wait3A_273 = tpu.memref_slice %arg8[%dma_wait3A_271, %dma_wait3A_272] : memref<4x64xi32, #tpu.memory_space<vmem>> -> memref<1x64xi32, #tpu.memory_space<vmem>>
      %dma_wait3A_274 = tpu.memref_squeeze %dma_wait3A_273 : memref<1x64xi32, #tpu.memory_space<vmem>> -> memref<64xi32, #tpu.memory_space<vmem>>
      %dma_wait3A_275 = arith.constant 0 : i32
      %dma_wait3A_276 = arith.constant 0 : i32
      %dma_wait3A_277 = tpu.memref_slice %arg2[%dma_wait3A_275, %dma_wait3A_276] : memref<10240x128xf32, #tpu.memory_space<hbm>> -> memref<10240x128xf32, #tpu.memory_space<hbm>>
      tpu.wait_indirect_dma semaphore(%arg18 : memref<!tpu.dma_semaphore, #tpu.memory_space<semaphore_mem>>) src(%dma_wait3A_277 : memref<10240x128xf32, #tpu.memory_space<hbm>>) dst(%arg13 : memref<64x128xf32, #tpu.memory_space<vmem>>)
      %dma_start3A_278 = arith.constant 1 : i32
      %dma_start3A_279 = arith.constant 0 : i32
      %dma_start3A_280 = tpu.memref_slice %arg10[%dma_start3A_278, %dma_start3A_279] : memref<4x64xi32, #tpu.memory_space<vmem>> -> memref<1x64xi32, #tpu.memory_space<vmem>>
      %dma_start3A_281 = tpu.memref_squeeze %dma_start3A_280 : memref<1x64xi32, #tpu.memory_space<vmem>> -> memref<64xi32, #tpu.memory_space<vmem>>
      %dma_start3A_282 = arith.constant 0 : i32
      %dma_start3A_283 = arith.constant 0 : i32
      %dma_start3A_284 = tpu.memref_slice %arg16[%dma_start3A_282, %dma_start3A_283] : memref<10240x128xf32, #tpu.memory_space<vmem_shared>> -> memref<10240x128xf32, #tpu.memory_space<vmem_shared>>
      tpu.enqueue_indirect_dma source(%arg13 : memref<64x128xf32, #tpu.memory_space<vmem>>) target(%dma_start3A_284 : memref<10240x128xf32, #tpu.memory_space<vmem_shared>>) offsets(%dma_start3A_281 : memref<64xi32, #tpu.memory_space<vmem>>) semaphore(%arg22 : memref<!tpu.dma_semaphore, #tpu.memory_space<semaphore_mem>>) {add = true}
      %dma_start3A_285 = arith.constant 1 : i32
      %dma_start3A_286 = arith.constant 0 : i32
      %dma_start3A_287 = tpu.memref_slice %arg10[%dma_start3A_285, %dma_start3A_286] : memref<4x64xi32, #tpu.memory_space<vmem>> -> memref<1x64xi32, #tpu.memory_space<vmem>>
      %dma_start3A_288 = tpu.memref_squeeze %dma_start3A_287 : memref<1x64xi32, #tpu.memory_space<vmem>> -> memref<64xi32, #tpu.memory_space<vmem>>
      %dma_start3A_289 = arith.constant 0 : i32
      %dma_start3A_290 = tpu.memref_slice %arg31[%dma_start3A_289] : memref<10240xf32, #tpu.memory_space<vmem_shared>> -> memref<10240xf32, #tpu.memory_space<vmem_shared>>
      tpu.enqueue_indirect_dma source(%arg29 : memref<64xf32, #tpu.memory_space<vmem>>) target(%dma_start3A_290 : memref<10240xf32, #tpu.memory_space<vmem_shared>>) offsets(%dma_start3A_288 : memref<64xi32, #tpu.memory_space<vmem>>) semaphore(%arg33 : memref<!tpu.dma_semaphore, #tpu.memory_space<semaphore_mem>>) {add = true}
      %dma_wait3A_291 = arith.constant 2 : i32
      %dma_wait3A_292 = arith.constant 0 : i32
      %dma_wait3A_293 = tpu.memref_slice %arg8[%dma_wait3A_291, %dma_wait3A_292] : memref<4x64xi32, #tpu.memory_space<vmem>> -> memref<1x64xi32, #tpu.memory_space<vmem>>
      %dma_wait3A_294 = tpu.memref_squeeze %dma_wait3A_293 : memref<1x64xi32, #tpu.memory_space<vmem>> -> memref<64xi32, #tpu.memory_space<vmem>>
      %dma_wait3A_295 = arith.constant 0 : i32
      %dma_wait3A_296 = arith.constant 0 : i32
      %dma_wait3A_297 = tpu.memref_slice %arg2[%dma_wait3A_295, %dma_wait3A_296] : memref<10240x128xf32, #tpu.memory_space<hbm>> -> memref<10240x128xf32, #tpu.memory_space<hbm>>
      tpu.wait_indirect_dma semaphore(%arg19 : memref<!tpu.dma_semaphore, #tpu.memory_space<semaphore_mem>>) src(%dma_wait3A_297 : memref<10240x128xf32, #tpu.memory_space<hbm>>) dst(%arg14 : memref<64x128xf32, #tpu.memory_space<vmem>>)
      %dma_start3A_298 = arith.constant 2 : i32
      %dma_start3A_299 = arith.constant 0 : i32
      %dma_start3A_300 = tpu.memref_slice %arg10[%dma_start3A_298, %dma_start3A_299] : memref<4x64xi32, #tpu.memory_space<vmem>> -> memref<1x64xi32, #tpu.memory_space<vmem>>
      %dma_start3A_301 = tpu.memref_squeeze %dma_start3A_300 : memref<1x64xi32, #tpu.memory_space<vmem>> -> memref<64xi32, #tpu.memory_space<vmem>>
      %dma_start3A_302 = arith.constant 0 : i32
      %dma_start3A_303 = arith.constant 0 : i32
      %dma_start3A_304 = tpu.memref_slice %arg16[%dma_start3A_302, %dma_start3A_303] : memref<10240x128xf32, #tpu.memory_space<vmem_shared>> -> memref<10240x128xf32, #tpu.memory_space<vmem_shared>>
      tpu.enqueue_indirect_dma source(%arg14 : memref<64x128xf32, #tpu.memory_space<vmem>>) target(%dma_start3A_304 : memref<10240x128xf32, #tpu.memory_space<vmem_shared>>) offsets(%dma_start3A_301 : memref<64xi32, #tpu.memory_space<vmem>>) semaphore(%arg23 : memref<!tpu.dma_semaphore, #tpu.memory_space<semaphore_mem>>) {add = true}
      %dma_start3A_305 = arith.constant 2 : i32
      %dma_start3A_306 = arith.constant 0 : i32
      %dma_start3A_307 = tpu.memref_slice %arg10[%dma_start3A_305, %dma_start3A_306] : memref<4x64xi32, #tpu.memory_space<vmem>> -> memref<1x64xi32, #tpu.memory_space<vmem>>
      %dma_start3A_308 = tpu.memref_squeeze %dma_start3A_307 : memref<1x64xi32, #tpu.memory_space<vmem>> -> memref<64xi32, #tpu.memory_space<vmem>>
      %dma_start3A_309 = arith.constant 0 : i32
      %dma_start3A_310 = tpu.memref_slice %arg31[%dma_start3A_309] : memref<10240xf32, #tpu.memory_space<vmem_shared>> -> memref<10240xf32, #tpu.memory_space<vmem_shared>>
      tpu.enqueue_indirect_dma source(%arg29 : memref<64xf32, #tpu.memory_space<vmem>>) target(%dma_start3A_310 : memref<10240xf32, #tpu.memory_space<vmem_shared>>) offsets(%dma_start3A_308 : memref<64xi32, #tpu.memory_space<vmem>>) semaphore(%arg34 : memref<!tpu.dma_semaphore, #tpu.memory_space<semaphore_mem>>) {add = true}
      %dma_wait3A_311 = arith.constant 3 : i32
      %dma_wait3A_312 = arith.constant 0 : i32
      %dma_wait3A_313 = tpu.memref_slice %arg8[%dma_wait3A_311, %dma_wait3A_312] : memref<4x64xi32, #tpu.memory_space<vmem>> -> memref<1x64xi32, #tpu.memory_space<vmem>>
      %dma_wait3A_314 = tpu.memref_squeeze %dma_wait3A_313 : memref<1x64xi32, #tpu.memory_space<vmem>> -> memref<64xi32, #tpu.memory_space<vmem>>
      %dma_wait3A_315 = arith.constant 0 : i32
      %dma_wait3A_316 = arith.constant 0 : i32
      %dma_wait3A_317 = tpu.memref_slice %arg2[%dma_wait3A_315, %dma_wait3A_316] : memref<10240x128xf32, #tpu.memory_space<hbm>> -> memref<10240x128xf32, #tpu.memory_space<hbm>>
      tpu.wait_indirect_dma semaphore(%arg20 : memref<!tpu.dma_semaphore, #tpu.memory_space<semaphore_mem>>) src(%dma_wait3A_317 : memref<10240x128xf32, #tpu.memory_space<hbm>>) dst(%arg15 : memref<64x128xf32, #tpu.memory_space<vmem>>)
      %dma_start3A_318 = arith.constant 3 : i32
      %dma_start3A_319 = arith.constant 0 : i32
      %dma_start3A_320 = tpu.memref_slice %arg10[%dma_start3A_318, %dma_start3A_319] : memref<4x64xi32, #tpu.memory_space<vmem>> -> memref<1x64xi32, #tpu.memory_space<vmem>>
      %dma_start3A_321 = tpu.memref_squeeze %dma_start3A_320 : memref<1x64xi32, #tpu.memory_space<vmem>> -> memref<64xi32, #tpu.memory_space<vmem>>
      %dma_start3A_322 = arith.constant 0 : i32
      %dma_start3A_323 = arith.constant 0 : i32
      %dma_start3A_324 = tpu.memref_slice %arg16[%dma_start3A_322, %dma_start3A_323] : memref<10240x128xf32, #tpu.memory_space<vmem_shared>> -> memref<10240x128xf32, #tpu.memory_space<vmem_shared>>
      tpu.enqueue_indirect_dma source(%arg15 : memref<64x128xf32, #tpu.memory_space<vmem>>) target(%dma_start3A_324 : memref<10240x128xf32, #tpu.memory_space<vmem_shared>>) offsets(%dma_start3A_321 : memref<64xi32, #tpu.memory_space<vmem>>) semaphore(%arg24 : memref<!tpu.dma_semaphore, #tpu.memory_space<semaphore_mem>>) {add = true}
      %dma_start3A_325 = arith.constant 3 : i32
      %dma_start3A_326 = arith.constant 0 : i32
      %dma_start3A_327 = tpu.memref_slice %arg10[%dma_start3A_325, %dma_start3A_326] : memref<4x64xi32, #tpu.memory_space<vmem>> -> memref<1x64xi32, #tpu.memory_space<vmem>>
      %dma_start3A_328 = tpu.memref_squeeze %dma_start3A_327 : memref<1x64xi32, #tpu.memory_space<vmem>> -> memref<64xi32, #tpu.memory_space<vmem>>
      %dma_start3A_329 = arith.constant 0 : i32
      %dma_start3A_330 = tpu.memref_slice %arg31[%dma_start3A_329] : memref<10240xf32, #tpu.memory_space<vmem_shared>> -> memref<10240xf32, #tpu.memory_space<vmem_shared>>
      tpu.enqueue_indirect_dma source(%arg29 : memref<64xf32, #tpu.memory_space<vmem>>) target(%dma_start3A_330 : memref<10240xf32, #tpu.memory_space<vmem_shared>>) offsets(%dma_start3A_328 : memref<64xi32, #tpu.memory_space<vmem>>) semaphore(%arg35 : memref<!tpu.dma_semaphore, #tpu.memory_space<semaphore_mem>>) {add = true}
      %dma_wait3A_331 = arith.constant 0 : i32
      %dma_wait3A_332 = tpu.memref_slice %arg3[%select_n3A, %dma_wait3A_331] : memref<5120x64xi32, #tpu.memory_space<hbm>> -> memref<4x64xi32, #tpu.memory_space<hbm>>
      %dma_wait3A_333 = arith.constant 0 : i32
      %dma_wait3A_334 = tpu.memref_slice %arg3[%select_n3A, %dma_wait3A_333] : memref<5120x64xi32, #tpu.memory_space<hbm>> -> memref<4x64xi32, #tpu.memory_space<hbm>>
      tpu.wait_dma2 semaphore(%arg26 : memref<!tpu.dma_semaphore, #tpu.memory_space<semaphore_mem>>) src(%dma_wait3A_334 : memref<4x64xi32, #tpu.memory_space<hbm>>) dst(%arg9 : memref<4x64xi32, #tpu.memory_space<vmem>>)
      %dma_wait3A_335 = arith.constant 0 : i32
      %dma_wait3A_336 = tpu.memref_slice %arg4[%select_n3A, %dma_wait3A_335] : memref<5120x64xi32, #tpu.memory_space<hbm>> -> memref<4x64xi32, #tpu.memory_space<hbm>>
      %dma_wait3A_337 = arith.constant 0 : i32
      %dma_wait3A_338 = tpu.memref_slice %arg4[%select_n3A, %dma_wait3A_337] : memref<5120x64xi32, #tpu.memory_space<hbm>> -> memref<4x64xi32, #tpu.memory_space<hbm>>
      tpu.wait_dma2 semaphore(%arg26 : memref<!tpu.dma_semaphore, #tpu.memory_space<semaphore_mem>>) src(%dma_wait3A_338 : memref<4x64xi32, #tpu.memory_space<hbm>>) dst(%arg11 : memref<4x64xi32, #tpu.memory_space<vmem>>)
      %dma_wait3A_339 = arith.constant 0 : i32
      %dma_wait3A_340 = arith.constant 0 : i32
      %dma_wait3A_341 = tpu.memref_slice %arg11[%dma_wait3A_339, %dma_wait3A_340] : memref<4x64xi32, #tpu.memory_space<vmem>> -> memref<1x64xi32, #tpu.memory_space<vmem>>
      %dma_wait3A_342 = tpu.memref_squeeze %dma_wait3A_341 : memref<1x64xi32, #tpu.memory_space<vmem>> -> memref<64xi32, #tpu.memory_space<vmem>>
      %dma_wait3A_343 = arith.constant 0 : i32
      %dma_wait3A_344 = arith.constant 0 : i32
      %dma_wait3A_345 = tpu.memref_slice %arg16[%dma_wait3A_343, %dma_wait3A_344] : memref<10240x128xf32, #tpu.memory_space<vmem_shared>> -> memref<10240x128xf32, #tpu.memory_space<vmem_shared>>
      tpu.wait_indirect_dma semaphore(%arg21 : memref<!tpu.dma_semaphore, #tpu.memory_space<semaphore_mem>>) src(%arg12 : memref<64x128xf32, #tpu.memory_space<vmem>>) dst(%dma_wait3A_345 : memref<10240x128xf32, #tpu.memory_space<vmem_shared>>)
      %dma_wait3A_346 = arith.constant 0 : i32
      %dma_wait3A_347 = arith.constant 0 : i32
      %dma_wait3A_348 = tpu.memref_slice %arg11[%dma_wait3A_346, %dma_wait3A_347] : memref<4x64xi32, #tpu.memory_space<vmem>> -> memref<1x64xi32, #tpu.memory_space<vmem>>
      %dma_wait3A_349 = tpu.memref_squeeze %dma_wait3A_348 : memref<1x64xi32, #tpu.memory_space<vmem>> -> memref<64xi32, #tpu.memory_space<vmem>>
      %dma_wait3A_350 = arith.constant 0 : i32
      %dma_wait3A_351 = tpu.memref_slice %arg31[%dma_wait3A_350] : memref<10240xf32, #tpu.memory_space<vmem_shared>> -> memref<10240xf32, #tpu.memory_space<vmem_shared>>
      tpu.wait_indirect_dma semaphore(%arg32 : memref<!tpu.dma_semaphore, #tpu.memory_space<semaphore_mem>>) src(%arg29 : memref<64xf32, #tpu.memory_space<vmem>>) dst(%dma_wait3A_351 : memref<10240xf32, #tpu.memory_space<vmem_shared>>)
      %dma_wait3A_352 = arith.constant 1 : i32
      %dma_wait3A_353 = arith.constant 0 : i32
      %dma_wait3A_354 = tpu.memref_slice %arg11[%dma_wait3A_352, %dma_wait3A_353] : memref<4x64xi32, #tpu.memory_space<vmem>> -> memref<1x64xi32, #tpu.memory_space<vmem>>
      %dma_wait3A_355 = tpu.memref_squeeze %dma_wait3A_354 : memref<1x64xi32, #tpu.memory_space<vmem>> -> memref<64xi32, #tpu.memory_space<vmem>>
      %dma_wait3A_356 = arith.constant 0 : i32
      %dma_wait3A_357 = arith.constant 0 : i32
      %dma_wait3A_358 = tpu.memref_slice %arg16[%dma_wait3A_356, %dma_wait3A_357] : memref<10240x128xf32, #tpu.memory_space<vmem_shared>> -> memref<10240x128xf32, #tpu.memory_space<vmem_shared>>
      tpu.wait_indirect_dma semaphore(%arg22 : memref<!tpu.dma_semaphore, #tpu.memory_space<semaphore_mem>>) src(%arg13 : memref<64x128xf32, #tpu.memory_space<vmem>>) dst(%dma_wait3A_358 : memref<10240x128xf32, #tpu.memory_space<vmem_shared>>)
      %dma_wait3A_359 = arith.constant 1 : i32
      %dma_wait3A_360 = arith.constant 0 : i32
      %dma_wait3A_361 = tpu.memref_slice %arg11[%dma_wait3A_359, %dma_wait3A_360] : memref<4x64xi32, #tpu.memory_space<vmem>> -> memref<1x64xi32, #tpu.memory_space<vmem>>
      %dma_wait3A_362 = tpu.memref_squeeze %dma_wait3A_361 : memref<1x64xi32, #tpu.memory_space<vmem>> -> memref<64xi32, #tpu.memory_space<vmem>>
      %dma_wait3A_363 = arith.constant 0 : i32
      %dma_wait3A_364 = tpu.memref_slice %arg31[%dma_wait3A_363] : memref<10240xf32, #tpu.memory_space<vmem_shared>> -> memref<10240xf32, #tpu.memory_space<vmem_shared>>
      tpu.wait_indirect_dma semaphore(%arg33 : memref<!tpu.dma_semaphore, #tpu.memory_space<semaphore_mem>>) src(%arg29 : memref<64xf32, #tpu.memory_space<vmem>>) dst(%dma_wait3A_364 : memref<10240xf32, #tpu.memory_space<vmem_shared>>)
      %dma_wait3A_365 = arith.constant 2 : i32
      %dma_wait3A_366 = arith.constant 0 : i32
      %dma_wait3A_367 = tpu.memref_slice %arg11[%dma_wait3A_365, %dma_wait3A_366] : memref<4x64xi32, #tpu.memory_space<vmem>> -> memref<1x64xi32, #tpu.memory_space<vmem>>
      %dma_wait3A_368 = tpu.memref_squeeze %dma_wait3A_367 : memref<1x64xi32, #tpu.memory_space<vmem>> -> memref<64xi32, #tpu.memory_space<vmem>>
      %dma_wait3A_369 = arith.constant 0 : i32
      %dma_wait3A_370 = arith.constant 0 : i32
      %dma_wait3A_371 = tpu.memref_slice %arg16[%dma_wait3A_369, %dma_wait3A_370] : memref<10240x128xf32, #tpu.memory_space<vmem_shared>> -> memref<10240x128xf32, #tpu.memory_space<vmem_shared>>
      tpu.wait_indirect_dma semaphore(%arg23 : memref<!tpu.dma_semaphore, #tpu.memory_space<semaphore_mem>>) src(%arg14 : memref<64x128xf32, #tpu.memory_space<vmem>>) dst(%dma_wait3A_371 : memref<10240x128xf32, #tpu.memory_space<vmem_shared>>)
      %dma_wait3A_372 = arith.constant 2 : i32
      %dma_wait3A_373 = arith.constant 0 : i32
      %dma_wait3A_374 = tpu.memref_slice %arg11[%dma_wait3A_372, %dma_wait3A_373] : memref<4x64xi32, #tpu.memory_space<vmem>> -> memref<1x64xi32, #tpu.memory_space<vmem>>
      %dma_wait3A_375 = tpu.memref_squeeze %dma_wait3A_374 : memref<1x64xi32, #tpu.memory_space<vmem>> -> memref<64xi32, #tpu.memory_space<vmem>>
      %dma_wait3A_376 = arith.constant 0 : i32
      %dma_wait3A_377 = tpu.memref_slice %arg31[%dma_wait3A_376] : memref<10240xf32, #tpu.memory_space<vmem_shared>> -> memref<10240xf32, #tpu.memory_space<vmem_shared>>
      tpu.wait_indirect_dma semaphore(%arg34 : memref<!tpu.dma_semaphore, #tpu.memory_space<semaphore_mem>>) src(%arg29 : memref<64xf32, #tpu.memory_space<vmem>>) dst(%dma_wait3A_377 : memref<10240xf32, #tpu.memory_space<vmem_shared>>)
      %dma_wait3A_378 = arith.constant 3 : i32
      %dma_wait3A_379 = arith.constant 0 : i32
      %dma_wait3A_380 = tpu.memref_slice %arg11[%dma_wait3A_378, %dma_wait3A_379] : memref<4x64xi32, #tpu.memory_space<vmem>> -> memref<1x64xi32, #tpu.memory_space<vmem>>
      %dma_wait3A_381 = tpu.memref_squeeze %dma_wait3A_380 : memref<1x64xi32, #tpu.memory_space<vmem>> -> memref<64xi32, #tpu.memory_space<vmem>>
      %dma_wait3A_382 = arith.constant 0 : i32
      %dma_wait3A_383 = arith.constant 0 : i32
      %dma_wait3A_384 = tpu.memref_slice %arg16[%dma_wait3A_382, %dma_wait3A_383] : memref<10240x128xf32, #tpu.memory_space<vmem_shared>> -> memref<10240x128xf32, #tpu.memory_space<vmem_shared>>
      tpu.wait_indirect_dma semaphore(%arg24 : memref<!tpu.dma_semaphore, #tpu.memory_space<semaphore_mem>>) src(%arg15 : memref<64x128xf32, #tpu.memory_space<vmem>>) dst(%dma_wait3A_384 : memref<10240x128xf32, #tpu.memory_space<vmem_shared>>)
      %dma_wait3A_385 = arith.constant 3 : i32
      %dma_wait3A_386 = arith.constant 0 : i32
      %dma_wait3A_387 = tpu.memref_slice %arg11[%dma_wait3A_385, %dma_wait3A_386] : memref<4x64xi32, #tpu.memory_space<vmem>> -> memref<1x64xi32, #tpu.memory_space<vmem>>
      %dma_wait3A_388 = tpu.memref_squeeze %dma_wait3A_387 : memref<1x64xi32, #tpu.memory_space<vmem>> -> memref<64xi32, #tpu.memory_space<vmem>>
      %dma_wait3A_389 = arith.constant 0 : i32
      %dma_wait3A_390 = tpu.memref_slice %arg31[%dma_wait3A_389] : memref<10240xf32, #tpu.memory_space<vmem_shared>> -> memref<10240xf32, #tpu.memory_space<vmem_shared>>
      tpu.wait_indirect_dma semaphore(%arg35 : memref<!tpu.dma_semaphore, #tpu.memory_space<semaphore_mem>>) src(%arg29 : memref<64xf32, #tpu.memory_space<vmem>>) dst(%dma_wait3A_390 : memref<10240xf32, #tpu.memory_space<vmem_shared>>)
      %mul3A_391 = arith.constant 2 : i32
      %mul3A_392 = arith.muli %mul3A_391, %while3A_197 : i32
      %add3A_393 = arith.constant 2 : i32
      %add3A_394 = arith.addi %mul3A_392, %add3A_393 : i32
      %sub3A = arith.constant 1 : i32
      %sub3A_395 = arith.subi %select_n3A_8, %sub3A : i32
      %lt3A = arith.cmpi slt, %while3A_197, %sub3A_395 : i32
      %convert_element_type3A_396 = arith.extui %lt3A : i1 to i32
      %cond3A_397 = arith.constant 0 : i32
      %cond3A_398 = arith.cmpi ne, %convert_element_type3A_396, %cond3A_397 : i32
      scf.if %cond3A_398 {
        %mul3A_507 = arith.constant 4 : i32
        %mul3A_508 = arith.muli %add3A_394, %mul3A_507 : i32
        %add3A_509 = arith.addi %select_n3A, %mul3A_508 : i32
        %dma_start3A_510 = arith.constant 0 : i32
        %dma_start3A_511 = tpu.memref_slice %arg3[%add3A_509, %dma_start3A_510] : memref<5120x64xi32, #tpu.memory_space<hbm>> -> memref<4x64xi32, #tpu.memory_space<hbm>>
        %dma_start3A_512 = arith.constant 0 : i32
        %dma_start3A_513 = tpu.memref_slice %arg3[%add3A_509, %dma_start3A_512] : memref<5120x64xi32, #tpu.memory_space<hbm>> -> memref<4x64xi32, #tpu.memory_space<hbm>>
        tpu.enqueue_dma source(%dma_start3A_513 : memref<4x64xi32, #tpu.memory_space<hbm>>) target(%arg8 : memref<4x64xi32, #tpu.memory_space<vmem>>) target_semaphore(%arg25 : memref<!tpu.dma_semaphore, #tpu.memory_space<semaphore_mem>>)
        %dma_start3A_514 = arith.constant 0 : i32
        %dma_start3A_515 = tpu.memref_slice %arg4[%add3A_509, %dma_start3A_514] : memref<5120x64xi32, #tpu.memory_space<hbm>> -> memref<4x64xi32, #tpu.memory_space<hbm>>
        %dma_start3A_516 = arith.constant 0 : i32
        %dma_start3A_517 = tpu.memref_slice %arg4[%add3A_509, %dma_start3A_516] : memref<5120x64xi32, #tpu.memory_space<hbm>> -> memref<4x64xi32, #tpu.memory_space<hbm>>
        tpu.enqueue_dma source(%dma_start3A_517 : memref<4x64xi32, #tpu.memory_space<hbm>>) target(%arg10 : memref<4x64xi32, #tpu.memory_space<vmem>>) target_semaphore(%arg25 : memref<!tpu.dma_semaphore, #tpu.memory_space<semaphore_mem>>)
      } else {
      }
      %dma_start3A_399 = arith.constant 0 : i32
      %dma_start3A_400 = arith.constant 0 : i32
      %dma_start3A_401 = tpu.memref_slice %arg9[%dma_start3A_399, %dma_start3A_400] : memref<4x64xi32, #tpu.memory_space<vmem>> -> memref<1x64xi32, #tpu.memory_space<vmem>>
      %dma_start3A_402 = tpu.memref_squeeze %dma_start3A_401 : memref<1x64xi32, #tpu.memory_space<vmem>> -> memref<64xi32, #tpu.memory_space<vmem>>
      %dma_start3A_403 = arith.constant 0 : i32
      %dma_start3A_404 = arith.constant 0 : i32
      %dma_start3A_405 = tpu.memref_slice %arg2[%dma_start3A_403, %dma_start3A_404] : memref<10240x128xf32, #tpu.memory_space<hbm>> -> memref<10240x128xf32, #tpu.memory_space<hbm>>
      tpu.enqueue_indirect_dma source(%dma_start3A_405 : memref<10240x128xf32, #tpu.memory_space<hbm>>) target(%arg12 : memref<64x128xf32, #tpu.memory_space<vmem>>) offsets(%dma_start3A_402 : memref<64xi32, #tpu.memory_space<vmem>>) semaphore(%arg17 : memref<!tpu.dma_semaphore, #tpu.memory_space<semaphore_mem>>)
      %dma_start3A_406 = arith.constant 1 : i32
      %dma_start3A_407 = arith.constant 0 : i32
      %dma_start3A_408 = tpu.memref_slice %arg9[%dma_start3A_406, %dma_start3A_407] : memref<4x64xi32, #tpu.memory_space<vmem>> -> memref<1x64xi32, #tpu.memory_space<vmem>>
      %dma_start3A_409 = tpu.memref_squeeze %dma_start3A_408 : memref<1x64xi32, #tpu.memory_space<vmem>> -> memref<64xi32, #tpu.memory_space<vmem>>
      %dma_start3A_410 = arith.constant 0 : i32
      %dma_start3A_411 = arith.constant 0 : i32
      %dma_start3A_412 = tpu.memref_slice %arg2[%dma_start3A_410, %dma_start3A_411] : memref<10240x128xf32, #tpu.memory_space<hbm>> -> memref<10240x128xf32, #tpu.memory_space<hbm>>
      tpu.enqueue_indirect_dma source(%dma_start3A_412 : memref<10240x128xf32, #tpu.memory_space<hbm>>) target(%arg13 : memref<64x128xf32, #tpu.memory_space<vmem>>) offsets(%dma_start3A_409 : memref<64xi32, #tpu.memory_space<vmem>>) semaphore(%arg18 : memref<!tpu.dma_semaphore, #tpu.memory_space<semaphore_mem>>)
      %dma_start3A_413 = arith.constant 2 : i32
      %dma_start3A_414 = arith.constant 0 : i32
      %dma_start3A_415 = tpu.memref_slice %arg9[%dma_start3A_413, %dma_start3A_414] : memref<4x64xi32, #tpu.memory_space<vmem>> -> memref<1x64xi32, #tpu.memory_space<vmem>>
      %dma_start3A_416 = tpu.memref_squeeze %dma_start3A_415 : memref<1x64xi32, #tpu.memory_space<vmem>> -> memref<64xi32, #tpu.memory_space<vmem>>
      %dma_start3A_417 = arith.constant 0 : i32
      %dma_start3A_418 = arith.constant 0 : i32
      %dma_start3A_419 = tpu.memref_slice %arg2[%dma_start3A_417, %dma_start3A_418] : memref<10240x128xf32, #tpu.memory_space<hbm>> -> memref<10240x128xf32, #tpu.memory_space<hbm>>
      tpu.enqueue_indirect_dma source(%dma_start3A_419 : memref<10240x128xf32, #tpu.memory_space<hbm>>) target(%arg14 : memref<64x128xf32, #tpu.memory_space<vmem>>) offsets(%dma_start3A_416 : memref<64xi32, #tpu.memory_space<vmem>>) semaphore(%arg19 : memref<!tpu.dma_semaphore, #tpu.memory_space<semaphore_mem>>)
      %dma_start3A_420 = arith.constant 3 : i32
      %dma_start3A_421 = arith.constant 0 : i32
      %dma_start3A_422 = tpu.memref_slice %arg9[%dma_start3A_420, %dma_start3A_421] : memref<4x64xi32, #tpu.memory_space<vmem>> -> memref<1x64xi32, #tpu.memory_space<vmem>>
      %dma_start3A_423 = tpu.memref_squeeze %dma_start3A_422 : memref<1x64xi32, #tpu.memory_space<vmem>> -> memref<64xi32, #tpu.memory_space<vmem>>
      %dma_start3A_424 = arith.constant 0 : i32
      %dma_start3A_425 = arith.constant 0 : i32
      %dma_start3A_426 = tpu.memref_slice %arg2[%dma_start3A_424, %dma_start3A_425] : memref<10240x128xf32, #tpu.memory_space<hbm>> -> memref<10240x128xf32, #tpu.memory_space<hbm>>
      tpu.enqueue_indirect_dma source(%dma_start3A_426 : memref<10240x128xf32, #tpu.memory_space<hbm>>) target(%arg15 : memref<64x128xf32, #tpu.memory_space<vmem>>) offsets(%dma_start3A_423 : memref<64xi32, #tpu.memory_space<vmem>>) semaphore(%arg20 : memref<!tpu.dma_semaphore, #tpu.memory_space<semaphore_mem>>)
      %dma_wait3A_427 = arith.constant 0 : i32
      %dma_wait3A_428 = arith.constant 0 : i32
      %dma_wait3A_429 = tpu.memref_slice %arg9[%dma_wait3A_427, %dma_wait3A_428] : memref<4x64xi32, #tpu.memory_space<vmem>> -> memref<1x64xi32, #tpu.memory_space<vmem>>
      %dma_wait3A_430 = tpu.memref_squeeze %dma_wait3A_429 : memref<1x64xi32, #tpu.memory_space<vmem>> -> memref<64xi32, #tpu.memory_space<vmem>>
      %dma_wait3A_431 = arith.constant 0 : i32
      %dma_wait3A_432 = arith.constant 0 : i32
      %dma_wait3A_433 = tpu.memref_slice %arg2[%dma_wait3A_431, %dma_wait3A_432] : memref<10240x128xf32, #tpu.memory_space<hbm>> -> memref<10240x128xf32, #tpu.memory_space<hbm>>
      tpu.wait_indirect_dma semaphore(%arg17 : memref<!tpu.dma_semaphore, #tpu.memory_space<semaphore_mem>>) src(%dma_wait3A_433 : memref<10240x128xf32, #tpu.memory_space<hbm>>) dst(%arg12 : memref<64x128xf32, #tpu.memory_space<vmem>>)
      %dma_start3A_434 = arith.constant 0 : i32
      %dma_start3A_435 = arith.constant 0 : i32
      %dma_start3A_436 = tpu.memref_slice %arg11[%dma_start3A_434, %dma_start3A_435] : memref<4x64xi32, #tpu.memory_space<vmem>> -> memref<1x64xi32, #tpu.memory_space<vmem>>
      %dma_start3A_437 = tpu.memref_squeeze %dma_start3A_436 : memref<1x64xi32, #tpu.memory_space<vmem>> -> memref<64xi32, #tpu.memory_space<vmem>>
      %dma_start3A_438 = arith.constant 0 : i32
      %dma_start3A_439 = arith.constant 0 : i32
      %dma_start3A_440 = tpu.memref_slice %arg16[%dma_start3A_438, %dma_start3A_439] : memref<10240x128xf32, #tpu.memory_space<vmem_shared>> -> memref<10240x128xf32, #tpu.memory_space<vmem_shared>>
      tpu.enqueue_indirect_dma source(%arg12 : memref<64x128xf32, #tpu.memory_space<vmem>>) target(%dma_start3A_440 : memref<10240x128xf32, #tpu.memory_space<vmem_shared>>) offsets(%dma_start3A_437 : memref<64xi32, #tpu.memory_space<vmem>>) semaphore(%arg21 : memref<!tpu.dma_semaphore, #tpu.memory_space<semaphore_mem>>) {add = true}
      %dma_start3A_441 = arith.constant 0 : i32
      %dma_start3A_442 = arith.constant 0 : i32
      %dma_start3A_443 = tpu.memref_slice %arg11[%dma_start3A_441, %dma_start3A_442] : memref<4x64xi32, #tpu.memory_space<vmem>> -> memref<1x64xi32, #tpu.memory_space<vmem>>
      %dma_start3A_444 = tpu.memref_squeeze %dma_start3A_443 : memref<1x64xi32, #tpu.memory_space<vmem>> -> memref<64xi32, #tpu.memory_space<vmem>>
      %dma_start3A_445 = arith.constant 0 : i32
      %dma_start3A_446 = tpu.memref_slice %arg31[%dma_start3A_445] : memref<10240xf32, #tpu.memory_space<vmem_shared>> -> memref<10240xf32, #tpu.memory_space<vmem_shared>>
      tpu.enqueue_indirect_dma source(%arg29 : memref<64xf32, #tpu.memory_space<vmem>>) target(%dma_start3A_446 : memref<10240xf32, #tpu.memory_space<vmem_shared>>) offsets(%dma_start3A_444 : memref<64xi32, #tpu.memory_space<vmem>>) semaphore(%arg32 : memref<!tpu.dma_semaphore, #tpu.memory_space<semaphore_mem>>) {add = true}
      %dma_wait3A_447 = arith.constant 1 : i32
      %dma_wait3A_448 = arith.constant 0 : i32
      %dma_wait3A_449 = tpu.memref_slice %arg9[%dma_wait3A_447, %dma_wait3A_448] : memref<4x64xi32, #tpu.memory_space<vmem>> -> memref<1x64xi32, #tpu.memory_space<vmem>>
      %dma_wait3A_450 = tpu.memref_squeeze %dma_wait3A_449 : memref<1x64xi32, #tpu.memory_space<vmem>> -> memref<64xi32, #tpu.memory_space<vmem>>
      %dma_wait3A_451 = arith.constant 0 : i32
      %dma_wait3A_452 = arith.constant 0 : i32
      %dma_wait3A_453 = tpu.memref_slice %arg2[%dma_wait3A_451, %dma_wait3A_452] : memref<10240x128xf32, #tpu.memory_space<hbm>> -> memref<10240x128xf32, #tpu.memory_space<hbm>>
      tpu.wait_indirect_dma semaphore(%arg18 : memref<!tpu.dma_semaphore, #tpu.memory_space<semaphore_mem>>) src(%dma_wait3A_453 : memref<10240x128xf32, #tpu.memory_space<hbm>>) dst(%arg13 : memref<64x128xf32, #tpu.memory_space<vmem>>)
      %dma_start3A_454 = arith.constant 1 : i32
      %dma_start3A_455 = arith.constant 0 : i32
      %dma_start3A_456 = tpu.memref_slice %arg11[%dma_start3A_454, %dma_start3A_455] : memref<4x64xi32, #tpu.memory_space<vmem>> -> memref<1x64xi32, #tpu.memory_space<vmem>>
      %dma_start3A_457 = tpu.memref_squeeze %dma_start3A_456 : memref<1x64xi32, #tpu.memory_space<vmem>> -> memref<64xi32, #tpu.memory_space<vmem>>
      %dma_start3A_458 = arith.constant 0 : i32
      %dma_start3A_459 = arith.constant 0 : i32
      %dma_start3A_460 = tpu.memref_slice %arg16[%dma_start3A_458, %dma_start3A_459] : memref<10240x128xf32, #tpu.memory_space<vmem_shared>> -> memref<10240x128xf32, #tpu.memory_space<vmem_shared>>
      tpu.enqueue_indirect_dma source(%arg13 : memref<64x128xf32, #tpu.memory_space<vmem>>) target(%dma_start3A_460 : memref<10240x128xf32, #tpu.memory_space<vmem_shared>>) offsets(%dma_start3A_457 : memref<64xi32, #tpu.memory_space<vmem>>) semaphore(%arg22 : memref<!tpu.dma_semaphore, #tpu.memory_space<semaphore_mem>>) {add = true}
      %dma_start3A_461 = arith.constant 1 : i32
      %dma_start3A_462 = arith.constant 0 : i32
      %dma_start3A_463 = tpu.memref_slice %arg11[%dma_start3A_461, %dma_start3A_462] : memref<4x64xi32, #tpu.memory_space<vmem>> -> memref<1x64xi32, #tpu.memory_space<vmem>>
      %dma_start3A_464 = tpu.memref_squeeze %dma_start3A_463 : memref<1x64xi32, #tpu.memory_space<vmem>> -> memref<64xi32, #tpu.memory_space<vmem>>
      %dma_start3A_465 = arith.constant 0 : i32
      %dma_start3A_466 = tpu.memref_slice %arg31[%dma_start3A_465] : memref<10240xf32, #tpu.memory_space<vmem_shared>> -> memref<10240xf32, #tpu.memory_space<vmem_shared>>
      tpu.enqueue_indirect_dma source(%arg29 : memref<64xf32, #tpu.memory_space<vmem>>) target(%dma_start3A_466 : memref<10240xf32, #tpu.memory_space<vmem_shared>>) offsets(%dma_start3A_464 : memref<64xi32, #tpu.memory_space<vmem>>) semaphore(%arg33 : memref<!tpu.dma_semaphore, #tpu.memory_space<semaphore_mem>>) {add = true}
      %dma_wait3A_467 = arith.constant 2 : i32
      %dma_wait3A_468 = arith.constant 0 : i32
      %dma_wait3A_469 = tpu.memref_slice %arg9[%dma_wait3A_467, %dma_wait3A_468] : memref<4x64xi32, #tpu.memory_space<vmem>> -> memref<1x64xi32, #tpu.memory_space<vmem>>
      %dma_wait3A_470 = tpu.memref_squeeze %dma_wait3A_469 : memref<1x64xi32, #tpu.memory_space<vmem>> -> memref<64xi32, #tpu.memory_space<vmem>>
      %dma_wait3A_471 = arith.constant 0 : i32
      %dma_wait3A_472 = arith.constant 0 : i32
      %dma_wait3A_473 = tpu.memref_slice %arg2[%dma_wait3A_471, %dma_wait3A_472] : memref<10240x128xf32, #tpu.memory_space<hbm>> -> memref<10240x128xf32, #tpu.memory_space<hbm>>
      tpu.wait_indirect_dma semaphore(%arg19 : memref<!tpu.dma_semaphore, #tpu.memory_space<semaphore_mem>>) src(%dma_wait3A_473 : memref<10240x128xf32, #tpu.memory_space<hbm>>) dst(%arg14 : memref<64x128xf32, #tpu.memory_space<vmem>>)
      %dma_start3A_474 = arith.constant 2 : i32
      %dma_start3A_475 = arith.constant 0 : i32
      %dma_start3A_476 = tpu.memref_slice %arg11[%dma_start3A_474, %dma_start3A_475] : memref<4x64xi32, #tpu.memory_space<vmem>> -> memref<1x64xi32, #tpu.memory_space<vmem>>
      %dma_start3A_477 = tpu.memref_squeeze %dma_start3A_476 : memref<1x64xi32, #tpu.memory_space<vmem>> -> memref<64xi32, #tpu.memory_space<vmem>>
      %dma_start3A_478 = arith.constant 0 : i32
      %dma_start3A_479 = arith.constant 0 : i32
      %dma_start3A_480 = tpu.memref_slice %arg16[%dma_start3A_478, %dma_start3A_479] : memref<10240x128xf32, #tpu.memory_space<vmem_shared>> -> memref<10240x128xf32, #tpu.memory_space<vmem_shared>>
      tpu.enqueue_indirect_dma source(%arg14 : memref<64x128xf32, #tpu.memory_space<vmem>>) target(%dma_start3A_480 : memref<10240x128xf32, #tpu.memory_space<vmem_shared>>) offsets(%dma_start3A_477 : memref<64xi32, #tpu.memory_space<vmem>>) semaphore(%arg23 : memref<!tpu.dma_semaphore, #tpu.memory_space<semaphore_mem>>) {add = true}
      %dma_start3A_481 = arith.constant 2 : i32
      %dma_start3A_482 = arith.constant 0 : i32
      %dma_start3A_483 = tpu.memref_slice %arg11[%dma_start3A_481, %dma_start3A_482] : memref<4x64xi32, #tpu.memory_space<vmem>> -> memref<1x64xi32, #tpu.memory_space<vmem>>
      %dma_start3A_484 = tpu.memref_squeeze %dma_start3A_483 : memref<1x64xi32, #tpu.memory_space<vmem>> -> memref<64xi32, #tpu.memory_space<vmem>>
      %dma_start3A_485 = arith.constant 0 : i32
      %dma_start3A_486 = tpu.memref_slice %arg31[%dma_start3A_485] : memref<10240xf32, #tpu.memory_space<vmem_shared>> -> memref<10240xf32, #tpu.memory_space<vmem_shared>>
      tpu.enqueue_indirect_dma source(%arg29 : memref<64xf32, #tpu.memory_space<vmem>>) target(%dma_start3A_486 : memref<10240xf32, #tpu.memory_space<vmem_shared>>) offsets(%dma_start3A_484 : memref<64xi32, #tpu.memory_space<vmem>>) semaphore(%arg34 : memref<!tpu.dma_semaphore, #tpu.memory_space<semaphore_mem>>) {add = true}
      %dma_wait3A_487 = arith.constant 3 : i32
      %dma_wait3A_488 = arith.constant 0 : i32
      %dma_wait3A_489 = tpu.memref_slice %arg9[%dma_wait3A_487, %dma_wait3A_488] : memref<4x64xi32, #tpu.memory_space<vmem>> -> memref<1x64xi32, #tpu.memory_space<vmem>>
      %dma_wait3A_490 = tpu.memref_squeeze %dma_wait3A_489 : memref<1x64xi32, #tpu.memory_space<vmem>> -> memref<64xi32, #tpu.memory_space<vmem>>
      %dma_wait3A_491 = arith.constant 0 : i32
      %dma_wait3A_492 = arith.constant 0 : i32
      %dma_wait3A_493 = tpu.memref_slice %arg2[%dma_wait3A_491, %dma_wait3A_492] : memref<10240x128xf32, #tpu.memory_space<hbm>> -> memref<10240x128xf32, #tpu.memory_space<hbm>>
      tpu.wait_indirect_dma semaphore(%arg20 : memref<!tpu.dma_semaphore, #tpu.memory_space<semaphore_mem>>) src(%dma_wait3A_493 : memref<10240x128xf32, #tpu.memory_space<hbm>>) dst(%arg15 : memref<64x128xf32, #tpu.memory_space<vmem>>)
      %dma_start3A_494 = arith.constant 3 : i32
      %dma_start3A_495 = arith.constant 0 : i32
      %dma_start3A_496 = tpu.memref_slice %arg11[%dma_start3A_494, %dma_start3A_495] : memref<4x64xi32, #tpu.memory_space<vmem>> -> memref<1x64xi32, #tpu.memory_space<vmem>>
      %dma_start3A_497 = tpu.memref_squeeze %dma_start3A_496 : memref<1x64xi32, #tpu.memory_space<vmem>> -> memref<64xi32, #tpu.memory_space<vmem>>
      %dma_start3A_498 = arith.constant 0 : i32
      %dma_start3A_499 = arith.constant 0 : i32
      %dma_start3A_500 = tpu.memref_slice %arg16[%dma_start3A_498, %dma_start3A_499] : memref<10240x128xf32, #tpu.memory_space<vmem_shared>> -> memref<10240x128xf32, #tpu.memory_space<vmem_shared>>
      tpu.enqueue_indirect_dma source(%arg15 : memref<64x128xf32, #tpu.memory_space<vmem>>) target(%dma_start3A_500 : memref<10240x128xf32, #tpu.memory_space<vmem_shared>>) offsets(%dma_start3A_497 : memref<64xi32, #tpu.memory_space<vmem>>) semaphore(%arg24 : memref<!tpu.dma_semaphore, #tpu.memory_space<semaphore_mem>>) {add = true}
      %dma_start3A_501 = arith.constant 3 : i32
      %dma_start3A_502 = arith.constant 0 : i32
      %dma_start3A_503 = tpu.memref_slice %arg11[%dma_start3A_501, %dma_start3A_502] : memref<4x64xi32, #tpu.memory_space<vmem>> -> memref<1x64xi32, #tpu.memory_space<vmem>>
      %dma_start3A_504 = tpu.memref_squeeze %dma_start3A_503 : memref<1x64xi32, #tpu.memory_space<vmem>> -> memref<64xi32, #tpu.memory_space<vmem>>
      %dma_start3A_505 = arith.constant 0 : i32
      %dma_start3A_506 = tpu.memref_slice %arg31[%dma_start3A_505] : memref<10240xf32, #tpu.memory_space<vmem_shared>> -> memref<10240xf32, #tpu.memory_space<vmem_shared>>
      tpu.enqueue_indirect_dma source(%arg29 : memref<64xf32, #tpu.memory_space<vmem>>) target(%dma_start3A_506 : memref<10240xf32, #tpu.memory_space<vmem_shared>>) offsets(%dma_start3A_504 : memref<64xi32, #tpu.memory_space<vmem>>) semaphore(%arg35 : memref<!tpu.dma_semaphore, #tpu.memory_space<semaphore_mem>>) {add = true}
    }
    %dma_wait3A = arith.constant 0 : i32
    %dma_wait3A_101 = arith.constant 0 : i32
    %dma_wait3A_102 = tpu.memref_slice %arg10[%dma_wait3A, %dma_wait3A_101] : memref<4x64xi32, #tpu.memory_space<vmem>> -> memref<1x64xi32, #tpu.memory_space<vmem>>
    %dma_wait3A_103 = tpu.memref_squeeze %dma_wait3A_102 : memref<1x64xi32, #tpu.memory_space<vmem>> -> memref<64xi32, #tpu.memory_space<vmem>>
    %dma_wait3A_104 = arith.constant 0 : i32
    %dma_wait3A_105 = arith.constant 0 : i32
    %dma_wait3A_106 = tpu.memref_slice %arg16[%dma_wait3A_104, %dma_wait3A_105] : memref<10240x128xf32, #tpu.memory_space<vmem_shared>> -> memref<10240x128xf32, #tpu.memory_space<vmem_shared>>
    tpu.wait_indirect_dma semaphore(%arg21 : memref<!tpu.dma_semaphore, #tpu.memory_space<semaphore_mem>>) src(%arg12 : memref<64x128xf32, #tpu.memory_space<vmem>>) dst(%dma_wait3A_106 : memref<10240x128xf32, #tpu.memory_space<vmem_shared>>)
    %dma_wait3A_107 = arith.constant 0 : i32
    %dma_wait3A_108 = arith.constant 0 : i32
    %dma_wait3A_109 = tpu.memref_slice %arg10[%dma_wait3A_107, %dma_wait3A_108] : memref<4x64xi32, #tpu.memory_space<vmem>> -> memref<1x64xi32, #tpu.memory_space<vmem>>
    %dma_wait3A_110 = tpu.memref_squeeze %dma_wait3A_109 : memref<1x64xi32, #tpu.memory_space<vmem>> -> memref<64xi32, #tpu.memory_space<vmem>>
    %dma_wait3A_111 = arith.constant 0 : i32
    %dma_wait3A_112 = tpu.memref_slice %arg31[%dma_wait3A_111] : memref<10240xf32, #tpu.memory_space<vmem_shared>> -> memref<10240xf32, #tpu.memory_space<vmem_shared>>
    tpu.wait_indirect_dma semaphore(%arg32 : memref<!tpu.dma_semaphore, #tpu.memory_space<semaphore_mem>>) src(%arg29 : memref<64xf32, #tpu.memory_space<vmem>>) dst(%dma_wait3A_112 : memref<10240xf32, #tpu.memory_space<vmem_shared>>)
    %dma_wait3A_113 = arith.constant 1 : i32
    %dma_wait3A_114 = arith.constant 0 : i32
    %dma_wait3A_115 = tpu.memref_slice %arg10[%dma_wait3A_113, %dma_wait3A_114] : memref<4x64xi32, #tpu.memory_space<vmem>> -> memref<1x64xi32, #tpu.memory_space<vmem>>
    %dma_wait3A_116 = tpu.memref_squeeze %dma_wait3A_115 : memref<1x64xi32, #tpu.memory_space<vmem>> -> memref<64xi32, #tpu.memory_space<vmem>>
    %dma_wait3A_117 = arith.constant 0 : i32
    %dma_wait3A_118 = arith.constant 0 : i32
    %dma_wait3A_119 = tpu.memref_slice %arg16[%dma_wait3A_117, %dma_wait3A_118] : memref<10240x128xf32, #tpu.memory_space<vmem_shared>> -> memref<10240x128xf32, #tpu.memory_space<vmem_shared>>
    tpu.wait_indirect_dma semaphore(%arg22 : memref<!tpu.dma_semaphore, #tpu.memory_space<semaphore_mem>>) src(%arg13 : memref<64x128xf32, #tpu.memory_space<vmem>>) dst(%dma_wait3A_119 : memref<10240x128xf32, #tpu.memory_space<vmem_shared>>)
    %dma_wait3A_120 = arith.constant 1 : i32
    %dma_wait3A_121 = arith.constant 0 : i32
    %dma_wait3A_122 = tpu.memref_slice %arg10[%dma_wait3A_120, %dma_wait3A_121] : memref<4x64xi32, #tpu.memory_space<vmem>> -> memref<1x64xi32, #tpu.memory_space<vmem>>
    %dma_wait3A_123 = tpu.memref_squeeze %dma_wait3A_122 : memref<1x64xi32, #tpu.memory_space<vmem>> -> memref<64xi32, #tpu.memory_space<vmem>>
    %dma_wait3A_124 = arith.constant 0 : i32
    %dma_wait3A_125 = tpu.memref_slice %arg31[%dma_wait3A_124] : memref<10240xf32, #tpu.memory_space<vmem_shared>> -> memref<10240xf32, #tpu.memory_space<vmem_shared>>
    tpu.wait_indirect_dma semaphore(%arg33 : memref<!tpu.dma_semaphore, #tpu.memory_space<semaphore_mem>>) src(%arg29 : memref<64xf32, #tpu.memory_space<vmem>>) dst(%dma_wait3A_125 : memref<10240xf32, #tpu.memory_space<vmem_shared>>)
    %dma_wait3A_126 = arith.constant 2 : i32
    %dma_wait3A_127 = arith.constant 0 : i32
    %dma_wait3A_128 = tpu.memref_slice %arg10[%dma_wait3A_126, %dma_wait3A_127] : memref<4x64xi32, #tpu.memory_space<vmem>> -> memref<1x64xi32, #tpu.memory_space<vmem>>
    %dma_wait3A_129 = tpu.memref_squeeze %dma_wait3A_128 : memref<1x64xi32, #tpu.memory_space<vmem>> -> memref<64xi32, #tpu.memory_space<vmem>>
    %dma_wait3A_130 = arith.constant 0 : i32
    %dma_wait3A_131 = arith.constant 0 : i32
    %dma_wait3A_132 = tpu.memref_slice %arg16[%dma_wait3A_130, %dma_wait3A_131] : memref<10240x128xf32, #tpu.memory_space<vmem_shared>> -> memref<10240x128xf32, #tpu.memory_space<vmem_shared>>
    tpu.wait_indirect_dma semaphore(%arg23 : memref<!tpu.dma_semaphore, #tpu.memory_space<semaphore_mem>>) src(%arg14 : memref<64x128xf32, #tpu.memory_space<vmem>>) dst(%dma_wait3A_132 : memref<10240x128xf32, #tpu.memory_space<vmem_shared>>)
    %dma_wait3A_133 = arith.constant 2 : i32
    %dma_wait3A_134 = arith.constant 0 : i32
    %dma_wait3A_135 = tpu.memref_slice %arg10[%dma_wait3A_133, %dma_wait3A_134] : memref<4x64xi32, #tpu.memory_space<vmem>> -> memref<1x64xi32, #tpu.memory_space<vmem>>
    %dma_wait3A_136 = tpu.memref_squeeze %dma_wait3A_135 : memref<1x64xi32, #tpu.memory_space<vmem>> -> memref<64xi32, #tpu.memory_space<vmem>>
    %dma_wait3A_137 = arith.constant 0 : i32
    %dma_wait3A_138 = tpu.memref_slice %arg31[%dma_wait3A_137] : memref<10240xf32, #tpu.memory_space<vmem_shared>> -> memref<10240xf32, #tpu.memory_space<vmem_shared>>
    tpu.wait_indirect_dma semaphore(%arg34 : memref<!tpu.dma_semaphore, #tpu.memory_space<semaphore_mem>>) src(%arg29 : memref<64xf32, #tpu.memory_space<vmem>>) dst(%dma_wait3A_138 : memref<10240xf32, #tpu.memory_space<vmem_shared>>)
    %dma_wait3A_139 = arith.constant 3 : i32
    %dma_wait3A_140 = arith.constant 0 : i32
    %dma_wait3A_141 = tpu.memref_slice %arg10[%dma_wait3A_139, %dma_wait3A_140] : memref<4x64xi32, #tpu.memory_space<vmem>> -> memref<1x64xi32, #tpu.memory_space<vmem>>
    %dma_wait3A_142 = tpu.memref_squeeze %dma_wait3A_141 : memref<1x64xi32, #tpu.memory_space<vmem>> -> memref<64xi32, #tpu.memory_space<vmem>>
    %dma_wait3A_143 = arith.constant 0 : i32
    %dma_wait3A_144 = arith.constant 0 : i32
    %dma_wait3A_145 = tpu.memref_slice %arg16[%dma_wait3A_143, %dma_wait3A_144] : memref<10240x128xf32, #tpu.memory_space<vmem_shared>> -> memref<10240x128xf32, #tpu.memory_space<vmem_shared>>
    tpu.wait_indirect_dma semaphore(%arg24 : memref<!tpu.dma_semaphore, #tpu.memory_space<semaphore_mem>>) src(%arg15 : memref<64x128xf32, #tpu.memory_space<vmem>>) dst(%dma_wait3A_145 : memref<10240x128xf32, #tpu.memory_space<vmem_shared>>)
    %dma_wait3A_146 = arith.constant 3 : i32
    %dma_wait3A_147 = arith.constant 0 : i32
    %dma_wait3A_148 = tpu.memref_slice %arg10[%dma_wait3A_146, %dma_wait3A_147] : memref<4x64xi32, #tpu.memory_space<vmem>> -> memref<1x64xi32, #tpu.memory_space<vmem>>
    %dma_wait3A_149 = tpu.memref_squeeze %dma_wait3A_148 : memref<1x64xi32, #tpu.memory_space<vmem>> -> memref<64xi32, #tpu.memory_space<vmem>>
    %dma_wait3A_150 = arith.constant 0 : i32
    %dma_wait3A_151 = tpu.memref_slice %arg31[%dma_wait3A_150] : memref<10240xf32, #tpu.memory_space<vmem_shared>> -> memref<10240xf32, #tpu.memory_space<vmem_shared>>
    tpu.wait_indirect_dma semaphore(%arg35 : memref<!tpu.dma_semaphore, #tpu.memory_space<semaphore_mem>>) src(%arg29 : memref<64xf32, #tpu.memory_space<vmem>>) dst(%dma_wait3A_151 : memref<10240xf32, #tpu.memory_space<vmem_shared>>)
    %barrier3A_152 = arith.constant 0 : index
    tpu.barrier barrier_id(%barrier3A_152)
    %mul3A_153 = arith.constant 640 : i32
    %mul3A_154 = arith.muli %arg1, %mul3A_153 : i32
    %add3A_155 = arith.constant 0 : i32
    %add3A_156 = arith.addi %mul3A_154, %add3A_155 : i32
    "tpu.region"() ({
      %run_scoped3A = tpu.sem_alloc : memref<!tpu.dma_semaphore, #tpu.memory_space<semaphore_mem>>
      %dma_start3A_197 = arith.constant 0 : i32
      %dma_start3A_198 = tpu.memref_slice %arg16[%add3A_156, %dma_start3A_197] : memref<10240x128xf32, #tpu.memory_space<vmem_shared>> -> memref<64x128xf32, #tpu.memory_space<vmem_shared>>
      %dma_start3A_199 = arith.constant 0 : i32
      %dma_start3A_200 = tpu.memref_slice %arg16[%add3A_156, %dma_start3A_199] : memref<10240x128xf32, #tpu.memory_space<vmem_shared>> -> memref<64x128xf32, #tpu.memory_space<vmem_shared>>
      tpu.enqueue_dma source(%dma_start3A_200 : memref<64x128xf32, #tpu.memory_space<vmem_shared>>) target(%arg12 : memref<64x128xf32, #tpu.memory_space<vmem>>) target_semaphore(%run_scoped3A : memref<!tpu.dma_semaphore, #tpu.memory_space<semaphore_mem>>)
      %dma_wait3A_201 = arith.constant 0 : i32
      %dma_wait3A_202 = tpu.memref_slice %arg16[%add3A_156, %dma_wait3A_201] : memref<10240x128xf32, #tpu.memory_space<vmem_shared>> -> memref<64x128xf32, #tpu.memory_space<vmem_shared>>
      %dma_wait3A_203 = arith.constant 0 : i32
      %dma_wait3A_204 = tpu.memref_slice %arg16[%add3A_156, %dma_wait3A_203] : memref<10240x128xf32, #tpu.memory_space<vmem_shared>> -> memref<64x128xf32, #tpu.memory_space<vmem_shared>>
      tpu.wait_dma2 semaphore(%run_scoped3A : memref<!tpu.dma_semaphore, #tpu.memory_space<semaphore_mem>>) src(%dma_wait3A_204 : memref<64x128xf32, #tpu.memory_space<vmem_shared>>) dst(%arg12 : memref<64x128xf32, #tpu.memory_space<vmem>>)
      tpu.yield
    }) : () -> ()
    "tpu.region"() ({
      %run_scoped3A = tpu.sem_alloc : memref<!tpu.dma_semaphore, #tpu.memory_space<semaphore_mem>>
      %dma_start3A_197 = arith.constant 0 : i32
      %dma_start3A_198 = tpu.memref_slice %arg6[%arg0, %add3A_156, %dma_start3A_197] : memref<2x10240x128xf32, #tpu.memory_space<hbm>> -> memref<1x64x128xf32, #tpu.memory_space<hbm>>
      %dma_start3A_199 = tpu.memref_squeeze %dma_start3A_198 : memref<1x64x128xf32, #tpu.memory_space<hbm>> -> memref<64x128xf32, #tpu.memory_space<hbm>>
      %dma_start3A_200 = arith.constant 0 : i32
      %dma_start3A_201 = tpu.memref_slice %arg6[%arg0, %add3A_156, %dma_start3A_200] : memref<2x10240x128xf32, #tpu.memory_space<hbm>> -> memref<1x64x128xf32, #tpu.memory_space<hbm>>
      %dma_start3A_202 = tpu.memref_squeeze %dma_start3A_201 : memref<1x64x128xf32, #tpu.memory_space<hbm>> -> memref<64x128xf32, #tpu.memory_space<hbm>>
      tpu.enqueue_dma source(%arg12 : memref<64x128xf32, #tpu.memory_space<vmem>>) target(%dma_start3A_202 : memref<64x128xf32, #tpu.memory_space<hbm>>) target_semaphore(%run_scoped3A : memref<!tpu.dma_semaphore, #tpu.memory_space<semaphore_mem>>)
      %dma_wait3A_203 = arith.constant 0 : i32
      %dma_wait3A_204 = tpu.memref_slice %arg6[%arg0, %add3A_156, %dma_wait3A_203] : memref<2x10240x128xf32, #tpu.memory_space<hbm>> -> memref<1x64x128xf32, #tpu.memory_space<hbm>>
      %dma_wait3A_205 = tpu.memref_squeeze %dma_wait3A_204 : memref<1x64x128xf32, #tpu.memory_space<hbm>> -> memref<64x128xf32, #tpu.memory_space<hbm>>
      %dma_wait3A_206 = arith.constant 0 : i32
      %dma_wait3A_207 = tpu.memref_slice %arg6[%arg0, %add3A_156, %dma_wait3A_206] : memref<2x10240x128xf32, #tpu.memory_space<hbm>> -> memref<1x64x128xf32, #tpu.memory_space<hbm>>
      %dma_wait3A_208 = tpu.memref_squeeze %dma_wait3A_207 : memref<1x64x128xf32, #tpu.memory_space<hbm>> -> memref<64x128xf32, #tpu.memory_space<hbm>>
      tpu.wait_dma2 semaphore(%run_scoped3A : memref<!tpu.dma_semaphore, #tpu.memory_space<semaphore_mem>>) src(%arg12 : memref<64x128xf32, #tpu.memory_space<vmem>>) dst(%dma_wait3A_208 : memref<64x128xf32, #tpu.memory_space<hbm>>)
      tpu.yield
    }) : () -> ()
    %mul3A_157 = arith.constant 640 : i32
    %mul3A_158 = arith.muli %arg1, %mul3A_157 : i32
    %add3A_159 = arith.constant 64 : i32
    %add3A_160 = arith.addi %mul3A_158, %add3A_159 : i32
    "tpu.region"() ({
      %run_scoped3A = tpu.sem_alloc : memref<!tpu.dma_semaphore, #tpu.memory_space<semaphore_mem>>
      %dma_start3A_197 = arith.constant 0 : i32
      %dma_start3A_198 = tpu.memref_slice %arg16[%add3A_160, %dma_start3A_197] : memref<10240x128xf32, #tpu.memory_space<vmem_shared>> -> memref<64x128xf32, #tpu.memory_space<vmem_shared>>
      %dma_start3A_199 = arith.constant 0 : i32
      %dma_start3A_200 = tpu.memref_slice %arg16[%add3A_160, %dma_start3A_199] : memref<10240x128xf32, #tpu.memory_space<vmem_shared>> -> memref<64x128xf32, #tpu.memory_space<vmem_shared>>
      tpu.enqueue_dma source(%dma_start3A_200 : memref<64x128xf32, #tpu.memory_space<vmem_shared>>) target(%arg12 : memref<64x128xf32, #tpu.memory_space<vmem>>) target_semaphore(%run_scoped3A : memref<!tpu.dma_semaphore, #tpu.memory_space<semaphore_mem>>)
      %dma_wait3A_201 = arith.constant 0 : i32
      %dma_wait3A_202 = tpu.memref_slice %arg16[%add3A_160, %dma_wait3A_201] : memref<10240x128xf32, #tpu.memory_space<vmem_shared>> -> memref<64x128xf32, #tpu.memory_space<vmem_shared>>
      %dma_wait3A_203 = arith.constant 0 : i32
      %dma_wait3A_204 = tpu.memref_slice %arg16[%add3A_160, %dma_wait3A_203] : memref<10240x128xf32, #tpu.memory_space<vmem_shared>> -> memref<64x128xf32, #tpu.memory_space<vmem_shared>>
      tpu.wait_dma2 semaphore(%run_scoped3A : memref<!tpu.dma_semaphore, #tpu.memory_space<semaphore_mem>>) src(%dma_wait3A_204 : memref<64x128xf32, #tpu.memory_space<vmem_shared>>) dst(%arg12 : memref<64x128xf32, #tpu.memory_space<vmem>>)
      tpu.yield
    }) : () -> ()
    "tpu.region"() ({
      %run_scoped3A = tpu.sem_alloc : memref<!tpu.dma_semaphore, #tpu.memory_space<semaphore_mem>>
      %dma_start3A_197 = arith.constant 0 : i32
      %dma_start3A_198 = tpu.memref_slice %arg6[%arg0, %add3A_160, %dma_start3A_197] : memref<2x10240x128xf32, #tpu.memory_space<hbm>> -> memref<1x64x128xf32, #tpu.memory_space<hbm>>
      %dma_start3A_199 = tpu.memref_squeeze %dma_start3A_198 : memref<1x64x128xf32, #tpu.memory_space<hbm>> -> memref<64x128xf32, #tpu.memory_space<hbm>>
      %dma_start3A_200 = arith.constant 0 : i32
      %dma_start3A_201 = tpu.memref_slice %arg6[%arg0, %add3A_160, %dma_start3A_200] : memref<2x10240x128xf32, #tpu.memory_space<hbm>> -> memref<1x64x128xf32, #tpu.memory_space<hbm>>
      %dma_start3A_202 = tpu.memref_squeeze %dma_start3A_201 : memref<1x64x128xf32, #tpu.memory_space<hbm>> -> memref<64x128xf32, #tpu.memory_space<hbm>>
      tpu.enqueue_dma source(%arg12 : memref<64x128xf32, #tpu.memory_space<vmem>>) target(%dma_start3A_202 : memref<64x128xf32, #tpu.memory_space<hbm>>) target_semaphore(%run_scoped3A : memref<!tpu.dma_semaphore, #tpu.memory_space<semaphore_mem>>)
      %dma_wait3A_203 = arith.constant 0 : i32
      %dma_wait3A_204 = tpu.memref_slice %arg6[%arg0, %add3A_160, %dma_wait3A_203] : memref<2x10240x128xf32, #tpu.memory_space<hbm>> -> memref<1x64x128xf32, #tpu.memory_space<hbm>>
      %dma_wait3A_205 = tpu.memref_squeeze %dma_wait3A_204 : memref<1x64x128xf32, #tpu.memory_space<hbm>> -> memref<64x128xf32, #tpu.memory_space<hbm>>
      %dma_wait3A_206 = arith.constant 0 : i32
      %dma_wait3A_207 = tpu.memref_slice %arg6[%arg0, %add3A_160, %dma_wait3A_206] : memref<2x10240x128xf32, #tpu.memory_space<hbm>> -> memref<1x64x128xf32, #tpu.memory_space<hbm>>
      %dma_wait3A_208 = tpu.memref_squeeze %dma_wait3A_207 : memref<1x64x128xf32, #tpu.memory_space<hbm>> -> memref<64x128xf32, #tpu.memory_space<hbm>>
      tpu.wait_dma2 semaphore(%run_scoped3A : memref<!tpu.dma_semaphore, #tpu.memory_space<semaphore_mem>>) src(%arg12 : memref<64x128xf32, #tpu.memory_space<vmem>>) dst(%dma_wait3A_208 : memref<64x128xf32, #tpu.memory_space<hbm>>)
      tpu.yield
    }) : () -> ()
    %mul3A_161 = arith.constant 640 : i32
    %mul3A_162 = arith.muli %arg1, %mul3A_161 : i32
    %add3A_163 = arith.constant 128 : i32
    %add3A_164 = arith.addi %mul3A_162, %add3A_163 : i32
    "tpu.region"() ({
      %run_scoped3A = tpu.sem_alloc : memref<!tpu.dma_semaphore, #tpu.memory_space<semaphore_mem>>
      %dma_start3A_197 = arith.constant 0 : i32
      %dma_start3A_198 = tpu.memref_slice %arg16[%add3A_164, %dma_start3A_197] : memref<10240x128xf32, #tpu.memory_space<vmem_shared>> -> memref<64x128xf32, #tpu.memory_space<vmem_shared>>
      %dma_start3A_199 = arith.constant 0 : i32
      %dma_start3A_200 = tpu.memref_slice %arg16[%add3A_164, %dma_start3A_199] : memref<10240x128xf32, #tpu.memory_space<vmem_shared>> -> memref<64x128xf32, #tpu.memory_space<vmem_shared>>
      tpu.enqueue_dma source(%dma_start3A_200 : memref<64x128xf32, #tpu.memory_space<vmem_shared>>) target(%arg12 : memref<64x128xf32, #tpu.memory_space<vmem>>) target_semaphore(%run_scoped3A : memref<!tpu.dma_semaphore, #tpu.memory_space<semaphore_mem>>)
      %dma_wait3A_201 = arith.constant 0 : i32
      %dma_wait3A_202 = tpu.memref_slice %arg16[%add3A_164, %dma_wait3A_201] : memref<10240x128xf32, #tpu.memory_space<vmem_shared>> -> memref<64x128xf32, #tpu.memory_space<vmem_shared>>
      %dma_wait3A_203 = arith.constant 0 : i32
      %dma_wait3A_204 = tpu.memref_slice %arg16[%add3A_164, %dma_wait3A_203] : memref<10240x128xf32, #tpu.memory_space<vmem_shared>> -> memref<64x128xf32, #tpu.memory_space<vmem_shared>>
      tpu.wait_dma2 semaphore(%run_scoped3A : memref<!tpu.dma_semaphore, #tpu.memory_space<semaphore_mem>>) src(%dma_wait3A_204 : memref<64x128xf32, #tpu.memory_space<vmem_shared>>) dst(%arg12 : memref<64x128xf32, #tpu.memory_space<vmem>>)
      tpu.yield
    }) : () -> ()
    "tpu.region"() ({
      %run_scoped3A = tpu.sem_alloc : memref<!tpu.dma_semaphore, #tpu.memory_space<semaphore_mem>>
      %dma_start3A_197 = arith.constant 0 : i32
      %dma_start3A_198 = tpu.memref_slice %arg6[%arg0, %add3A_164, %dma_start3A_197] : memref<2x10240x128xf32, #tpu.memory_space<hbm>> -> memref<1x64x128xf32, #tpu.memory_space<hbm>>
      %dma_start3A_199 = tpu.memref_squeeze %dma_start3A_198 : memref<1x64x128xf32, #tpu.memory_space<hbm>> -> memref<64x128xf32, #tpu.memory_space<hbm>>
      %dma_start3A_200 = arith.constant 0 : i32
      %dma_start3A_201 = tpu.memref_slice %arg6[%arg0, %add3A_164, %dma_start3A_200] : memref<2x10240x128xf32, #tpu.memory_space<hbm>> -> memref<1x64x128xf32, #tpu.memory_space<hbm>>
      %dma_start3A_202 = tpu.memref_squeeze %dma_start3A_201 : memref<1x64x128xf32, #tpu.memory_space<hbm>> -> memref<64x128xf32, #tpu.memory_space<hbm>>
      tpu.enqueue_dma source(%arg12 : memref<64x128xf32, #tpu.memory_space<vmem>>) target(%dma_start3A_202 : memref<64x128xf32, #tpu.memory_space<hbm>>) target_semaphore(%run_scoped3A : memref<!tpu.dma_semaphore, #tpu.memory_space<semaphore_mem>>)
      %dma_wait3A_203 = arith.constant 0 : i32
      %dma_wait3A_204 = tpu.memref_slice %arg6[%arg0, %add3A_164, %dma_wait3A_203] : memref<2x10240x128xf32, #tpu.memory_space<hbm>> -> memref<1x64x128xf32, #tpu.memory_space<hbm>>
      %dma_wait3A_205 = tpu.memref_squeeze %dma_wait3A_204 : memref<1x64x128xf32, #tpu.memory_space<hbm>> -> memref<64x128xf32, #tpu.memory_space<hbm>>
      %dma_wait3A_206 = arith.constant 0 : i32
      %dma_wait3A_207 = tpu.memref_slice %arg6[%arg0, %add3A_164, %dma_wait3A_206] : memref<2x10240x128xf32, #tpu.memory_space<hbm>> -> memref<1x64x128xf32, #tpu.memory_space<hbm>>
      %dma_wait3A_208 = tpu.memref_squeeze %dma_wait3A_207 : memref<1x64x128xf32, #tpu.memory_space<hbm>> -> memref<64x128xf32, #tpu.memory_space<hbm>>
      tpu.wait_dma2 semaphore(%run_scoped3A : memref<!tpu.dma_semaphore, #tpu.memory_space<semaphore_mem>>) src(%arg12 : memref<64x128xf32, #tpu.memory_space<vmem>>) dst(%dma_wait3A_208 : memref<64x128xf32, #tpu.memory_space<hbm>>)
      tpu.yield
    }) : () -> ()
    %mul3A_165 = arith.constant 640 : i32
    %mul3A_166 = arith.muli %arg1, %mul3A_165 : i32
    %add3A_167 = arith.constant 192 : i32
    %add3A_168 = arith.addi %mul3A_166, %add3A_167 : i32
    "tpu.region"() ({
      %run_scoped3A = tpu.sem_alloc : memref<!tpu.dma_semaphore, #tpu.memory_space<semaphore_mem>>
      %dma_start3A_197 = arith.constant 0 : i32
      %dma_start3A_198 = tpu.memref_slice %arg16[%add3A_168, %dma_start3A_197] : memref<10240x128xf32, #tpu.memory_space<vmem_shared>> -> memref<64x128xf32, #tpu.memory_space<vmem_shared>>
      %dma_start3A_199 = arith.constant 0 : i32
      %dma_start3A_200 = tpu.memref_slice %arg16[%add3A_168, %dma_start3A_199] : memref<10240x128xf32, #tpu.memory_space<vmem_shared>> -> memref<64x128xf32, #tpu.memory_space<vmem_shared>>
      tpu.enqueue_dma source(%dma_start3A_200 : memref<64x128xf32, #tpu.memory_space<vmem_shared>>) target(%arg12 : memref<64x128xf32, #tpu.memory_space<vmem>>) target_semaphore(%run_scoped3A : memref<!tpu.dma_semaphore, #tpu.memory_space<semaphore_mem>>)
      %dma_wait3A_201 = arith.constant 0 : i32
      %dma_wait3A_202 = tpu.memref_slice %arg16[%add3A_168, %dma_wait3A_201] : memref<10240x128xf32, #tpu.memory_space<vmem_shared>> -> memref<64x128xf32, #tpu.memory_space<vmem_shared>>
      %dma_wait3A_203 = arith.constant 0 : i32
      %dma_wait3A_204 = tpu.memref_slice %arg16[%add3A_168, %dma_wait3A_203] : memref<10240x128xf32, #tpu.memory_space<vmem_shared>> -> memref<64x128xf32, #tpu.memory_space<vmem_shared>>
      tpu.wait_dma2 semaphore(%run_scoped3A : memref<!tpu.dma_semaphore, #tpu.memory_space<semaphore_mem>>) src(%dma_wait3A_204 : memref<64x128xf32, #tpu.memory_space<vmem_shared>>) dst(%arg12 : memref<64x128xf32, #tpu.memory_space<vmem>>)
      tpu.yield
    }) : () -> ()
    "tpu.region"() ({
      %run_scoped3A = tpu.sem_alloc : memref<!tpu.dma_semaphore, #tpu.memory_space<semaphore_mem>>
      %dma_start3A_197 = arith.constant 0 : i32
      %dma_start3A_198 = tpu.memref_slice %arg6[%arg0, %add3A_168, %dma_start3A_197] : memref<2x10240x128xf32, #tpu.memory_space<hbm>> -> memref<1x64x128xf32, #tpu.memory_space<hbm>>
      %dma_start3A_199 = tpu.memref_squeeze %dma_start3A_198 : memref<1x64x128xf32, #tpu.memory_space<hbm>> -> memref<64x128xf32, #tpu.memory_space<hbm>>
      %dma_start3A_200 = arith.constant 0 : i32
      %dma_start3A_201 = tpu.memref_slice %arg6[%arg0, %add3A_168, %dma_start3A_200] : memref<2x10240x128xf32, #tpu.memory_space<hbm>> -> memref<1x64x128xf32, #tpu.memory_space<hbm>>
      %dma_start3A_202 = tpu.memref_squeeze %dma_start3A_201 : memref<1x64x128xf32, #tpu.memory_space<hbm>> -> memref<64x128xf32, #tpu.memory_space<hbm>>
      tpu.enqueue_dma source(%arg12 : memref<64x128xf32, #tpu.memory_space<vmem>>) target(%dma_start3A_202 : memref<64x128xf32, #tpu.memory_space<hbm>>) target_semaphore(%run_scoped3A : memref<!tpu.dma_semaphore, #tpu.memory_space<semaphore_mem>>)
      %dma_wait3A_203 = arith.constant 0 : i32
      %dma_wait3A_204 = tpu.memref_slice %arg6[%arg0, %add3A_168, %dma_wait3A_203] : memref<2x10240x128xf32, #tpu.memory_space<hbm>> -> memref<1x64x128xf32, #tpu.memory_space<hbm>>
      %dma_wait3A_205 = tpu.memref_squeeze %dma_wait3A_204 : memref<1x64x128xf32, #tpu.memory_space<hbm>> -> memref<64x128xf32, #tpu.memory_space<hbm>>
      %dma_wait3A_206 = arith.constant 0 : i32
      %dma_wait3A_207 = tpu.memref_slice %arg6[%arg0, %add3A_168, %dma_wait3A_206] : memref<2x10240x128xf32, #tpu.memory_space<hbm>> -> memref<1x64x128xf32, #tpu.memory_space<hbm>>
      %dma_wait3A_208 = tpu.memref_squeeze %dma_wait3A_207 : memref<1x64x128xf32, #tpu.memory_space<hbm>> -> memref<64x128xf32, #tpu.memory_space<hbm>>
      tpu.wait_dma2 semaphore(%run_scoped3A : memref<!tpu.dma_semaphore, #tpu.memory_space<semaphore_mem>>) src(%arg12 : memref<64x128xf32, #tpu.memory_space<vmem>>) dst(%dma_wait3A_208 : memref<64x128xf32, #tpu.memory_space<hbm>>)
      tpu.yield
    }) : () -> ()
    %mul3A_169 = arith.constant 640 : i32
    %mul3A_170 = arith.muli %arg1, %mul3A_169 : i32
    %add3A_171 = arith.constant 256 : i32
    %add3A_172 = arith.addi %mul3A_170, %add3A_171 : i32
    "tpu.region"() ({
      %run_scoped3A = tpu.sem_alloc : memref<!tpu.dma_semaphore, #tpu.memory_space<semaphore_mem>>
      %dma_start3A_197 = arith.constant 0 : i32
      %dma_start3A_198 = tpu.memref_slice %arg16[%add3A_172, %dma_start3A_197] : memref<10240x128xf32, #tpu.memory_space<vmem_shared>> -> memref<64x128xf32, #tpu.memory_space<vmem_shared>>
      %dma_start3A_199 = arith.constant 0 : i32
      %dma_start3A_200 = tpu.memref_slice %arg16[%add3A_172, %dma_start3A_199] : memref<10240x128xf32, #tpu.memory_space<vmem_shared>> -> memref<64x128xf32, #tpu.memory_space<vmem_shared>>
      tpu.enqueue_dma source(%dma_start3A_200 : memref<64x128xf32, #tpu.memory_space<vmem_shared>>) target(%arg12 : memref<64x128xf32, #tpu.memory_space<vmem>>) target_semaphore(%run_scoped3A : memref<!tpu.dma_semaphore, #tpu.memory_space<semaphore_mem>>)
      %dma_wait3A_201 = arith.constant 0 : i32
      %dma_wait3A_202 = tpu.memref_slice %arg16[%add3A_172, %dma_wait3A_201] : memref<10240x128xf32, #tpu.memory_space<vmem_shared>> -> memref<64x128xf32, #tpu.memory_space<vmem_shared>>
      %dma_wait3A_203 = arith.constant 0 : i32
      %dma_wait3A_204 = tpu.memref_slice %arg16[%add3A_172, %dma_wait3A_203] : memref<10240x128xf32, #tpu.memory_space<vmem_shared>> -> memref<64x128xf32, #tpu.memory_space<vmem_shared>>
      tpu.wait_dma2 semaphore(%run_scoped3A : memref<!tpu.dma_semaphore, #tpu.memory_space<semaphore_mem>>) src(%dma_wait3A_204 : memref<64x128xf32, #tpu.memory_space<vmem_shared>>) dst(%arg12 : memref<64x128xf32, #tpu.memory_space<vmem>>)
      tpu.yield
    }) : () -> ()
    "tpu.region"() ({
      %run_scoped3A = tpu.sem_alloc : memref<!tpu.dma_semaphore, #tpu.memory_space<semaphore_mem>>
      %dma_start3A_197 = arith.constant 0 : i32
      %dma_start3A_198 = tpu.memref_slice %arg6[%arg0, %add3A_172, %dma_start3A_197] : memref<2x10240x128xf32, #tpu.memory_space<hbm>> -> memref<1x64x128xf32, #tpu.memory_space<hbm>>
      %dma_start3A_199 = tpu.memref_squeeze %dma_start3A_198 : memref<1x64x128xf32, #tpu.memory_space<hbm>> -> memref<64x128xf32, #tpu.memory_space<hbm>>
      %dma_start3A_200 = arith.constant 0 : i32
      %dma_start3A_201 = tpu.memref_slice %arg6[%arg0, %add3A_172, %dma_start3A_200] : memref<2x10240x128xf32, #tpu.memory_space<hbm>> -> memref<1x64x128xf32, #tpu.memory_space<hbm>>
      %dma_start3A_202 = tpu.memref_squeeze %dma_start3A_201 : memref<1x64x128xf32, #tpu.memory_space<hbm>> -> memref<64x128xf32, #tpu.memory_space<hbm>>
      tpu.enqueue_dma source(%arg12 : memref<64x128xf32, #tpu.memory_space<vmem>>) target(%dma_start3A_202 : memref<64x128xf32, #tpu.memory_space<hbm>>) target_semaphore(%run_scoped3A : memref<!tpu.dma_semaphore, #tpu.memory_space<semaphore_mem>>)
      %dma_wait3A_203 = arith.constant 0 : i32
      %dma_wait3A_204 = tpu.memref_slice %arg6[%arg0, %add3A_172, %dma_wait3A_203] : memref<2x10240x128xf32, #tpu.memory_space<hbm>> -> memref<1x64x128xf32, #tpu.memory_space<hbm>>
      %dma_wait3A_205 = tpu.memref_squeeze %dma_wait3A_204 : memref<1x64x128xf32, #tpu.memory_space<hbm>> -> memref<64x128xf32, #tpu.memory_space<hbm>>
      %dma_wait3A_206 = arith.constant 0 : i32
      %dma_wait3A_207 = tpu.memref_slice %arg6[%arg0, %add3A_172, %dma_wait3A_206] : memref<2x10240x128xf32, #tpu.memory_space<hbm>> -> memref<1x64x128xf32, #tpu.memory_space<hbm>>
      %dma_wait3A_208 = tpu.memref_squeeze %dma_wait3A_207 : memref<1x64x128xf32, #tpu.memory_space<hbm>> -> memref<64x128xf32, #tpu.memory_space<hbm>>
      tpu.wait_dma2 semaphore(%run_scoped3A : memref<!tpu.dma_semaphore, #tpu.memory_space<semaphore_mem>>) src(%arg12 : memref<64x128xf32, #tpu.memory_space<vmem>>) dst(%dma_wait3A_208 : memref<64x128xf32, #tpu.memory_space<hbm>>)
      tpu.yield
    }) : () -> ()
    %mul3A_173 = arith.constant 640 : i32
    %mul3A_174 = arith.muli %arg1, %mul3A_173 : i32
    %add3A_175 = arith.constant 320 : i32
    %add3A_176 = arith.addi %mul3A_174, %add3A_175 : i32
    "tpu.region"() ({
      %run_scoped3A = tpu.sem_alloc : memref<!tpu.dma_semaphore, #tpu.memory_space<semaphore_mem>>
      %dma_start3A_197 = arith.constant 0 : i32
      %dma_start3A_198 = tpu.memref_slice %arg16[%add3A_176, %dma_start3A_197] : memref<10240x128xf32, #tpu.memory_space<vmem_shared>> -> memref<64x128xf32, #tpu.memory_space<vmem_shared>>
      %dma_start3A_199 = arith.constant 0 : i32
      %dma_start3A_200 = tpu.memref_slice %arg16[%add3A_176, %dma_start3A_199] : memref<10240x128xf32, #tpu.memory_space<vmem_shared>> -> memref<64x128xf32, #tpu.memory_space<vmem_shared>>
      tpu.enqueue_dma source(%dma_start3A_200 : memref<64x128xf32, #tpu.memory_space<vmem_shared>>) target(%arg12 : memref<64x128xf32, #tpu.memory_space<vmem>>) target_semaphore(%run_scoped3A : memref<!tpu.dma_semaphore, #tpu.memory_space<semaphore_mem>>)
      %dma_wait3A_201 = arith.constant 0 : i32
      %dma_wait3A_202 = tpu.memref_slice %arg16[%add3A_176, %dma_wait3A_201] : memref<10240x128xf32, #tpu.memory_space<vmem_shared>> -> memref<64x128xf32, #tpu.memory_space<vmem_shared>>
      %dma_wait3A_203 = arith.constant 0 : i32
      %dma_wait3A_204 = tpu.memref_slice %arg16[%add3A_176, %dma_wait3A_203] : memref<10240x128xf32, #tpu.memory_space<vmem_shared>> -> memref<64x128xf32, #tpu.memory_space<vmem_shared>>
      tpu.wait_dma2 semaphore(%run_scoped3A : memref<!tpu.dma_semaphore, #tpu.memory_space<semaphore_mem>>) src(%dma_wait3A_204 : memref<64x128xf32, #tpu.memory_space<vmem_shared>>) dst(%arg12 : memref<64x128xf32, #tpu.memory_space<vmem>>)
      tpu.yield
    }) : () -> ()
    "tpu.region"() ({
      %run_scoped3A = tpu.sem_alloc : memref<!tpu.dma_semaphore, #tpu.memory_space<semaphore_mem>>
      %dma_start3A_197 = arith.constant 0 : i32
      %dma_start3A_198 = tpu.memref_slice %arg6[%arg0, %add3A_176, %dma_start3A_197] : memref<2x10240x128xf32, #tpu.memory_space<hbm>> -> memref<1x64x128xf32, #tpu.memory_space<hbm>>
      %dma_start3A_199 = tpu.memref_squeeze %dma_start3A_198 : memref<1x64x128xf32, #tpu.memory_space<hbm>> -> memref<64x128xf32, #tpu.memory_space<hbm>>
      %dma_start3A_200 = arith.constant 0 : i32
      %dma_start3A_201 = tpu.memref_slice %arg6[%arg0, %add3A_176, %dma_start3A_200] : memref<2x10240x128xf32, #tpu.memory_space<hbm>> -> memref<1x64x128xf32, #tpu.memory_space<hbm>>
      %dma_start3A_202 = tpu.memref_squeeze %dma_start3A_201 : memref<1x64x128xf32, #tpu.memory_space<hbm>> -> memref<64x128xf32, #tpu.memory_space<hbm>>
      tpu.enqueue_dma source(%arg12 : memref<64x128xf32, #tpu.memory_space<vmem>>) target(%dma_start3A_202 : memref<64x128xf32, #tpu.memory_space<hbm>>) target_semaphore(%run_scoped3A : memref<!tpu.dma_semaphore, #tpu.memory_space<semaphore_mem>>)
      %dma_wait3A_203 = arith.constant 0 : i32
      %dma_wait3A_204 = tpu.memref_slice %arg6[%arg0, %add3A_176, %dma_wait3A_203] : memref<2x10240x128xf32, #tpu.memory_space<hbm>> -> memref<1x64x128xf32, #tpu.memory_space<hbm>>
      %dma_wait3A_205 = tpu.memref_squeeze %dma_wait3A_204 : memref<1x64x128xf32, #tpu.memory_space<hbm>> -> memref<64x128xf32, #tpu.memory_space<hbm>>
      %dma_wait3A_206 = arith.constant 0 : i32
      %dma_wait3A_207 = tpu.memref_slice %arg6[%arg0, %add3A_176, %dma_wait3A_206] : memref<2x10240x128xf32, #tpu.memory_space<hbm>> -> memref<1x64x128xf32, #tpu.memory_space<hbm>>
      %dma_wait3A_208 = tpu.memref_squeeze %dma_wait3A_207 : memref<1x64x128xf32, #tpu.memory_space<hbm>> -> memref<64x128xf32, #tpu.memory_space<hbm>>
      tpu.wait_dma2 semaphore(%run_scoped3A : memref<!tpu.dma_semaphore, #tpu.memory_space<semaphore_mem>>) src(%arg12 : memref<64x128xf32, #tpu.memory_space<vmem>>) dst(%dma_wait3A_208 : memref<64x128xf32, #tpu.memory_space<hbm>>)
      tpu.yield
    }) : () -> ()
    %mul3A_177 = arith.constant 640 : i32
    %mul3A_178 = arith.muli %arg1, %mul3A_177 : i32
    %add3A_179 = arith.constant 384 : i32
    %add3A_180 = arith.addi %mul3A_178, %add3A_179 : i32
    "tpu.region"() ({
      %run_scoped3A = tpu.sem_alloc : memref<!tpu.dma_semaphore, #tpu.memory_space<semaphore_mem>>
      %dma_start3A_197 = arith.constant 0 : i32
      %dma_start3A_198 = tpu.memref_slice %arg16[%add3A_180, %dma_start3A_197] : memref<10240x128xf32, #tpu.memory_space<vmem_shared>> -> memref<64x128xf32, #tpu.memory_space<vmem_shared>>
      %dma_start3A_199 = arith.constant 0 : i32
      %dma_start3A_200 = tpu.memref_slice %arg16[%add3A_180, %dma_start3A_199] : memref<10240x128xf32, #tpu.memory_space<vmem_shared>> -> memref<64x128xf32, #tpu.memory_space<vmem_shared>>
      tpu.enqueue_dma source(%dma_start3A_200 : memref<64x128xf32, #tpu.memory_space<vmem_shared>>) target(%arg12 : memref<64x128xf32, #tpu.memory_space<vmem>>) target_semaphore(%run_scoped3A : memref<!tpu.dma_semaphore, #tpu.memory_space<semaphore_mem>>)
      %dma_wait3A_201 = arith.constant 0 : i32
      %dma_wait3A_202 = tpu.memref_slice %arg16[%add3A_180, %dma_wait3A_201] : memref<10240x128xf32, #tpu.memory_space<vmem_shared>> -> memref<64x128xf32, #tpu.memory_space<vmem_shared>>
      %dma_wait3A_203 = arith.constant 0 : i32
      %dma_wait3A_204 = tpu.memref_slice %arg16[%add3A_180, %dma_wait3A_203] : memref<10240x128xf32, #tpu.memory_space<vmem_shared>> -> memref<64x128xf32, #tpu.memory_space<vmem_shared>>
      tpu.wait_dma2 semaphore(%run_scoped3A : memref<!tpu.dma_semaphore, #tpu.memory_space<semaphore_mem>>) src(%dma_wait3A_204 : memref<64x128xf32, #tpu.memory_space<vmem_shared>>) dst(%arg12 : memref<64x128xf32, #tpu.memory_space<vmem>>)
      tpu.yield
    }) : () -> ()
    "tpu.region"() ({
      %run_scoped3A = tpu.sem_alloc : memref<!tpu.dma_semaphore, #tpu.memory_space<semaphore_mem>>
      %dma_start3A_197 = arith.constant 0 : i32
      %dma_start3A_198 = tpu.memref_slice %arg6[%arg0, %add3A_180, %dma_start3A_197] : memref<2x10240x128xf32, #tpu.memory_space<hbm>> -> memref<1x64x128xf32, #tpu.memory_space<hbm>>
      %dma_start3A_199 = tpu.memref_squeeze %dma_start3A_198 : memref<1x64x128xf32, #tpu.memory_space<hbm>> -> memref<64x128xf32, #tpu.memory_space<hbm>>
      %dma_start3A_200 = arith.constant 0 : i32
      %dma_start3A_201 = tpu.memref_slice %arg6[%arg0, %add3A_180, %dma_start3A_200] : memref<2x10240x128xf32, #tpu.memory_space<hbm>> -> memref<1x64x128xf32, #tpu.memory_space<hbm>>
      %dma_start3A_202 = tpu.memref_squeeze %dma_start3A_201 : memref<1x64x128xf32, #tpu.memory_space<hbm>> -> memref<64x128xf32, #tpu.memory_space<hbm>>
      tpu.enqueue_dma source(%arg12 : memref<64x128xf32, #tpu.memory_space<vmem>>) target(%dma_start3A_202 : memref<64x128xf32, #tpu.memory_space<hbm>>) target_semaphore(%run_scoped3A : memref<!tpu.dma_semaphore, #tpu.memory_space<semaphore_mem>>)
      %dma_wait3A_203 = arith.constant 0 : i32
      %dma_wait3A_204 = tpu.memref_slice %arg6[%arg0, %add3A_180, %dma_wait3A_203] : memref<2x10240x128xf32, #tpu.memory_space<hbm>> -> memref<1x64x128xf32, #tpu.memory_space<hbm>>
      %dma_wait3A_205 = tpu.memref_squeeze %dma_wait3A_204 : memref<1x64x128xf32, #tpu.memory_space<hbm>> -> memref<64x128xf32, #tpu.memory_space<hbm>>
      %dma_wait3A_206 = arith.constant 0 : i32
      %dma_wait3A_207 = tpu.memref_slice %arg6[%arg0, %add3A_180, %dma_wait3A_206] : memref<2x10240x128xf32, #tpu.memory_space<hbm>> -> memref<1x64x128xf32, #tpu.memory_space<hbm>>
      %dma_wait3A_208 = tpu.memref_squeeze %dma_wait3A_207 : memref<1x64x128xf32, #tpu.memory_space<hbm>> -> memref<64x128xf32, #tpu.memory_space<hbm>>
      tpu.wait_dma2 semaphore(%run_scoped3A : memref<!tpu.dma_semaphore, #tpu.memory_space<semaphore_mem>>) src(%arg12 : memref<64x128xf32, #tpu.memory_space<vmem>>) dst(%dma_wait3A_208 : memref<64x128xf32, #tpu.memory_space<hbm>>)
      tpu.yield
    }) : () -> ()
    %mul3A_181 = arith.constant 640 : i32
    %mul3A_182 = arith.muli %arg1, %mul3A_181 : i32
    %add3A_183 = arith.constant 448 : i32
    %add3A_184 = arith.addi %mul3A_182, %add3A_183 : i32
    "tpu.region"() ({
      %run_scoped3A = tpu.sem_alloc : memref<!tpu.dma_semaphore, #tpu.memory_space<semaphore_mem>>
      %dma_start3A_197 = arith.constant 0 : i32
      %dma_start3A_198 = tpu.memref_slice %arg16[%add3A_184, %dma_start3A_197] : memref<10240x128xf32, #tpu.memory_space<vmem_shared>> -> memref<64x128xf32, #tpu.memory_space<vmem_shared>>
      %dma_start3A_199 = arith.constant 0 : i32
      %dma_start3A_200 = tpu.memref_slice %arg16[%add3A_184, %dma_start3A_199] : memref<10240x128xf32, #tpu.memory_space<vmem_shared>> -> memref<64x128xf32, #tpu.memory_space<vmem_shared>>
      tpu.enqueue_dma source(%dma_start3A_200 : memref<64x128xf32, #tpu.memory_space<vmem_shared>>) target(%arg12 : memref<64x128xf32, #tpu.memory_space<vmem>>) target_semaphore(%run_scoped3A : memref<!tpu.dma_semaphore, #tpu.memory_space<semaphore_mem>>)
      %dma_wait3A_201 = arith.constant 0 : i32
      %dma_wait3A_202 = tpu.memref_slice %arg16[%add3A_184, %dma_wait3A_201] : memref<10240x128xf32, #tpu.memory_space<vmem_shared>> -> memref<64x128xf32, #tpu.memory_space<vmem_shared>>
      %dma_wait3A_203 = arith.constant 0 : i32
      %dma_wait3A_204 = tpu.memref_slice %arg16[%add3A_184, %dma_wait3A_203] : memref<10240x128xf32, #tpu.memory_space<vmem_shared>> -> memref<64x128xf32, #tpu.memory_space<vmem_shared>>
      tpu.wait_dma2 semaphore(%run_scoped3A : memref<!tpu.dma_semaphore, #tpu.memory_space<semaphore_mem>>) src(%dma_wait3A_204 : memref<64x128xf32, #tpu.memory_space<vmem_shared>>) dst(%arg12 : memref<64x128xf32, #tpu.memory_space<vmem>>)
      tpu.yield
    }) : () -> ()
    "tpu.region"() ({
      %run_scoped3A = tpu.sem_alloc : memref<!tpu.dma_semaphore, #tpu.memory_space<semaphore_mem>>
      %dma_start3A_197 = arith.constant 0 : i32
      %dma_start3A_198 = tpu.memref_slice %arg6[%arg0, %add3A_184, %dma_start3A_197] : memref<2x10240x128xf32, #tpu.memory_space<hbm>> -> memref<1x64x128xf32, #tpu.memory_space<hbm>>
      %dma_start3A_199 = tpu.memref_squeeze %dma_start3A_198 : memref<1x64x128xf32, #tpu.memory_space<hbm>> -> memref<64x128xf32, #tpu.memory_space<hbm>>
      %dma_start3A_200 = arith.constant 0 : i32
      %dma_start3A_201 = tpu.memref_slice %arg6[%arg0, %add3A_184, %dma_start3A_200] : memref<2x10240x128xf32, #tpu.memory_space<hbm>> -> memref<1x64x128xf32, #tpu.memory_space<hbm>>
      %dma_start3A_202 = tpu.memref_squeeze %dma_start3A_201 : memref<1x64x128xf32, #tpu.memory_space<hbm>> -> memref<64x128xf32, #tpu.memory_space<hbm>>
      tpu.enqueue_dma source(%arg12 : memref<64x128xf32, #tpu.memory_space<vmem>>) target(%dma_start3A_202 : memref<64x128xf32, #tpu.memory_space<hbm>>) target_semaphore(%run_scoped3A : memref<!tpu.dma_semaphore, #tpu.memory_space<semaphore_mem>>)
      %dma_wait3A_203 = arith.constant 0 : i32
      %dma_wait3A_204 = tpu.memref_slice %arg6[%arg0, %add3A_184, %dma_wait3A_203] : memref<2x10240x128xf32, #tpu.memory_space<hbm>> -> memref<1x64x128xf32, #tpu.memory_space<hbm>>
      %dma_wait3A_205 = tpu.memref_squeeze %dma_wait3A_204 : memref<1x64x128xf32, #tpu.memory_space<hbm>> -> memref<64x128xf32, #tpu.memory_space<hbm>>
      %dma_wait3A_206 = arith.constant 0 : i32
      %dma_wait3A_207 = tpu.memref_slice %arg6[%arg0, %add3A_184, %dma_wait3A_206] : memref<2x10240x128xf32, #tpu.memory_space<hbm>> -> memref<1x64x128xf32, #tpu.memory_space<hbm>>
      %dma_wait3A_208 = tpu.memref_squeeze %dma_wait3A_207 : memref<1x64x128xf32, #tpu.memory_space<hbm>> -> memref<64x128xf32, #tpu.memory_space<hbm>>
      tpu.wait_dma2 semaphore(%run_scoped3A : memref<!tpu.dma_semaphore, #tpu.memory_space<semaphore_mem>>) src(%arg12 : memref<64x128xf32, #tpu.memory_space<vmem>>) dst(%dma_wait3A_208 : memref<64x128xf32, #tpu.memory_space<hbm>>)
      tpu.yield
    }) : () -> ()
    %mul3A_185 = arith.constant 640 : i32
    %mul3A_186 = arith.muli %arg1, %mul3A_185 : i32
    %add3A_187 = arith.constant 512 : i32
    %add3A_188 = arith.addi %mul3A_186, %add3A_187 : i32
    "tpu.region"() ({
      %run_scoped3A = tpu.sem_alloc : memref<!tpu.dma_semaphore, #tpu.memory_space<semaphore_mem>>
      %dma_start3A_197 = arith.constant 0 : i32
      %dma_start3A_198 = tpu.memref_slice %arg16[%add3A_188, %dma_start3A_197] : memref<10240x128xf32, #tpu.memory_space<vmem_shared>> -> memref<64x128xf32, #tpu.memory_space<vmem_shared>>
      %dma_start3A_199 = arith.constant 0 : i32
      %dma_start3A_200 = tpu.memref_slice %arg16[%add3A_188, %dma_start3A_199] : memref<10240x128xf32, #tpu.memory_space<vmem_shared>> -> memref<64x128xf32, #tpu.memory_space<vmem_shared>>
      tpu.enqueue_dma source(%dma_start3A_200 : memref<64x128xf32, #tpu.memory_space<vmem_shared>>) target(%arg12 : memref<64x128xf32, #tpu.memory_space<vmem>>) target_semaphore(%run_scoped3A : memref<!tpu.dma_semaphore, #tpu.memory_space<semaphore_mem>>)
      %dma_wait3A_201 = arith.constant 0 : i32
      %dma_wait3A_202 = tpu.memref_slice %arg16[%add3A_188, %dma_wait3A_201] : memref<10240x128xf32, #tpu.memory_space<vmem_shared>> -> memref<64x128xf32, #tpu.memory_space<vmem_shared>>
      %dma_wait3A_203 = arith.constant 0 : i32
      %dma_wait3A_204 = tpu.memref_slice %arg16[%add3A_188, %dma_wait3A_203] : memref<10240x128xf32, #tpu.memory_space<vmem_shared>> -> memref<64x128xf32, #tpu.memory_space<vmem_shared>>
      tpu.wait_dma2 semaphore(%run_scoped3A : memref<!tpu.dma_semaphore, #tpu.memory_space<semaphore_mem>>) src(%dma_wait3A_204 : memref<64x128xf32, #tpu.memory_space<vmem_shared>>) dst(%arg12 : memref<64x128xf32, #tpu.memory_space<vmem>>)
      tpu.yield
    }) : () -> ()
    "tpu.region"() ({
      %run_scoped3A = tpu.sem_alloc : memref<!tpu.dma_semaphore, #tpu.memory_space<semaphore_mem>>
      %dma_start3A_197 = arith.constant 0 : i32
      %dma_start3A_198 = tpu.memref_slice %arg6[%arg0, %add3A_188, %dma_start3A_197] : memref<2x10240x128xf32, #tpu.memory_space<hbm>> -> memref<1x64x128xf32, #tpu.memory_space<hbm>>
      %dma_start3A_199 = tpu.memref_squeeze %dma_start3A_198 : memref<1x64x128xf32, #tpu.memory_space<hbm>> -> memref<64x128xf32, #tpu.memory_space<hbm>>
      %dma_start3A_200 = arith.constant 0 : i32
      %dma_start3A_201 = tpu.memref_slice %arg6[%arg0, %add3A_188, %dma_start3A_200] : memref<2x10240x128xf32, #tpu.memory_space<hbm>> -> memref<1x64x128xf32, #tpu.memory_space<hbm>>
      %dma_start3A_202 = tpu.memref_squeeze %dma_start3A_201 : memref<1x64x128xf32, #tpu.memory_space<hbm>> -> memref<64x128xf32, #tpu.memory_space<hbm>>
      tpu.enqueue_dma source(%arg12 : memref<64x128xf32, #tpu.memory_space<vmem>>) target(%dma_start3A_202 : memref<64x128xf32, #tpu.memory_space<hbm>>) target_semaphore(%run_scoped3A : memref<!tpu.dma_semaphore, #tpu.memory_space<semaphore_mem>>)
      %dma_wait3A_203 = arith.constant 0 : i32
      %dma_wait3A_204 = tpu.memref_slice %arg6[%arg0, %add3A_188, %dma_wait3A_203] : memref<2x10240x128xf32, #tpu.memory_space<hbm>> -> memref<1x64x128xf32, #tpu.memory_space<hbm>>
      %dma_wait3A_205 = tpu.memref_squeeze %dma_wait3A_204 : memref<1x64x128xf32, #tpu.memory_space<hbm>> -> memref<64x128xf32, #tpu.memory_space<hbm>>
      %dma_wait3A_206 = arith.constant 0 : i32
      %dma_wait3A_207 = tpu.memref_slice %arg6[%arg0, %add3A_188, %dma_wait3A_206] : memref<2x10240x128xf32, #tpu.memory_space<hbm>> -> memref<1x64x128xf32, #tpu.memory_space<hbm>>
      %dma_wait3A_208 = tpu.memref_squeeze %dma_wait3A_207 : memref<1x64x128xf32, #tpu.memory_space<hbm>> -> memref<64x128xf32, #tpu.memory_space<hbm>>
      tpu.wait_dma2 semaphore(%run_scoped3A : memref<!tpu.dma_semaphore, #tpu.memory_space<semaphore_mem>>) src(%arg12 : memref<64x128xf32, #tpu.memory_space<vmem>>) dst(%dma_wait3A_208 : memref<64x128xf32, #tpu.memory_space<hbm>>)
      tpu.yield
    }) : () -> ()
    %mul3A_189 = arith.constant 640 : i32
    %mul3A_190 = arith.muli %arg1, %mul3A_189 : i32
    %add3A_191 = arith.constant 576 : i32
    %add3A_192 = arith.addi %mul3A_190, %add3A_191 : i32
    "tpu.region"() ({
      %run_scoped3A = tpu.sem_alloc : memref<!tpu.dma_semaphore, #tpu.memory_space<semaphore_mem>>
      %dma_start3A_197 = arith.constant 0 : i32
      %dma_start3A_198 = tpu.memref_slice %arg16[%add3A_192, %dma_start3A_197] : memref<10240x128xf32, #tpu.memory_space<vmem_shared>> -> memref<64x128xf32, #tpu.memory_space<vmem_shared>>
      %dma_start3A_199 = arith.constant 0 : i32
      %dma_start3A_200 = tpu.memref_slice %arg16[%add3A_192, %dma_start3A_199] : memref<10240x128xf32, #tpu.memory_space<vmem_shared>> -> memref<64x128xf32, #tpu.memory_space<vmem_shared>>
      tpu.enqueue_dma source(%dma_start3A_200 : memref<64x128xf32, #tpu.memory_space<vmem_shared>>) target(%arg12 : memref<64x128xf32, #tpu.memory_space<vmem>>) target_semaphore(%run_scoped3A : memref<!tpu.dma_semaphore, #tpu.memory_space<semaphore_mem>>)
      %dma_wait3A_201 = arith.constant 0 : i32
      %dma_wait3A_202 = tpu.memref_slice %arg16[%add3A_192, %dma_wait3A_201] : memref<10240x128xf32, #tpu.memory_space<vmem_shared>> -> memref<64x128xf32, #tpu.memory_space<vmem_shared>>
      %dma_wait3A_203 = arith.constant 0 : i32
      %dma_wait3A_204 = tpu.memref_slice %arg16[%add3A_192, %dma_wait3A_203] : memref<10240x128xf32, #tpu.memory_space<vmem_shared>> -> memref<64x128xf32, #tpu.memory_space<vmem_shared>>
      tpu.wait_dma2 semaphore(%run_scoped3A : memref<!tpu.dma_semaphore, #tpu.memory_space<semaphore_mem>>) src(%dma_wait3A_204 : memref<64x128xf32, #tpu.memory_space<vmem_shared>>) dst(%arg12 : memref<64x128xf32, #tpu.memory_space<vmem>>)
      tpu.yield
    }) : () -> ()
    "tpu.region"() ({
      %run_scoped3A = tpu.sem_alloc : memref<!tpu.dma_semaphore, #tpu.memory_space<semaphore_mem>>
      %dma_start3A_197 = arith.constant 0 : i32
      %dma_start3A_198 = tpu.memref_slice %arg6[%arg0, %add3A_192, %dma_start3A_197] : memref<2x10240x128xf32, #tpu.memory_space<hbm>> -> memref<1x64x128xf32, #tpu.memory_space<hbm>>
      %dma_start3A_199 = tpu.memref_squeeze %dma_start3A_198 : memref<1x64x128xf32, #tpu.memory_space<hbm>> -> memref<64x128xf32, #tpu.memory_space<hbm>>
      %dma_start3A_200 = arith.constant 0 : i32
      %dma_start3A_201 = tpu.memref_slice %arg6[%arg0, %add3A_192, %dma_start3A_200] : memref<2x10240x128xf32, #tpu.memory_space<hbm>> -> memref<1x64x128xf32, #tpu.memory_space<hbm>>
      %dma_start3A_202 = tpu.memref_squeeze %dma_start3A_201 : memref<1x64x128xf32, #tpu.memory_space<hbm>> -> memref<64x128xf32, #tpu.memory_space<hbm>>
      tpu.enqueue_dma source(%arg12 : memref<64x128xf32, #tpu.memory_space<vmem>>) target(%dma_start3A_202 : memref<64x128xf32, #tpu.memory_space<hbm>>) target_semaphore(%run_scoped3A : memref<!tpu.dma_semaphore, #tpu.memory_space<semaphore_mem>>)
      %dma_wait3A_203 = arith.constant 0 : i32
      %dma_wait3A_204 = tpu.memref_slice %arg6[%arg0, %add3A_192, %dma_wait3A_203] : memref<2x10240x128xf32, #tpu.memory_space<hbm>> -> memref<1x64x128xf32, #tpu.memory_space<hbm>>
      %dma_wait3A_205 = tpu.memref_squeeze %dma_wait3A_204 : memref<1x64x128xf32, #tpu.memory_space<hbm>> -> memref<64x128xf32, #tpu.memory_space<hbm>>
      %dma_wait3A_206 = arith.constant 0 : i32
      %dma_wait3A_207 = tpu.memref_slice %arg6[%arg0, %add3A_192, %dma_wait3A_206] : memref<2x10240x128xf32, #tpu.memory_space<hbm>> -> memref<1x64x128xf32, #tpu.memory_space<hbm>>
      %dma_wait3A_208 = tpu.memref_squeeze %dma_wait3A_207 : memref<1x64x128xf32, #tpu.memory_space<hbm>> -> memref<64x128xf32, #tpu.memory_space<hbm>>
      tpu.wait_dma2 semaphore(%run_scoped3A : memref<!tpu.dma_semaphore, #tpu.memory_space<semaphore_mem>>) src(%arg12 : memref<64x128xf32, #tpu.memory_space<vmem>>) dst(%dma_wait3A_208 : memref<64x128xf32, #tpu.memory_space<hbm>>)
      tpu.yield
    }) : () -> ()
    %mul3A_193 = arith.constant 640 : i32
    %mul3A_194 = arith.muli %arg1, %mul3A_193 : i32
    "tpu.region"() ({
      %run_scoped3A = tpu.sem_alloc : memref<!tpu.dma_semaphore, #tpu.memory_space<semaphore_mem>>
      %dma_start3A_197 = tpu.memref_slice %arg31[%mul3A_194] : memref<10240xf32, #tpu.memory_space<vmem_shared>> -> memref<640xf32, #tpu.memory_space<vmem_shared>>
      %dma_start3A_198 = tpu.memref_slice %arg31[%mul3A_194] : memref<10240xf32, #tpu.memory_space<vmem_shared>> -> memref<640xf32, #tpu.memory_space<vmem_shared>>
      tpu.enqueue_dma source(%dma_start3A_198 : memref<640xf32, #tpu.memory_space<vmem_shared>>) target(%arg30 : memref<640xf32, #tpu.memory_space<vmem>>) target_semaphore(%run_scoped3A : memref<!tpu.dma_semaphore, #tpu.memory_space<semaphore_mem>>)
      %dma_wait3A_199 = tpu.memref_slice %arg31[%mul3A_194] : memref<10240xf32, #tpu.memory_space<vmem_shared>> -> memref<640xf32, #tpu.memory_space<vmem_shared>>
      %dma_wait3A_200 = tpu.memref_slice %arg31[%mul3A_194] : memref<10240xf32, #tpu.memory_space<vmem_shared>> -> memref<640xf32, #tpu.memory_space<vmem_shared>>
      tpu.wait_dma2 semaphore(%run_scoped3A : memref<!tpu.dma_semaphore, #tpu.memory_space<semaphore_mem>>) src(%dma_wait3A_200 : memref<640xf32, #tpu.memory_space<vmem_shared>>) dst(%arg30 : memref<640xf32, #tpu.memory_space<vmem>>)
      tpu.yield
    }) : () -> ()
    %mul3A_195 = arith.constant 640 : i32
    %mul3A_196 = arith.muli %arg1, %mul3A_195 : i32
    "tpu.region"() ({
      %run_scoped3A = tpu.sem_alloc : memref<!tpu.dma_semaphore, #tpu.memory_space<semaphore_mem>>
      %dma_start3A_197 = tpu.memref_slice %arg7[%arg0, %mul3A_196] : memref<2x10240xf32, #tpu.memory_space<hbm>> -> memref<1x640xf32, #tpu.memory_space<hbm>>
      %dma_start3A_198 = tpu.memref_squeeze %dma_start3A_197 : memref<1x640xf32, #tpu.memory_space<hbm>> -> memref<640xf32, #tpu.memory_space<hbm>>
      %dma_start3A_199 = tpu.memref_slice %arg7[%arg0, %mul3A_196] : memref<2x10240xf32, #tpu.memory_space<hbm>> -> memref<1x640xf32, #tpu.memory_space<hbm>>
      %dma_start3A_200 = tpu.memref_squeeze %dma_start3A_199 : memref<1x640xf32, #tpu.memory_space<hbm>> -> memref<640xf32, #tpu.memory_space<hbm>>
      tpu.enqueue_dma source(%arg30 : memref<640xf32, #tpu.memory_space<vmem>>) target(%dma_start3A_200 : memref<640xf32, #tpu.memory_space<hbm>>) target_semaphore(%run_scoped3A : memref<!tpu.dma_semaphore, #tpu.memory_space<semaphore_mem>>)
      %dma_wait3A_201 = tpu.memref_slice %arg7[%arg0, %mul3A_196] : memref<2x10240xf32, #tpu.memory_space<hbm>> -> memref<1x640xf32, #tpu.memory_space<hbm>>
      %dma_wait3A_202 = tpu.memref_squeeze %dma_wait3A_201 : memref<1x640xf32, #tpu.memory_space<hbm>> -> memref<640xf32, #tpu.memory_space<hbm>>
      %dma_wait3A_203 = tpu.memref_slice %arg7[%arg0, %mul3A_196] : memref<2x10240xf32, #tpu.memory_space<hbm>> -> memref<1x640xf32, #tpu.memory_space<hbm>>
      %dma_wait3A_204 = tpu.memref_squeeze %dma_wait3A_203 : memref<1x640xf32, #tpu.memory_space<hbm>> -> memref<640xf32, #tpu.memory_space<hbm>>
      tpu.wait_dma2 semaphore(%run_scoped3A : memref<!tpu.dma_semaphore, #tpu.memory_space<semaphore_mem>>) src(%arg30 : memref<640xf32, #tpu.memory_space<vmem>>) dst(%dma_wait3A_204 : memref<640xf32, #tpu.memory_space<hbm>>)
      tpu.yield
    }) : () -> ()
    return
  }
}

#map = affine_map<(d0, d1) -> (0, 0)>
#map1 = affine_map<(d0, d1) -> (0, 0, 0)>
module attributes {stable_mosaic.version = 14 : i64} {
  func.func @body(%arg0: i32, %arg1: i32, %arg2: memref<10240x128xf32, #tpu.memory_space<hbm>>, %arg3: memref<5120x64xi32, #tpu.memory_space<hbm>>, %arg4: memref<5120x64xi32, #tpu.memory_space<hbm>>, %arg5: memref<64x128xf32, #tpu.memory_space<hbm>>, %arg6: memref<2x10240x128xf32, #tpu.memory_space<hbm>>, %arg7: memref<4x64xi32, #tpu.memory_space<vmem>>, %arg8: memref<4x64xi32, #tpu.memory_space<vmem>>, %arg9: memref<4x64xi32, #tpu.memory_space<vmem>>, %arg10: memref<4x64xi32, #tpu.memory_space<vmem>>, %arg11: memref<64x128xf32, #tpu.memory_space<vmem>>, %arg12: memref<64x128xf32, #tpu.memory_space<vmem>>, %arg13: memref<64x128xf32, #tpu.memory_space<vmem>>, %arg14: memref<64x128xf32, #tpu.memory_space<vmem>>, %arg15: memref<10240x128xf32, #tpu.memory_space<vmem_shared>>, %arg16: memref<!tpu.dma_semaphore, #tpu.memory_space<semaphore_mem>>, %arg17: memref<!tpu.dma_semaphore, #tpu.memory_space<semaphore_mem>>, %arg18: memref<!tpu.dma_semaphore, #tpu.memory_space<semaphore_mem>>, %arg19: memref<!tpu.dma_semaphore, #tpu.memory_space<semaphore_mem>>, %arg20: memref<!tpu.dma_semaphore, #tpu.memory_space<semaphore_mem>>, %arg21: memref<!tpu.dma_semaphore, #tpu.memory_space<semaphore_mem>>, %arg22: memref<!tpu.dma_semaphore, #tpu.memory_space<semaphore_mem>>, %arg23: memref<!tpu.dma_semaphore, #tpu.memory_space<semaphore_mem>>, %arg24: memref<!tpu.dma_semaphore, #tpu.memory_space<semaphore_mem>>, %arg25: memref<!tpu.dma_semaphore, #tpu.memory_space<semaphore_mem>>, %arg26: memref<!tpu.dma_semaphore, #tpu.memory_space<semaphore_mem>>, %arg27: memref<!tpu.dma_semaphore, #tpu.memory_space<semaphore_mem>>) attributes {dimension_semantics = [#tpu.dimension_semantics<core_parallel>, #tpu.dimension_semantics<subcore_parallel>], iteration_bounds = array<i64: 2, 16>, scalar_prefetch = 0 : i64, scratch_operands = 21 : i64, tpu.core_type = #tpu.core_type<sc_vector_subcore>, window_params = [{transform_indices = #map}, {transform_indices = #map}, {transform_indices = #map}, {transform_indices = #map}, {transform_indices = #map1}]} {
    %eq3A = arith.constant 0 : i32
    %eq3A_0 = arith.cmpi eq, %arg0, %eq3A : i32
    %mul3A = arith.constant 288 : i32
    %mul3A_1 = arith.muli %arg1, %mul3A : i32
    %mul3A_2 = arith.constant 32 : i32
    %mul3A_3 = arith.muli %arg1, %mul3A_2 : i32
    %add3A = arith.constant 4608 : i32
    %add3A_4 = arith.addi %add3A, %mul3A_3 : i32
    %select_n3A = arith.select %eq3A_0, %mul3A_1, %add3A_4 : i32
    %eq3A_5 = arith.constant 0 : i32
    %eq3A_6 = arith.cmpi eq, %arg0, %eq3A_5 : i32
    %jit3A = arith.constant 36 : i32
    %jit3A_7 = arith.constant 4 : i32
    %select_n3A_8 = arith.select %eq3A_6, %jit3A, %jit3A_7 : i32
    %add3A_9 = arith.constant 0 : i32
    %add3A_10 = arith.addi %select_n3A, %add3A_9 : i32
    %dma_start3A = arith.constant 0 : i32
    %dma_start3A_11 = tpu.memref_slice %arg3[%add3A_10, %dma_start3A] : memref<5120x64xi32, #tpu.memory_space<hbm>> -> memref<4x64xi32, #tpu.memory_space<hbm>>
    %dma_start3A_12 = arith.constant 0 : i32
    %dma_start3A_13 = tpu.memref_slice %arg3[%add3A_10, %dma_start3A_12] : memref<5120x64xi32, #tpu.memory_space<hbm>> -> memref<4x64xi32, #tpu.memory_space<hbm>>
    tpu.enqueue_dma source(%dma_start3A_13 : memref<4x64xi32, #tpu.memory_space<hbm>>) target(%arg7 : memref<4x64xi32, #tpu.memory_space<vmem>>) target_semaphore(%arg24 : memref<!tpu.dma_semaphore, #tpu.memory_space<semaphore_mem>>)
    %dma_start3A_14 = arith.constant 0 : i32
    %dma_start3A_15 = tpu.memref_slice %arg4[%add3A_10, %dma_start3A_14] : memref<5120x64xi32, #tpu.memory_space<hbm>> -> memref<4x64xi32, #tpu.memory_space<hbm>>
    %dma_start3A_16 = arith.constant 0 : i32
    %dma_start3A_17 = tpu.memref_slice %arg4[%add3A_10, %dma_start3A_16] : memref<5120x64xi32, #tpu.memory_space<hbm>> -> memref<4x64xi32, #tpu.memory_space<hbm>>
    tpu.enqueue_dma source(%dma_start3A_17 : memref<4x64xi32, #tpu.memory_space<hbm>>) target(%arg9 : memref<4x64xi32, #tpu.memory_space<vmem>>) target_semaphore(%arg24 : memref<!tpu.dma_semaphore, #tpu.memory_space<semaphore_mem>>)
    "tpu.region"() ({
      %run_scoped3A = tpu.sem_alloc : memref<!tpu.dma_semaphore, #tpu.memory_space<semaphore_mem>>
      tpu.enqueue_dma source(%arg5 : memref<64x128xf32, #tpu.memory_space<hbm>>) target(%arg11 : memref<64x128xf32, #tpu.memory_space<vmem>>) target_semaphore(%run_scoped3A : memref<!tpu.dma_semaphore, #tpu.memory_space<semaphore_mem>>)
      tpu.wait_dma2 semaphore(%run_scoped3A : memref<!tpu.dma_semaphore, #tpu.memory_space<semaphore_mem>>) src(%arg5 : memref<64x128xf32, #tpu.memory_space<hbm>>) dst(%arg11 : memref<64x128xf32, #tpu.memory_space<vmem>>)
      tpu.yield
    }) : () -> ()
    %mul3A_18 = arith.constant 640 : i32
    %mul3A_19 = arith.muli %arg1, %mul3A_18 : i32
    %add3A_20 = arith.constant 0 : i32
    %add3A_21 = arith.addi %mul3A_19, %add3A_20 : i32
    "tpu.region"() ({
      %run_scoped3A = tpu.sem_alloc : memref<!tpu.dma_semaphore, #tpu.memory_space<semaphore_mem>>
      %dma_start3A_135 = arith.constant 0 : i32
      %dma_start3A_136 = tpu.memref_slice %arg15[%add3A_21, %dma_start3A_135] : memref<10240x128xf32, #tpu.memory_space<vmem_shared>> -> memref<64x128xf32, #tpu.memory_space<vmem_shared>>
      %dma_start3A_137 = arith.constant 0 : i32
      %dma_start3A_138 = tpu.memref_slice %arg15[%add3A_21, %dma_start3A_137] : memref<10240x128xf32, #tpu.memory_space<vmem_shared>> -> memref<64x128xf32, #tpu.memory_space<vmem_shared>>
      tpu.enqueue_dma source(%arg11 : memref<64x128xf32, #tpu.memory_space<vmem>>) target(%dma_start3A_138 : memref<64x128xf32, #tpu.memory_space<vmem_shared>>) target_semaphore(%run_scoped3A : memref<!tpu.dma_semaphore, #tpu.memory_space<semaphore_mem>>)
      %dma_wait3A_139 = arith.constant 0 : i32
      %dma_wait3A_140 = tpu.memref_slice %arg15[%add3A_21, %dma_wait3A_139] : memref<10240x128xf32, #tpu.memory_space<vmem_shared>> -> memref<64x128xf32, #tpu.memory_space<vmem_shared>>
      %dma_wait3A_141 = arith.constant 0 : i32
      %dma_wait3A_142 = tpu.memref_slice %arg15[%add3A_21, %dma_wait3A_141] : memref<10240x128xf32, #tpu.memory_space<vmem_shared>> -> memref<64x128xf32, #tpu.memory_space<vmem_shared>>
      tpu.wait_dma2 semaphore(%run_scoped3A : memref<!tpu.dma_semaphore, #tpu.memory_space<semaphore_mem>>) src(%arg11 : memref<64x128xf32, #tpu.memory_space<vmem>>) dst(%dma_wait3A_142 : memref<64x128xf32, #tpu.memory_space<vmem_shared>>)
      tpu.yield
    }) : () -> ()
    %mul3A_22 = arith.constant 640 : i32
    %mul3A_23 = arith.muli %arg1, %mul3A_22 : i32
    %add3A_24 = arith.constant 64 : i32
    %add3A_25 = arith.addi %mul3A_23, %add3A_24 : i32
    "tpu.region"() ({
      %run_scoped3A = tpu.sem_alloc : memref<!tpu.dma_semaphore, #tpu.memory_space<semaphore_mem>>
      %dma_start3A_135 = arith.constant 0 : i32
      %dma_start3A_136 = tpu.memref_slice %arg15[%add3A_25, %dma_start3A_135] : memref<10240x128xf32, #tpu.memory_space<vmem_shared>> -> memref<64x128xf32, #tpu.memory_space<vmem_shared>>
      %dma_start3A_137 = arith.constant 0 : i32
      %dma_start3A_138 = tpu.memref_slice %arg15[%add3A_25, %dma_start3A_137] : memref<10240x128xf32, #tpu.memory_space<vmem_shared>> -> memref<64x128xf32, #tpu.memory_space<vmem_shared>>
      tpu.enqueue_dma source(%arg11 : memref<64x128xf32, #tpu.memory_space<vmem>>) target(%dma_start3A_138 : memref<64x128xf32, #tpu.memory_space<vmem_shared>>) target_semaphore(%run_scoped3A : memref<!tpu.dma_semaphore, #tpu.memory_space<semaphore_mem>>)
      %dma_wait3A_139 = arith.constant 0 : i32
      %dma_wait3A_140 = tpu.memref_slice %arg15[%add3A_25, %dma_wait3A_139] : memref<10240x128xf32, #tpu.memory_space<vmem_shared>> -> memref<64x128xf32, #tpu.memory_space<vmem_shared>>
      %dma_wait3A_141 = arith.constant 0 : i32
      %dma_wait3A_142 = tpu.memref_slice %arg15[%add3A_25, %dma_wait3A_141] : memref<10240x128xf32, #tpu.memory_space<vmem_shared>> -> memref<64x128xf32, #tpu.memory_space<vmem_shared>>
      tpu.wait_dma2 semaphore(%run_scoped3A : memref<!tpu.dma_semaphore, #tpu.memory_space<semaphore_mem>>) src(%arg11 : memref<64x128xf32, #tpu.memory_space<vmem>>) dst(%dma_wait3A_142 : memref<64x128xf32, #tpu.memory_space<vmem_shared>>)
      tpu.yield
    }) : () -> ()
    %mul3A_26 = arith.constant 640 : i32
    %mul3A_27 = arith.muli %arg1, %mul3A_26 : i32
    %add3A_28 = arith.constant 128 : i32
    %add3A_29 = arith.addi %mul3A_27, %add3A_28 : i32
    "tpu.region"() ({
      %run_scoped3A = tpu.sem_alloc : memref<!tpu.dma_semaphore, #tpu.memory_space<semaphore_mem>>
      %dma_start3A_135 = arith.constant 0 : i32
      %dma_start3A_136 = tpu.memref_slice %arg15[%add3A_29, %dma_start3A_135] : memref<10240x128xf32, #tpu.memory_space<vmem_shared>> -> memref<64x128xf32, #tpu.memory_space<vmem_shared>>
      %dma_start3A_137 = arith.constant 0 : i32
      %dma_start3A_138 = tpu.memref_slice %arg15[%add3A_29, %dma_start3A_137] : memref<10240x128xf32, #tpu.memory_space<vmem_shared>> -> memref<64x128xf32, #tpu.memory_space<vmem_shared>>
      tpu.enqueue_dma source(%arg11 : memref<64x128xf32, #tpu.memory_space<vmem>>) target(%dma_start3A_138 : memref<64x128xf32, #tpu.memory_space<vmem_shared>>) target_semaphore(%run_scoped3A : memref<!tpu.dma_semaphore, #tpu.memory_space<semaphore_mem>>)
      %dma_wait3A_139 = arith.constant 0 : i32
      %dma_wait3A_140 = tpu.memref_slice %arg15[%add3A_29, %dma_wait3A_139] : memref<10240x128xf32, #tpu.memory_space<vmem_shared>> -> memref<64x128xf32, #tpu.memory_space<vmem_shared>>
      %dma_wait3A_141 = arith.constant 0 : i32
      %dma_wait3A_142 = tpu.memref_slice %arg15[%add3A_29, %dma_wait3A_141] : memref<10240x128xf32, #tpu.memory_space<vmem_shared>> -> memref<64x128xf32, #tpu.memory_space<vmem_shared>>
      tpu.wait_dma2 semaphore(%run_scoped3A : memref<!tpu.dma_semaphore, #tpu.memory_space<semaphore_mem>>) src(%arg11 : memref<64x128xf32, #tpu.memory_space<vmem>>) dst(%dma_wait3A_142 : memref<64x128xf32, #tpu.memory_space<vmem_shared>>)
      tpu.yield
    }) : () -> ()
    %mul3A_30 = arith.constant 640 : i32
    %mul3A_31 = arith.muli %arg1, %mul3A_30 : i32
    %add3A_32 = arith.constant 192 : i32
    %add3A_33 = arith.addi %mul3A_31, %add3A_32 : i32
    "tpu.region"() ({
      %run_scoped3A = tpu.sem_alloc : memref<!tpu.dma_semaphore, #tpu.memory_space<semaphore_mem>>
      %dma_start3A_135 = arith.constant 0 : i32
      %dma_start3A_136 = tpu.memref_slice %arg15[%add3A_33, %dma_start3A_135] : memref<10240x128xf32, #tpu.memory_space<vmem_shared>> -> memref<64x128xf32, #tpu.memory_space<vmem_shared>>
      %dma_start3A_137 = arith.constant 0 : i32
      %dma_start3A_138 = tpu.memref_slice %arg15[%add3A_33, %dma_start3A_137] : memref<10240x128xf32, #tpu.memory_space<vmem_shared>> -> memref<64x128xf32, #tpu.memory_space<vmem_shared>>
      tpu.enqueue_dma source(%arg11 : memref<64x128xf32, #tpu.memory_space<vmem>>) target(%dma_start3A_138 : memref<64x128xf32, #tpu.memory_space<vmem_shared>>) target_semaphore(%run_scoped3A : memref<!tpu.dma_semaphore, #tpu.memory_space<semaphore_mem>>)
      %dma_wait3A_139 = arith.constant 0 : i32
      %dma_wait3A_140 = tpu.memref_slice %arg15[%add3A_33, %dma_wait3A_139] : memref<10240x128xf32, #tpu.memory_space<vmem_shared>> -> memref<64x128xf32, #tpu.memory_space<vmem_shared>>
      %dma_wait3A_141 = arith.constant 0 : i32
      %dma_wait3A_142 = tpu.memref_slice %arg15[%add3A_33, %dma_wait3A_141] : memref<10240x128xf32, #tpu.memory_space<vmem_shared>> -> memref<64x128xf32, #tpu.memory_space<vmem_shared>>
      tpu.wait_dma2 semaphore(%run_scoped3A : memref<!tpu.dma_semaphore, #tpu.memory_space<semaphore_mem>>) src(%arg11 : memref<64x128xf32, #tpu.memory_space<vmem>>) dst(%dma_wait3A_142 : memref<64x128xf32, #tpu.memory_space<vmem_shared>>)
      tpu.yield
    }) : () -> ()
    %mul3A_34 = arith.constant 640 : i32
    %mul3A_35 = arith.muli %arg1, %mul3A_34 : i32
    %add3A_36 = arith.constant 256 : i32
    %add3A_37 = arith.addi %mul3A_35, %add3A_36 : i32
    "tpu.region"() ({
      %run_scoped3A = tpu.sem_alloc : memref<!tpu.dma_semaphore, #tpu.memory_space<semaphore_mem>>
      %dma_start3A_135 = arith.constant 0 : i32
      %dma_start3A_136 = tpu.memref_slice %arg15[%add3A_37, %dma_start3A_135] : memref<10240x128xf32, #tpu.memory_space<vmem_shared>> -> memref<64x128xf32, #tpu.memory_space<vmem_shared>>
      %dma_start3A_137 = arith.constant 0 : i32
      %dma_start3A_138 = tpu.memref_slice %arg15[%add3A_37, %dma_start3A_137] : memref<10240x128xf32, #tpu.memory_space<vmem_shared>> -> memref<64x128xf32, #tpu.memory_space<vmem_shared>>
      tpu.enqueue_dma source(%arg11 : memref<64x128xf32, #tpu.memory_space<vmem>>) target(%dma_start3A_138 : memref<64x128xf32, #tpu.memory_space<vmem_shared>>) target_semaphore(%run_scoped3A : memref<!tpu.dma_semaphore, #tpu.memory_space<semaphore_mem>>)
      %dma_wait3A_139 = arith.constant 0 : i32
      %dma_wait3A_140 = tpu.memref_slice %arg15[%add3A_37, %dma_wait3A_139] : memref<10240x128xf32, #tpu.memory_space<vmem_shared>> -> memref<64x128xf32, #tpu.memory_space<vmem_shared>>
      %dma_wait3A_141 = arith.constant 0 : i32
      %dma_wait3A_142 = tpu.memref_slice %arg15[%add3A_37, %dma_wait3A_141] : memref<10240x128xf32, #tpu.memory_space<vmem_shared>> -> memref<64x128xf32, #tpu.memory_space<vmem_shared>>
      tpu.wait_dma2 semaphore(%run_scoped3A : memref<!tpu.dma_semaphore, #tpu.memory_space<semaphore_mem>>) src(%arg11 : memref<64x128xf32, #tpu.memory_space<vmem>>) dst(%dma_wait3A_142 : memref<64x128xf32, #tpu.memory_space<vmem_shared>>)
      tpu.yield
    }) : () -> ()
    %mul3A_38 = arith.constant 640 : i32
    %mul3A_39 = arith.muli %arg1, %mul3A_38 : i32
    %add3A_40 = arith.constant 320 : i32
    %add3A_41 = arith.addi %mul3A_39, %add3A_40 : i32
    "tpu.region"() ({
      %run_scoped3A = tpu.sem_alloc : memref<!tpu.dma_semaphore, #tpu.memory_space<semaphore_mem>>
      %dma_start3A_135 = arith.constant 0 : i32
      %dma_start3A_136 = tpu.memref_slice %arg15[%add3A_41, %dma_start3A_135] : memref<10240x128xf32, #tpu.memory_space<vmem_shared>> -> memref<64x128xf32, #tpu.memory_space<vmem_shared>>
      %dma_start3A_137 = arith.constant 0 : i32
      %dma_start3A_138 = tpu.memref_slice %arg15[%add3A_41, %dma_start3A_137] : memref<10240x128xf32, #tpu.memory_space<vmem_shared>> -> memref<64x128xf32, #tpu.memory_space<vmem_shared>>
      tpu.enqueue_dma source(%arg11 : memref<64x128xf32, #tpu.memory_space<vmem>>) target(%dma_start3A_138 : memref<64x128xf32, #tpu.memory_space<vmem_shared>>) target_semaphore(%run_scoped3A : memref<!tpu.dma_semaphore, #tpu.memory_space<semaphore_mem>>)
      %dma_wait3A_139 = arith.constant 0 : i32
      %dma_wait3A_140 = tpu.memref_slice %arg15[%add3A_41, %dma_wait3A_139] : memref<10240x128xf32, #tpu.memory_space<vmem_shared>> -> memref<64x128xf32, #tpu.memory_space<vmem_shared>>
      %dma_wait3A_141 = arith.constant 0 : i32
      %dma_wait3A_142 = tpu.memref_slice %arg15[%add3A_41, %dma_wait3A_141] : memref<10240x128xf32, #tpu.memory_space<vmem_shared>> -> memref<64x128xf32, #tpu.memory_space<vmem_shared>>
      tpu.wait_dma2 semaphore(%run_scoped3A : memref<!tpu.dma_semaphore, #tpu.memory_space<semaphore_mem>>) src(%arg11 : memref<64x128xf32, #tpu.memory_space<vmem>>) dst(%dma_wait3A_142 : memref<64x128xf32, #tpu.memory_space<vmem_shared>>)
      tpu.yield
    }) : () -> ()
    %mul3A_42 = arith.constant 640 : i32
    %mul3A_43 = arith.muli %arg1, %mul3A_42 : i32
    %add3A_44 = arith.constant 384 : i32
    %add3A_45 = arith.addi %mul3A_43, %add3A_44 : i32
    "tpu.region"() ({
      %run_scoped3A = tpu.sem_alloc : memref<!tpu.dma_semaphore, #tpu.memory_space<semaphore_mem>>
      %dma_start3A_135 = arith.constant 0 : i32
      %dma_start3A_136 = tpu.memref_slice %arg15[%add3A_45, %dma_start3A_135] : memref<10240x128xf32, #tpu.memory_space<vmem_shared>> -> memref<64x128xf32, #tpu.memory_space<vmem_shared>>
      %dma_start3A_137 = arith.constant 0 : i32
      %dma_start3A_138 = tpu.memref_slice %arg15[%add3A_45, %dma_start3A_137] : memref<10240x128xf32, #tpu.memory_space<vmem_shared>> -> memref<64x128xf32, #tpu.memory_space<vmem_shared>>
      tpu.enqueue_dma source(%arg11 : memref<64x128xf32, #tpu.memory_space<vmem>>) target(%dma_start3A_138 : memref<64x128xf32, #tpu.memory_space<vmem_shared>>) target_semaphore(%run_scoped3A : memref<!tpu.dma_semaphore, #tpu.memory_space<semaphore_mem>>)
      %dma_wait3A_139 = arith.constant 0 : i32
      %dma_wait3A_140 = tpu.memref_slice %arg15[%add3A_45, %dma_wait3A_139] : memref<10240x128xf32, #tpu.memory_space<vmem_shared>> -> memref<64x128xf32, #tpu.memory_space<vmem_shared>>
      %dma_wait3A_141 = arith.constant 0 : i32
      %dma_wait3A_142 = tpu.memref_slice %arg15[%add3A_45, %dma_wait3A_141] : memref<10240x128xf32, #tpu.memory_space<vmem_shared>> -> memref<64x128xf32, #tpu.memory_space<vmem_shared>>
      tpu.wait_dma2 semaphore(%run_scoped3A : memref<!tpu.dma_semaphore, #tpu.memory_space<semaphore_mem>>) src(%arg11 : memref<64x128xf32, #tpu.memory_space<vmem>>) dst(%dma_wait3A_142 : memref<64x128xf32, #tpu.memory_space<vmem_shared>>)
      tpu.yield
    }) : () -> ()
    %mul3A_46 = arith.constant 640 : i32
    %mul3A_47 = arith.muli %arg1, %mul3A_46 : i32
    %add3A_48 = arith.constant 448 : i32
    %add3A_49 = arith.addi %mul3A_47, %add3A_48 : i32
    "tpu.region"() ({
      %run_scoped3A = tpu.sem_alloc : memref<!tpu.dma_semaphore, #tpu.memory_space<semaphore_mem>>
      %dma_start3A_135 = arith.constant 0 : i32
      %dma_start3A_136 = tpu.memref_slice %arg15[%add3A_49, %dma_start3A_135] : memref<10240x128xf32, #tpu.memory_space<vmem_shared>> -> memref<64x128xf32, #tpu.memory_space<vmem_shared>>
      %dma_start3A_137 = arith.constant 0 : i32
      %dma_start3A_138 = tpu.memref_slice %arg15[%add3A_49, %dma_start3A_137] : memref<10240x128xf32, #tpu.memory_space<vmem_shared>> -> memref<64x128xf32, #tpu.memory_space<vmem_shared>>
      tpu.enqueue_dma source(%arg11 : memref<64x128xf32, #tpu.memory_space<vmem>>) target(%dma_start3A_138 : memref<64x128xf32, #tpu.memory_space<vmem_shared>>) target_semaphore(%run_scoped3A : memref<!tpu.dma_semaphore, #tpu.memory_space<semaphore_mem>>)
      %dma_wait3A_139 = arith.constant 0 : i32
      %dma_wait3A_140 = tpu.memref_slice %arg15[%add3A_49, %dma_wait3A_139] : memref<10240x128xf32, #tpu.memory_space<vmem_shared>> -> memref<64x128xf32, #tpu.memory_space<vmem_shared>>
      %dma_wait3A_141 = arith.constant 0 : i32
      %dma_wait3A_142 = tpu.memref_slice %arg15[%add3A_49, %dma_wait3A_141] : memref<10240x128xf32, #tpu.memory_space<vmem_shared>> -> memref<64x128xf32, #tpu.memory_space<vmem_shared>>
      tpu.wait_dma2 semaphore(%run_scoped3A : memref<!tpu.dma_semaphore, #tpu.memory_space<semaphore_mem>>) src(%arg11 : memref<64x128xf32, #tpu.memory_space<vmem>>) dst(%dma_wait3A_142 : memref<64x128xf32, #tpu.memory_space<vmem_shared>>)
      tpu.yield
    }) : () -> ()
    %mul3A_50 = arith.constant 640 : i32
    %mul3A_51 = arith.muli %arg1, %mul3A_50 : i32
    %add3A_52 = arith.constant 512 : i32
    %add3A_53 = arith.addi %mul3A_51, %add3A_52 : i32
    "tpu.region"() ({
      %run_scoped3A = tpu.sem_alloc : memref<!tpu.dma_semaphore, #tpu.memory_space<semaphore_mem>>
      %dma_start3A_135 = arith.constant 0 : i32
      %dma_start3A_136 = tpu.memref_slice %arg15[%add3A_53, %dma_start3A_135] : memref<10240x128xf32, #tpu.memory_space<vmem_shared>> -> memref<64x128xf32, #tpu.memory_space<vmem_shared>>
      %dma_start3A_137 = arith.constant 0 : i32
      %dma_start3A_138 = tpu.memref_slice %arg15[%add3A_53, %dma_start3A_137] : memref<10240x128xf32, #tpu.memory_space<vmem_shared>> -> memref<64x128xf32, #tpu.memory_space<vmem_shared>>
      tpu.enqueue_dma source(%arg11 : memref<64x128xf32, #tpu.memory_space<vmem>>) target(%dma_start3A_138 : memref<64x128xf32, #tpu.memory_space<vmem_shared>>) target_semaphore(%run_scoped3A : memref<!tpu.dma_semaphore, #tpu.memory_space<semaphore_mem>>)
      %dma_wait3A_139 = arith.constant 0 : i32
      %dma_wait3A_140 = tpu.memref_slice %arg15[%add3A_53, %dma_wait3A_139] : memref<10240x128xf32, #tpu.memory_space<vmem_shared>> -> memref<64x128xf32, #tpu.memory_space<vmem_shared>>
      %dma_wait3A_141 = arith.constant 0 : i32
      %dma_wait3A_142 = tpu.memref_slice %arg15[%add3A_53, %dma_wait3A_141] : memref<10240x128xf32, #tpu.memory_space<vmem_shared>> -> memref<64x128xf32, #tpu.memory_space<vmem_shared>>
      tpu.wait_dma2 semaphore(%run_scoped3A : memref<!tpu.dma_semaphore, #tpu.memory_space<semaphore_mem>>) src(%arg11 : memref<64x128xf32, #tpu.memory_space<vmem>>) dst(%dma_wait3A_142 : memref<64x128xf32, #tpu.memory_space<vmem_shared>>)
      tpu.yield
    }) : () -> ()
    %mul3A_54 = arith.constant 640 : i32
    %mul3A_55 = arith.muli %arg1, %mul3A_54 : i32
    %add3A_56 = arith.constant 576 : i32
    %add3A_57 = arith.addi %mul3A_55, %add3A_56 : i32
    "tpu.region"() ({
      %run_scoped3A = tpu.sem_alloc : memref<!tpu.dma_semaphore, #tpu.memory_space<semaphore_mem>>
      %dma_start3A_135 = arith.constant 0 : i32
      %dma_start3A_136 = tpu.memref_slice %arg15[%add3A_57, %dma_start3A_135] : memref<10240x128xf32, #tpu.memory_space<vmem_shared>> -> memref<64x128xf32, #tpu.memory_space<vmem_shared>>
      %dma_start3A_137 = arith.constant 0 : i32
      %dma_start3A_138 = tpu.memref_slice %arg15[%add3A_57, %dma_start3A_137] : memref<10240x128xf32, #tpu.memory_space<vmem_shared>> -> memref<64x128xf32, #tpu.memory_space<vmem_shared>>
      tpu.enqueue_dma source(%arg11 : memref<64x128xf32, #tpu.memory_space<vmem>>) target(%dma_start3A_138 : memref<64x128xf32, #tpu.memory_space<vmem_shared>>) target_semaphore(%run_scoped3A : memref<!tpu.dma_semaphore, #tpu.memory_space<semaphore_mem>>)
      %dma_wait3A_139 = arith.constant 0 : i32
      %dma_wait3A_140 = tpu.memref_slice %arg15[%add3A_57, %dma_wait3A_139] : memref<10240x128xf32, #tpu.memory_space<vmem_shared>> -> memref<64x128xf32, #tpu.memory_space<vmem_shared>>
      %dma_wait3A_141 = arith.constant 0 : i32
      %dma_wait3A_142 = tpu.memref_slice %arg15[%add3A_57, %dma_wait3A_141] : memref<10240x128xf32, #tpu.memory_space<vmem_shared>> -> memref<64x128xf32, #tpu.memory_space<vmem_shared>>
      tpu.wait_dma2 semaphore(%run_scoped3A : memref<!tpu.dma_semaphore, #tpu.memory_space<semaphore_mem>>) src(%arg11 : memref<64x128xf32, #tpu.memory_space<vmem>>) dst(%dma_wait3A_142 : memref<64x128xf32, #tpu.memory_space<vmem_shared>>)
      tpu.yield
    }) : () -> ()
    %barrier3A = arith.constant 0 : index
    tpu.barrier barrier_id(%barrier3A)
    %while3A = arith.constant 0 : i32
    %while3A_58 = arith.constant 0 : i32
    %while3A_59 = arith.subi %select_n3A_8, %while3A_58 : i32
    %while3A_60 = arith.addi %while3A_58, %while3A_59 : i32
    %while3A_61 = arith.constant 1 : i32
    %while3A_62 = arith.divsi %while3A_59, %while3A_61 : i32
    %while3A_63 = arith.muli %while3A_62, %while3A_61 : i32
    %while3A_64 = arith.addi %while3A_58, %while3A_63 : i32
    %while3A_65 = arith.constant 1 : i32
    scf.for %while3A_135 = %while3A_58 to %while3A_64 step %while3A_65  : i32 {
      %dma_wait3A_136 = arith.constant 0 : i32
      %dma_wait3A_137 = tpu.memref_slice %arg3[%select_n3A, %dma_wait3A_136] : memref<5120x64xi32, #tpu.memory_space<hbm>> -> memref<4x64xi32, #tpu.memory_space<hbm>>
      %dma_wait3A_138 = arith.constant 0 : i32
      %dma_wait3A_139 = tpu.memref_slice %arg3[%select_n3A, %dma_wait3A_138] : memref<5120x64xi32, #tpu.memory_space<hbm>> -> memref<4x64xi32, #tpu.memory_space<hbm>>
      tpu.wait_dma2 semaphore(%arg24 : memref<!tpu.dma_semaphore, #tpu.memory_space<semaphore_mem>>) src(%dma_wait3A_139 : memref<4x64xi32, #tpu.memory_space<hbm>>) dst(%arg7 : memref<4x64xi32, #tpu.memory_space<vmem>>)
      %dma_wait3A_140 = arith.constant 0 : i32
      %dma_wait3A_141 = tpu.memref_slice %arg4[%select_n3A, %dma_wait3A_140] : memref<5120x64xi32, #tpu.memory_space<hbm>> -> memref<4x64xi32, #tpu.memory_space<hbm>>
      %dma_wait3A_142 = arith.constant 0 : i32
      %dma_wait3A_143 = tpu.memref_slice %arg4[%select_n3A, %dma_wait3A_142] : memref<5120x64xi32, #tpu.memory_space<hbm>> -> memref<4x64xi32, #tpu.memory_space<hbm>>
      tpu.wait_dma2 semaphore(%arg24 : memref<!tpu.dma_semaphore, #tpu.memory_space<semaphore_mem>>) src(%dma_wait3A_143 : memref<4x64xi32, #tpu.memory_space<hbm>>) dst(%arg9 : memref<4x64xi32, #tpu.memory_space<vmem>>)
      %gt3A = arith.constant 0 : i32
      %gt3A_144 = arith.cmpi sgt, %while3A_135, %gt3A : i32
      %convert_element_type3A = arith.extui %gt3A_144 : i1 to i32
      %cond3A = arith.constant 0 : i32
      %cond3A_145 = arith.cmpi ne, %convert_element_type3A, %cond3A : i32
      scf.if %cond3A_145 {
        %dma_wait3A_373 = arith.constant 0 : i32
        %dma_wait3A_374 = arith.constant 0 : i32
        %dma_wait3A_375 = tpu.memref_slice %arg9[%dma_wait3A_373, %dma_wait3A_374] : memref<4x64xi32, #tpu.memory_space<vmem>> -> memref<1x64xi32, #tpu.memory_space<vmem>>
        %dma_wait3A_376 = tpu.memref_squeeze %dma_wait3A_375 : memref<1x64xi32, #tpu.memory_space<vmem>> -> memref<64xi32, #tpu.memory_space<vmem>>
        %dma_wait3A_377 = arith.constant 0 : i32
        %dma_wait3A_378 = arith.constant 0 : i32
        %dma_wait3A_379 = tpu.memref_slice %arg15[%dma_wait3A_377, %dma_wait3A_378] : memref<10240x128xf32, #tpu.memory_space<vmem_shared>> -> memref<10240x128xf32, #tpu.memory_space<vmem_shared>>
        tpu.wait_indirect_dma semaphore(%arg20 : memref<!tpu.dma_semaphore, #tpu.memory_space<semaphore_mem>>) src(%arg11 : memref<64x128xf32, #tpu.memory_space<vmem>>) dst(%dma_wait3A_379 : memref<10240x128xf32, #tpu.memory_space<vmem_shared>>)
        %dma_wait3A_380 = arith.constant 1 : i32
        %dma_wait3A_381 = arith.constant 0 : i32
        %dma_wait3A_382 = tpu.memref_slice %arg9[%dma_wait3A_380, %dma_wait3A_381] : memref<4x64xi32, #tpu.memory_space<vmem>> -> memref<1x64xi32, #tpu.memory_space<vmem>>
        %dma_wait3A_383 = tpu.memref_squeeze %dma_wait3A_382 : memref<1x64xi32, #tpu.memory_space<vmem>> -> memref<64xi32, #tpu.memory_space<vmem>>
        %dma_wait3A_384 = arith.constant 0 : i32
        %dma_wait3A_385 = arith.constant 0 : i32
        %dma_wait3A_386 = tpu.memref_slice %arg15[%dma_wait3A_384, %dma_wait3A_385] : memref<10240x128xf32, #tpu.memory_space<vmem_shared>> -> memref<10240x128xf32, #tpu.memory_space<vmem_shared>>
        tpu.wait_indirect_dma semaphore(%arg21 : memref<!tpu.dma_semaphore, #tpu.memory_space<semaphore_mem>>) src(%arg12 : memref<64x128xf32, #tpu.memory_space<vmem>>) dst(%dma_wait3A_386 : memref<10240x128xf32, #tpu.memory_space<vmem_shared>>)
        %dma_wait3A_387 = arith.constant 2 : i32
        %dma_wait3A_388 = arith.constant 0 : i32
        %dma_wait3A_389 = tpu.memref_slice %arg9[%dma_wait3A_387, %dma_wait3A_388] : memref<4x64xi32, #tpu.memory_space<vmem>> -> memref<1x64xi32, #tpu.memory_space<vmem>>
        %dma_wait3A_390 = tpu.memref_squeeze %dma_wait3A_389 : memref<1x64xi32, #tpu.memory_space<vmem>> -> memref<64xi32, #tpu.memory_space<vmem>>
        %dma_wait3A_391 = arith.constant 0 : i32
        %dma_wait3A_392 = arith.constant 0 : i32
        %dma_wait3A_393 = tpu.memref_slice %arg15[%dma_wait3A_391, %dma_wait3A_392] : memref<10240x128xf32, #tpu.memory_space<vmem_shared>> -> memref<10240x128xf32, #tpu.memory_space<vmem_shared>>
        tpu.wait_indirect_dma semaphore(%arg22 : memref<!tpu.dma_semaphore, #tpu.memory_space<semaphore_mem>>) src(%arg13 : memref<64x128xf32, #tpu.memory_space<vmem>>) dst(%dma_wait3A_393 : memref<10240x128xf32, #tpu.memory_space<vmem_shared>>)
        %dma_wait3A_394 = arith.constant 3 : i32
        %dma_wait3A_395 = arith.constant 0 : i32
        %dma_wait3A_396 = tpu.memref_slice %arg9[%dma_wait3A_394, %dma_wait3A_395] : memref<4x64xi32, #tpu.memory_space<vmem>> -> memref<1x64xi32, #tpu.memory_space<vmem>>
        %dma_wait3A_397 = tpu.memref_squeeze %dma_wait3A_396 : memref<1x64xi32, #tpu.memory_space<vmem>> -> memref<64xi32, #tpu.memory_space<vmem>>
        %dma_wait3A_398 = arith.constant 0 : i32
        %dma_wait3A_399 = arith.constant 0 : i32
        %dma_wait3A_400 = tpu.memref_slice %arg15[%dma_wait3A_398, %dma_wait3A_399] : memref<10240x128xf32, #tpu.memory_space<vmem_shared>> -> memref<10240x128xf32, #tpu.memory_space<vmem_shared>>
        tpu.wait_indirect_dma semaphore(%arg23 : memref<!tpu.dma_semaphore, #tpu.memory_space<semaphore_mem>>) src(%arg14 : memref<64x128xf32, #tpu.memory_space<vmem>>) dst(%dma_wait3A_400 : memref<10240x128xf32, #tpu.memory_space<vmem_shared>>)
      } else {
      }
      %mul3A_146 = arith.constant 2 : i32
      %mul3A_147 = arith.muli %mul3A_146, %while3A_135 : i32
      %add3A_148 = arith.constant 1 : i32
      %add3A_149 = arith.addi %mul3A_147, %add3A_148 : i32
      %mul3A_150 = arith.constant 4 : i32
      %mul3A_151 = arith.muli %add3A_149, %mul3A_150 : i32
      %add3A_152 = arith.addi %select_n3A, %mul3A_151 : i32
      %dma_start3A_153 = arith.constant 0 : i32
      %dma_start3A_154 = tpu.memref_slice %arg3[%add3A_152, %dma_start3A_153] : memref<5120x64xi32, #tpu.memory_space<hbm>> -> memref<4x64xi32, #tpu.memory_space<hbm>>
      %dma_start3A_155 = arith.constant 0 : i32
      %dma_start3A_156 = tpu.memref_slice %arg3[%add3A_152, %dma_start3A_155] : memref<5120x64xi32, #tpu.memory_space<hbm>> -> memref<4x64xi32, #tpu.memory_space<hbm>>
      tpu.enqueue_dma source(%dma_start3A_156 : memref<4x64xi32, #tpu.memory_space<hbm>>) target(%arg8 : memref<4x64xi32, #tpu.memory_space<vmem>>) target_semaphore(%arg25 : memref<!tpu.dma_semaphore, #tpu.memory_space<semaphore_mem>>)
      %dma_start3A_157 = arith.constant 0 : i32
      %dma_start3A_158 = tpu.memref_slice %arg4[%add3A_152, %dma_start3A_157] : memref<5120x64xi32, #tpu.memory_space<hbm>> -> memref<4x64xi32, #tpu.memory_space<hbm>>
      %dma_start3A_159 = arith.constant 0 : i32
      %dma_start3A_160 = tpu.memref_slice %arg4[%add3A_152, %dma_start3A_159] : memref<5120x64xi32, #tpu.memory_space<hbm>> -> memref<4x64xi32, #tpu.memory_space<hbm>>
      tpu.enqueue_dma source(%dma_start3A_160 : memref<4x64xi32, #tpu.memory_space<hbm>>) target(%arg10 : memref<4x64xi32, #tpu.memory_space<vmem>>) target_semaphore(%arg25 : memref<!tpu.dma_semaphore, #tpu.memory_space<semaphore_mem>>)
      %dma_start3A_161 = arith.constant 0 : i32
      %dma_start3A_162 = arith.constant 0 : i32
      %dma_start3A_163 = tpu.memref_slice %arg7[%dma_start3A_161, %dma_start3A_162] : memref<4x64xi32, #tpu.memory_space<vmem>> -> memref<1x64xi32, #tpu.memory_space<vmem>>
      %dma_start3A_164 = tpu.memref_squeeze %dma_start3A_163 : memref<1x64xi32, #tpu.memory_space<vmem>> -> memref<64xi32, #tpu.memory_space<vmem>>
      %dma_start3A_165 = arith.constant 0 : i32
      %dma_start3A_166 = arith.constant 0 : i32
      %dma_start3A_167 = tpu.memref_slice %arg2[%dma_start3A_165, %dma_start3A_166] : memref<10240x128xf32, #tpu.memory_space<hbm>> -> memref<10240x128xf32, #tpu.memory_space<hbm>>
      tpu.enqueue_indirect_dma source(%dma_start3A_167 : memref<10240x128xf32, #tpu.memory_space<hbm>>) target(%arg11 : memref<64x128xf32, #tpu.memory_space<vmem>>) offsets(%dma_start3A_164 : memref<64xi32, #tpu.memory_space<vmem>>) semaphore(%arg16 : memref<!tpu.dma_semaphore, #tpu.memory_space<semaphore_mem>>)
      %dma_start3A_168 = arith.constant 1 : i32
      %dma_start3A_169 = arith.constant 0 : i32
      %dma_start3A_170 = tpu.memref_slice %arg7[%dma_start3A_168, %dma_start3A_169] : memref<4x64xi32, #tpu.memory_space<vmem>> -> memref<1x64xi32, #tpu.memory_space<vmem>>
      %dma_start3A_171 = tpu.memref_squeeze %dma_start3A_170 : memref<1x64xi32, #tpu.memory_space<vmem>> -> memref<64xi32, #tpu.memory_space<vmem>>
      %dma_start3A_172 = arith.constant 0 : i32
      %dma_start3A_173 = arith.constant 0 : i32
      %dma_start3A_174 = tpu.memref_slice %arg2[%dma_start3A_172, %dma_start3A_173] : memref<10240x128xf32, #tpu.memory_space<hbm>> -> memref<10240x128xf32, #tpu.memory_space<hbm>>
      tpu.enqueue_indirect_dma source(%dma_start3A_174 : memref<10240x128xf32, #tpu.memory_space<hbm>>) target(%arg12 : memref<64x128xf32, #tpu.memory_space<vmem>>) offsets(%dma_start3A_171 : memref<64xi32, #tpu.memory_space<vmem>>) semaphore(%arg17 : memref<!tpu.dma_semaphore, #tpu.memory_space<semaphore_mem>>)
      %dma_start3A_175 = arith.constant 2 : i32
      %dma_start3A_176 = arith.constant 0 : i32
      %dma_start3A_177 = tpu.memref_slice %arg7[%dma_start3A_175, %dma_start3A_176] : memref<4x64xi32, #tpu.memory_space<vmem>> -> memref<1x64xi32, #tpu.memory_space<vmem>>
      %dma_start3A_178 = tpu.memref_squeeze %dma_start3A_177 : memref<1x64xi32, #tpu.memory_space<vmem>> -> memref<64xi32, #tpu.memory_space<vmem>>
      %dma_start3A_179 = arith.constant 0 : i32
      %dma_start3A_180 = arith.constant 0 : i32
      %dma_start3A_181 = tpu.memref_slice %arg2[%dma_start3A_179, %dma_start3A_180] : memref<10240x128xf32, #tpu.memory_space<hbm>> -> memref<10240x128xf32, #tpu.memory_space<hbm>>
      tpu.enqueue_indirect_dma source(%dma_start3A_181 : memref<10240x128xf32, #tpu.memory_space<hbm>>) target(%arg13 : memref<64x128xf32, #tpu.memory_space<vmem>>) offsets(%dma_start3A_178 : memref<64xi32, #tpu.memory_space<vmem>>) semaphore(%arg18 : memref<!tpu.dma_semaphore, #tpu.memory_space<semaphore_mem>>)
      %dma_start3A_182 = arith.constant 3 : i32
      %dma_start3A_183 = arith.constant 0 : i32
      %dma_start3A_184 = tpu.memref_slice %arg7[%dma_start3A_182, %dma_start3A_183] : memref<4x64xi32, #tpu.memory_space<vmem>> -> memref<1x64xi32, #tpu.memory_space<vmem>>
      %dma_start3A_185 = tpu.memref_squeeze %dma_start3A_184 : memref<1x64xi32, #tpu.memory_space<vmem>> -> memref<64xi32, #tpu.memory_space<vmem>>
      %dma_start3A_186 = arith.constant 0 : i32
      %dma_start3A_187 = arith.constant 0 : i32
      %dma_start3A_188 = tpu.memref_slice %arg2[%dma_start3A_186, %dma_start3A_187] : memref<10240x128xf32, #tpu.memory_space<hbm>> -> memref<10240x128xf32, #tpu.memory_space<hbm>>
      tpu.enqueue_indirect_dma source(%dma_start3A_188 : memref<10240x128xf32, #tpu.memory_space<hbm>>) target(%arg14 : memref<64x128xf32, #tpu.memory_space<vmem>>) offsets(%dma_start3A_185 : memref<64xi32, #tpu.memory_space<vmem>>) semaphore(%arg19 : memref<!tpu.dma_semaphore, #tpu.memory_space<semaphore_mem>>)
      %dma_wait3A_189 = arith.constant 0 : i32
      %dma_wait3A_190 = arith.constant 0 : i32
      %dma_wait3A_191 = tpu.memref_slice %arg7[%dma_wait3A_189, %dma_wait3A_190] : memref<4x64xi32, #tpu.memory_space<vmem>> -> memref<1x64xi32, #tpu.memory_space<vmem>>
      %dma_wait3A_192 = tpu.memref_squeeze %dma_wait3A_191 : memref<1x64xi32, #tpu.memory_space<vmem>> -> memref<64xi32, #tpu.memory_space<vmem>>
      %dma_wait3A_193 = arith.constant 0 : i32
      %dma_wait3A_194 = arith.constant 0 : i32
      %dma_wait3A_195 = tpu.memref_slice %arg2[%dma_wait3A_193, %dma_wait3A_194] : memref<10240x128xf32, #tpu.memory_space<hbm>> -> memref<10240x128xf32, #tpu.memory_space<hbm>>
      tpu.wait_indirect_dma semaphore(%arg16 : memref<!tpu.dma_semaphore, #tpu.memory_space<semaphore_mem>>) src(%dma_wait3A_195 : memref<10240x128xf32, #tpu.memory_space<hbm>>) dst(%arg11 : memref<64x128xf32, #tpu.memory_space<vmem>>)
      %dma_start3A_196 = arith.constant 0 : i32
      %dma_start3A_197 = arith.constant 0 : i32
      %dma_start3A_198 = tpu.memref_slice %arg9[%dma_start3A_196, %dma_start3A_197] : memref<4x64xi32, #tpu.memory_space<vmem>> -> memref<1x64xi32, #tpu.memory_space<vmem>>
      %dma_start3A_199 = tpu.memref_squeeze %dma_start3A_198 : memref<1x64xi32, #tpu.memory_space<vmem>> -> memref<64xi32, #tpu.memory_space<vmem>>
      %dma_start3A_200 = arith.constant 0 : i32
      %dma_start3A_201 = arith.constant 0 : i32
      %dma_start3A_202 = tpu.memref_slice %arg15[%dma_start3A_200, %dma_start3A_201] : memref<10240x128xf32, #tpu.memory_space<vmem_shared>> -> memref<10240x128xf32, #tpu.memory_space<vmem_shared>>
      tpu.enqueue_indirect_dma source(%arg11 : memref<64x128xf32, #tpu.memory_space<vmem>>) target(%dma_start3A_202 : memref<10240x128xf32, #tpu.memory_space<vmem_shared>>) offsets(%dma_start3A_199 : memref<64xi32, #tpu.memory_space<vmem>>) semaphore(%arg20 : memref<!tpu.dma_semaphore, #tpu.memory_space<semaphore_mem>>) {add = true}
      %dma_wait3A_203 = arith.constant 1 : i32
      %dma_wait3A_204 = arith.constant 0 : i32
      %dma_wait3A_205 = tpu.memref_slice %arg7[%dma_wait3A_203, %dma_wait3A_204] : memref<4x64xi32, #tpu.memory_space<vmem>> -> memref<1x64xi32, #tpu.memory_space<vmem>>
      %dma_wait3A_206 = tpu.memref_squeeze %dma_wait3A_205 : memref<1x64xi32, #tpu.memory_space<vmem>> -> memref<64xi32, #tpu.memory_space<vmem>>
      %dma_wait3A_207 = arith.constant 0 : i32
      %dma_wait3A_208 = arith.constant 0 : i32
      %dma_wait3A_209 = tpu.memref_slice %arg2[%dma_wait3A_207, %dma_wait3A_208] : memref<10240x128xf32, #tpu.memory_space<hbm>> -> memref<10240x128xf32, #tpu.memory_space<hbm>>
      tpu.wait_indirect_dma semaphore(%arg17 : memref<!tpu.dma_semaphore, #tpu.memory_space<semaphore_mem>>) src(%dma_wait3A_209 : memref<10240x128xf32, #tpu.memory_space<hbm>>) dst(%arg12 : memref<64x128xf32, #tpu.memory_space<vmem>>)
      %dma_start3A_210 = arith.constant 1 : i32
      %dma_start3A_211 = arith.constant 0 : i32
      %dma_start3A_212 = tpu.memref_slice %arg9[%dma_start3A_210, %dma_start3A_211] : memref<4x64xi32, #tpu.memory_space<vmem>> -> memref<1x64xi32, #tpu.memory_space<vmem>>
      %dma_start3A_213 = tpu.memref_squeeze %dma_start3A_212 : memref<1x64xi32, #tpu.memory_space<vmem>> -> memref<64xi32, #tpu.memory_space<vmem>>
      %dma_start3A_214 = arith.constant 0 : i32
      %dma_start3A_215 = arith.constant 0 : i32
      %dma_start3A_216 = tpu.memref_slice %arg15[%dma_start3A_214, %dma_start3A_215] : memref<10240x128xf32, #tpu.memory_space<vmem_shared>> -> memref<10240x128xf32, #tpu.memory_space<vmem_shared>>
      tpu.enqueue_indirect_dma source(%arg12 : memref<64x128xf32, #tpu.memory_space<vmem>>) target(%dma_start3A_216 : memref<10240x128xf32, #tpu.memory_space<vmem_shared>>) offsets(%dma_start3A_213 : memref<64xi32, #tpu.memory_space<vmem>>) semaphore(%arg21 : memref<!tpu.dma_semaphore, #tpu.memory_space<semaphore_mem>>) {add = true}
      %dma_wait3A_217 = arith.constant 2 : i32
      %dma_wait3A_218 = arith.constant 0 : i32
      %dma_wait3A_219 = tpu.memref_slice %arg7[%dma_wait3A_217, %dma_wait3A_218] : memref<4x64xi32, #tpu.memory_space<vmem>> -> memref<1x64xi32, #tpu.memory_space<vmem>>
      %dma_wait3A_220 = tpu.memref_squeeze %dma_wait3A_219 : memref<1x64xi32, #tpu.memory_space<vmem>> -> memref<64xi32, #tpu.memory_space<vmem>>
      %dma_wait3A_221 = arith.constant 0 : i32
      %dma_wait3A_222 = arith.constant 0 : i32
      %dma_wait3A_223 = tpu.memref_slice %arg2[%dma_wait3A_221, %dma_wait3A_222] : memref<10240x128xf32, #tpu.memory_space<hbm>> -> memref<10240x128xf32, #tpu.memory_space<hbm>>
      tpu.wait_indirect_dma semaphore(%arg18 : memref<!tpu.dma_semaphore, #tpu.memory_space<semaphore_mem>>) src(%dma_wait3A_223 : memref<10240x128xf32, #tpu.memory_space<hbm>>) dst(%arg13 : memref<64x128xf32, #tpu.memory_space<vmem>>)
      %dma_start3A_224 = arith.constant 2 : i32
      %dma_start3A_225 = arith.constant 0 : i32
      %dma_start3A_226 = tpu.memref_slice %arg9[%dma_start3A_224, %dma_start3A_225] : memref<4x64xi32, #tpu.memory_space<vmem>> -> memref<1x64xi32, #tpu.memory_space<vmem>>
      %dma_start3A_227 = tpu.memref_squeeze %dma_start3A_226 : memref<1x64xi32, #tpu.memory_space<vmem>> -> memref<64xi32, #tpu.memory_space<vmem>>
      %dma_start3A_228 = arith.constant 0 : i32
      %dma_start3A_229 = arith.constant 0 : i32
      %dma_start3A_230 = tpu.memref_slice %arg15[%dma_start3A_228, %dma_start3A_229] : memref<10240x128xf32, #tpu.memory_space<vmem_shared>> -> memref<10240x128xf32, #tpu.memory_space<vmem_shared>>
      tpu.enqueue_indirect_dma source(%arg13 : memref<64x128xf32, #tpu.memory_space<vmem>>) target(%dma_start3A_230 : memref<10240x128xf32, #tpu.memory_space<vmem_shared>>) offsets(%dma_start3A_227 : memref<64xi32, #tpu.memory_space<vmem>>) semaphore(%arg22 : memref<!tpu.dma_semaphore, #tpu.memory_space<semaphore_mem>>) {add = true}
      %dma_wait3A_231 = arith.constant 3 : i32
      %dma_wait3A_232 = arith.constant 0 : i32
      %dma_wait3A_233 = tpu.memref_slice %arg7[%dma_wait3A_231, %dma_wait3A_232] : memref<4x64xi32, #tpu.memory_space<vmem>> -> memref<1x64xi32, #tpu.memory_space<vmem>>
      %dma_wait3A_234 = tpu.memref_squeeze %dma_wait3A_233 : memref<1x64xi32, #tpu.memory_space<vmem>> -> memref<64xi32, #tpu.memory_space<vmem>>
      %dma_wait3A_235 = arith.constant 0 : i32
      %dma_wait3A_236 = arith.constant 0 : i32
      %dma_wait3A_237 = tpu.memref_slice %arg2[%dma_wait3A_235, %dma_wait3A_236] : memref<10240x128xf32, #tpu.memory_space<hbm>> -> memref<10240x128xf32, #tpu.memory_space<hbm>>
      tpu.wait_indirect_dma semaphore(%arg19 : memref<!tpu.dma_semaphore, #tpu.memory_space<semaphore_mem>>) src(%dma_wait3A_237 : memref<10240x128xf32, #tpu.memory_space<hbm>>) dst(%arg14 : memref<64x128xf32, #tpu.memory_space<vmem>>)
      %dma_start3A_238 = arith.constant 3 : i32
      %dma_start3A_239 = arith.constant 0 : i32
      %dma_start3A_240 = tpu.memref_slice %arg9[%dma_start3A_238, %dma_start3A_239] : memref<4x64xi32, #tpu.memory_space<vmem>> -> memref<1x64xi32, #tpu.memory_space<vmem>>
      %dma_start3A_241 = tpu.memref_squeeze %dma_start3A_240 : memref<1x64xi32, #tpu.memory_space<vmem>> -> memref<64xi32, #tpu.memory_space<vmem>>
      %dma_start3A_242 = arith.constant 0 : i32
      %dma_start3A_243 = arith.constant 0 : i32
      %dma_start3A_244 = tpu.memref_slice %arg15[%dma_start3A_242, %dma_start3A_243] : memref<10240x128xf32, #tpu.memory_space<vmem_shared>> -> memref<10240x128xf32, #tpu.memory_space<vmem_shared>>
      tpu.enqueue_indirect_dma source(%arg14 : memref<64x128xf32, #tpu.memory_space<vmem>>) target(%dma_start3A_244 : memref<10240x128xf32, #tpu.memory_space<vmem_shared>>) offsets(%dma_start3A_241 : memref<64xi32, #tpu.memory_space<vmem>>) semaphore(%arg23 : memref<!tpu.dma_semaphore, #tpu.memory_space<semaphore_mem>>) {add = true}
      %dma_wait3A_245 = arith.constant 0 : i32
      %dma_wait3A_246 = tpu.memref_slice %arg3[%select_n3A, %dma_wait3A_245] : memref<5120x64xi32, #tpu.memory_space<hbm>> -> memref<4x64xi32, #tpu.memory_space<hbm>>
      %dma_wait3A_247 = arith.constant 0 : i32
      %dma_wait3A_248 = tpu.memref_slice %arg3[%select_n3A, %dma_wait3A_247] : memref<5120x64xi32, #tpu.memory_space<hbm>> -> memref<4x64xi32, #tpu.memory_space<hbm>>
      tpu.wait_dma2 semaphore(%arg25 : memref<!tpu.dma_semaphore, #tpu.memory_space<semaphore_mem>>) src(%dma_wait3A_248 : memref<4x64xi32, #tpu.memory_space<hbm>>) dst(%arg8 : memref<4x64xi32, #tpu.memory_space<vmem>>)
      %dma_wait3A_249 = arith.constant 0 : i32
      %dma_wait3A_250 = tpu.memref_slice %arg4[%select_n3A, %dma_wait3A_249] : memref<5120x64xi32, #tpu.memory_space<hbm>> -> memref<4x64xi32, #tpu.memory_space<hbm>>
      %dma_wait3A_251 = arith.constant 0 : i32
      %dma_wait3A_252 = tpu.memref_slice %arg4[%select_n3A, %dma_wait3A_251] : memref<5120x64xi32, #tpu.memory_space<hbm>> -> memref<4x64xi32, #tpu.memory_space<hbm>>
      tpu.wait_dma2 semaphore(%arg25 : memref<!tpu.dma_semaphore, #tpu.memory_space<semaphore_mem>>) src(%dma_wait3A_252 : memref<4x64xi32, #tpu.memory_space<hbm>>) dst(%arg10 : memref<4x64xi32, #tpu.memory_space<vmem>>)
      %dma_wait3A_253 = arith.constant 0 : i32
      %dma_wait3A_254 = arith.constant 0 : i32
      %dma_wait3A_255 = tpu.memref_slice %arg10[%dma_wait3A_253, %dma_wait3A_254] : memref<4x64xi32, #tpu.memory_space<vmem>> -> memref<1x64xi32, #tpu.memory_space<vmem>>
      %dma_wait3A_256 = tpu.memref_squeeze %dma_wait3A_255 : memref<1x64xi32, #tpu.memory_space<vmem>> -> memref<64xi32, #tpu.memory_space<vmem>>
      %dma_wait3A_257 = arith.constant 0 : i32
      %dma_wait3A_258 = arith.constant 0 : i32
      %dma_wait3A_259 = tpu.memref_slice %arg15[%dma_wait3A_257, %dma_wait3A_258] : memref<10240x128xf32, #tpu.memory_space<vmem_shared>> -> memref<10240x128xf32, #tpu.memory_space<vmem_shared>>
      tpu.wait_indirect_dma semaphore(%arg20 : memref<!tpu.dma_semaphore, #tpu.memory_space<semaphore_mem>>) src(%arg11 : memref<64x128xf32, #tpu.memory_space<vmem>>) dst(%dma_wait3A_259 : memref<10240x128xf32, #tpu.memory_space<vmem_shared>>)
      %dma_wait3A_260 = arith.constant 1 : i32
      %dma_wait3A_261 = arith.constant 0 : i32
      %dma_wait3A_262 = tpu.memref_slice %arg10[%dma_wait3A_260, %dma_wait3A_261] : memref<4x64xi32, #tpu.memory_space<vmem>> -> memref<1x64xi32, #tpu.memory_space<vmem>>
      %dma_wait3A_263 = tpu.memref_squeeze %dma_wait3A_262 : memref<1x64xi32, #tpu.memory_space<vmem>> -> memref<64xi32, #tpu.memory_space<vmem>>
      %dma_wait3A_264 = arith.constant 0 : i32
      %dma_wait3A_265 = arith.constant 0 : i32
      %dma_wait3A_266 = tpu.memref_slice %arg15[%dma_wait3A_264, %dma_wait3A_265] : memref<10240x128xf32, #tpu.memory_space<vmem_shared>> -> memref<10240x128xf32, #tpu.memory_space<vmem_shared>>
      tpu.wait_indirect_dma semaphore(%arg21 : memref<!tpu.dma_semaphore, #tpu.memory_space<semaphore_mem>>) src(%arg12 : memref<64x128xf32, #tpu.memory_space<vmem>>) dst(%dma_wait3A_266 : memref<10240x128xf32, #tpu.memory_space<vmem_shared>>)
      %dma_wait3A_267 = arith.constant 2 : i32
      %dma_wait3A_268 = arith.constant 0 : i32
      %dma_wait3A_269 = tpu.memref_slice %arg10[%dma_wait3A_267, %dma_wait3A_268] : memref<4x64xi32, #tpu.memory_space<vmem>> -> memref<1x64xi32, #tpu.memory_space<vmem>>
      %dma_wait3A_270 = tpu.memref_squeeze %dma_wait3A_269 : memref<1x64xi32, #tpu.memory_space<vmem>> -> memref<64xi32, #tpu.memory_space<vmem>>
      %dma_wait3A_271 = arith.constant 0 : i32
      %dma_wait3A_272 = arith.constant 0 : i32
      %dma_wait3A_273 = tpu.memref_slice %arg15[%dma_wait3A_271, %dma_wait3A_272] : memref<10240x128xf32, #tpu.memory_space<vmem_shared>> -> memref<10240x128xf32, #tpu.memory_space<vmem_shared>>
      tpu.wait_indirect_dma semaphore(%arg22 : memref<!tpu.dma_semaphore, #tpu.memory_space<semaphore_mem>>) src(%arg13 : memref<64x128xf32, #tpu.memory_space<vmem>>) dst(%dma_wait3A_273 : memref<10240x128xf32, #tpu.memory_space<vmem_shared>>)
      %dma_wait3A_274 = arith.constant 3 : i32
      %dma_wait3A_275 = arith.constant 0 : i32
      %dma_wait3A_276 = tpu.memref_slice %arg10[%dma_wait3A_274, %dma_wait3A_275] : memref<4x64xi32, #tpu.memory_space<vmem>> -> memref<1x64xi32, #tpu.memory_space<vmem>>
      %dma_wait3A_277 = tpu.memref_squeeze %dma_wait3A_276 : memref<1x64xi32, #tpu.memory_space<vmem>> -> memref<64xi32, #tpu.memory_space<vmem>>
      %dma_wait3A_278 = arith.constant 0 : i32
      %dma_wait3A_279 = arith.constant 0 : i32
      %dma_wait3A_280 = tpu.memref_slice %arg15[%dma_wait3A_278, %dma_wait3A_279] : memref<10240x128xf32, #tpu.memory_space<vmem_shared>> -> memref<10240x128xf32, #tpu.memory_space<vmem_shared>>
      tpu.wait_indirect_dma semaphore(%arg23 : memref<!tpu.dma_semaphore, #tpu.memory_space<semaphore_mem>>) src(%arg14 : memref<64x128xf32, #tpu.memory_space<vmem>>) dst(%dma_wait3A_280 : memref<10240x128xf32, #tpu.memory_space<vmem_shared>>)
      %mul3A_281 = arith.constant 2 : i32
      %mul3A_282 = arith.muli %mul3A_281, %while3A_135 : i32
      %add3A_283 = arith.constant 2 : i32
      %add3A_284 = arith.addi %mul3A_282, %add3A_283 : i32
      %sub3A = arith.constant 1 : i32
      %sub3A_285 = arith.subi %select_n3A_8, %sub3A : i32
      %lt3A = arith.cmpi slt, %while3A_135, %sub3A_285 : i32
      %convert_element_type3A_286 = arith.extui %lt3A : i1 to i32
      %cond3A_287 = arith.constant 0 : i32
      %cond3A_288 = arith.cmpi ne, %convert_element_type3A_286, %cond3A_287 : i32
      scf.if %cond3A_288 {
        %mul3A_373 = arith.constant 4 : i32
        %mul3A_374 = arith.muli %add3A_284, %mul3A_373 : i32
        %add3A_375 = arith.addi %select_n3A, %mul3A_374 : i32
        %dma_start3A_376 = arith.constant 0 : i32
        %dma_start3A_377 = tpu.memref_slice %arg3[%add3A_375, %dma_start3A_376] : memref<5120x64xi32, #tpu.memory_space<hbm>> -> memref<4x64xi32, #tpu.memory_space<hbm>>
        %dma_start3A_378 = arith.constant 0 : i32
        %dma_start3A_379 = tpu.memref_slice %arg3[%add3A_375, %dma_start3A_378] : memref<5120x64xi32, #tpu.memory_space<hbm>> -> memref<4x64xi32, #tpu.memory_space<hbm>>
        tpu.enqueue_dma source(%dma_start3A_379 : memref<4x64xi32, #tpu.memory_space<hbm>>) target(%arg7 : memref<4x64xi32, #tpu.memory_space<vmem>>) target_semaphore(%arg24 : memref<!tpu.dma_semaphore, #tpu.memory_space<semaphore_mem>>)
        %dma_start3A_380 = arith.constant 0 : i32
        %dma_start3A_381 = tpu.memref_slice %arg4[%add3A_375, %dma_start3A_380] : memref<5120x64xi32, #tpu.memory_space<hbm>> -> memref<4x64xi32, #tpu.memory_space<hbm>>
        %dma_start3A_382 = arith.constant 0 : i32
        %dma_start3A_383 = tpu.memref_slice %arg4[%add3A_375, %dma_start3A_382] : memref<5120x64xi32, #tpu.memory_space<hbm>> -> memref<4x64xi32, #tpu.memory_space<hbm>>
        tpu.enqueue_dma source(%dma_start3A_383 : memref<4x64xi32, #tpu.memory_space<hbm>>) target(%arg9 : memref<4x64xi32, #tpu.memory_space<vmem>>) target_semaphore(%arg24 : memref<!tpu.dma_semaphore, #tpu.memory_space<semaphore_mem>>)
      } else {
      }
      %dma_start3A_289 = arith.constant 0 : i32
      %dma_start3A_290 = arith.constant 0 : i32
      %dma_start3A_291 = tpu.memref_slice %arg8[%dma_start3A_289, %dma_start3A_290] : memref<4x64xi32, #tpu.memory_space<vmem>> -> memref<1x64xi32, #tpu.memory_space<vmem>>
      %dma_start3A_292 = tpu.memref_squeeze %dma_start3A_291 : memref<1x64xi32, #tpu.memory_space<vmem>> -> memref<64xi32, #tpu.memory_space<vmem>>
      %dma_start3A_293 = arith.constant 0 : i32
      %dma_start3A_294 = arith.constant 0 : i32
      %dma_start3A_295 = tpu.memref_slice %arg2[%dma_start3A_293, %dma_start3A_294] : memref<10240x128xf32, #tpu.memory_space<hbm>> -> memref<10240x128xf32, #tpu.memory_space<hbm>>
      tpu.enqueue_indirect_dma source(%dma_start3A_295 : memref<10240x128xf32, #tpu.memory_space<hbm>>) target(%arg11 : memref<64x128xf32, #tpu.memory_space<vmem>>) offsets(%dma_start3A_292 : memref<64xi32, #tpu.memory_space<vmem>>) semaphore(%arg16 : memref<!tpu.dma_semaphore, #tpu.memory_space<semaphore_mem>>)
      %dma_start3A_296 = arith.constant 1 : i32
      %dma_start3A_297 = arith.constant 0 : i32
      %dma_start3A_298 = tpu.memref_slice %arg8[%dma_start3A_296, %dma_start3A_297] : memref<4x64xi32, #tpu.memory_space<vmem>> -> memref<1x64xi32, #tpu.memory_space<vmem>>
      %dma_start3A_299 = tpu.memref_squeeze %dma_start3A_298 : memref<1x64xi32, #tpu.memory_space<vmem>> -> memref<64xi32, #tpu.memory_space<vmem>>
      %dma_start3A_300 = arith.constant 0 : i32
      %dma_start3A_301 = arith.constant 0 : i32
      %dma_start3A_302 = tpu.memref_slice %arg2[%dma_start3A_300, %dma_start3A_301] : memref<10240x128xf32, #tpu.memory_space<hbm>> -> memref<10240x128xf32, #tpu.memory_space<hbm>>
      tpu.enqueue_indirect_dma source(%dma_start3A_302 : memref<10240x128xf32, #tpu.memory_space<hbm>>) target(%arg12 : memref<64x128xf32, #tpu.memory_space<vmem>>) offsets(%dma_start3A_299 : memref<64xi32, #tpu.memory_space<vmem>>) semaphore(%arg17 : memref<!tpu.dma_semaphore, #tpu.memory_space<semaphore_mem>>)
      %dma_start3A_303 = arith.constant 2 : i32
      %dma_start3A_304 = arith.constant 0 : i32
      %dma_start3A_305 = tpu.memref_slice %arg8[%dma_start3A_303, %dma_start3A_304] : memref<4x64xi32, #tpu.memory_space<vmem>> -> memref<1x64xi32, #tpu.memory_space<vmem>>
      %dma_start3A_306 = tpu.memref_squeeze %dma_start3A_305 : memref<1x64xi32, #tpu.memory_space<vmem>> -> memref<64xi32, #tpu.memory_space<vmem>>
      %dma_start3A_307 = arith.constant 0 : i32
      %dma_start3A_308 = arith.constant 0 : i32
      %dma_start3A_309 = tpu.memref_slice %arg2[%dma_start3A_307, %dma_start3A_308] : memref<10240x128xf32, #tpu.memory_space<hbm>> -> memref<10240x128xf32, #tpu.memory_space<hbm>>
      tpu.enqueue_indirect_dma source(%dma_start3A_309 : memref<10240x128xf32, #tpu.memory_space<hbm>>) target(%arg13 : memref<64x128xf32, #tpu.memory_space<vmem>>) offsets(%dma_start3A_306 : memref<64xi32, #tpu.memory_space<vmem>>) semaphore(%arg18 : memref<!tpu.dma_semaphore, #tpu.memory_space<semaphore_mem>>)
      %dma_start3A_310 = arith.constant 3 : i32
      %dma_start3A_311 = arith.constant 0 : i32
      %dma_start3A_312 = tpu.memref_slice %arg8[%dma_start3A_310, %dma_start3A_311] : memref<4x64xi32, #tpu.memory_space<vmem>> -> memref<1x64xi32, #tpu.memory_space<vmem>>
      %dma_start3A_313 = tpu.memref_squeeze %dma_start3A_312 : memref<1x64xi32, #tpu.memory_space<vmem>> -> memref<64xi32, #tpu.memory_space<vmem>>
      %dma_start3A_314 = arith.constant 0 : i32
      %dma_start3A_315 = arith.constant 0 : i32
      %dma_start3A_316 = tpu.memref_slice %arg2[%dma_start3A_314, %dma_start3A_315] : memref<10240x128xf32, #tpu.memory_space<hbm>> -> memref<10240x128xf32, #tpu.memory_space<hbm>>
      tpu.enqueue_indirect_dma source(%dma_start3A_316 : memref<10240x128xf32, #tpu.memory_space<hbm>>) target(%arg14 : memref<64x128xf32, #tpu.memory_space<vmem>>) offsets(%dma_start3A_313 : memref<64xi32, #tpu.memory_space<vmem>>) semaphore(%arg19 : memref<!tpu.dma_semaphore, #tpu.memory_space<semaphore_mem>>)
      %dma_wait3A_317 = arith.constant 0 : i32
      %dma_wait3A_318 = arith.constant 0 : i32
      %dma_wait3A_319 = tpu.memref_slice %arg8[%dma_wait3A_317, %dma_wait3A_318] : memref<4x64xi32, #tpu.memory_space<vmem>> -> memref<1x64xi32, #tpu.memory_space<vmem>>
      %dma_wait3A_320 = tpu.memref_squeeze %dma_wait3A_319 : memref<1x64xi32, #tpu.memory_space<vmem>> -> memref<64xi32, #tpu.memory_space<vmem>>
      %dma_wait3A_321 = arith.constant 0 : i32
      %dma_wait3A_322 = arith.constant 0 : i32
      %dma_wait3A_323 = tpu.memref_slice %arg2[%dma_wait3A_321, %dma_wait3A_322] : memref<10240x128xf32, #tpu.memory_space<hbm>> -> memref<10240x128xf32, #tpu.memory_space<hbm>>
      tpu.wait_indirect_dma semaphore(%arg16 : memref<!tpu.dma_semaphore, #tpu.memory_space<semaphore_mem>>) src(%dma_wait3A_323 : memref<10240x128xf32, #tpu.memory_space<hbm>>) dst(%arg11 : memref<64x128xf32, #tpu.memory_space<vmem>>)
      %dma_start3A_324 = arith.constant 0 : i32
      %dma_start3A_325 = arith.constant 0 : i32
      %dma_start3A_326 = tpu.memref_slice %arg10[%dma_start3A_324, %dma_start3A_325] : memref<4x64xi32, #tpu.memory_space<vmem>> -> memref<1x64xi32, #tpu.memory_space<vmem>>
      %dma_start3A_327 = tpu.memref_squeeze %dma_start3A_326 : memref<1x64xi32, #tpu.memory_space<vmem>> -> memref<64xi32, #tpu.memory_space<vmem>>
      %dma_start3A_328 = arith.constant 0 : i32
      %dma_start3A_329 = arith.constant 0 : i32
      %dma_start3A_330 = tpu.memref_slice %arg15[%dma_start3A_328, %dma_start3A_329] : memref<10240x128xf32, #tpu.memory_space<vmem_shared>> -> memref<10240x128xf32, #tpu.memory_space<vmem_shared>>
      tpu.enqueue_indirect_dma source(%arg11 : memref<64x128xf32, #tpu.memory_space<vmem>>) target(%dma_start3A_330 : memref<10240x128xf32, #tpu.memory_space<vmem_shared>>) offsets(%dma_start3A_327 : memref<64xi32, #tpu.memory_space<vmem>>) semaphore(%arg20 : memref<!tpu.dma_semaphore, #tpu.memory_space<semaphore_mem>>) {add = true}
      %dma_wait3A_331 = arith.constant 1 : i32
      %dma_wait3A_332 = arith.constant 0 : i32
      %dma_wait3A_333 = tpu.memref_slice %arg8[%dma_wait3A_331, %dma_wait3A_332] : memref<4x64xi32, #tpu.memory_space<vmem>> -> memref<1x64xi32, #tpu.memory_space<vmem>>
      %dma_wait3A_334 = tpu.memref_squeeze %dma_wait3A_333 : memref<1x64xi32, #tpu.memory_space<vmem>> -> memref<64xi32, #tpu.memory_space<vmem>>
      %dma_wait3A_335 = arith.constant 0 : i32
      %dma_wait3A_336 = arith.constant 0 : i32
      %dma_wait3A_337 = tpu.memref_slice %arg2[%dma_wait3A_335, %dma_wait3A_336] : memref<10240x128xf32, #tpu.memory_space<hbm>> -> memref<10240x128xf32, #tpu.memory_space<hbm>>
      tpu.wait_indirect_dma semaphore(%arg17 : memref<!tpu.dma_semaphore, #tpu.memory_space<semaphore_mem>>) src(%dma_wait3A_337 : memref<10240x128xf32, #tpu.memory_space<hbm>>) dst(%arg12 : memref<64x128xf32, #tpu.memory_space<vmem>>)
      %dma_start3A_338 = arith.constant 1 : i32
      %dma_start3A_339 = arith.constant 0 : i32
      %dma_start3A_340 = tpu.memref_slice %arg10[%dma_start3A_338, %dma_start3A_339] : memref<4x64xi32, #tpu.memory_space<vmem>> -> memref<1x64xi32, #tpu.memory_space<vmem>>
      %dma_start3A_341 = tpu.memref_squeeze %dma_start3A_340 : memref<1x64xi32, #tpu.memory_space<vmem>> -> memref<64xi32, #tpu.memory_space<vmem>>
      %dma_start3A_342 = arith.constant 0 : i32
      %dma_start3A_343 = arith.constant 0 : i32
      %dma_start3A_344 = tpu.memref_slice %arg15[%dma_start3A_342, %dma_start3A_343] : memref<10240x128xf32, #tpu.memory_space<vmem_shared>> -> memref<10240x128xf32, #tpu.memory_space<vmem_shared>>
      tpu.enqueue_indirect_dma source(%arg12 : memref<64x128xf32, #tpu.memory_space<vmem>>) target(%dma_start3A_344 : memref<10240x128xf32, #tpu.memory_space<vmem_shared>>) offsets(%dma_start3A_341 : memref<64xi32, #tpu.memory_space<vmem>>) semaphore(%arg21 : memref<!tpu.dma_semaphore, #tpu.memory_space<semaphore_mem>>) {add = true}
      %dma_wait3A_345 = arith.constant 2 : i32
      %dma_wait3A_346 = arith.constant 0 : i32
      %dma_wait3A_347 = tpu.memref_slice %arg8[%dma_wait3A_345, %dma_wait3A_346] : memref<4x64xi32, #tpu.memory_space<vmem>> -> memref<1x64xi32, #tpu.memory_space<vmem>>
      %dma_wait3A_348 = tpu.memref_squeeze %dma_wait3A_347 : memref<1x64xi32, #tpu.memory_space<vmem>> -> memref<64xi32, #tpu.memory_space<vmem>>
      %dma_wait3A_349 = arith.constant 0 : i32
      %dma_wait3A_350 = arith.constant 0 : i32
      %dma_wait3A_351 = tpu.memref_slice %arg2[%dma_wait3A_349, %dma_wait3A_350] : memref<10240x128xf32, #tpu.memory_space<hbm>> -> memref<10240x128xf32, #tpu.memory_space<hbm>>
      tpu.wait_indirect_dma semaphore(%arg18 : memref<!tpu.dma_semaphore, #tpu.memory_space<semaphore_mem>>) src(%dma_wait3A_351 : memref<10240x128xf32, #tpu.memory_space<hbm>>) dst(%arg13 : memref<64x128xf32, #tpu.memory_space<vmem>>)
      %dma_start3A_352 = arith.constant 2 : i32
      %dma_start3A_353 = arith.constant 0 : i32
      %dma_start3A_354 = tpu.memref_slice %arg10[%dma_start3A_352, %dma_start3A_353] : memref<4x64xi32, #tpu.memory_space<vmem>> -> memref<1x64xi32, #tpu.memory_space<vmem>>
      %dma_start3A_355 = tpu.memref_squeeze %dma_start3A_354 : memref<1x64xi32, #tpu.memory_space<vmem>> -> memref<64xi32, #tpu.memory_space<vmem>>
      %dma_start3A_356 = arith.constant 0 : i32
      %dma_start3A_357 = arith.constant 0 : i32
      %dma_start3A_358 = tpu.memref_slice %arg15[%dma_start3A_356, %dma_start3A_357] : memref<10240x128xf32, #tpu.memory_space<vmem_shared>> -> memref<10240x128xf32, #tpu.memory_space<vmem_shared>>
      tpu.enqueue_indirect_dma source(%arg13 : memref<64x128xf32, #tpu.memory_space<vmem>>) target(%dma_start3A_358 : memref<10240x128xf32, #tpu.memory_space<vmem_shared>>) offsets(%dma_start3A_355 : memref<64xi32, #tpu.memory_space<vmem>>) semaphore(%arg22 : memref<!tpu.dma_semaphore, #tpu.memory_space<semaphore_mem>>) {add = true}
      %dma_wait3A_359 = arith.constant 3 : i32
      %dma_wait3A_360 = arith.constant 0 : i32
      %dma_wait3A_361 = tpu.memref_slice %arg8[%dma_wait3A_359, %dma_wait3A_360] : memref<4x64xi32, #tpu.memory_space<vmem>> -> memref<1x64xi32, #tpu.memory_space<vmem>>
      %dma_wait3A_362 = tpu.memref_squeeze %dma_wait3A_361 : memref<1x64xi32, #tpu.memory_space<vmem>> -> memref<64xi32, #tpu.memory_space<vmem>>
      %dma_wait3A_363 = arith.constant 0 : i32
      %dma_wait3A_364 = arith.constant 0 : i32
      %dma_wait3A_365 = tpu.memref_slice %arg2[%dma_wait3A_363, %dma_wait3A_364] : memref<10240x128xf32, #tpu.memory_space<hbm>> -> memref<10240x128xf32, #tpu.memory_space<hbm>>
      tpu.wait_indirect_dma semaphore(%arg19 : memref<!tpu.dma_semaphore, #tpu.memory_space<semaphore_mem>>) src(%dma_wait3A_365 : memref<10240x128xf32, #tpu.memory_space<hbm>>) dst(%arg14 : memref<64x128xf32, #tpu.memory_space<vmem>>)
      %dma_start3A_366 = arith.constant 3 : i32
      %dma_start3A_367 = arith.constant 0 : i32
      %dma_start3A_368 = tpu.memref_slice %arg10[%dma_start3A_366, %dma_start3A_367] : memref<4x64xi32, #tpu.memory_space<vmem>> -> memref<1x64xi32, #tpu.memory_space<vmem>>
      %dma_start3A_369 = tpu.memref_squeeze %dma_start3A_368 : memref<1x64xi32, #tpu.memory_space<vmem>> -> memref<64xi32, #tpu.memory_space<vmem>>
      %dma_start3A_370 = arith.constant 0 : i32
      %dma_start3A_371 = arith.constant 0 : i32
      %dma_start3A_372 = tpu.memref_slice %arg15[%dma_start3A_370, %dma_start3A_371] : memref<10240x128xf32, #tpu.memory_space<vmem_shared>> -> memref<10240x128xf32, #tpu.memory_space<vmem_shared>>
      tpu.enqueue_indirect_dma source(%arg14 : memref<64x128xf32, #tpu.memory_space<vmem>>) target(%dma_start3A_372 : memref<10240x128xf32, #tpu.memory_space<vmem_shared>>) offsets(%dma_start3A_369 : memref<64xi32, #tpu.memory_space<vmem>>) semaphore(%arg23 : memref<!tpu.dma_semaphore, #tpu.memory_space<semaphore_mem>>) {add = true}
    }
    %while3A_66 = arith.constant 1 : i32
    scf.for %while3A_135 = %while3A_64 to %while3A_60 step %while3A_66  : i32 {
      %dma_wait3A_136 = arith.constant 0 : i32
      %dma_wait3A_137 = tpu.memref_slice %arg3[%select_n3A, %dma_wait3A_136] : memref<5120x64xi32, #tpu.memory_space<hbm>> -> memref<4x64xi32, #tpu.memory_space<hbm>>
      %dma_wait3A_138 = arith.constant 0 : i32
      %dma_wait3A_139 = tpu.memref_slice %arg3[%select_n3A, %dma_wait3A_138] : memref<5120x64xi32, #tpu.memory_space<hbm>> -> memref<4x64xi32, #tpu.memory_space<hbm>>
      tpu.wait_dma2 semaphore(%arg24 : memref<!tpu.dma_semaphore, #tpu.memory_space<semaphore_mem>>) src(%dma_wait3A_139 : memref<4x64xi32, #tpu.memory_space<hbm>>) dst(%arg7 : memref<4x64xi32, #tpu.memory_space<vmem>>)
      %dma_wait3A_140 = arith.constant 0 : i32
      %dma_wait3A_141 = tpu.memref_slice %arg4[%select_n3A, %dma_wait3A_140] : memref<5120x64xi32, #tpu.memory_space<hbm>> -> memref<4x64xi32, #tpu.memory_space<hbm>>
      %dma_wait3A_142 = arith.constant 0 : i32
      %dma_wait3A_143 = tpu.memref_slice %arg4[%select_n3A, %dma_wait3A_142] : memref<5120x64xi32, #tpu.memory_space<hbm>> -> memref<4x64xi32, #tpu.memory_space<hbm>>
      tpu.wait_dma2 semaphore(%arg24 : memref<!tpu.dma_semaphore, #tpu.memory_space<semaphore_mem>>) src(%dma_wait3A_143 : memref<4x64xi32, #tpu.memory_space<hbm>>) dst(%arg9 : memref<4x64xi32, #tpu.memory_space<vmem>>)
      %gt3A = arith.constant 0 : i32
      %gt3A_144 = arith.cmpi sgt, %while3A_135, %gt3A : i32
      %convert_element_type3A = arith.extui %gt3A_144 : i1 to i32
      %cond3A = arith.constant 0 : i32
      %cond3A_145 = arith.cmpi ne, %convert_element_type3A, %cond3A : i32
      scf.if %cond3A_145 {
        %dma_wait3A_373 = arith.constant 0 : i32
        %dma_wait3A_374 = arith.constant 0 : i32
        %dma_wait3A_375 = tpu.memref_slice %arg9[%dma_wait3A_373, %dma_wait3A_374] : memref<4x64xi32, #tpu.memory_space<vmem>> -> memref<1x64xi32, #tpu.memory_space<vmem>>
        %dma_wait3A_376 = tpu.memref_squeeze %dma_wait3A_375 : memref<1x64xi32, #tpu.memory_space<vmem>> -> memref<64xi32, #tpu.memory_space<vmem>>
        %dma_wait3A_377 = arith.constant 0 : i32
        %dma_wait3A_378 = arith.constant 0 : i32
        %dma_wait3A_379 = tpu.memref_slice %arg15[%dma_wait3A_377, %dma_wait3A_378] : memref<10240x128xf32, #tpu.memory_space<vmem_shared>> -> memref<10240x128xf32, #tpu.memory_space<vmem_shared>>
        tpu.wait_indirect_dma semaphore(%arg20 : memref<!tpu.dma_semaphore, #tpu.memory_space<semaphore_mem>>) src(%arg11 : memref<64x128xf32, #tpu.memory_space<vmem>>) dst(%dma_wait3A_379 : memref<10240x128xf32, #tpu.memory_space<vmem_shared>>)
        %dma_wait3A_380 = arith.constant 1 : i32
        %dma_wait3A_381 = arith.constant 0 : i32
        %dma_wait3A_382 = tpu.memref_slice %arg9[%dma_wait3A_380, %dma_wait3A_381] : memref<4x64xi32, #tpu.memory_space<vmem>> -> memref<1x64xi32, #tpu.memory_space<vmem>>
        %dma_wait3A_383 = tpu.memref_squeeze %dma_wait3A_382 : memref<1x64xi32, #tpu.memory_space<vmem>> -> memref<64xi32, #tpu.memory_space<vmem>>
        %dma_wait3A_384 = arith.constant 0 : i32
        %dma_wait3A_385 = arith.constant 0 : i32
        %dma_wait3A_386 = tpu.memref_slice %arg15[%dma_wait3A_384, %dma_wait3A_385] : memref<10240x128xf32, #tpu.memory_space<vmem_shared>> -> memref<10240x128xf32, #tpu.memory_space<vmem_shared>>
        tpu.wait_indirect_dma semaphore(%arg21 : memref<!tpu.dma_semaphore, #tpu.memory_space<semaphore_mem>>) src(%arg12 : memref<64x128xf32, #tpu.memory_space<vmem>>) dst(%dma_wait3A_386 : memref<10240x128xf32, #tpu.memory_space<vmem_shared>>)
        %dma_wait3A_387 = arith.constant 2 : i32
        %dma_wait3A_388 = arith.constant 0 : i32
        %dma_wait3A_389 = tpu.memref_slice %arg9[%dma_wait3A_387, %dma_wait3A_388] : memref<4x64xi32, #tpu.memory_space<vmem>> -> memref<1x64xi32, #tpu.memory_space<vmem>>
        %dma_wait3A_390 = tpu.memref_squeeze %dma_wait3A_389 : memref<1x64xi32, #tpu.memory_space<vmem>> -> memref<64xi32, #tpu.memory_space<vmem>>
        %dma_wait3A_391 = arith.constant 0 : i32
        %dma_wait3A_392 = arith.constant 0 : i32
        %dma_wait3A_393 = tpu.memref_slice %arg15[%dma_wait3A_391, %dma_wait3A_392] : memref<10240x128xf32, #tpu.memory_space<vmem_shared>> -> memref<10240x128xf32, #tpu.memory_space<vmem_shared>>
        tpu.wait_indirect_dma semaphore(%arg22 : memref<!tpu.dma_semaphore, #tpu.memory_space<semaphore_mem>>) src(%arg13 : memref<64x128xf32, #tpu.memory_space<vmem>>) dst(%dma_wait3A_393 : memref<10240x128xf32, #tpu.memory_space<vmem_shared>>)
        %dma_wait3A_394 = arith.constant 3 : i32
        %dma_wait3A_395 = arith.constant 0 : i32
        %dma_wait3A_396 = tpu.memref_slice %arg9[%dma_wait3A_394, %dma_wait3A_395] : memref<4x64xi32, #tpu.memory_space<vmem>> -> memref<1x64xi32, #tpu.memory_space<vmem>>
        %dma_wait3A_397 = tpu.memref_squeeze %dma_wait3A_396 : memref<1x64xi32, #tpu.memory_space<vmem>> -> memref<64xi32, #tpu.memory_space<vmem>>
        %dma_wait3A_398 = arith.constant 0 : i32
        %dma_wait3A_399 = arith.constant 0 : i32
        %dma_wait3A_400 = tpu.memref_slice %arg15[%dma_wait3A_398, %dma_wait3A_399] : memref<10240x128xf32, #tpu.memory_space<vmem_shared>> -> memref<10240x128xf32, #tpu.memory_space<vmem_shared>>
        tpu.wait_indirect_dma semaphore(%arg23 : memref<!tpu.dma_semaphore, #tpu.memory_space<semaphore_mem>>) src(%arg14 : memref<64x128xf32, #tpu.memory_space<vmem>>) dst(%dma_wait3A_400 : memref<10240x128xf32, #tpu.memory_space<vmem_shared>>)
      } else {
      }
      %mul3A_146 = arith.constant 2 : i32
      %mul3A_147 = arith.muli %mul3A_146, %while3A_135 : i32
      %add3A_148 = arith.constant 1 : i32
      %add3A_149 = arith.addi %mul3A_147, %add3A_148 : i32
      %mul3A_150 = arith.constant 4 : i32
      %mul3A_151 = arith.muli %add3A_149, %mul3A_150 : i32
      %add3A_152 = arith.addi %select_n3A, %mul3A_151 : i32
      %dma_start3A_153 = arith.constant 0 : i32
      %dma_start3A_154 = tpu.memref_slice %arg3[%add3A_152, %dma_start3A_153] : memref<5120x64xi32, #tpu.memory_space<hbm>> -> memref<4x64xi32, #tpu.memory_space<hbm>>
      %dma_start3A_155 = arith.constant 0 : i32
      %dma_start3A_156 = tpu.memref_slice %arg3[%add3A_152, %dma_start3A_155] : memref<5120x64xi32, #tpu.memory_space<hbm>> -> memref<4x64xi32, #tpu.memory_space<hbm>>
      tpu.enqueue_dma source(%dma_start3A_156 : memref<4x64xi32, #tpu.memory_space<hbm>>) target(%arg8 : memref<4x64xi32, #tpu.memory_space<vmem>>) target_semaphore(%arg25 : memref<!tpu.dma_semaphore, #tpu.memory_space<semaphore_mem>>)
      %dma_start3A_157 = arith.constant 0 : i32
      %dma_start3A_158 = tpu.memref_slice %arg4[%add3A_152, %dma_start3A_157] : memref<5120x64xi32, #tpu.memory_space<hbm>> -> memref<4x64xi32, #tpu.memory_space<hbm>>
      %dma_start3A_159 = arith.constant 0 : i32
      %dma_start3A_160 = tpu.memref_slice %arg4[%add3A_152, %dma_start3A_159] : memref<5120x64xi32, #tpu.memory_space<hbm>> -> memref<4x64xi32, #tpu.memory_space<hbm>>
      tpu.enqueue_dma source(%dma_start3A_160 : memref<4x64xi32, #tpu.memory_space<hbm>>) target(%arg10 : memref<4x64xi32, #tpu.memory_space<vmem>>) target_semaphore(%arg25 : memref<!tpu.dma_semaphore, #tpu.memory_space<semaphore_mem>>)
      %dma_start3A_161 = arith.constant 0 : i32
      %dma_start3A_162 = arith.constant 0 : i32
      %dma_start3A_163 = tpu.memref_slice %arg7[%dma_start3A_161, %dma_start3A_162] : memref<4x64xi32, #tpu.memory_space<vmem>> -> memref<1x64xi32, #tpu.memory_space<vmem>>
      %dma_start3A_164 = tpu.memref_squeeze %dma_start3A_163 : memref<1x64xi32, #tpu.memory_space<vmem>> -> memref<64xi32, #tpu.memory_space<vmem>>
      %dma_start3A_165 = arith.constant 0 : i32
      %dma_start3A_166 = arith.constant 0 : i32
      %dma_start3A_167 = tpu.memref_slice %arg2[%dma_start3A_165, %dma_start3A_166] : memref<10240x128xf32, #tpu.memory_space<hbm>> -> memref<10240x128xf32, #tpu.memory_space<hbm>>
      tpu.enqueue_indirect_dma source(%dma_start3A_167 : memref<10240x128xf32, #tpu.memory_space<hbm>>) target(%arg11 : memref<64x128xf32, #tpu.memory_space<vmem>>) offsets(%dma_start3A_164 : memref<64xi32, #tpu.memory_space<vmem>>) semaphore(%arg16 : memref<!tpu.dma_semaphore, #tpu.memory_space<semaphore_mem>>)
      %dma_start3A_168 = arith.constant 1 : i32
      %dma_start3A_169 = arith.constant 0 : i32
      %dma_start3A_170 = tpu.memref_slice %arg7[%dma_start3A_168, %dma_start3A_169] : memref<4x64xi32, #tpu.memory_space<vmem>> -> memref<1x64xi32, #tpu.memory_space<vmem>>
      %dma_start3A_171 = tpu.memref_squeeze %dma_start3A_170 : memref<1x64xi32, #tpu.memory_space<vmem>> -> memref<64xi32, #tpu.memory_space<vmem>>
      %dma_start3A_172 = arith.constant 0 : i32
      %dma_start3A_173 = arith.constant 0 : i32
      %dma_start3A_174 = tpu.memref_slice %arg2[%dma_start3A_172, %dma_start3A_173] : memref<10240x128xf32, #tpu.memory_space<hbm>> -> memref<10240x128xf32, #tpu.memory_space<hbm>>
      tpu.enqueue_indirect_dma source(%dma_start3A_174 : memref<10240x128xf32, #tpu.memory_space<hbm>>) target(%arg12 : memref<64x128xf32, #tpu.memory_space<vmem>>) offsets(%dma_start3A_171 : memref<64xi32, #tpu.memory_space<vmem>>) semaphore(%arg17 : memref<!tpu.dma_semaphore, #tpu.memory_space<semaphore_mem>>)
      %dma_start3A_175 = arith.constant 2 : i32
      %dma_start3A_176 = arith.constant 0 : i32
      %dma_start3A_177 = tpu.memref_slice %arg7[%dma_start3A_175, %dma_start3A_176] : memref<4x64xi32, #tpu.memory_space<vmem>> -> memref<1x64xi32, #tpu.memory_space<vmem>>
      %dma_start3A_178 = tpu.memref_squeeze %dma_start3A_177 : memref<1x64xi32, #tpu.memory_space<vmem>> -> memref<64xi32, #tpu.memory_space<vmem>>
      %dma_start3A_179 = arith.constant 0 : i32
      %dma_start3A_180 = arith.constant 0 : i32
      %dma_start3A_181 = tpu.memref_slice %arg2[%dma_start3A_179, %dma_start3A_180] : memref<10240x128xf32, #tpu.memory_space<hbm>> -> memref<10240x128xf32, #tpu.memory_space<hbm>>
      tpu.enqueue_indirect_dma source(%dma_start3A_181 : memref<10240x128xf32, #tpu.memory_space<hbm>>) target(%arg13 : memref<64x128xf32, #tpu.memory_space<vmem>>) offsets(%dma_start3A_178 : memref<64xi32, #tpu.memory_space<vmem>>) semaphore(%arg18 : memref<!tpu.dma_semaphore, #tpu.memory_space<semaphore_mem>>)
      %dma_start3A_182 = arith.constant 3 : i32
      %dma_start3A_183 = arith.constant 0 : i32
      %dma_start3A_184 = tpu.memref_slice %arg7[%dma_start3A_182, %dma_start3A_183] : memref<4x64xi32, #tpu.memory_space<vmem>> -> memref<1x64xi32, #tpu.memory_space<vmem>>
      %dma_start3A_185 = tpu.memref_squeeze %dma_start3A_184 : memref<1x64xi32, #tpu.memory_space<vmem>> -> memref<64xi32, #tpu.memory_space<vmem>>
      %dma_start3A_186 = arith.constant 0 : i32
      %dma_start3A_187 = arith.constant 0 : i32
      %dma_start3A_188 = tpu.memref_slice %arg2[%dma_start3A_186, %dma_start3A_187] : memref<10240x128xf32, #tpu.memory_space<hbm>> -> memref<10240x128xf32, #tpu.memory_space<hbm>>
      tpu.enqueue_indirect_dma source(%dma_start3A_188 : memref<10240x128xf32, #tpu.memory_space<hbm>>) target(%arg14 : memref<64x128xf32, #tpu.memory_space<vmem>>) offsets(%dma_start3A_185 : memref<64xi32, #tpu.memory_space<vmem>>) semaphore(%arg19 : memref<!tpu.dma_semaphore, #tpu.memory_space<semaphore_mem>>)
      %dma_wait3A_189 = arith.constant 0 : i32
      %dma_wait3A_190 = arith.constant 0 : i32
      %dma_wait3A_191 = tpu.memref_slice %arg7[%dma_wait3A_189, %dma_wait3A_190] : memref<4x64xi32, #tpu.memory_space<vmem>> -> memref<1x64xi32, #tpu.memory_space<vmem>>
      %dma_wait3A_192 = tpu.memref_squeeze %dma_wait3A_191 : memref<1x64xi32, #tpu.memory_space<vmem>> -> memref<64xi32, #tpu.memory_space<vmem>>
      %dma_wait3A_193 = arith.constant 0 : i32
      %dma_wait3A_194 = arith.constant 0 : i32
      %dma_wait3A_195 = tpu.memref_slice %arg2[%dma_wait3A_193, %dma_wait3A_194] : memref<10240x128xf32, #tpu.memory_space<hbm>> -> memref<10240x128xf32, #tpu.memory_space<hbm>>
      tpu.wait_indirect_dma semaphore(%arg16 : memref<!tpu.dma_semaphore, #tpu.memory_space<semaphore_mem>>) src(%dma_wait3A_195 : memref<10240x128xf32, #tpu.memory_space<hbm>>) dst(%arg11 : memref<64x128xf32, #tpu.memory_space<vmem>>)
      %dma_start3A_196 = arith.constant 0 : i32
      %dma_start3A_197 = arith.constant 0 : i32
      %dma_start3A_198 = tpu.memref_slice %arg9[%dma_start3A_196, %dma_start3A_197] : memref<4x64xi32, #tpu.memory_space<vmem>> -> memref<1x64xi32, #tpu.memory_space<vmem>>
      %dma_start3A_199 = tpu.memref_squeeze %dma_start3A_198 : memref<1x64xi32, #tpu.memory_space<vmem>> -> memref<64xi32, #tpu.memory_space<vmem>>
      %dma_start3A_200 = arith.constant 0 : i32
      %dma_start3A_201 = arith.constant 0 : i32
      %dma_start3A_202 = tpu.memref_slice %arg15[%dma_start3A_200, %dma_start3A_201] : memref<10240x128xf32, #tpu.memory_space<vmem_shared>> -> memref<10240x128xf32, #tpu.memory_space<vmem_shared>>
      tpu.enqueue_indirect_dma source(%arg11 : memref<64x128xf32, #tpu.memory_space<vmem>>) target(%dma_start3A_202 : memref<10240x128xf32, #tpu.memory_space<vmem_shared>>) offsets(%dma_start3A_199 : memref<64xi32, #tpu.memory_space<vmem>>) semaphore(%arg20 : memref<!tpu.dma_semaphore, #tpu.memory_space<semaphore_mem>>) {add = true}
      %dma_wait3A_203 = arith.constant 1 : i32
      %dma_wait3A_204 = arith.constant 0 : i32
      %dma_wait3A_205 = tpu.memref_slice %arg7[%dma_wait3A_203, %dma_wait3A_204] : memref<4x64xi32, #tpu.memory_space<vmem>> -> memref<1x64xi32, #tpu.memory_space<vmem>>
      %dma_wait3A_206 = tpu.memref_squeeze %dma_wait3A_205 : memref<1x64xi32, #tpu.memory_space<vmem>> -> memref<64xi32, #tpu.memory_space<vmem>>
      %dma_wait3A_207 = arith.constant 0 : i32
      %dma_wait3A_208 = arith.constant 0 : i32
      %dma_wait3A_209 = tpu.memref_slice %arg2[%dma_wait3A_207, %dma_wait3A_208] : memref<10240x128xf32, #tpu.memory_space<hbm>> -> memref<10240x128xf32, #tpu.memory_space<hbm>>
      tpu.wait_indirect_dma semaphore(%arg17 : memref<!tpu.dma_semaphore, #tpu.memory_space<semaphore_mem>>) src(%dma_wait3A_209 : memref<10240x128xf32, #tpu.memory_space<hbm>>) dst(%arg12 : memref<64x128xf32, #tpu.memory_space<vmem>>)
      %dma_start3A_210 = arith.constant 1 : i32
      %dma_start3A_211 = arith.constant 0 : i32
      %dma_start3A_212 = tpu.memref_slice %arg9[%dma_start3A_210, %dma_start3A_211] : memref<4x64xi32, #tpu.memory_space<vmem>> -> memref<1x64xi32, #tpu.memory_space<vmem>>
      %dma_start3A_213 = tpu.memref_squeeze %dma_start3A_212 : memref<1x64xi32, #tpu.memory_space<vmem>> -> memref<64xi32, #tpu.memory_space<vmem>>
      %dma_start3A_214 = arith.constant 0 : i32
      %dma_start3A_215 = arith.constant 0 : i32
      %dma_start3A_216 = tpu.memref_slice %arg15[%dma_start3A_214, %dma_start3A_215] : memref<10240x128xf32, #tpu.memory_space<vmem_shared>> -> memref<10240x128xf32, #tpu.memory_space<vmem_shared>>
      tpu.enqueue_indirect_dma source(%arg12 : memref<64x128xf32, #tpu.memory_space<vmem>>) target(%dma_start3A_216 : memref<10240x128xf32, #tpu.memory_space<vmem_shared>>) offsets(%dma_start3A_213 : memref<64xi32, #tpu.memory_space<vmem>>) semaphore(%arg21 : memref<!tpu.dma_semaphore, #tpu.memory_space<semaphore_mem>>) {add = true}
      %dma_wait3A_217 = arith.constant 2 : i32
      %dma_wait3A_218 = arith.constant 0 : i32
      %dma_wait3A_219 = tpu.memref_slice %arg7[%dma_wait3A_217, %dma_wait3A_218] : memref<4x64xi32, #tpu.memory_space<vmem>> -> memref<1x64xi32, #tpu.memory_space<vmem>>
      %dma_wait3A_220 = tpu.memref_squeeze %dma_wait3A_219 : memref<1x64xi32, #tpu.memory_space<vmem>> -> memref<64xi32, #tpu.memory_space<vmem>>
      %dma_wait3A_221 = arith.constant 0 : i32
      %dma_wait3A_222 = arith.constant 0 : i32
      %dma_wait3A_223 = tpu.memref_slice %arg2[%dma_wait3A_221, %dma_wait3A_222] : memref<10240x128xf32, #tpu.memory_space<hbm>> -> memref<10240x128xf32, #tpu.memory_space<hbm>>
      tpu.wait_indirect_dma semaphore(%arg18 : memref<!tpu.dma_semaphore, #tpu.memory_space<semaphore_mem>>) src(%dma_wait3A_223 : memref<10240x128xf32, #tpu.memory_space<hbm>>) dst(%arg13 : memref<64x128xf32, #tpu.memory_space<vmem>>)
      %dma_start3A_224 = arith.constant 2 : i32
      %dma_start3A_225 = arith.constant 0 : i32
      %dma_start3A_226 = tpu.memref_slice %arg9[%dma_start3A_224, %dma_start3A_225] : memref<4x64xi32, #tpu.memory_space<vmem>> -> memref<1x64xi32, #tpu.memory_space<vmem>>
      %dma_start3A_227 = tpu.memref_squeeze %dma_start3A_226 : memref<1x64xi32, #tpu.memory_space<vmem>> -> memref<64xi32, #tpu.memory_space<vmem>>
      %dma_start3A_228 = arith.constant 0 : i32
      %dma_start3A_229 = arith.constant 0 : i32
      %dma_start3A_230 = tpu.memref_slice %arg15[%dma_start3A_228, %dma_start3A_229] : memref<10240x128xf32, #tpu.memory_space<vmem_shared>> -> memref<10240x128xf32, #tpu.memory_space<vmem_shared>>
      tpu.enqueue_indirect_dma source(%arg13 : memref<64x128xf32, #tpu.memory_space<vmem>>) target(%dma_start3A_230 : memref<10240x128xf32, #tpu.memory_space<vmem_shared>>) offsets(%dma_start3A_227 : memref<64xi32, #tpu.memory_space<vmem>>) semaphore(%arg22 : memref<!tpu.dma_semaphore, #tpu.memory_space<semaphore_mem>>) {add = true}
      %dma_wait3A_231 = arith.constant 3 : i32
      %dma_wait3A_232 = arith.constant 0 : i32
      %dma_wait3A_233 = tpu.memref_slice %arg7[%dma_wait3A_231, %dma_wait3A_232] : memref<4x64xi32, #tpu.memory_space<vmem>> -> memref<1x64xi32, #tpu.memory_space<vmem>>
      %dma_wait3A_234 = tpu.memref_squeeze %dma_wait3A_233 : memref<1x64xi32, #tpu.memory_space<vmem>> -> memref<64xi32, #tpu.memory_space<vmem>>
      %dma_wait3A_235 = arith.constant 0 : i32
      %dma_wait3A_236 = arith.constant 0 : i32
      %dma_wait3A_237 = tpu.memref_slice %arg2[%dma_wait3A_235, %dma_wait3A_236] : memref<10240x128xf32, #tpu.memory_space<hbm>> -> memref<10240x128xf32, #tpu.memory_space<hbm>>
      tpu.wait_indirect_dma semaphore(%arg19 : memref<!tpu.dma_semaphore, #tpu.memory_space<semaphore_mem>>) src(%dma_wait3A_237 : memref<10240x128xf32, #tpu.memory_space<hbm>>) dst(%arg14 : memref<64x128xf32, #tpu.memory_space<vmem>>)
      %dma_start3A_238 = arith.constant 3 : i32
      %dma_start3A_239 = arith.constant 0 : i32
      %dma_start3A_240 = tpu.memref_slice %arg9[%dma_start3A_238, %dma_start3A_239] : memref<4x64xi32, #tpu.memory_space<vmem>> -> memref<1x64xi32, #tpu.memory_space<vmem>>
      %dma_start3A_241 = tpu.memref_squeeze %dma_start3A_240 : memref<1x64xi32, #tpu.memory_space<vmem>> -> memref<64xi32, #tpu.memory_space<vmem>>
      %dma_start3A_242 = arith.constant 0 : i32
      %dma_start3A_243 = arith.constant 0 : i32
      %dma_start3A_244 = tpu.memref_slice %arg15[%dma_start3A_242, %dma_start3A_243] : memref<10240x128xf32, #tpu.memory_space<vmem_shared>> -> memref<10240x128xf32, #tpu.memory_space<vmem_shared>>
      tpu.enqueue_indirect_dma source(%arg14 : memref<64x128xf32, #tpu.memory_space<vmem>>) target(%dma_start3A_244 : memref<10240x128xf32, #tpu.memory_space<vmem_shared>>) offsets(%dma_start3A_241 : memref<64xi32, #tpu.memory_space<vmem>>) semaphore(%arg23 : memref<!tpu.dma_semaphore, #tpu.memory_space<semaphore_mem>>) {add = true}
      %dma_wait3A_245 = arith.constant 0 : i32
      %dma_wait3A_246 = tpu.memref_slice %arg3[%select_n3A, %dma_wait3A_245] : memref<5120x64xi32, #tpu.memory_space<hbm>> -> memref<4x64xi32, #tpu.memory_space<hbm>>
      %dma_wait3A_247 = arith.constant 0 : i32
      %dma_wait3A_248 = tpu.memref_slice %arg3[%select_n3A, %dma_wait3A_247] : memref<5120x64xi32, #tpu.memory_space<hbm>> -> memref<4x64xi32, #tpu.memory_space<hbm>>
      tpu.wait_dma2 semaphore(%arg25 : memref<!tpu.dma_semaphore, #tpu.memory_space<semaphore_mem>>) src(%dma_wait3A_248 : memref<4x64xi32, #tpu.memory_space<hbm>>) dst(%arg8 : memref<4x64xi32, #tpu.memory_space<vmem>>)
      %dma_wait3A_249 = arith.constant 0 : i32
      %dma_wait3A_250 = tpu.memref_slice %arg4[%select_n3A, %dma_wait3A_249] : memref<5120x64xi32, #tpu.memory_space<hbm>> -> memref<4x64xi32, #tpu.memory_space<hbm>>
      %dma_wait3A_251 = arith.constant 0 : i32
      %dma_wait3A_252 = tpu.memref_slice %arg4[%select_n3A, %dma_wait3A_251] : memref<5120x64xi32, #tpu.memory_space<hbm>> -> memref<4x64xi32, #tpu.memory_space<hbm>>
      tpu.wait_dma2 semaphore(%arg25 : memref<!tpu.dma_semaphore, #tpu.memory_space<semaphore_mem>>) src(%dma_wait3A_252 : memref<4x64xi32, #tpu.memory_space<hbm>>) dst(%arg10 : memref<4x64xi32, #tpu.memory_space<vmem>>)
      %dma_wait3A_253 = arith.constant 0 : i32
      %dma_wait3A_254 = arith.constant 0 : i32
      %dma_wait3A_255 = tpu.memref_slice %arg10[%dma_wait3A_253, %dma_wait3A_254] : memref<4x64xi32, #tpu.memory_space<vmem>> -> memref<1x64xi32, #tpu.memory_space<vmem>>
      %dma_wait3A_256 = tpu.memref_squeeze %dma_wait3A_255 : memref<1x64xi32, #tpu.memory_space<vmem>> -> memref<64xi32, #tpu.memory_space<vmem>>
      %dma_wait3A_257 = arith.constant 0 : i32
      %dma_wait3A_258 = arith.constant 0 : i32
      %dma_wait3A_259 = tpu.memref_slice %arg15[%dma_wait3A_257, %dma_wait3A_258] : memref<10240x128xf32, #tpu.memory_space<vmem_shared>> -> memref<10240x128xf32, #tpu.memory_space<vmem_shared>>
      tpu.wait_indirect_dma semaphore(%arg20 : memref<!tpu.dma_semaphore, #tpu.memory_space<semaphore_mem>>) src(%arg11 : memref<64x128xf32, #tpu.memory_space<vmem>>) dst(%dma_wait3A_259 : memref<10240x128xf32, #tpu.memory_space<vmem_shared>>)
      %dma_wait3A_260 = arith.constant 1 : i32
      %dma_wait3A_261 = arith.constant 0 : i32
      %dma_wait3A_262 = tpu.memref_slice %arg10[%dma_wait3A_260, %dma_wait3A_261] : memref<4x64xi32, #tpu.memory_space<vmem>> -> memref<1x64xi32, #tpu.memory_space<vmem>>
      %dma_wait3A_263 = tpu.memref_squeeze %dma_wait3A_262 : memref<1x64xi32, #tpu.memory_space<vmem>> -> memref<64xi32, #tpu.memory_space<vmem>>
      %dma_wait3A_264 = arith.constant 0 : i32
      %dma_wait3A_265 = arith.constant 0 : i32
      %dma_wait3A_266 = tpu.memref_slice %arg15[%dma_wait3A_264, %dma_wait3A_265] : memref<10240x128xf32, #tpu.memory_space<vmem_shared>> -> memref<10240x128xf32, #tpu.memory_space<vmem_shared>>
      tpu.wait_indirect_dma semaphore(%arg21 : memref<!tpu.dma_semaphore, #tpu.memory_space<semaphore_mem>>) src(%arg12 : memref<64x128xf32, #tpu.memory_space<vmem>>) dst(%dma_wait3A_266 : memref<10240x128xf32, #tpu.memory_space<vmem_shared>>)
      %dma_wait3A_267 = arith.constant 2 : i32
      %dma_wait3A_268 = arith.constant 0 : i32
      %dma_wait3A_269 = tpu.memref_slice %arg10[%dma_wait3A_267, %dma_wait3A_268] : memref<4x64xi32, #tpu.memory_space<vmem>> -> memref<1x64xi32, #tpu.memory_space<vmem>>
      %dma_wait3A_270 = tpu.memref_squeeze %dma_wait3A_269 : memref<1x64xi32, #tpu.memory_space<vmem>> -> memref<64xi32, #tpu.memory_space<vmem>>
      %dma_wait3A_271 = arith.constant 0 : i32
      %dma_wait3A_272 = arith.constant 0 : i32
      %dma_wait3A_273 = tpu.memref_slice %arg15[%dma_wait3A_271, %dma_wait3A_272] : memref<10240x128xf32, #tpu.memory_space<vmem_shared>> -> memref<10240x128xf32, #tpu.memory_space<vmem_shared>>
      tpu.wait_indirect_dma semaphore(%arg22 : memref<!tpu.dma_semaphore, #tpu.memory_space<semaphore_mem>>) src(%arg13 : memref<64x128xf32, #tpu.memory_space<vmem>>) dst(%dma_wait3A_273 : memref<10240x128xf32, #tpu.memory_space<vmem_shared>>)
      %dma_wait3A_274 = arith.constant 3 : i32
      %dma_wait3A_275 = arith.constant 0 : i32
      %dma_wait3A_276 = tpu.memref_slice %arg10[%dma_wait3A_274, %dma_wait3A_275] : memref<4x64xi32, #tpu.memory_space<vmem>> -> memref<1x64xi32, #tpu.memory_space<vmem>>
      %dma_wait3A_277 = tpu.memref_squeeze %dma_wait3A_276 : memref<1x64xi32, #tpu.memory_space<vmem>> -> memref<64xi32, #tpu.memory_space<vmem>>
      %dma_wait3A_278 = arith.constant 0 : i32
      %dma_wait3A_279 = arith.constant 0 : i32
      %dma_wait3A_280 = tpu.memref_slice %arg15[%dma_wait3A_278, %dma_wait3A_279] : memref<10240x128xf32, #tpu.memory_space<vmem_shared>> -> memref<10240x128xf32, #tpu.memory_space<vmem_shared>>
      tpu.wait_indirect_dma semaphore(%arg23 : memref<!tpu.dma_semaphore, #tpu.memory_space<semaphore_mem>>) src(%arg14 : memref<64x128xf32, #tpu.memory_space<vmem>>) dst(%dma_wait3A_280 : memref<10240x128xf32, #tpu.memory_space<vmem_shared>>)
      %mul3A_281 = arith.constant 2 : i32
      %mul3A_282 = arith.muli %mul3A_281, %while3A_135 : i32
      %add3A_283 = arith.constant 2 : i32
      %add3A_284 = arith.addi %mul3A_282, %add3A_283 : i32
      %sub3A = arith.constant 1 : i32
      %sub3A_285 = arith.subi %select_n3A_8, %sub3A : i32
      %lt3A = arith.cmpi slt, %while3A_135, %sub3A_285 : i32
      %convert_element_type3A_286 = arith.extui %lt3A : i1 to i32
      %cond3A_287 = arith.constant 0 : i32
      %cond3A_288 = arith.cmpi ne, %convert_element_type3A_286, %cond3A_287 : i32
      scf.if %cond3A_288 {
        %mul3A_373 = arith.constant 4 : i32
        %mul3A_374 = arith.muli %add3A_284, %mul3A_373 : i32
        %add3A_375 = arith.addi %select_n3A, %mul3A_374 : i32
        %dma_start3A_376 = arith.constant 0 : i32
        %dma_start3A_377 = tpu.memref_slice %arg3[%add3A_375, %dma_start3A_376] : memref<5120x64xi32, #tpu.memory_space<hbm>> -> memref<4x64xi32, #tpu.memory_space<hbm>>
        %dma_start3A_378 = arith.constant 0 : i32
        %dma_start3A_379 = tpu.memref_slice %arg3[%add3A_375, %dma_start3A_378] : memref<5120x64xi32, #tpu.memory_space<hbm>> -> memref<4x64xi32, #tpu.memory_space<hbm>>
        tpu.enqueue_dma source(%dma_start3A_379 : memref<4x64xi32, #tpu.memory_space<hbm>>) target(%arg7 : memref<4x64xi32, #tpu.memory_space<vmem>>) target_semaphore(%arg24 : memref<!tpu.dma_semaphore, #tpu.memory_space<semaphore_mem>>)
        %dma_start3A_380 = arith.constant 0 : i32
        %dma_start3A_381 = tpu.memref_slice %arg4[%add3A_375, %dma_start3A_380] : memref<5120x64xi32, #tpu.memory_space<hbm>> -> memref<4x64xi32, #tpu.memory_space<hbm>>
        %dma_start3A_382 = arith.constant 0 : i32
        %dma_start3A_383 = tpu.memref_slice %arg4[%add3A_375, %dma_start3A_382] : memref<5120x64xi32, #tpu.memory_space<hbm>> -> memref<4x64xi32, #tpu.memory_space<hbm>>
        tpu.enqueue_dma source(%dma_start3A_383 : memref<4x64xi32, #tpu.memory_space<hbm>>) target(%arg9 : memref<4x64xi32, #tpu.memory_space<vmem>>) target_semaphore(%arg24 : memref<!tpu.dma_semaphore, #tpu.memory_space<semaphore_mem>>)
      } else {
      }
      %dma_start3A_289 = arith.constant 0 : i32
      %dma_start3A_290 = arith.constant 0 : i32
      %dma_start3A_291 = tpu.memref_slice %arg8[%dma_start3A_289, %dma_start3A_290] : memref<4x64xi32, #tpu.memory_space<vmem>> -> memref<1x64xi32, #tpu.memory_space<vmem>>
      %dma_start3A_292 = tpu.memref_squeeze %dma_start3A_291 : memref<1x64xi32, #tpu.memory_space<vmem>> -> memref<64xi32, #tpu.memory_space<vmem>>
      %dma_start3A_293 = arith.constant 0 : i32
      %dma_start3A_294 = arith.constant 0 : i32
      %dma_start3A_295 = tpu.memref_slice %arg2[%dma_start3A_293, %dma_start3A_294] : memref<10240x128xf32, #tpu.memory_space<hbm>> -> memref<10240x128xf32, #tpu.memory_space<hbm>>
      tpu.enqueue_indirect_dma source(%dma_start3A_295 : memref<10240x128xf32, #tpu.memory_space<hbm>>) target(%arg11 : memref<64x128xf32, #tpu.memory_space<vmem>>) offsets(%dma_start3A_292 : memref<64xi32, #tpu.memory_space<vmem>>) semaphore(%arg16 : memref<!tpu.dma_semaphore, #tpu.memory_space<semaphore_mem>>)
      %dma_start3A_296 = arith.constant 1 : i32
      %dma_start3A_297 = arith.constant 0 : i32
      %dma_start3A_298 = tpu.memref_slice %arg8[%dma_start3A_296, %dma_start3A_297] : memref<4x64xi32, #tpu.memory_space<vmem>> -> memref<1x64xi32, #tpu.memory_space<vmem>>
      %dma_start3A_299 = tpu.memref_squeeze %dma_start3A_298 : memref<1x64xi32, #tpu.memory_space<vmem>> -> memref<64xi32, #tpu.memory_space<vmem>>
      %dma_start3A_300 = arith.constant 0 : i32
      %dma_start3A_301 = arith.constant 0 : i32
      %dma_start3A_302 = tpu.memref_slice %arg2[%dma_start3A_300, %dma_start3A_301] : memref<10240x128xf32, #tpu.memory_space<hbm>> -> memref<10240x128xf32, #tpu.memory_space<hbm>>
      tpu.enqueue_indirect_dma source(%dma_start3A_302 : memref<10240x128xf32, #tpu.memory_space<hbm>>) target(%arg12 : memref<64x128xf32, #tpu.memory_space<vmem>>) offsets(%dma_start3A_299 : memref<64xi32, #tpu.memory_space<vmem>>) semaphore(%arg17 : memref<!tpu.dma_semaphore, #tpu.memory_space<semaphore_mem>>)
      %dma_start3A_303 = arith.constant 2 : i32
      %dma_start3A_304 = arith.constant 0 : i32
      %dma_start3A_305 = tpu.memref_slice %arg8[%dma_start3A_303, %dma_start3A_304] : memref<4x64xi32, #tpu.memory_space<vmem>> -> memref<1x64xi32, #tpu.memory_space<vmem>>
      %dma_start3A_306 = tpu.memref_squeeze %dma_start3A_305 : memref<1x64xi32, #tpu.memory_space<vmem>> -> memref<64xi32, #tpu.memory_space<vmem>>
      %dma_start3A_307 = arith.constant 0 : i32
      %dma_start3A_308 = arith.constant 0 : i32
      %dma_start3A_309 = tpu.memref_slice %arg2[%dma_start3A_307, %dma_start3A_308] : memref<10240x128xf32, #tpu.memory_space<hbm>> -> memref<10240x128xf32, #tpu.memory_space<hbm>>
      tpu.enqueue_indirect_dma source(%dma_start3A_309 : memref<10240x128xf32, #tpu.memory_space<hbm>>) target(%arg13 : memref<64x128xf32, #tpu.memory_space<vmem>>) offsets(%dma_start3A_306 : memref<64xi32, #tpu.memory_space<vmem>>) semaphore(%arg18 : memref<!tpu.dma_semaphore, #tpu.memory_space<semaphore_mem>>)
      %dma_start3A_310 = arith.constant 3 : i32
      %dma_start3A_311 = arith.constant 0 : i32
      %dma_start3A_312 = tpu.memref_slice %arg8[%dma_start3A_310, %dma_start3A_311] : memref<4x64xi32, #tpu.memory_space<vmem>> -> memref<1x64xi32, #tpu.memory_space<vmem>>
      %dma_start3A_313 = tpu.memref_squeeze %dma_start3A_312 : memref<1x64xi32, #tpu.memory_space<vmem>> -> memref<64xi32, #tpu.memory_space<vmem>>
      %dma_start3A_314 = arith.constant 0 : i32
      %dma_start3A_315 = arith.constant 0 : i32
      %dma_start3A_316 = tpu.memref_slice %arg2[%dma_start3A_314, %dma_start3A_315] : memref<10240x128xf32, #tpu.memory_space<hbm>> -> memref<10240x128xf32, #tpu.memory_space<hbm>>
      tpu.enqueue_indirect_dma source(%dma_start3A_316 : memref<10240x128xf32, #tpu.memory_space<hbm>>) target(%arg14 : memref<64x128xf32, #tpu.memory_space<vmem>>) offsets(%dma_start3A_313 : memref<64xi32, #tpu.memory_space<vmem>>) semaphore(%arg19 : memref<!tpu.dma_semaphore, #tpu.memory_space<semaphore_mem>>)
      %dma_wait3A_317 = arith.constant 0 : i32
      %dma_wait3A_318 = arith.constant 0 : i32
      %dma_wait3A_319 = tpu.memref_slice %arg8[%dma_wait3A_317, %dma_wait3A_318] : memref<4x64xi32, #tpu.memory_space<vmem>> -> memref<1x64xi32, #tpu.memory_space<vmem>>
      %dma_wait3A_320 = tpu.memref_squeeze %dma_wait3A_319 : memref<1x64xi32, #tpu.memory_space<vmem>> -> memref<64xi32, #tpu.memory_space<vmem>>
      %dma_wait3A_321 = arith.constant 0 : i32
      %dma_wait3A_322 = arith.constant 0 : i32
      %dma_wait3A_323 = tpu.memref_slice %arg2[%dma_wait3A_321, %dma_wait3A_322] : memref<10240x128xf32, #tpu.memory_space<hbm>> -> memref<10240x128xf32, #tpu.memory_space<hbm>>
      tpu.wait_indirect_dma semaphore(%arg16 : memref<!tpu.dma_semaphore, #tpu.memory_space<semaphore_mem>>) src(%dma_wait3A_323 : memref<10240x128xf32, #tpu.memory_space<hbm>>) dst(%arg11 : memref<64x128xf32, #tpu.memory_space<vmem>>)
      %dma_start3A_324 = arith.constant 0 : i32
      %dma_start3A_325 = arith.constant 0 : i32
      %dma_start3A_326 = tpu.memref_slice %arg10[%dma_start3A_324, %dma_start3A_325] : memref<4x64xi32, #tpu.memory_space<vmem>> -> memref<1x64xi32, #tpu.memory_space<vmem>>
      %dma_start3A_327 = tpu.memref_squeeze %dma_start3A_326 : memref<1x64xi32, #tpu.memory_space<vmem>> -> memref<64xi32, #tpu.memory_space<vmem>>
      %dma_start3A_328 = arith.constant 0 : i32
      %dma_start3A_329 = arith.constant 0 : i32
      %dma_start3A_330 = tpu.memref_slice %arg15[%dma_start3A_328, %dma_start3A_329] : memref<10240x128xf32, #tpu.memory_space<vmem_shared>> -> memref<10240x128xf32, #tpu.memory_space<vmem_shared>>
      tpu.enqueue_indirect_dma source(%arg11 : memref<64x128xf32, #tpu.memory_space<vmem>>) target(%dma_start3A_330 : memref<10240x128xf32, #tpu.memory_space<vmem_shared>>) offsets(%dma_start3A_327 : memref<64xi32, #tpu.memory_space<vmem>>) semaphore(%arg20 : memref<!tpu.dma_semaphore, #tpu.memory_space<semaphore_mem>>) {add = true}
      %dma_wait3A_331 = arith.constant 1 : i32
      %dma_wait3A_332 = arith.constant 0 : i32
      %dma_wait3A_333 = tpu.memref_slice %arg8[%dma_wait3A_331, %dma_wait3A_332] : memref<4x64xi32, #tpu.memory_space<vmem>> -> memref<1x64xi32, #tpu.memory_space<vmem>>
      %dma_wait3A_334 = tpu.memref_squeeze %dma_wait3A_333 : memref<1x64xi32, #tpu.memory_space<vmem>> -> memref<64xi32, #tpu.memory_space<vmem>>
      %dma_wait3A_335 = arith.constant 0 : i32
      %dma_wait3A_336 = arith.constant 0 : i32
      %dma_wait3A_337 = tpu.memref_slice %arg2[%dma_wait3A_335, %dma_wait3A_336] : memref<10240x128xf32, #tpu.memory_space<hbm>> -> memref<10240x128xf32, #tpu.memory_space<hbm>>
      tpu.wait_indirect_dma semaphore(%arg17 : memref<!tpu.dma_semaphore, #tpu.memory_space<semaphore_mem>>) src(%dma_wait3A_337 : memref<10240x128xf32, #tpu.memory_space<hbm>>) dst(%arg12 : memref<64x128xf32, #tpu.memory_space<vmem>>)
      %dma_start3A_338 = arith.constant 1 : i32
      %dma_start3A_339 = arith.constant 0 : i32
      %dma_start3A_340 = tpu.memref_slice %arg10[%dma_start3A_338, %dma_start3A_339] : memref<4x64xi32, #tpu.memory_space<vmem>> -> memref<1x64xi32, #tpu.memory_space<vmem>>
      %dma_start3A_341 = tpu.memref_squeeze %dma_start3A_340 : memref<1x64xi32, #tpu.memory_space<vmem>> -> memref<64xi32, #tpu.memory_space<vmem>>
      %dma_start3A_342 = arith.constant 0 : i32
      %dma_start3A_343 = arith.constant 0 : i32
      %dma_start3A_344 = tpu.memref_slice %arg15[%dma_start3A_342, %dma_start3A_343] : memref<10240x128xf32, #tpu.memory_space<vmem_shared>> -> memref<10240x128xf32, #tpu.memory_space<vmem_shared>>
      tpu.enqueue_indirect_dma source(%arg12 : memref<64x128xf32, #tpu.memory_space<vmem>>) target(%dma_start3A_344 : memref<10240x128xf32, #tpu.memory_space<vmem_shared>>) offsets(%dma_start3A_341 : memref<64xi32, #tpu.memory_space<vmem>>) semaphore(%arg21 : memref<!tpu.dma_semaphore, #tpu.memory_space<semaphore_mem>>) {add = true}
      %dma_wait3A_345 = arith.constant 2 : i32
      %dma_wait3A_346 = arith.constant 0 : i32
      %dma_wait3A_347 = tpu.memref_slice %arg8[%dma_wait3A_345, %dma_wait3A_346] : memref<4x64xi32, #tpu.memory_space<vmem>> -> memref<1x64xi32, #tpu.memory_space<vmem>>
      %dma_wait3A_348 = tpu.memref_squeeze %dma_wait3A_347 : memref<1x64xi32, #tpu.memory_space<vmem>> -> memref<64xi32, #tpu.memory_space<vmem>>
      %dma_wait3A_349 = arith.constant 0 : i32
      %dma_wait3A_350 = arith.constant 0 : i32
      %dma_wait3A_351 = tpu.memref_slice %arg2[%dma_wait3A_349, %dma_wait3A_350] : memref<10240x128xf32, #tpu.memory_space<hbm>> -> memref<10240x128xf32, #tpu.memory_space<hbm>>
      tpu.wait_indirect_dma semaphore(%arg18 : memref<!tpu.dma_semaphore, #tpu.memory_space<semaphore_mem>>) src(%dma_wait3A_351 : memref<10240x128xf32, #tpu.memory_space<hbm>>) dst(%arg13 : memref<64x128xf32, #tpu.memory_space<vmem>>)
      %dma_start3A_352 = arith.constant 2 : i32
      %dma_start3A_353 = arith.constant 0 : i32
      %dma_start3A_354 = tpu.memref_slice %arg10[%dma_start3A_352, %dma_start3A_353] : memref<4x64xi32, #tpu.memory_space<vmem>> -> memref<1x64xi32, #tpu.memory_space<vmem>>
      %dma_start3A_355 = tpu.memref_squeeze %dma_start3A_354 : memref<1x64xi32, #tpu.memory_space<vmem>> -> memref<64xi32, #tpu.memory_space<vmem>>
      %dma_start3A_356 = arith.constant 0 : i32
      %dma_start3A_357 = arith.constant 0 : i32
      %dma_start3A_358 = tpu.memref_slice %arg15[%dma_start3A_356, %dma_start3A_357] : memref<10240x128xf32, #tpu.memory_space<vmem_shared>> -> memref<10240x128xf32, #tpu.memory_space<vmem_shared>>
      tpu.enqueue_indirect_dma source(%arg13 : memref<64x128xf32, #tpu.memory_space<vmem>>) target(%dma_start3A_358 : memref<10240x128xf32, #tpu.memory_space<vmem_shared>>) offsets(%dma_start3A_355 : memref<64xi32, #tpu.memory_space<vmem>>) semaphore(%arg22 : memref<!tpu.dma_semaphore, #tpu.memory_space<semaphore_mem>>) {add = true}
      %dma_wait3A_359 = arith.constant 3 : i32
      %dma_wait3A_360 = arith.constant 0 : i32
      %dma_wait3A_361 = tpu.memref_slice %arg8[%dma_wait3A_359, %dma_wait3A_360] : memref<4x64xi32, #tpu.memory_space<vmem>> -> memref<1x64xi32, #tpu.memory_space<vmem>>
      %dma_wait3A_362 = tpu.memref_squeeze %dma_wait3A_361 : memref<1x64xi32, #tpu.memory_space<vmem>> -> memref<64xi32, #tpu.memory_space<vmem>>
      %dma_wait3A_363 = arith.constant 0 : i32
      %dma_wait3A_364 = arith.constant 0 : i32
      %dma_wait3A_365 = tpu.memref_slice %arg2[%dma_wait3A_363, %dma_wait3A_364] : memref<10240x128xf32, #tpu.memory_space<hbm>> -> memref<10240x128xf32, #tpu.memory_space<hbm>>
      tpu.wait_indirect_dma semaphore(%arg19 : memref<!tpu.dma_semaphore, #tpu.memory_space<semaphore_mem>>) src(%dma_wait3A_365 : memref<10240x128xf32, #tpu.memory_space<hbm>>) dst(%arg14 : memref<64x128xf32, #tpu.memory_space<vmem>>)
      %dma_start3A_366 = arith.constant 3 : i32
      %dma_start3A_367 = arith.constant 0 : i32
      %dma_start3A_368 = tpu.memref_slice %arg10[%dma_start3A_366, %dma_start3A_367] : memref<4x64xi32, #tpu.memory_space<vmem>> -> memref<1x64xi32, #tpu.memory_space<vmem>>
      %dma_start3A_369 = tpu.memref_squeeze %dma_start3A_368 : memref<1x64xi32, #tpu.memory_space<vmem>> -> memref<64xi32, #tpu.memory_space<vmem>>
      %dma_start3A_370 = arith.constant 0 : i32
      %dma_start3A_371 = arith.constant 0 : i32
      %dma_start3A_372 = tpu.memref_slice %arg15[%dma_start3A_370, %dma_start3A_371] : memref<10240x128xf32, #tpu.memory_space<vmem_shared>> -> memref<10240x128xf32, #tpu.memory_space<vmem_shared>>
      tpu.enqueue_indirect_dma source(%arg14 : memref<64x128xf32, #tpu.memory_space<vmem>>) target(%dma_start3A_372 : memref<10240x128xf32, #tpu.memory_space<vmem_shared>>) offsets(%dma_start3A_369 : memref<64xi32, #tpu.memory_space<vmem>>) semaphore(%arg23 : memref<!tpu.dma_semaphore, #tpu.memory_space<semaphore_mem>>) {add = true}
    }
    %dma_wait3A = arith.constant 0 : i32
    %dma_wait3A_67 = arith.constant 0 : i32
    %dma_wait3A_68 = tpu.memref_slice %arg9[%dma_wait3A, %dma_wait3A_67] : memref<4x64xi32, #tpu.memory_space<vmem>> -> memref<1x64xi32, #tpu.memory_space<vmem>>
    %dma_wait3A_69 = tpu.memref_squeeze %dma_wait3A_68 : memref<1x64xi32, #tpu.memory_space<vmem>> -> memref<64xi32, #tpu.memory_space<vmem>>
    %dma_wait3A_70 = arith.constant 0 : i32
    %dma_wait3A_71 = arith.constant 0 : i32
    %dma_wait3A_72 = tpu.memref_slice %arg15[%dma_wait3A_70, %dma_wait3A_71] : memref<10240x128xf32, #tpu.memory_space<vmem_shared>> -> memref<10240x128xf32, #tpu.memory_space<vmem_shared>>
    tpu.wait_indirect_dma semaphore(%arg20 : memref<!tpu.dma_semaphore, #tpu.memory_space<semaphore_mem>>) src(%arg11 : memref<64x128xf32, #tpu.memory_space<vmem>>) dst(%dma_wait3A_72 : memref<10240x128xf32, #tpu.memory_space<vmem_shared>>)
    %dma_wait3A_73 = arith.constant 1 : i32
    %dma_wait3A_74 = arith.constant 0 : i32
    %dma_wait3A_75 = tpu.memref_slice %arg9[%dma_wait3A_73, %dma_wait3A_74] : memref<4x64xi32, #tpu.memory_space<vmem>> -> memref<1x64xi32, #tpu.memory_space<vmem>>
    %dma_wait3A_76 = tpu.memref_squeeze %dma_wait3A_75 : memref<1x64xi32, #tpu.memory_space<vmem>> -> memref<64xi32, #tpu.memory_space<vmem>>
    %dma_wait3A_77 = arith.constant 0 : i32
    %dma_wait3A_78 = arith.constant 0 : i32
    %dma_wait3A_79 = tpu.memref_slice %arg15[%dma_wait3A_77, %dma_wait3A_78] : memref<10240x128xf32, #tpu.memory_space<vmem_shared>> -> memref<10240x128xf32, #tpu.memory_space<vmem_shared>>
    tpu.wait_indirect_dma semaphore(%arg21 : memref<!tpu.dma_semaphore, #tpu.memory_space<semaphore_mem>>) src(%arg12 : memref<64x128xf32, #tpu.memory_space<vmem>>) dst(%dma_wait3A_79 : memref<10240x128xf32, #tpu.memory_space<vmem_shared>>)
    %dma_wait3A_80 = arith.constant 2 : i32
    %dma_wait3A_81 = arith.constant 0 : i32
    %dma_wait3A_82 = tpu.memref_slice %arg9[%dma_wait3A_80, %dma_wait3A_81] : memref<4x64xi32, #tpu.memory_space<vmem>> -> memref<1x64xi32, #tpu.memory_space<vmem>>
    %dma_wait3A_83 = tpu.memref_squeeze %dma_wait3A_82 : memref<1x64xi32, #tpu.memory_space<vmem>> -> memref<64xi32, #tpu.memory_space<vmem>>
    %dma_wait3A_84 = arith.constant 0 : i32
    %dma_wait3A_85 = arith.constant 0 : i32
    %dma_wait3A_86 = tpu.memref_slice %arg15[%dma_wait3A_84, %dma_wait3A_85] : memref<10240x128xf32, #tpu.memory_space<vmem_shared>> -> memref<10240x128xf32, #tpu.memory_space<vmem_shared>>
    tpu.wait_indirect_dma semaphore(%arg22 : memref<!tpu.dma_semaphore, #tpu.memory_space<semaphore_mem>>) src(%arg13 : memref<64x128xf32, #tpu.memory_space<vmem>>) dst(%dma_wait3A_86 : memref<10240x128xf32, #tpu.memory_space<vmem_shared>>)
    %dma_wait3A_87 = arith.constant 3 : i32
    %dma_wait3A_88 = arith.constant 0 : i32
    %dma_wait3A_89 = tpu.memref_slice %arg9[%dma_wait3A_87, %dma_wait3A_88] : memref<4x64xi32, #tpu.memory_space<vmem>> -> memref<1x64xi32, #tpu.memory_space<vmem>>
    %dma_wait3A_90 = tpu.memref_squeeze %dma_wait3A_89 : memref<1x64xi32, #tpu.memory_space<vmem>> -> memref<64xi32, #tpu.memory_space<vmem>>
    %dma_wait3A_91 = arith.constant 0 : i32
    %dma_wait3A_92 = arith.constant 0 : i32
    %dma_wait3A_93 = tpu.memref_slice %arg15[%dma_wait3A_91, %dma_wait3A_92] : memref<10240x128xf32, #tpu.memory_space<vmem_shared>> -> memref<10240x128xf32, #tpu.memory_space<vmem_shared>>
    tpu.wait_indirect_dma semaphore(%arg23 : memref<!tpu.dma_semaphore, #tpu.memory_space<semaphore_mem>>) src(%arg14 : memref<64x128xf32, #tpu.memory_space<vmem>>) dst(%dma_wait3A_93 : memref<10240x128xf32, #tpu.memory_space<vmem_shared>>)
    %barrier3A_94 = arith.constant 0 : index
    tpu.barrier barrier_id(%barrier3A_94)
    %mul3A_95 = arith.constant 640 : i32
    %mul3A_96 = arith.muli %arg1, %mul3A_95 : i32
    %add3A_97 = arith.constant 0 : i32
    %add3A_98 = arith.addi %mul3A_96, %add3A_97 : i32
    "tpu.region"() ({
      %run_scoped3A = tpu.sem_alloc : memref<!tpu.dma_semaphore, #tpu.memory_space<semaphore_mem>>
      %dma_start3A_135 = arith.constant 0 : i32
      %dma_start3A_136 = tpu.memref_slice %arg15[%add3A_98, %dma_start3A_135] : memref<10240x128xf32, #tpu.memory_space<vmem_shared>> -> memref<64x128xf32, #tpu.memory_space<vmem_shared>>
      %dma_start3A_137 = arith.constant 0 : i32
      %dma_start3A_138 = tpu.memref_slice %arg15[%add3A_98, %dma_start3A_137] : memref<10240x128xf32, #tpu.memory_space<vmem_shared>> -> memref<64x128xf32, #tpu.memory_space<vmem_shared>>
      tpu.enqueue_dma source(%dma_start3A_138 : memref<64x128xf32, #tpu.memory_space<vmem_shared>>) target(%arg11 : memref<64x128xf32, #tpu.memory_space<vmem>>) target_semaphore(%run_scoped3A : memref<!tpu.dma_semaphore, #tpu.memory_space<semaphore_mem>>)
      %dma_wait3A_139 = arith.constant 0 : i32
      %dma_wait3A_140 = tpu.memref_slice %arg15[%add3A_98, %dma_wait3A_139] : memref<10240x128xf32, #tpu.memory_space<vmem_shared>> -> memref<64x128xf32, #tpu.memory_space<vmem_shared>>
      %dma_wait3A_141 = arith.constant 0 : i32
      %dma_wait3A_142 = tpu.memref_slice %arg15[%add3A_98, %dma_wait3A_141] : memref<10240x128xf32, #tpu.memory_space<vmem_shared>> -> memref<64x128xf32, #tpu.memory_space<vmem_shared>>
      tpu.wait_dma2 semaphore(%run_scoped3A : memref<!tpu.dma_semaphore, #tpu.memory_space<semaphore_mem>>) src(%dma_wait3A_142 : memref<64x128xf32, #tpu.memory_space<vmem_shared>>) dst(%arg11 : memref<64x128xf32, #tpu.memory_space<vmem>>)
      tpu.yield
    }) : () -> ()
    "tpu.region"() ({
      %run_scoped3A = tpu.sem_alloc : memref<!tpu.dma_semaphore, #tpu.memory_space<semaphore_mem>>
      %dma_start3A_135 = arith.constant 0 : i32
      %dma_start3A_136 = tpu.memref_slice %arg6[%arg0, %add3A_98, %dma_start3A_135] : memref<2x10240x128xf32, #tpu.memory_space<hbm>> -> memref<1x64x128xf32, #tpu.memory_space<hbm>>
      %dma_start3A_137 = tpu.memref_squeeze %dma_start3A_136 : memref<1x64x128xf32, #tpu.memory_space<hbm>> -> memref<64x128xf32, #tpu.memory_space<hbm>>
      %dma_start3A_138 = arith.constant 0 : i32
      %dma_start3A_139 = tpu.memref_slice %arg6[%arg0, %add3A_98, %dma_start3A_138] : memref<2x10240x128xf32, #tpu.memory_space<hbm>> -> memref<1x64x128xf32, #tpu.memory_space<hbm>>
      %dma_start3A_140 = tpu.memref_squeeze %dma_start3A_139 : memref<1x64x128xf32, #tpu.memory_space<hbm>> -> memref<64x128xf32, #tpu.memory_space<hbm>>
      tpu.enqueue_dma source(%arg11 : memref<64x128xf32, #tpu.memory_space<vmem>>) target(%dma_start3A_140 : memref<64x128xf32, #tpu.memory_space<hbm>>) target_semaphore(%run_scoped3A : memref<!tpu.dma_semaphore, #tpu.memory_space<semaphore_mem>>)
      %dma_wait3A_141 = arith.constant 0 : i32
      %dma_wait3A_142 = tpu.memref_slice %arg6[%arg0, %add3A_98, %dma_wait3A_141] : memref<2x10240x128xf32, #tpu.memory_space<hbm>> -> memref<1x64x128xf32, #tpu.memory_space<hbm>>
      %dma_wait3A_143 = tpu.memref_squeeze %dma_wait3A_142 : memref<1x64x128xf32, #tpu.memory_space<hbm>> -> memref<64x128xf32, #tpu.memory_space<hbm>>
      %dma_wait3A_144 = arith.constant 0 : i32
      %dma_wait3A_145 = tpu.memref_slice %arg6[%arg0, %add3A_98, %dma_wait3A_144] : memref<2x10240x128xf32, #tpu.memory_space<hbm>> -> memref<1x64x128xf32, #tpu.memory_space<hbm>>
      %dma_wait3A_146 = tpu.memref_squeeze %dma_wait3A_145 : memref<1x64x128xf32, #tpu.memory_space<hbm>> -> memref<64x128xf32, #tpu.memory_space<hbm>>
      tpu.wait_dma2 semaphore(%run_scoped3A : memref<!tpu.dma_semaphore, #tpu.memory_space<semaphore_mem>>) src(%arg11 : memref<64x128xf32, #tpu.memory_space<vmem>>) dst(%dma_wait3A_146 : memref<64x128xf32, #tpu.memory_space<hbm>>)
      tpu.yield
    }) : () -> ()
    %mul3A_99 = arith.constant 640 : i32
    %mul3A_100 = arith.muli %arg1, %mul3A_99 : i32
    %add3A_101 = arith.constant 64 : i32
    %add3A_102 = arith.addi %mul3A_100, %add3A_101 : i32
    "tpu.region"() ({
      %run_scoped3A = tpu.sem_alloc : memref<!tpu.dma_semaphore, #tpu.memory_space<semaphore_mem>>
      %dma_start3A_135 = arith.constant 0 : i32
      %dma_start3A_136 = tpu.memref_slice %arg15[%add3A_102, %dma_start3A_135] : memref<10240x128xf32, #tpu.memory_space<vmem_shared>> -> memref<64x128xf32, #tpu.memory_space<vmem_shared>>
      %dma_start3A_137 = arith.constant 0 : i32
      %dma_start3A_138 = tpu.memref_slice %arg15[%add3A_102, %dma_start3A_137] : memref<10240x128xf32, #tpu.memory_space<vmem_shared>> -> memref<64x128xf32, #tpu.memory_space<vmem_shared>>
      tpu.enqueue_dma source(%dma_start3A_138 : memref<64x128xf32, #tpu.memory_space<vmem_shared>>) target(%arg11 : memref<64x128xf32, #tpu.memory_space<vmem>>) target_semaphore(%run_scoped3A : memref<!tpu.dma_semaphore, #tpu.memory_space<semaphore_mem>>)
      %dma_wait3A_139 = arith.constant 0 : i32
      %dma_wait3A_140 = tpu.memref_slice %arg15[%add3A_102, %dma_wait3A_139] : memref<10240x128xf32, #tpu.memory_space<vmem_shared>> -> memref<64x128xf32, #tpu.memory_space<vmem_shared>>
      %dma_wait3A_141 = arith.constant 0 : i32
      %dma_wait3A_142 = tpu.memref_slice %arg15[%add3A_102, %dma_wait3A_141] : memref<10240x128xf32, #tpu.memory_space<vmem_shared>> -> memref<64x128xf32, #tpu.memory_space<vmem_shared>>
      tpu.wait_dma2 semaphore(%run_scoped3A : memref<!tpu.dma_semaphore, #tpu.memory_space<semaphore_mem>>) src(%dma_wait3A_142 : memref<64x128xf32, #tpu.memory_space<vmem_shared>>) dst(%arg11 : memref<64x128xf32, #tpu.memory_space<vmem>>)
      tpu.yield
    }) : () -> ()
    "tpu.region"() ({
      %run_scoped3A = tpu.sem_alloc : memref<!tpu.dma_semaphore, #tpu.memory_space<semaphore_mem>>
      %dma_start3A_135 = arith.constant 0 : i32
      %dma_start3A_136 = tpu.memref_slice %arg6[%arg0, %add3A_102, %dma_start3A_135] : memref<2x10240x128xf32, #tpu.memory_space<hbm>> -> memref<1x64x128xf32, #tpu.memory_space<hbm>>
      %dma_start3A_137 = tpu.memref_squeeze %dma_start3A_136 : memref<1x64x128xf32, #tpu.memory_space<hbm>> -> memref<64x128xf32, #tpu.memory_space<hbm>>
      %dma_start3A_138 = arith.constant 0 : i32
      %dma_start3A_139 = tpu.memref_slice %arg6[%arg0, %add3A_102, %dma_start3A_138] : memref<2x10240x128xf32, #tpu.memory_space<hbm>> -> memref<1x64x128xf32, #tpu.memory_space<hbm>>
      %dma_start3A_140 = tpu.memref_squeeze %dma_start3A_139 : memref<1x64x128xf32, #tpu.memory_space<hbm>> -> memref<64x128xf32, #tpu.memory_space<hbm>>
      tpu.enqueue_dma source(%arg11 : memref<64x128xf32, #tpu.memory_space<vmem>>) target(%dma_start3A_140 : memref<64x128xf32, #tpu.memory_space<hbm>>) target_semaphore(%run_scoped3A : memref<!tpu.dma_semaphore, #tpu.memory_space<semaphore_mem>>)
      %dma_wait3A_141 = arith.constant 0 : i32
      %dma_wait3A_142 = tpu.memref_slice %arg6[%arg0, %add3A_102, %dma_wait3A_141] : memref<2x10240x128xf32, #tpu.memory_space<hbm>> -> memref<1x64x128xf32, #tpu.memory_space<hbm>>
      %dma_wait3A_143 = tpu.memref_squeeze %dma_wait3A_142 : memref<1x64x128xf32, #tpu.memory_space<hbm>> -> memref<64x128xf32, #tpu.memory_space<hbm>>
      %dma_wait3A_144 = arith.constant 0 : i32
      %dma_wait3A_145 = tpu.memref_slice %arg6[%arg0, %add3A_102, %dma_wait3A_144] : memref<2x10240x128xf32, #tpu.memory_space<hbm>> -> memref<1x64x128xf32, #tpu.memory_space<hbm>>
      %dma_wait3A_146 = tpu.memref_squeeze %dma_wait3A_145 : memref<1x64x128xf32, #tpu.memory_space<hbm>> -> memref<64x128xf32, #tpu.memory_space<hbm>>
      tpu.wait_dma2 semaphore(%run_scoped3A : memref<!tpu.dma_semaphore, #tpu.memory_space<semaphore_mem>>) src(%arg11 : memref<64x128xf32, #tpu.memory_space<vmem>>) dst(%dma_wait3A_146 : memref<64x128xf32, #tpu.memory_space<hbm>>)
      tpu.yield
    }) : () -> ()
    %mul3A_103 = arith.constant 640 : i32
    %mul3A_104 = arith.muli %arg1, %mul3A_103 : i32
    %add3A_105 = arith.constant 128 : i32
    %add3A_106 = arith.addi %mul3A_104, %add3A_105 : i32
    "tpu.region"() ({
      %run_scoped3A = tpu.sem_alloc : memref<!tpu.dma_semaphore, #tpu.memory_space<semaphore_mem>>
      %dma_start3A_135 = arith.constant 0 : i32
      %dma_start3A_136 = tpu.memref_slice %arg15[%add3A_106, %dma_start3A_135] : memref<10240x128xf32, #tpu.memory_space<vmem_shared>> -> memref<64x128xf32, #tpu.memory_space<vmem_shared>>
      %dma_start3A_137 = arith.constant 0 : i32
      %dma_start3A_138 = tpu.memref_slice %arg15[%add3A_106, %dma_start3A_137] : memref<10240x128xf32, #tpu.memory_space<vmem_shared>> -> memref<64x128xf32, #tpu.memory_space<vmem_shared>>
      tpu.enqueue_dma source(%dma_start3A_138 : memref<64x128xf32, #tpu.memory_space<vmem_shared>>) target(%arg11 : memref<64x128xf32, #tpu.memory_space<vmem>>) target_semaphore(%run_scoped3A : memref<!tpu.dma_semaphore, #tpu.memory_space<semaphore_mem>>)
      %dma_wait3A_139 = arith.constant 0 : i32
      %dma_wait3A_140 = tpu.memref_slice %arg15[%add3A_106, %dma_wait3A_139] : memref<10240x128xf32, #tpu.memory_space<vmem_shared>> -> memref<64x128xf32, #tpu.memory_space<vmem_shared>>
      %dma_wait3A_141 = arith.constant 0 : i32
      %dma_wait3A_142 = tpu.memref_slice %arg15[%add3A_106, %dma_wait3A_141] : memref<10240x128xf32, #tpu.memory_space<vmem_shared>> -> memref<64x128xf32, #tpu.memory_space<vmem_shared>>
      tpu.wait_dma2 semaphore(%run_scoped3A : memref<!tpu.dma_semaphore, #tpu.memory_space<semaphore_mem>>) src(%dma_wait3A_142 : memref<64x128xf32, #tpu.memory_space<vmem_shared>>) dst(%arg11 : memref<64x128xf32, #tpu.memory_space<vmem>>)
      tpu.yield
    }) : () -> ()
    "tpu.region"() ({
      %run_scoped3A = tpu.sem_alloc : memref<!tpu.dma_semaphore, #tpu.memory_space<semaphore_mem>>
      %dma_start3A_135 = arith.constant 0 : i32
      %dma_start3A_136 = tpu.memref_slice %arg6[%arg0, %add3A_106, %dma_start3A_135] : memref<2x10240x128xf32, #tpu.memory_space<hbm>> -> memref<1x64x128xf32, #tpu.memory_space<hbm>>
      %dma_start3A_137 = tpu.memref_squeeze %dma_start3A_136 : memref<1x64x128xf32, #tpu.memory_space<hbm>> -> memref<64x128xf32, #tpu.memory_space<hbm>>
      %dma_start3A_138 = arith.constant 0 : i32
      %dma_start3A_139 = tpu.memref_slice %arg6[%arg0, %add3A_106, %dma_start3A_138] : memref<2x10240x128xf32, #tpu.memory_space<hbm>> -> memref<1x64x128xf32, #tpu.memory_space<hbm>>
      %dma_start3A_140 = tpu.memref_squeeze %dma_start3A_139 : memref<1x64x128xf32, #tpu.memory_space<hbm>> -> memref<64x128xf32, #tpu.memory_space<hbm>>
      tpu.enqueue_dma source(%arg11 : memref<64x128xf32, #tpu.memory_space<vmem>>) target(%dma_start3A_140 : memref<64x128xf32, #tpu.memory_space<hbm>>) target_semaphore(%run_scoped3A : memref<!tpu.dma_semaphore, #tpu.memory_space<semaphore_mem>>)
      %dma_wait3A_141 = arith.constant 0 : i32
      %dma_wait3A_142 = tpu.memref_slice %arg6[%arg0, %add3A_106, %dma_wait3A_141] : memref<2x10240x128xf32, #tpu.memory_space<hbm>> -> memref<1x64x128xf32, #tpu.memory_space<hbm>>
      %dma_wait3A_143 = tpu.memref_squeeze %dma_wait3A_142 : memref<1x64x128xf32, #tpu.memory_space<hbm>> -> memref<64x128xf32, #tpu.memory_space<hbm>>
      %dma_wait3A_144 = arith.constant 0 : i32
      %dma_wait3A_145 = tpu.memref_slice %arg6[%arg0, %add3A_106, %dma_wait3A_144] : memref<2x10240x128xf32, #tpu.memory_space<hbm>> -> memref<1x64x128xf32, #tpu.memory_space<hbm>>
      %dma_wait3A_146 = tpu.memref_squeeze %dma_wait3A_145 : memref<1x64x128xf32, #tpu.memory_space<hbm>> -> memref<64x128xf32, #tpu.memory_space<hbm>>
      tpu.wait_dma2 semaphore(%run_scoped3A : memref<!tpu.dma_semaphore, #tpu.memory_space<semaphore_mem>>) src(%arg11 : memref<64x128xf32, #tpu.memory_space<vmem>>) dst(%dma_wait3A_146 : memref<64x128xf32, #tpu.memory_space<hbm>>)
      tpu.yield
    }) : () -> ()
    %mul3A_107 = arith.constant 640 : i32
    %mul3A_108 = arith.muli %arg1, %mul3A_107 : i32
    %add3A_109 = arith.constant 192 : i32
    %add3A_110 = arith.addi %mul3A_108, %add3A_109 : i32
    "tpu.region"() ({
      %run_scoped3A = tpu.sem_alloc : memref<!tpu.dma_semaphore, #tpu.memory_space<semaphore_mem>>
      %dma_start3A_135 = arith.constant 0 : i32
      %dma_start3A_136 = tpu.memref_slice %arg15[%add3A_110, %dma_start3A_135] : memref<10240x128xf32, #tpu.memory_space<vmem_shared>> -> memref<64x128xf32, #tpu.memory_space<vmem_shared>>
      %dma_start3A_137 = arith.constant 0 : i32
      %dma_start3A_138 = tpu.memref_slice %arg15[%add3A_110, %dma_start3A_137] : memref<10240x128xf32, #tpu.memory_space<vmem_shared>> -> memref<64x128xf32, #tpu.memory_space<vmem_shared>>
      tpu.enqueue_dma source(%dma_start3A_138 : memref<64x128xf32, #tpu.memory_space<vmem_shared>>) target(%arg11 : memref<64x128xf32, #tpu.memory_space<vmem>>) target_semaphore(%run_scoped3A : memref<!tpu.dma_semaphore, #tpu.memory_space<semaphore_mem>>)
      %dma_wait3A_139 = arith.constant 0 : i32
      %dma_wait3A_140 = tpu.memref_slice %arg15[%add3A_110, %dma_wait3A_139] : memref<10240x128xf32, #tpu.memory_space<vmem_shared>> -> memref<64x128xf32, #tpu.memory_space<vmem_shared>>
      %dma_wait3A_141 = arith.constant 0 : i32
      %dma_wait3A_142 = tpu.memref_slice %arg15[%add3A_110, %dma_wait3A_141] : memref<10240x128xf32, #tpu.memory_space<vmem_shared>> -> memref<64x128xf32, #tpu.memory_space<vmem_shared>>
      tpu.wait_dma2 semaphore(%run_scoped3A : memref<!tpu.dma_semaphore, #tpu.memory_space<semaphore_mem>>) src(%dma_wait3A_142 : memref<64x128xf32, #tpu.memory_space<vmem_shared>>) dst(%arg11 : memref<64x128xf32, #tpu.memory_space<vmem>>)
      tpu.yield
    }) : () -> ()
    "tpu.region"() ({
      %run_scoped3A = tpu.sem_alloc : memref<!tpu.dma_semaphore, #tpu.memory_space<semaphore_mem>>
      %dma_start3A_135 = arith.constant 0 : i32
      %dma_start3A_136 = tpu.memref_slice %arg6[%arg0, %add3A_110, %dma_start3A_135] : memref<2x10240x128xf32, #tpu.memory_space<hbm>> -> memref<1x64x128xf32, #tpu.memory_space<hbm>>
      %dma_start3A_137 = tpu.memref_squeeze %dma_start3A_136 : memref<1x64x128xf32, #tpu.memory_space<hbm>> -> memref<64x128xf32, #tpu.memory_space<hbm>>
      %dma_start3A_138 = arith.constant 0 : i32
      %dma_start3A_139 = tpu.memref_slice %arg6[%arg0, %add3A_110, %dma_start3A_138] : memref<2x10240x128xf32, #tpu.memory_space<hbm>> -> memref<1x64x128xf32, #tpu.memory_space<hbm>>
      %dma_start3A_140 = tpu.memref_squeeze %dma_start3A_139 : memref<1x64x128xf32, #tpu.memory_space<hbm>> -> memref<64x128xf32, #tpu.memory_space<hbm>>
      tpu.enqueue_dma source(%arg11 : memref<64x128xf32, #tpu.memory_space<vmem>>) target(%dma_start3A_140 : memref<64x128xf32, #tpu.memory_space<hbm>>) target_semaphore(%run_scoped3A : memref<!tpu.dma_semaphore, #tpu.memory_space<semaphore_mem>>)
      %dma_wait3A_141 = arith.constant 0 : i32
      %dma_wait3A_142 = tpu.memref_slice %arg6[%arg0, %add3A_110, %dma_wait3A_141] : memref<2x10240x128xf32, #tpu.memory_space<hbm>> -> memref<1x64x128xf32, #tpu.memory_space<hbm>>
      %dma_wait3A_143 = tpu.memref_squeeze %dma_wait3A_142 : memref<1x64x128xf32, #tpu.memory_space<hbm>> -> memref<64x128xf32, #tpu.memory_space<hbm>>
      %dma_wait3A_144 = arith.constant 0 : i32
      %dma_wait3A_145 = tpu.memref_slice %arg6[%arg0, %add3A_110, %dma_wait3A_144] : memref<2x10240x128xf32, #tpu.memory_space<hbm>> -> memref<1x64x128xf32, #tpu.memory_space<hbm>>
      %dma_wait3A_146 = tpu.memref_squeeze %dma_wait3A_145 : memref<1x64x128xf32, #tpu.memory_space<hbm>> -> memref<64x128xf32, #tpu.memory_space<hbm>>
      tpu.wait_dma2 semaphore(%run_scoped3A : memref<!tpu.dma_semaphore, #tpu.memory_space<semaphore_mem>>) src(%arg11 : memref<64x128xf32, #tpu.memory_space<vmem>>) dst(%dma_wait3A_146 : memref<64x128xf32, #tpu.memory_space<hbm>>)
      tpu.yield
    }) : () -> ()
    %mul3A_111 = arith.constant 640 : i32
    %mul3A_112 = arith.muli %arg1, %mul3A_111 : i32
    %add3A_113 = arith.constant 256 : i32
    %add3A_114 = arith.addi %mul3A_112, %add3A_113 : i32
    "tpu.region"() ({
      %run_scoped3A = tpu.sem_alloc : memref<!tpu.dma_semaphore, #tpu.memory_space<semaphore_mem>>
      %dma_start3A_135 = arith.constant 0 : i32
      %dma_start3A_136 = tpu.memref_slice %arg15[%add3A_114, %dma_start3A_135] : memref<10240x128xf32, #tpu.memory_space<vmem_shared>> -> memref<64x128xf32, #tpu.memory_space<vmem_shared>>
      %dma_start3A_137 = arith.constant 0 : i32
      %dma_start3A_138 = tpu.memref_slice %arg15[%add3A_114, %dma_start3A_137] : memref<10240x128xf32, #tpu.memory_space<vmem_shared>> -> memref<64x128xf32, #tpu.memory_space<vmem_shared>>
      tpu.enqueue_dma source(%dma_start3A_138 : memref<64x128xf32, #tpu.memory_space<vmem_shared>>) target(%arg11 : memref<64x128xf32, #tpu.memory_space<vmem>>) target_semaphore(%run_scoped3A : memref<!tpu.dma_semaphore, #tpu.memory_space<semaphore_mem>>)
      %dma_wait3A_139 = arith.constant 0 : i32
      %dma_wait3A_140 = tpu.memref_slice %arg15[%add3A_114, %dma_wait3A_139] : memref<10240x128xf32, #tpu.memory_space<vmem_shared>> -> memref<64x128xf32, #tpu.memory_space<vmem_shared>>
      %dma_wait3A_141 = arith.constant 0 : i32
      %dma_wait3A_142 = tpu.memref_slice %arg15[%add3A_114, %dma_wait3A_141] : memref<10240x128xf32, #tpu.memory_space<vmem_shared>> -> memref<64x128xf32, #tpu.memory_space<vmem_shared>>
      tpu.wait_dma2 semaphore(%run_scoped3A : memref<!tpu.dma_semaphore, #tpu.memory_space<semaphore_mem>>) src(%dma_wait3A_142 : memref<64x128xf32, #tpu.memory_space<vmem_shared>>) dst(%arg11 : memref<64x128xf32, #tpu.memory_space<vmem>>)
      tpu.yield
    }) : () -> ()
    "tpu.region"() ({
      %run_scoped3A = tpu.sem_alloc : memref<!tpu.dma_semaphore, #tpu.memory_space<semaphore_mem>>
      %dma_start3A_135 = arith.constant 0 : i32
      %dma_start3A_136 = tpu.memref_slice %arg6[%arg0, %add3A_114, %dma_start3A_135] : memref<2x10240x128xf32, #tpu.memory_space<hbm>> -> memref<1x64x128xf32, #tpu.memory_space<hbm>>
      %dma_start3A_137 = tpu.memref_squeeze %dma_start3A_136 : memref<1x64x128xf32, #tpu.memory_space<hbm>> -> memref<64x128xf32, #tpu.memory_space<hbm>>
      %dma_start3A_138 = arith.constant 0 : i32
      %dma_start3A_139 = tpu.memref_slice %arg6[%arg0, %add3A_114, %dma_start3A_138] : memref<2x10240x128xf32, #tpu.memory_space<hbm>> -> memref<1x64x128xf32, #tpu.memory_space<hbm>>
      %dma_start3A_140 = tpu.memref_squeeze %dma_start3A_139 : memref<1x64x128xf32, #tpu.memory_space<hbm>> -> memref<64x128xf32, #tpu.memory_space<hbm>>
      tpu.enqueue_dma source(%arg11 : memref<64x128xf32, #tpu.memory_space<vmem>>) target(%dma_start3A_140 : memref<64x128xf32, #tpu.memory_space<hbm>>) target_semaphore(%run_scoped3A : memref<!tpu.dma_semaphore, #tpu.memory_space<semaphore_mem>>)
      %dma_wait3A_141 = arith.constant 0 : i32
      %dma_wait3A_142 = tpu.memref_slice %arg6[%arg0, %add3A_114, %dma_wait3A_141] : memref<2x10240x128xf32, #tpu.memory_space<hbm>> -> memref<1x64x128xf32, #tpu.memory_space<hbm>>
      %dma_wait3A_143 = tpu.memref_squeeze %dma_wait3A_142 : memref<1x64x128xf32, #tpu.memory_space<hbm>> -> memref<64x128xf32, #tpu.memory_space<hbm>>
      %dma_wait3A_144 = arith.constant 0 : i32
      %dma_wait3A_145 = tpu.memref_slice %arg6[%arg0, %add3A_114, %dma_wait3A_144] : memref<2x10240x128xf32, #tpu.memory_space<hbm>> -> memref<1x64x128xf32, #tpu.memory_space<hbm>>
      %dma_wait3A_146 = tpu.memref_squeeze %dma_wait3A_145 : memref<1x64x128xf32, #tpu.memory_space<hbm>> -> memref<64x128xf32, #tpu.memory_space<hbm>>
      tpu.wait_dma2 semaphore(%run_scoped3A : memref<!tpu.dma_semaphore, #tpu.memory_space<semaphore_mem>>) src(%arg11 : memref<64x128xf32, #tpu.memory_space<vmem>>) dst(%dma_wait3A_146 : memref<64x128xf32, #tpu.memory_space<hbm>>)
      tpu.yield
    }) : () -> ()
    %mul3A_115 = arith.constant 640 : i32
    %mul3A_116 = arith.muli %arg1, %mul3A_115 : i32
    %add3A_117 = arith.constant 320 : i32
    %add3A_118 = arith.addi %mul3A_116, %add3A_117 : i32
    "tpu.region"() ({
      %run_scoped3A = tpu.sem_alloc : memref<!tpu.dma_semaphore, #tpu.memory_space<semaphore_mem>>
      %dma_start3A_135 = arith.constant 0 : i32
      %dma_start3A_136 = tpu.memref_slice %arg15[%add3A_118, %dma_start3A_135] : memref<10240x128xf32, #tpu.memory_space<vmem_shared>> -> memref<64x128xf32, #tpu.memory_space<vmem_shared>>
      %dma_start3A_137 = arith.constant 0 : i32
      %dma_start3A_138 = tpu.memref_slice %arg15[%add3A_118, %dma_start3A_137] : memref<10240x128xf32, #tpu.memory_space<vmem_shared>> -> memref<64x128xf32, #tpu.memory_space<vmem_shared>>
      tpu.enqueue_dma source(%dma_start3A_138 : memref<64x128xf32, #tpu.memory_space<vmem_shared>>) target(%arg11 : memref<64x128xf32, #tpu.memory_space<vmem>>) target_semaphore(%run_scoped3A : memref<!tpu.dma_semaphore, #tpu.memory_space<semaphore_mem>>)
      %dma_wait3A_139 = arith.constant 0 : i32
      %dma_wait3A_140 = tpu.memref_slice %arg15[%add3A_118, %dma_wait3A_139] : memref<10240x128xf32, #tpu.memory_space<vmem_shared>> -> memref<64x128xf32, #tpu.memory_space<vmem_shared>>
      %dma_wait3A_141 = arith.constant 0 : i32
      %dma_wait3A_142 = tpu.memref_slice %arg15[%add3A_118, %dma_wait3A_141] : memref<10240x128xf32, #tpu.memory_space<vmem_shared>> -> memref<64x128xf32, #tpu.memory_space<vmem_shared>>
      tpu.wait_dma2 semaphore(%run_scoped3A : memref<!tpu.dma_semaphore, #tpu.memory_space<semaphore_mem>>) src(%dma_wait3A_142 : memref<64x128xf32, #tpu.memory_space<vmem_shared>>) dst(%arg11 : memref<64x128xf32, #tpu.memory_space<vmem>>)
      tpu.yield
    }) : () -> ()
    "tpu.region"() ({
      %run_scoped3A = tpu.sem_alloc : memref<!tpu.dma_semaphore, #tpu.memory_space<semaphore_mem>>
      %dma_start3A_135 = arith.constant 0 : i32
      %dma_start3A_136 = tpu.memref_slice %arg6[%arg0, %add3A_118, %dma_start3A_135] : memref<2x10240x128xf32, #tpu.memory_space<hbm>> -> memref<1x64x128xf32, #tpu.memory_space<hbm>>
      %dma_start3A_137 = tpu.memref_squeeze %dma_start3A_136 : memref<1x64x128xf32, #tpu.memory_space<hbm>> -> memref<64x128xf32, #tpu.memory_space<hbm>>
      %dma_start3A_138 = arith.constant 0 : i32
      %dma_start3A_139 = tpu.memref_slice %arg6[%arg0, %add3A_118, %dma_start3A_138] : memref<2x10240x128xf32, #tpu.memory_space<hbm>> -> memref<1x64x128xf32, #tpu.memory_space<hbm>>
      %dma_start3A_140 = tpu.memref_squeeze %dma_start3A_139 : memref<1x64x128xf32, #tpu.memory_space<hbm>> -> memref<64x128xf32, #tpu.memory_space<hbm>>
      tpu.enqueue_dma source(%arg11 : memref<64x128xf32, #tpu.memory_space<vmem>>) target(%dma_start3A_140 : memref<64x128xf32, #tpu.memory_space<hbm>>) target_semaphore(%run_scoped3A : memref<!tpu.dma_semaphore, #tpu.memory_space<semaphore_mem>>)
      %dma_wait3A_141 = arith.constant 0 : i32
      %dma_wait3A_142 = tpu.memref_slice %arg6[%arg0, %add3A_118, %dma_wait3A_141] : memref<2x10240x128xf32, #tpu.memory_space<hbm>> -> memref<1x64x128xf32, #tpu.memory_space<hbm>>
      %dma_wait3A_143 = tpu.memref_squeeze %dma_wait3A_142 : memref<1x64x128xf32, #tpu.memory_space<hbm>> -> memref<64x128xf32, #tpu.memory_space<hbm>>
      %dma_wait3A_144 = arith.constant 0 : i32
      %dma_wait3A_145 = tpu.memref_slice %arg6[%arg0, %add3A_118, %dma_wait3A_144] : memref<2x10240x128xf32, #tpu.memory_space<hbm>> -> memref<1x64x128xf32, #tpu.memory_space<hbm>>
      %dma_wait3A_146 = tpu.memref_squeeze %dma_wait3A_145 : memref<1x64x128xf32, #tpu.memory_space<hbm>> -> memref<64x128xf32, #tpu.memory_space<hbm>>
      tpu.wait_dma2 semaphore(%run_scoped3A : memref<!tpu.dma_semaphore, #tpu.memory_space<semaphore_mem>>) src(%arg11 : memref<64x128xf32, #tpu.memory_space<vmem>>) dst(%dma_wait3A_146 : memref<64x128xf32, #tpu.memory_space<hbm>>)
      tpu.yield
    }) : () -> ()
    %mul3A_119 = arith.constant 640 : i32
    %mul3A_120 = arith.muli %arg1, %mul3A_119 : i32
    %add3A_121 = arith.constant 384 : i32
    %add3A_122 = arith.addi %mul3A_120, %add3A_121 : i32
    "tpu.region"() ({
      %run_scoped3A = tpu.sem_alloc : memref<!tpu.dma_semaphore, #tpu.memory_space<semaphore_mem>>
      %dma_start3A_135 = arith.constant 0 : i32
      %dma_start3A_136 = tpu.memref_slice %arg15[%add3A_122, %dma_start3A_135] : memref<10240x128xf32, #tpu.memory_space<vmem_shared>> -> memref<64x128xf32, #tpu.memory_space<vmem_shared>>
      %dma_start3A_137 = arith.constant 0 : i32
      %dma_start3A_138 = tpu.memref_slice %arg15[%add3A_122, %dma_start3A_137] : memref<10240x128xf32, #tpu.memory_space<vmem_shared>> -> memref<64x128xf32, #tpu.memory_space<vmem_shared>>
      tpu.enqueue_dma source(%dma_start3A_138 : memref<64x128xf32, #tpu.memory_space<vmem_shared>>) target(%arg11 : memref<64x128xf32, #tpu.memory_space<vmem>>) target_semaphore(%run_scoped3A : memref<!tpu.dma_semaphore, #tpu.memory_space<semaphore_mem>>)
      %dma_wait3A_139 = arith.constant 0 : i32
      %dma_wait3A_140 = tpu.memref_slice %arg15[%add3A_122, %dma_wait3A_139] : memref<10240x128xf32, #tpu.memory_space<vmem_shared>> -> memref<64x128xf32, #tpu.memory_space<vmem_shared>>
      %dma_wait3A_141 = arith.constant 0 : i32
      %dma_wait3A_142 = tpu.memref_slice %arg15[%add3A_122, %dma_wait3A_141] : memref<10240x128xf32, #tpu.memory_space<vmem_shared>> -> memref<64x128xf32, #tpu.memory_space<vmem_shared>>
      tpu.wait_dma2 semaphore(%run_scoped3A : memref<!tpu.dma_semaphore, #tpu.memory_space<semaphore_mem>>) src(%dma_wait3A_142 : memref<64x128xf32, #tpu.memory_space<vmem_shared>>) dst(%arg11 : memref<64x128xf32, #tpu.memory_space<vmem>>)
      tpu.yield
    }) : () -> ()
    "tpu.region"() ({
      %run_scoped3A = tpu.sem_alloc : memref<!tpu.dma_semaphore, #tpu.memory_space<semaphore_mem>>
      %dma_start3A_135 = arith.constant 0 : i32
      %dma_start3A_136 = tpu.memref_slice %arg6[%arg0, %add3A_122, %dma_start3A_135] : memref<2x10240x128xf32, #tpu.memory_space<hbm>> -> memref<1x64x128xf32, #tpu.memory_space<hbm>>
      %dma_start3A_137 = tpu.memref_squeeze %dma_start3A_136 : memref<1x64x128xf32, #tpu.memory_space<hbm>> -> memref<64x128xf32, #tpu.memory_space<hbm>>
      %dma_start3A_138 = arith.constant 0 : i32
      %dma_start3A_139 = tpu.memref_slice %arg6[%arg0, %add3A_122, %dma_start3A_138] : memref<2x10240x128xf32, #tpu.memory_space<hbm>> -> memref<1x64x128xf32, #tpu.memory_space<hbm>>
      %dma_start3A_140 = tpu.memref_squeeze %dma_start3A_139 : memref<1x64x128xf32, #tpu.memory_space<hbm>> -> memref<64x128xf32, #tpu.memory_space<hbm>>
      tpu.enqueue_dma source(%arg11 : memref<64x128xf32, #tpu.memory_space<vmem>>) target(%dma_start3A_140 : memref<64x128xf32, #tpu.memory_space<hbm>>) target_semaphore(%run_scoped3A : memref<!tpu.dma_semaphore, #tpu.memory_space<semaphore_mem>>)
      %dma_wait3A_141 = arith.constant 0 : i32
      %dma_wait3A_142 = tpu.memref_slice %arg6[%arg0, %add3A_122, %dma_wait3A_141] : memref<2x10240x128xf32, #tpu.memory_space<hbm>> -> memref<1x64x128xf32, #tpu.memory_space<hbm>>
      %dma_wait3A_143 = tpu.memref_squeeze %dma_wait3A_142 : memref<1x64x128xf32, #tpu.memory_space<hbm>> -> memref<64x128xf32, #tpu.memory_space<hbm>>
      %dma_wait3A_144 = arith.constant 0 : i32
      %dma_wait3A_145 = tpu.memref_slice %arg6[%arg0, %add3A_122, %dma_wait3A_144] : memref<2x10240x128xf32, #tpu.memory_space<hbm>> -> memref<1x64x128xf32, #tpu.memory_space<hbm>>
      %dma_wait3A_146 = tpu.memref_squeeze %dma_wait3A_145 : memref<1x64x128xf32, #tpu.memory_space<hbm>> -> memref<64x128xf32, #tpu.memory_space<hbm>>
      tpu.wait_dma2 semaphore(%run_scoped3A : memref<!tpu.dma_semaphore, #tpu.memory_space<semaphore_mem>>) src(%arg11 : memref<64x128xf32, #tpu.memory_space<vmem>>) dst(%dma_wait3A_146 : memref<64x128xf32, #tpu.memory_space<hbm>>)
      tpu.yield
    }) : () -> ()
    %mul3A_123 = arith.constant 640 : i32
    %mul3A_124 = arith.muli %arg1, %mul3A_123 : i32
    %add3A_125 = arith.constant 448 : i32
    %add3A_126 = arith.addi %mul3A_124, %add3A_125 : i32
    "tpu.region"() ({
      %run_scoped3A = tpu.sem_alloc : memref<!tpu.dma_semaphore, #tpu.memory_space<semaphore_mem>>
      %dma_start3A_135 = arith.constant 0 : i32
      %dma_start3A_136 = tpu.memref_slice %arg15[%add3A_126, %dma_start3A_135] : memref<10240x128xf32, #tpu.memory_space<vmem_shared>> -> memref<64x128xf32, #tpu.memory_space<vmem_shared>>
      %dma_start3A_137 = arith.constant 0 : i32
      %dma_start3A_138 = tpu.memref_slice %arg15[%add3A_126, %dma_start3A_137] : memref<10240x128xf32, #tpu.memory_space<vmem_shared>> -> memref<64x128xf32, #tpu.memory_space<vmem_shared>>
      tpu.enqueue_dma source(%dma_start3A_138 : memref<64x128xf32, #tpu.memory_space<vmem_shared>>) target(%arg11 : memref<64x128xf32, #tpu.memory_space<vmem>>) target_semaphore(%run_scoped3A : memref<!tpu.dma_semaphore, #tpu.memory_space<semaphore_mem>>)
      %dma_wait3A_139 = arith.constant 0 : i32
      %dma_wait3A_140 = tpu.memref_slice %arg15[%add3A_126, %dma_wait3A_139] : memref<10240x128xf32, #tpu.memory_space<vmem_shared>> -> memref<64x128xf32, #tpu.memory_space<vmem_shared>>
      %dma_wait3A_141 = arith.constant 0 : i32
      %dma_wait3A_142 = tpu.memref_slice %arg15[%add3A_126, %dma_wait3A_141] : memref<10240x128xf32, #tpu.memory_space<vmem_shared>> -> memref<64x128xf32, #tpu.memory_space<vmem_shared>>
      tpu.wait_dma2 semaphore(%run_scoped3A : memref<!tpu.dma_semaphore, #tpu.memory_space<semaphore_mem>>) src(%dma_wait3A_142 : memref<64x128xf32, #tpu.memory_space<vmem_shared>>) dst(%arg11 : memref<64x128xf32, #tpu.memory_space<vmem>>)
      tpu.yield
    }) : () -> ()
    "tpu.region"() ({
      %run_scoped3A = tpu.sem_alloc : memref<!tpu.dma_semaphore, #tpu.memory_space<semaphore_mem>>
      %dma_start3A_135 = arith.constant 0 : i32
      %dma_start3A_136 = tpu.memref_slice %arg6[%arg0, %add3A_126, %dma_start3A_135] : memref<2x10240x128xf32, #tpu.memory_space<hbm>> -> memref<1x64x128xf32, #tpu.memory_space<hbm>>
      %dma_start3A_137 = tpu.memref_squeeze %dma_start3A_136 : memref<1x64x128xf32, #tpu.memory_space<hbm>> -> memref<64x128xf32, #tpu.memory_space<hbm>>
      %dma_start3A_138 = arith.constant 0 : i32
      %dma_start3A_139 = tpu.memref_slice %arg6[%arg0, %add3A_126, %dma_start3A_138] : memref<2x10240x128xf32, #tpu.memory_space<hbm>> -> memref<1x64x128xf32, #tpu.memory_space<hbm>>
      %dma_start3A_140 = tpu.memref_squeeze %dma_start3A_139 : memref<1x64x128xf32, #tpu.memory_space<hbm>> -> memref<64x128xf32, #tpu.memory_space<hbm>>
      tpu.enqueue_dma source(%arg11 : memref<64x128xf32, #tpu.memory_space<vmem>>) target(%dma_start3A_140 : memref<64x128xf32, #tpu.memory_space<hbm>>) target_semaphore(%run_scoped3A : memref<!tpu.dma_semaphore, #tpu.memory_space<semaphore_mem>>)
      %dma_wait3A_141 = arith.constant 0 : i32
      %dma_wait3A_142 = tpu.memref_slice %arg6[%arg0, %add3A_126, %dma_wait3A_141] : memref<2x10240x128xf32, #tpu.memory_space<hbm>> -> memref<1x64x128xf32, #tpu.memory_space<hbm>>
      %dma_wait3A_143 = tpu.memref_squeeze %dma_wait3A_142 : memref<1x64x128xf32, #tpu.memory_space<hbm>> -> memref<64x128xf32, #tpu.memory_space<hbm>>
      %dma_wait3A_144 = arith.constant 0 : i32
      %dma_wait3A_145 = tpu.memref_slice %arg6[%arg0, %add3A_126, %dma_wait3A_144] : memref<2x10240x128xf32, #tpu.memory_space<hbm>> -> memref<1x64x128xf32, #tpu.memory_space<hbm>>
      %dma_wait3A_146 = tpu.memref_squeeze %dma_wait3A_145 : memref<1x64x128xf32, #tpu.memory_space<hbm>> -> memref<64x128xf32, #tpu.memory_space<hbm>>
      tpu.wait_dma2 semaphore(%run_scoped3A : memref<!tpu.dma_semaphore, #tpu.memory_space<semaphore_mem>>) src(%arg11 : memref<64x128xf32, #tpu.memory_space<vmem>>) dst(%dma_wait3A_146 : memref<64x128xf32, #tpu.memory_space<hbm>>)
      tpu.yield
    }) : () -> ()
    %mul3A_127 = arith.constant 640 : i32
    %mul3A_128 = arith.muli %arg1, %mul3A_127 : i32
    %add3A_129 = arith.constant 512 : i32
    %add3A_130 = arith.addi %mul3A_128, %add3A_129 : i32
    "tpu.region"() ({
      %run_scoped3A = tpu.sem_alloc : memref<!tpu.dma_semaphore, #tpu.memory_space<semaphore_mem>>
      %dma_start3A_135 = arith.constant 0 : i32
      %dma_start3A_136 = tpu.memref_slice %arg15[%add3A_130, %dma_start3A_135] : memref<10240x128xf32, #tpu.memory_space<vmem_shared>> -> memref<64x128xf32, #tpu.memory_space<vmem_shared>>
      %dma_start3A_137 = arith.constant 0 : i32
      %dma_start3A_138 = tpu.memref_slice %arg15[%add3A_130, %dma_start3A_137] : memref<10240x128xf32, #tpu.memory_space<vmem_shared>> -> memref<64x128xf32, #tpu.memory_space<vmem_shared>>
      tpu.enqueue_dma source(%dma_start3A_138 : memref<64x128xf32, #tpu.memory_space<vmem_shared>>) target(%arg11 : memref<64x128xf32, #tpu.memory_space<vmem>>) target_semaphore(%run_scoped3A : memref<!tpu.dma_semaphore, #tpu.memory_space<semaphore_mem>>)
      %dma_wait3A_139 = arith.constant 0 : i32
      %dma_wait3A_140 = tpu.memref_slice %arg15[%add3A_130, %dma_wait3A_139] : memref<10240x128xf32, #tpu.memory_space<vmem_shared>> -> memref<64x128xf32, #tpu.memory_space<vmem_shared>>
      %dma_wait3A_141 = arith.constant 0 : i32
      %dma_wait3A_142 = tpu.memref_slice %arg15[%add3A_130, %dma_wait3A_141] : memref<10240x128xf32, #tpu.memory_space<vmem_shared>> -> memref<64x128xf32, #tpu.memory_space<vmem_shared>>
      tpu.wait_dma2 semaphore(%run_scoped3A : memref<!tpu.dma_semaphore, #tpu.memory_space<semaphore_mem>>) src(%dma_wait3A_142 : memref<64x128xf32, #tpu.memory_space<vmem_shared>>) dst(%arg11 : memref<64x128xf32, #tpu.memory_space<vmem>>)
      tpu.yield
    }) : () -> ()
    "tpu.region"() ({
      %run_scoped3A = tpu.sem_alloc : memref<!tpu.dma_semaphore, #tpu.memory_space<semaphore_mem>>
      %dma_start3A_135 = arith.constant 0 : i32
      %dma_start3A_136 = tpu.memref_slice %arg6[%arg0, %add3A_130, %dma_start3A_135] : memref<2x10240x128xf32, #tpu.memory_space<hbm>> -> memref<1x64x128xf32, #tpu.memory_space<hbm>>
      %dma_start3A_137 = tpu.memref_squeeze %dma_start3A_136 : memref<1x64x128xf32, #tpu.memory_space<hbm>> -> memref<64x128xf32, #tpu.memory_space<hbm>>
      %dma_start3A_138 = arith.constant 0 : i32
      %dma_start3A_139 = tpu.memref_slice %arg6[%arg0, %add3A_130, %dma_start3A_138] : memref<2x10240x128xf32, #tpu.memory_space<hbm>> -> memref<1x64x128xf32, #tpu.memory_space<hbm>>
      %dma_start3A_140 = tpu.memref_squeeze %dma_start3A_139 : memref<1x64x128xf32, #tpu.memory_space<hbm>> -> memref<64x128xf32, #tpu.memory_space<hbm>>
      tpu.enqueue_dma source(%arg11 : memref<64x128xf32, #tpu.memory_space<vmem>>) target(%dma_start3A_140 : memref<64x128xf32, #tpu.memory_space<hbm>>) target_semaphore(%run_scoped3A : memref<!tpu.dma_semaphore, #tpu.memory_space<semaphore_mem>>)
      %dma_wait3A_141 = arith.constant 0 : i32
      %dma_wait3A_142 = tpu.memref_slice %arg6[%arg0, %add3A_130, %dma_wait3A_141] : memref<2x10240x128xf32, #tpu.memory_space<hbm>> -> memref<1x64x128xf32, #tpu.memory_space<hbm>>
      %dma_wait3A_143 = tpu.memref_squeeze %dma_wait3A_142 : memref<1x64x128xf32, #tpu.memory_space<hbm>> -> memref<64x128xf32, #tpu.memory_space<hbm>>
      %dma_wait3A_144 = arith.constant 0 : i32
      %dma_wait3A_145 = tpu.memref_slice %arg6[%arg0, %add3A_130, %dma_wait3A_144] : memref<2x10240x128xf32, #tpu.memory_space<hbm>> -> memref<1x64x128xf32, #tpu.memory_space<hbm>>
      %dma_wait3A_146 = tpu.memref_squeeze %dma_wait3A_145 : memref<1x64x128xf32, #tpu.memory_space<hbm>> -> memref<64x128xf32, #tpu.memory_space<hbm>>
      tpu.wait_dma2 semaphore(%run_scoped3A : memref<!tpu.dma_semaphore, #tpu.memory_space<semaphore_mem>>) src(%arg11 : memref<64x128xf32, #tpu.memory_space<vmem>>) dst(%dma_wait3A_146 : memref<64x128xf32, #tpu.memory_space<hbm>>)
      tpu.yield
    }) : () -> ()
    %mul3A_131 = arith.constant 640 : i32
    %mul3A_132 = arith.muli %arg1, %mul3A_131 : i32
    %add3A_133 = arith.constant 576 : i32
    %add3A_134 = arith.addi %mul3A_132, %add3A_133 : i32
    "tpu.region"() ({
      %run_scoped3A = tpu.sem_alloc : memref<!tpu.dma_semaphore, #tpu.memory_space<semaphore_mem>>
      %dma_start3A_135 = arith.constant 0 : i32
      %dma_start3A_136 = tpu.memref_slice %arg15[%add3A_134, %dma_start3A_135] : memref<10240x128xf32, #tpu.memory_space<vmem_shared>> -> memref<64x128xf32, #tpu.memory_space<vmem_shared>>
      %dma_start3A_137 = arith.constant 0 : i32
      %dma_start3A_138 = tpu.memref_slice %arg15[%add3A_134, %dma_start3A_137] : memref<10240x128xf32, #tpu.memory_space<vmem_shared>> -> memref<64x128xf32, #tpu.memory_space<vmem_shared>>
      tpu.enqueue_dma source(%dma_start3A_138 : memref<64x128xf32, #tpu.memory_space<vmem_shared>>) target(%arg11 : memref<64x128xf32, #tpu.memory_space<vmem>>) target_semaphore(%run_scoped3A : memref<!tpu.dma_semaphore, #tpu.memory_space<semaphore_mem>>)
      %dma_wait3A_139 = arith.constant 0 : i32
      %dma_wait3A_140 = tpu.memref_slice %arg15[%add3A_134, %dma_wait3A_139] : memref<10240x128xf32, #tpu.memory_space<vmem_shared>> -> memref<64x128xf32, #tpu.memory_space<vmem_shared>>
      %dma_wait3A_141 = arith.constant 0 : i32
      %dma_wait3A_142 = tpu.memref_slice %arg15[%add3A_134, %dma_wait3A_141] : memref<10240x128xf32, #tpu.memory_space<vmem_shared>> -> memref<64x128xf32, #tpu.memory_space<vmem_shared>>
      tpu.wait_dma2 semaphore(%run_scoped3A : memref<!tpu.dma_semaphore, #tpu.memory_space<semaphore_mem>>) src(%dma_wait3A_142 : memref<64x128xf32, #tpu.memory_space<vmem_shared>>) dst(%arg11 : memref<64x128xf32, #tpu.memory_space<vmem>>)
      tpu.yield
    }) : () -> ()
    "tpu.region"() ({
      %run_scoped3A = tpu.sem_alloc : memref<!tpu.dma_semaphore, #tpu.memory_space<semaphore_mem>>
      %dma_start3A_135 = arith.constant 0 : i32
      %dma_start3A_136 = tpu.memref_slice %arg6[%arg0, %add3A_134, %dma_start3A_135] : memref<2x10240x128xf32, #tpu.memory_space<hbm>> -> memref<1x64x128xf32, #tpu.memory_space<hbm>>
      %dma_start3A_137 = tpu.memref_squeeze %dma_start3A_136 : memref<1x64x128xf32, #tpu.memory_space<hbm>> -> memref<64x128xf32, #tpu.memory_space<hbm>>
      %dma_start3A_138 = arith.constant 0 : i32
      %dma_start3A_139 = tpu.memref_slice %arg6[%arg0, %add3A_134, %dma_start3A_138] : memref<2x10240x128xf32, #tpu.memory_space<hbm>> -> memref<1x64x128xf32, #tpu.memory_space<hbm>>
      %dma_start3A_140 = tpu.memref_squeeze %dma_start3A_139 : memref<1x64x128xf32, #tpu.memory_space<hbm>> -> memref<64x128xf32, #tpu.memory_space<hbm>>
      tpu.enqueue_dma source(%arg11 : memref<64x128xf32, #tpu.memory_space<vmem>>) target(%dma_start3A_140 : memref<64x128xf32, #tpu.memory_space<hbm>>) target_semaphore(%run_scoped3A : memref<!tpu.dma_semaphore, #tpu.memory_space<semaphore_mem>>)
      %dma_wait3A_141 = arith.constant 0 : i32
      %dma_wait3A_142 = tpu.memref_slice %arg6[%arg0, %add3A_134, %dma_wait3A_141] : memref<2x10240x128xf32, #tpu.memory_space<hbm>> -> memref<1x64x128xf32, #tpu.memory_space<hbm>>
      %dma_wait3A_143 = tpu.memref_squeeze %dma_wait3A_142 : memref<1x64x128xf32, #tpu.memory_space<hbm>> -> memref<64x128xf32, #tpu.memory_space<hbm>>
      %dma_wait3A_144 = arith.constant 0 : i32
      %dma_wait3A_145 = tpu.memref_slice %arg6[%arg0, %add3A_134, %dma_wait3A_144] : memref<2x10240x128xf32, #tpu.memory_space<hbm>> -> memref<1x64x128xf32, #tpu.memory_space<hbm>>
      %dma_wait3A_146 = tpu.memref_squeeze %dma_wait3A_145 : memref<1x64x128xf32, #tpu.memory_space<hbm>> -> memref<64x128xf32, #tpu.memory_space<hbm>>
      tpu.wait_dma2 semaphore(%run_scoped3A : memref<!tpu.dma_semaphore, #tpu.memory_space<semaphore_mem>>) src(%arg11 : memref<64x128xf32, #tpu.memory_space<vmem>>) dst(%dma_wait3A_146 : memref<64x128xf32, #tpu.memory_space<hbm>>)
      tpu.yield
    }) : () -> ()
    return
  }
}

module attributes {stable_mosaic.version = 14 : i64} {
  func.func @_mm2_body(%arg0: i32, %arg1: memref<512x128xf32, #tpu.memory_space<vmem>>, %arg2: memref<128x128xf32, #tpu.memory_space<vmem>>, %arg3: memref<128x128xf32, #tpu.memory_space<vmem>>, %arg4: memref<1x128xf32, #tpu.memory_space<vmem>>, %arg5: memref<512x128xf32, #tpu.memory_space<vmem>>, %arg6: memref<512x128xf32, #tpu.memory_space<vmem>>) attributes {dimension_semantics = [#tpu.dimension_semantics<arbitrary>], iteration_bounds = array<i64: 20>, scalar_prefetch = 0 : i64, scratch_operands = 0 : i64, tpu.core_type = #tpu.core_type<tc>, window_params = [{transform_indices = @transform_0, window_bounds = array<i64: 512, 128>}, {pipeline_mode = #tpu.pipeline_mode<synchronous>, transform_indices = @transform_1, window_bounds = array<i64: 128, 128>}, {pipeline_mode = #tpu.pipeline_mode<synchronous>, transform_indices = @transform_2, window_bounds = array<i64: 128, 128>}, {pipeline_mode = #tpu.pipeline_mode<synchronous>, transform_indices = @transform_3, window_bounds = array<i64: 1, 128>}, {transform_indices = @transform_4, window_bounds = array<i64: 512, 128>}, {transform_indices = @transform_5, window_bounds = array<i64: 512, 128>}]} {
    %get3A = arith.constant 0 : index
    %get3A_0 = arith.constant 0 : index
    %get3A_1 = vector.load %arg1[%get3A, %get3A_0] : memref<512x128xf32, #tpu.memory_space<vmem>>, vector<512x128xf32>
    %get3A_2 = arith.constant 0 : index
    %get3A_3 = arith.constant 0 : index
    %get3A_4 = vector.load %arg2[%get3A_2, %get3A_3] : memref<128x128xf32, #tpu.memory_space<vmem>>, vector<128x128xf32>
    %dot_general3A = arith.constant dense<0.000000e+00> : vector<512x128xf32>
    %dot_general3A_5 = tpu.matmul %get3A_1, %get3A_4, %dot_general3A {dimension_numbers = #tpu.dot_dimension_numbers<[1], [0], [0], [1], [0, 0, 1, 1], [], []>, transpose_lhs_hint = false} : vector<512x128xf32>, vector<128x128xf32>, vector<512x128xf32> -> vector<512x128xf32>
    %swap3A = arith.constant 0 : index
    %swap3A_6 = arith.constant 0 : index
    %swap3A_7 = vector.load %arg5[%swap3A, %swap3A_6] : memref<512x128xf32, #tpu.memory_space<vmem>>, vector<512x128xf32>
    tpu.vector_store %arg5[%swap3A, %swap3A_6], %dot_general3A_5 {strides = array<i32>} : memref<512x128xf32, #tpu.memory_space<vmem>>, vector<512x128xf32>,
    %get3A_8 = arith.constant 0 : index
    %get3A_9 = arith.constant 0 : index
    %get3A_10 = vector.load %arg3[%get3A_8, %get3A_9] : memref<128x128xf32, #tpu.memory_space<vmem>>, vector<128x128xf32>
    %dot_general3A_11 = arith.constant dense<0.000000e+00> : vector<512x128xf32>
    %dot_general3A_12 = tpu.matmul %get3A_1, %get3A_10, %dot_general3A_11 {dimension_numbers = #tpu.dot_dimension_numbers<[1], [0], [0], [1], [0, 0, 1, 1], [], []>, transpose_lhs_hint = false} : vector<512x128xf32>, vector<128x128xf32>, vector<512x128xf32> -> vector<512x128xf32>
    %get3A_13 = arith.constant 0 : index
    %get3A_14 = arith.constant 0 : index
    %get3A_15 = vector.load %arg4[%get3A_13, %get3A_14] : memref<1x128xf32, #tpu.memory_space<vmem>>, vector<1x128xf32>
    %add3A = vector.broadcast %get3A_15 : vector<1x128xf32> to vector<512x128xf32>
    %add3A_16 = arith.addf %dot_general3A_12, %add3A : vector<512x128xf32>
    %swap3A_17 = arith.constant 0 : index
    %swap3A_18 = arith.constant 0 : index
    %swap3A_19 = vector.load %arg6[%swap3A_17, %swap3A_18] : memref<512x128xf32, #tpu.memory_space<vmem>>, vector<512x128xf32>
    tpu.vector_store %arg6[%swap3A_17, %swap3A_18], %add3A_16 {strides = array<i32>} : memref<512x128xf32, #tpu.memory_space<vmem>>, vector<512x128xf32>,
    return
  }
  func.func @transform_0(%arg0: i32) -> (i32, i32) {
    %c0_i32 = arith.constant 0 : i32
    %c0_i32_0 = arith.constant 0 : i32
    return %arg0, %c0_i32 : i32, i32
  }
  func.func @transform_1(%arg0: i32) -> (i32, i32) {
    %c0_i32 = arith.constant 0 : i32
    %c0_i32_0 = arith.constant 0 : i32
    %c0_i32_1 = arith.constant 0 : i32
    return %c0_i32, %c0_i32_0 : i32, i32
  }
  func.func @transform_2(%arg0: i32) -> (i32, i32) {
    %c0_i32 = arith.constant 0 : i32
    %c0_i32_0 = arith.constant 0 : i32
    %c0_i32_1 = arith.constant 0 : i32
    return %c0_i32, %c0_i32_0 : i32, i32
  }
  func.func @transform_3(%arg0: i32) -> (i32, i32) {
    %c0_i32 = arith.constant 0 : i32
    %c0_i32_0 = arith.constant 0 : i32
    %c0_i32_1 = arith.constant 0 : i32
    return %c0_i32, %c0_i32_0 : i32, i32
  }
  func.func @transform_4(%arg0: i32) -> (i32, i32) {
    %c0_i32 = arith.constant 0 : i32
    %c0_i32_0 = arith.constant 0 : i32
    return %arg0, %c0_i32 : i32, i32
  }
  func.func @transform_5(%arg0: i32) -> (i32, i32) {
    %c0_i32 = arith.constant 0 : i32
    %c0_i32_0 = arith.constant 0 : i32
    return %arg0, %c0_i32 : i32, i32
  }
}

module attributes {stable_mosaic.version = 14 : i64} {
  func.func @_stage1_body(%arg0: i32, %arg1: memref<2x512x128xf32, #tpu.memory_space<vmem>>, %arg2: memref<512x1xf32, #tpu.memory_space<vmem>>, %arg3: memref<512x128xf32, #tpu.memory_space<vmem>>, %arg4: memref<1x1x512xi32, #tpu.memory_space<vmem>>, %arg5: memref<128x128xf32, #tpu.memory_space<vmem>>, %arg6: memref<512x128xf32, #tpu.memory_space<vmem>>, %arg7: memref<64x128xf32, #tpu.memory_space<vmem>>) attributes {dimension_semantics = [#tpu.dimension_semantics<arbitrary>], iteration_bounds = array<i64: 20>, scalar_prefetch = 0 : i64, scratch_operands = 0 : i64, tpu.core_type = #tpu.core_type<tc>, window_params = [{transform_indices = @transform_0, window_bounds = array<i64: 2, 512, 128>}, {transform_indices = @transform_1, window_bounds = array<i64: 512, 1>}, {transform_indices = @transform_2, window_bounds = array<i64: 512, 128>}, {transform_indices = @transform_3, window_bounds = array<i64: 1, 1, 512>}, {pipeline_mode = #tpu.pipeline_mode<synchronous>, transform_indices = @transform_4, window_bounds = array<i64: 128, 128>}, {transform_indices = @transform_5, window_bounds = array<i64: 512, 128>}, {pipeline_mode = #tpu.pipeline_mode<synchronous>, transform_indices = @transform_6, window_bounds = array<i64: 64, 128>}]} {
    %get3A = arith.constant 0 : index
    %get3A_0 = arith.constant 0 : index
    %get3A_1 = arith.constant 0 : index
    %get3A_2 = vector.load %arg1[%get3A, %get3A_0, %get3A_1] : memref<2x512x128xf32, #tpu.memory_space<vmem>>, vector<1x512x128xf32>
    %get3A_3 = vector.shape_cast %get3A_2 : vector<1x512x128xf32> to vector<512x128xf32>
    %get3A_4 = arith.constant 1 : index
    %get3A_5 = arith.constant 0 : index
    %get3A_6 = arith.constant 0 : index
    %get3A_7 = vector.load %arg1[%get3A_4, %get3A_5, %get3A_6] : memref<2x512x128xf32, #tpu.memory_space<vmem>>, vector<1x512x128xf32>
    %get3A_8 = vector.shape_cast %get3A_7 : vector<1x512x128xf32> to vector<512x128xf32>
    %add3A = arith.addf %get3A_3, %get3A_8 : vector<512x128xf32>
    %get3A_9 = arith.constant 0 : index
    %get3A_10 = arith.constant 0 : index
    %get3A_11 = vector.load %arg2[%get3A_9, %get3A_10] : memref<512x1xf32, #tpu.memory_space<vmem>>, vector<512x1xf32>
    %div3A = vector.broadcast %get3A_11 : vector<512x1xf32> to vector<512x128xf32>
    %div3A_12 = arith.divf %add3A, %div3A : vector<512x128xf32>
    %get3A_13 = arith.constant 0 : index
    %get3A_14 = arith.constant 0 : index
    %get3A_15 = vector.load %arg3[%get3A_13, %get3A_14] : memref<512x128xf32, #tpu.memory_space<vmem>>, vector<512x128xf32>
    %add3A_16 = arith.addf %div3A_12, %get3A_15 : vector<512x128xf32>
    %max3A = arith.constant 0.000000e+00 : f32
    %max3A_17 = vector.broadcast %max3A : f32 to vector<512x128xf32>
    %max3A_18 = arith.maximumf %add3A_16, %max3A_17 : vector<512x128xf32>
    %get3A_19 = arith.constant 0 : index
    %get3A_20 = arith.constant 0 : index
    %get3A_21 = vector.load %arg5[%get3A_19, %get3A_20] : memref<128x128xf32, #tpu.memory_space<vmem>>, vector<128x128xf32>
    %dot_general3A = arith.constant dense<0.000000e+00> : vector<512x128xf32>
    %dot_general3A_22 = tpu.matmul %max3A_18, %get3A_21, %dot_general3A {dimension_numbers = #tpu.dot_dimension_numbers<[1], [0], [0], [1], [0, 0, 1, 1], [], []>, transpose_lhs_hint = false} : vector<512x128xf32>, vector<128x128xf32>, vector<512x128xf32> -> vector<512x128xf32>
    %swap3A = arith.constant 0 : index
    %swap3A_23 = arith.constant 0 : index
    %swap3A_24 = vector.load %arg6[%swap3A, %swap3A_23] : memref<512x128xf32, #tpu.memory_space<vmem>>, vector<512x128xf32>
    tpu.vector_store %arg6[%swap3A, %swap3A_23], %dot_general3A_22 {strides = array<i32>} : memref<512x128xf32, #tpu.memory_space<vmem>>, vector<512x128xf32>,
    %get3A_25 = arith.constant 0 : index
    %get3A_26 = arith.constant 0 : index
    %get3A_27 = arith.constant 0 : index
    %get3A_28 = vector.load %arg4[%get3A_25, %get3A_26, %get3A_27] : memref<1x1x512xi32, #tpu.memory_space<vmem>>, vector<1x1x512xi32>
    %get3A_29 = vector.shape_cast %get3A_28 : vector<1x1x512xi32> to vector<1x512xi32>
    %iota3A = tpu.iota {dimensions = array<i32: 0>} : vector<64x512xi32>
    %eq3A = vector.broadcast %get3A_29 : vector<1x512xi32> to vector<64x512xi32>
    %eq3A_30 = arith.cmpi eq, %eq3A, %iota3A : vector<64x512xi32>
    %convert_element_type3A = arith.extui %eq3A_30 : vector<64x512xi1> to vector<64x512xi32>
    %convert_element_type3A_31 = arith.sitofp %convert_element_type3A : vector<64x512xi32> to vector<64x512xf32>
    %eq3A_32 = arith.constant 0 : i32
    %eq3A_33 = arith.cmpi eq, %arg0, %eq3A_32 : i32
    %convert_element_type3A_34 = arith.extui %eq3A_33 : i1 to i32
    %cond3A = arith.constant 0 : i32
    %cond3A_35 = arith.cmpi ne, %convert_element_type3A_34, %cond3A : i32
    scf.if %cond3A_35 {
      %broadcast_in_dim3A = arith.constant 0.000000e+00 : f32
      %broadcast_in_dim3A_45 = vector.broadcast %broadcast_in_dim3A : f32 to vector<64x128xf32>
      %swap3A_46 = arith.constant 0 : index
      %swap3A_47 = arith.constant 0 : index
      %swap3A_48 = vector.load %arg7[%swap3A_46, %swap3A_47] : memref<64x128xf32, #tpu.memory_space<vmem>>, vector<64x128xf32>
      tpu.vector_store %arg7[%swap3A_46, %swap3A_47], %broadcast_in_dim3A_45 {strides = array<i32>} : memref<64x128xf32, #tpu.memory_space<vmem>>, vector<64x128xf32>,
    } else {
    }
    %get3A_36 = arith.constant 0 : index
    %get3A_37 = arith.constant 0 : index
    %get3A_38 = vector.load %arg7[%get3A_36, %get3A_37] : memref<64x128xf32, #tpu.memory_space<vmem>>, vector<64x128xf32>
    %dot_general3A_39 = arith.constant dense<0.000000e+00> : vector<64x128xf32>
    %dot_general3A_40 = tpu.matmul %convert_element_type3A_31, %max3A_18, %dot_general3A_39 {dimension_numbers = #tpu.dot_dimension_numbers<[1], [0], [0], [1], [0, 0, 1, 1], [], []>, transpose_lhs_hint = false} : vector<64x512xf32>, vector<512x128xf32>, vector<64x128xf32> -> vector<64x128xf32>
    %add3A_41 = arith.addf %get3A_38, %dot_general3A_40 : vector<64x128xf32>
    %swap3A_42 = arith.constant 0 : index
    %swap3A_43 = arith.constant 0 : index
    %swap3A_44 = vector.load %arg7[%swap3A_42, %swap3A_43] : memref<64x128xf32, #tpu.memory_space<vmem>>, vector<64x128xf32>
    tpu.vector_store %arg7[%swap3A_42, %swap3A_43], %add3A_41 {strides = array<i32>} : memref<64x128xf32, #tpu.memory_space<vmem>>, vector<64x128xf32>,
    return
  }
  func.func @transform_0(%arg0: i32) -> (i32, i32, i32) {
    %c0_i32 = arith.constant 0 : i32
    %c0_i32_0 = arith.constant 0 : i32
    %c0_i32_1 = arith.constant 0 : i32
    return %c0_i32, %arg0, %c0_i32_0 : i32, i32, i32
  }
  func.func @transform_1(%arg0: i32) -> (i32, i32) {
    %c0_i32 = arith.constant 0 : i32
    %c0_i32_0 = arith.constant 0 : i32
    return %arg0, %c0_i32 : i32, i32
  }
  func.func @transform_2(%arg0: i32) -> (i32, i32) {
    %c0_i32 = arith.constant 0 : i32
    %c0_i32_0 = arith.constant 0 : i32
    return %arg0, %c0_i32 : i32, i32
  }
  func.func @transform_3(%arg0: i32) -> (i32, i32, i32) {
    %c0_i32 = arith.constant 0 : i32
    %c0_i32_0 = arith.constant 0 : i32
    %c0_i32_1 = arith.constant 0 : i32
    return %arg0, %c0_i32, %c0_i32_0 : i32, i32, i32
  }
  func.func @transform_4(%arg0: i32) -> (i32, i32) {
    %c0_i32 = arith.constant 0 : i32
    %c0_i32_0 = arith.constant 0 : i32
    %c0_i32_1 = arith.constant 0 : i32
    return %c0_i32, %c0_i32_0 : i32, i32
  }
  func.func @transform_5(%arg0: i32) -> (i32, i32) {
    %c0_i32 = arith.constant 0 : i32
    %c0_i32_0 = arith.constant 0 : i32
    return %arg0, %c0_i32 : i32, i32
  }
  func.func @transform_6(%arg0: i32) -> (i32, i32) {
    %c0_i32 = arith.constant 0 : i32
    %c0_i32_0 = arith.constant 0 : i32
    %c0_i32_1 = arith.constant 0 : i32
    return %c0_i32, %c0_i32_0 : i32, i32
  }
}

module attributes {stable_mosaic.version = 14 : i64} {
  func.func @_stage2_body(%arg0: i32, %arg1: memref<2x512x128xf32, #tpu.memory_space<vmem>>, %arg2: memref<512x1xf32, #tpu.memory_space<vmem>>, %arg3: memref<1x1x512xi32, #tpu.memory_space<vmem>>, %arg4: memref<64x128xf32, #tpu.memory_space<vmem>>, %arg5: memref<128x128xf32, #tpu.memory_space<vmem>>, %arg6: memref<1x128xf32, #tpu.memory_space<vmem>>, %arg7: memref<128x4xf32, #tpu.memory_space<vmem>>, %arg8: memref<1x4xf32, #tpu.memory_space<vmem>>, %arg9: memref<64x4xf32, #tpu.memory_space<vmem>>, %arg10: memref<64x128xf32, #tpu.memory_space<vmem>>, %arg11: memref<64x128xf32, #tpu.memory_space<vmem>>) attributes {dimension_semantics = [#tpu.dimension_semantics<arbitrary>], iteration_bounds = array<i64: 20>, scalar_prefetch = 0 : i64, scratch_operands = 2 : i64, tpu.core_type = #tpu.core_type<tc>, window_params = [{transform_indices = @transform_0, window_bounds = array<i64: 2, 512, 128>}, {transform_indices = @transform_1, window_bounds = array<i64: 512, 1>}, {transform_indices = @transform_2, window_bounds = array<i64: 1, 1, 512>}, {pipeline_mode = #tpu.pipeline_mode<synchronous>, transform_indices = @transform_3, window_bounds = array<i64: 64, 128>}, {pipeline_mode = #tpu.pipeline_mode<synchronous>, transform_indices = @transform_4, window_bounds = array<i64: 128, 128>}, {pipeline_mode = #tpu.pipeline_mode<synchronous>, transform_indices = @transform_5, window_bounds = array<i64: 1, 128>}, {pipeline_mode = #tpu.pipeline_mode<synchronous>, transform_indices = @transform_6, window_bounds = array<i64: 128, 4>}, {pipeline_mode = #tpu.pipeline_mode<synchronous>, transform_indices = @transform_7, window_bounds = array<i64: 1, 4>}, {pipeline_mode = #tpu.pipeline_mode<synchronous>, transform_indices = @transform_8, window_bounds = array<i64: 64, 4>}]} {
    %get3A = arith.constant 0 : index
    %get3A_0 = arith.constant 0 : index
    %get3A_1 = arith.constant 0 : index
    %get3A_2 = vector.load %arg1[%get3A, %get3A_0, %get3A_1] : memref<2x512x128xf32, #tpu.memory_space<vmem>>, vector<1x512x128xf32>
    %get3A_3 = vector.shape_cast %get3A_2 : vector<1x512x128xf32> to vector<512x128xf32>
    %get3A_4 = arith.constant 1 : index
    %get3A_5 = arith.constant 0 : index
    %get3A_6 = arith.constant 0 : index
    %get3A_7 = vector.load %arg1[%get3A_4, %get3A_5, %get3A_6] : memref<2x512x128xf32, #tpu.memory_space<vmem>>, vector<1x512x128xf32>
    %get3A_8 = vector.shape_cast %get3A_7 : vector<1x512x128xf32> to vector<512x128xf32>
    %add3A = arith.addf %get3A_3, %get3A_8 : vector<512x128xf32>
    %get3A_9 = arith.constant 0 : index
    %get3A_10 = arith.constant 0 : index
    %get3A_11 = vector.load %arg2[%get3A_9, %get3A_10] : memref<512x1xf32, #tpu.memory_space<vmem>>, vector<512x1xf32>
    %div3A = vector.broadcast %get3A_11 : vector<512x1xf32> to vector<512x128xf32>
    %div3A_12 = arith.divf %add3A, %div3A : vector<512x128xf32>
    %get3A_13 = arith.constant 0 : index
    %get3A_14 = arith.constant 0 : index
    %get3A_15 = arith.constant 0 : index
    %get3A_16 = vector.load %arg3[%get3A_13, %get3A_14, %get3A_15] : memref<1x1x512xi32, #tpu.memory_space<vmem>>, vector<1x1x512xi32>
    %get3A_17 = vector.shape_cast %get3A_16 : vector<1x1x512xi32> to vector<1x512xi32>
    %iota3A = tpu.iota {dimensions = array<i32: 0>} : vector<64x512xi32>
    %eq3A = vector.broadcast %get3A_17 : vector<1x512xi32> to vector<64x512xi32>
    %eq3A_18 = arith.cmpi eq, %eq3A, %iota3A : vector<64x512xi32>
    %convert_element_type3A = arith.extui %eq3A_18 : vector<64x512xi1> to vector<64x512xi32>
    %convert_element_type3A_19 = arith.sitofp %convert_element_type3A : vector<64x512xi32> to vector<64x512xf32>
    %eq3A_20 = arith.constant 0 : i32
    %eq3A_21 = arith.cmpi eq, %arg0, %eq3A_20 : i32
    %convert_element_type3A_22 = arith.extui %eq3A_21 : i1 to i32
    %cond3A = arith.constant 0 : i32
    %cond3A_23 = arith.cmpi ne, %convert_element_type3A_22, %cond3A : i32
    scf.if %cond3A_23 {
      %broadcast_in_dim3A_46 = arith.constant 0.000000e+00 : f32
      %broadcast_in_dim3A_47 = vector.broadcast %broadcast_in_dim3A_46 : f32 to vector<64x128xf32>
      %swap3A_48 = arith.constant 0 : index
      %swap3A_49 = arith.constant 0 : index
      %swap3A_50 = vector.load %arg10[%swap3A_48, %swap3A_49] : memref<64x128xf32, #tpu.memory_space<vmem>>, vector<64x128xf32>
      tpu.vector_store %arg10[%swap3A_48, %swap3A_49], %broadcast_in_dim3A_47 {strides = array<i32>} : memref<64x128xf32, #tpu.memory_space<vmem>>, vector<64x128xf32>,
      %broadcast_in_dim3A_51 = arith.constant 0.000000e+00 : f32
      %broadcast_in_dim3A_52 = vector.broadcast %broadcast_in_dim3A_51 : f32 to vector<64x128xf32>
      %swap3A_53 = arith.constant 0 : index
      %swap3A_54 = arith.constant 0 : index
      %swap3A_55 = vector.load %arg11[%swap3A_53, %swap3A_54] : memref<64x128xf32, #tpu.memory_space<vmem>>, vector<64x128xf32>
      tpu.vector_store %arg11[%swap3A_53, %swap3A_54], %broadcast_in_dim3A_52 {strides = array<i32>} : memref<64x128xf32, #tpu.memory_space<vmem>>, vector<64x128xf32>,
    } else {
    }
    %get3A_24 = arith.constant 0 : index
    %get3A_25 = arith.constant 0 : index
    %get3A_26 = vector.load %arg10[%get3A_24, %get3A_25] : memref<64x128xf32, #tpu.memory_space<vmem>>, vector<64x128xf32>
    %dot_general3A = arith.constant dense<0.000000e+00> : vector<64x128xf32>
    %dot_general3A_27 = tpu.matmul %convert_element_type3A_19, %div3A_12, %dot_general3A {dimension_numbers = #tpu.dot_dimension_numbers<[1], [0], [0], [1], [0, 0, 1, 1], [], []>, transpose_lhs_hint = false} : vector<64x512xf32>, vector<512x128xf32>, vector<64x128xf32> -> vector<64x128xf32>
    %add3A_28 = arith.addf %get3A_26, %dot_general3A_27 : vector<64x128xf32>
    %swap3A = arith.constant 0 : index
    %swap3A_29 = arith.constant 0 : index
    %swap3A_30 = vector.load %arg10[%swap3A, %swap3A_29] : memref<64x128xf32, #tpu.memory_space<vmem>>, vector<64x128xf32>
    tpu.vector_store %arg10[%swap3A, %swap3A_29], %add3A_28 {strides = array<i32>} : memref<64x128xf32, #tpu.memory_space<vmem>>, vector<64x128xf32>,
    %get3A_31 = arith.constant 0 : index
    %get3A_32 = arith.constant 0 : index
    %get3A_33 = vector.load %arg11[%get3A_31, %get3A_32] : memref<64x128xf32, #tpu.memory_space<vmem>>, vector<64x128xf32>
    %broadcast_in_dim3A = arith.constant 1.000000e+00 : f32
    %broadcast_in_dim3A_34 = vector.broadcast %broadcast_in_dim3A : f32 to vector<512x128xf32>
    %dot_general3A_35 = arith.constant dense<0.000000e+00> : vector<64x128xf32>
    %dot_general3A_36 = tpu.matmul %convert_element_type3A_19, %broadcast_in_dim3A_34, %dot_general3A_35 {dimension_numbers = #tpu.dot_dimension_numbers<[1], [0], [0], [1], [0, 0, 1, 1], [], []>, transpose_lhs_hint = false} : vector<64x512xf32>, vector<512x128xf32>, vector<64x128xf32> -> vector<64x128xf32>
    %add3A_37 = arith.addf %get3A_33, %dot_general3A_36 : vector<64x128xf32>
    %swap3A_38 = arith.constant 0 : index
    %swap3A_39 = arith.constant 0 : index
    %swap3A_40 = vector.load %arg11[%swap3A_38, %swap3A_39] : memref<64x128xf32, #tpu.memory_space<vmem>>, vector<64x128xf32>
    tpu.vector_store %arg11[%swap3A_38, %swap3A_39], %add3A_37 {strides = array<i32>} : memref<64x128xf32, #tpu.memory_space<vmem>>, vector<64x128xf32>,
    %eq3A_41 = arith.constant 19 : i32
    %eq3A_42 = arith.cmpi eq, %arg0, %eq3A_41 : i32
    %convert_element_type3A_43 = arith.extui %eq3A_42 : i1 to i32
    %cond3A_44 = arith.constant 0 : i32
    %cond3A_45 = arith.cmpi ne, %convert_element_type3A_43, %cond3A_44 : i32
    scf.if %cond3A_45 {
      %get3A_46 = arith.constant 0 : index
      %get3A_47 = arith.constant 0 : index
      %get3A_48 = vector.load %arg11[%get3A_46, %get3A_47] : memref<64x128xf32, #tpu.memory_space<vmem>>, vector<64x1xf32>
      %max3A = arith.constant 1.000000e+00 : f32
      %max3A_49 = vector.broadcast %max3A : f32 to vector<64x1xf32>
      %max3A_50 = arith.maximumf %get3A_48, %max3A_49 : vector<64x1xf32>
      %get3A_51 = arith.constant 0 : index
      %get3A_52 = arith.constant 0 : index
      %get3A_53 = vector.load %arg10[%get3A_51, %get3A_52] : memref<64x128xf32, #tpu.memory_space<vmem>>, vector<64x128xf32>
      %div3A_54 = vector.broadcast %max3A_50 : vector<64x1xf32> to vector<64x128xf32>
      %div3A_55 = arith.divf %get3A_53, %div3A_54 : vector<64x128xf32>
      %get3A_56 = arith.constant 0 : index
      %get3A_57 = arith.constant 0 : index
      %get3A_58 = vector.load %arg4[%get3A_56, %get3A_57] : memref<64x128xf32, #tpu.memory_space<vmem>>, vector<64x128xf32>
      %div3A_59 = vector.broadcast %max3A_50 : vector<64x1xf32> to vector<64x128xf32>
      %div3A_60 = arith.divf %get3A_58, %div3A_59 : vector<64x128xf32>
      %get3A_61 = arith.constant 0 : index
      %get3A_62 = arith.constant 0 : index
      %get3A_63 = vector.load %arg5[%get3A_61, %get3A_62] : memref<128x128xf32, #tpu.memory_space<vmem>>, vector<128x128xf32>
      %dot_general3A_64 = arith.constant dense<0.000000e+00> : vector<64x128xf32>
      %dot_general3A_65 = tpu.matmul %div3A_60, %get3A_63, %dot_general3A_64 {dimension_numbers = #tpu.dot_dimension_numbers<[1], [0], [0], [1], [0, 0, 1, 1], [], []>, transpose_lhs_hint = false} : vector<64x128xf32>, vector<128x128xf32>, vector<64x128xf32> -> vector<64x128xf32>
      %add3A_66 = arith.addf %div3A_55, %dot_general3A_65 : vector<64x128xf32>
      %get3A_67 = arith.constant 0 : index
      %get3A_68 = arith.constant 0 : index
      %get3A_69 = vector.load %arg6[%get3A_67, %get3A_68] : memref<1x128xf32, #tpu.memory_space<vmem>>, vector<1x128xf32>
      %add3A_70 = vector.broadcast %get3A_69 : vector<1x128xf32> to vector<64x128xf32>
      %add3A_71 = arith.addf %add3A_66, %add3A_70 : vector<64x128xf32>
      %get3A_72 = arith.constant 0 : index
      %get3A_73 = arith.constant 0 : index
      %get3A_74 = vector.load %arg7[%get3A_72, %get3A_73] : memref<128x4xf32, #tpu.memory_space<vmem>>, vector<128x4xf32>
      %dot_general3A_75 = arith.constant dense<0.000000e+00> : vector<64x4xf32>
      %dot_general3A_76 = tpu.matmul %add3A_71, %get3A_74, %dot_general3A_75 {dimension_numbers = #tpu.dot_dimension_numbers<[1], [0], [0], [1], [0, 0, 1, 1], [], []>, transpose_lhs_hint = false} : vector<64x128xf32>, vector<128x4xf32>, vector<64x4xf32> -> vector<64x4xf32>
      %get3A_77 = arith.constant 0 : index
      %get3A_78 = arith.constant 0 : index
      %get3A_79 = vector.load %arg8[%get3A_77, %get3A_78] : memref<1x4xf32, #tpu.memory_space<vmem>>, vector<1x4xf32>
      %add3A_80 = vector.broadcast %get3A_79 : vector<1x4xf32> to vector<64x4xf32>
      %add3A_81 = arith.addf %dot_general3A_76, %add3A_80 : vector<64x4xf32>
      %swap3A_82 = arith.constant 0 : index
      %swap3A_83 = arith.constant 0 : index
      %swap3A_84 = vector.load %arg9[%swap3A_82, %swap3A_83] : memref<64x4xf32, #tpu.memory_space<vmem>>, vector<64x4xf32>
      tpu.vector_store %arg9[%swap3A_82, %swap3A_83], %add3A_81 {strides = array<i32>} : memref<64x4xf32, #tpu.memory_space<vmem>>, vector<64x4xf32>,
    } else {
    }
    return
  }
  func.func @transform_0(%arg0: i32) -> (i32, i32, i32) {
    %c0_i32 = arith.constant 0 : i32
    %c0_i32_0 = arith.constant 0 : i32
    %c0_i32_1 = arith.constant 0 : i32
    return %c0_i32, %arg0, %c0_i32_0 : i32, i32, i32
  }
  func.func @transform_1(%arg0: i32) -> (i32, i32) {
    %c0_i32 = arith.constant 0 : i32
    %c0_i32_0 = arith.constant 0 : i32
    return %arg0, %c0_i32 : i32, i32
  }
  func.func @transform_2(%arg0: i32) -> (i32, i32, i32) {
    %c0_i32 = arith.constant 0 : i32
    %c0_i32_0 = arith.constant 0 : i32
    %c0_i32_1 = arith.constant 0 : i32
    return %arg0, %c0_i32, %c0_i32_0 : i32, i32, i32
  }
  func.func @transform_3(%arg0: i32) -> (i32, i32) {
    %c0_i32 = arith.constant 0 : i32
    %c0_i32_0 = arith.constant 0 : i32
    %c0_i32_1 = arith.constant 0 : i32
    return %c0_i32, %c0_i32_0 : i32, i32
  }
  func.func @transform_4(%arg0: i32) -> (i32, i32) {
    %c0_i32 = arith.constant 0 : i32
    %c0_i32_0 = arith.constant 0 : i32
    %c0_i32_1 = arith.constant 0 : i32
    return %c0_i32, %c0_i32_0 : i32, i32
  }
  func.func @transform_5(%arg0: i32) -> (i32, i32) {
    %c0_i32 = arith.constant 0 : i32
    %c0_i32_0 = arith.constant 0 : i32
    %c0_i32_1 = arith.constant 0 : i32
    return %c0_i32, %c0_i32_0 : i32, i32
  }
  func.func @transform_6(%arg0: i32) -> (i32, i32) {
    %c0_i32 = arith.constant 0 : i32
    %c0_i32_0 = arith.constant 0 : i32
    %c0_i32_1 = arith.constant 0 : i32
    return %c0_i32, %c0_i32_0 : i32, i32
  }
  func.func @transform_7(%arg0: i32) -> (i32, i32) {
    %c0_i32 = arith.constant 0 : i32
    %c0_i32_0 = arith.constant 0 : i32
    %c0_i32_1 = arith.constant 0 : i32
    return %c0_i32, %c0_i32_0 : i32, i32
  }
  func.func @transform_8(%arg0: i32) -> (i32, i32) {
    %c0_i32 = arith.constant 0 : i32
    %c0_i32_0 = arith.constant 0 : i32
    %c0_i32_1 = arith.constant 0 : i32
    return %c0_i32, %c0_i32_0 : i32, i32
  }
}

</mosaic_0001>

<sc_bundles>
// kernel: kernel.10.cloned.1.call-start
scs
__scs_entry_jumppad:
0x0: {  	(pc) =	sbr.rel $0x88, $3  }
0x1: {  	(tag) =	ssettag $0x0;
	lr =	simm.s32 $0x1  }
0x2: {  	[smem:$0x3F96] =	sst lr;
	_ =	strace $0xD0000000  }
0x3: {  	_ = 	snop  }
0x4: {  	_ = 	snop  }
0x5: {  	_ = 	snop  }
0x6: {  	_ = 	snop  }
0x7: {  	_ = 	snop  }
__scs_overlays_trampoline_lowered:
0x8: {  	[smem:$0x3FA5] =	sst s0  }
0x9: {  	[smem:$0x3FA6] =	sst s1  }
0xa: {  	[smem:$0x3FA7] =	sst s2  }
0xb: {  	[smem:$0x3FA8] =	sst s3  }
0xc: {  	[smem:$0x3FA9] =	sst s4  }
0xd: {  	[smem:$0x3FAA] =	sst s5  }
0xe: {  	[smem:$0x3FAB] =	sst s6  }
0xf: {  	[smem:$0x3FAC] =	sst s7  }
0x10: {  	[smem:$0x3FAD] =	sst s8  }
0x11: {  	[smem:$0x3FAE] =	sst s9;
	s0 =	simm.s32 @!p0 $0x0  }
0x12: {  	s1 =	sld [smem:$0x3F94];
	s0 =	simm.s32 @p0 $0x1  }
0x13: {  	[smem:$0x3FAF] =	sst s0;
	s0 =	simm.s32 @!p1 $0x0  }
0x14: {  	s2 =	sld [smem:$0x3F93];
	s0 =	simm.s32 @p1 $0x1  }
0x15: {  	[smem:$0x3FB0] =	sst s0;
	s0 =	simm.s32 @!p2 $0x0  }
0x16: {  	s3 =	sld [smem:$0x3FDB];
	s0 =	simm.s32 @p2 $0x1  }
0x17: {  	s4 =	simm.s32 $0x1BF5;
	[smem:$0x3FB2] =	sst s0  }
0x18: {  	s0 =	sld [smem:$0x3F95];
	_ =	swait.ge [sflag:s4], $0x0  }
0x19: {  	s7 =	sld [smem:$0x3F96]  }
0x1a: {  	s8 =	sadd.s32 $0xFFFFE003, lr  }
0x1b: {  	s9 =	sadd.s32 $0xFFFFFEF7, lr;
	s5 =	simm.s32 $0xFFFFFFFF;
	p2 =	slt.u32 s8, $0xFFFFF086  }
0x1c: {  	p1 =	slt.u32 s9, $0xF7A;
	s5 =	simm.s32 @!p2 $0x0  }
0x1d: {  	s5 =	simm.s32 @p1 $0x1;
	p0 =	seq.s32 s7, s2  }
0x1e: {  	s7 =	smul.u32 @!p0 $0xF7A, s2;
	p2 =	seq.s32 @!p0 s5, $0x0  }
0x1f: {  	s9 =	smul.u32 $0xF7A, s1;
	s8 =	simm.s32 @!p0 $0x1BF5;
	p2 =	por !p2, p0  }
0x20: {  	[sflag:s8] =	ssyncset.s32 @!p0 $0xFFFFF086;
	s6 =	sadd.s32 @!p0 s3, s7;
	s7 =	simm.s32 @!p0 $0x108  }
0x21: {  	s3 =	sadd.s32 s3, s9;
	s6 =	sadd.s32 @!p0 $0x88, s6;
	s7 =	simm.s32 @p2 $0x1082  }
0x22: {  	[simem:s7], [sflag:s8] =	dma.local @!p0 [hbm:s6], $0xF7A  }
0x23: {  	s9 =	sor.u32 $0xD0000000, s2;
	s6 =	simm.s32 $0x108;
	_ =	swait.ge @!p0 [sflag:s8], $0x0  }
0x24: {  	s3 =	sadd.s32 $0x88, s3;
	s6 =	simm.s32 @!p1 $0x1082;
	[sflag:s4] =	ssyncset.s32 $0xFFFFF086  }
0x25: {  	[simem:s6], [sflag:s4] =	dma.local [hbm:s3], $0xF7A  }
0x26: {  	[smem:$0x3F96] =	sst s1;
	(tag) =	ssettag s2;
	_ =	strace s9  }
0x27: {  	s1 =	sld [smem:$0x3FA6]  }
0x28: {  	s2 =	sld [smem:$0x3FA7]  }
0x29: {  	s4 =	sld [smem:$0x3FA9]  }
0x2a: {  	p0 =	seq.s32 s5, $0x0;
	s5 =	sld [smem:$0x3FAA]  }
0x2b: {  	s6 =	sld [smem:$0x3FAB]  }
0x2c: {  	s7 =	sld [smem:$0x3FAC]  }
0x2d: {  	s3 =	simm.s32 $0x108;
	s8 =	sld [smem:$0x3FAD]  }
0x2e: {  	s3 =	simm.s32 @!p0 $0x1082;
	s9 =	sld [smem:$0x3FAE]  }
0x2f: {  	lr =	sadd.s32 s0, s3;
	s0 =	sld [smem:$0x3FA5]  }
0x30: {  	s3 =	sld [smem:$0x3FA8]  }
0x31: {  	[smem:$0x3FB1] =	sst s10  }
0x32: {  	s10 =	sld [smem:$0x3FAF];
	_ =	sdelay $0x3  }
0x33: {  	p0 =	seq.s32 s10, $0x1;
	s10 =	sld [smem:$0x3FB1];
	_ =	sdelay $0x3  }
0x34: {  	[smem:$0x3FB1] =	sst s10  }
0x35: {  	s10 =	sld [smem:$0x3FB0];
	_ =	sdelay $0x3  }
0x36: {  	p1 =	seq.s32 s10, $0x1;
	s10 =	sld [smem:$0x3FB1];
	_ =	sdelay $0x3  }
0x37: {  	[smem:$0x3FB1] =	sst s10  }
0x38: {  	s10 =	sld [smem:$0x3FB2]  }
0x39: {  	_ = 	snop;
	(pc) =	sbr.ind lr, $3  }
0x3a: {  	_ = 	snop  }
0x3b: {  	_ = 	snop  }
0x3c: {  	p2 =	seq.s32 s10, $0x1;
	s10 =	sld [smem:$0x3FB1]  }
0x3d: {  	_ =	shalt  }
0x3e: {  	_ =	shalt  }
0x3f: {  	_ =	shalt  }
0x40: {  	_ =	shalt  }
0x41: {  	_ =	shalt  }
0x42: {  	_ =	shalt  }
0x43: {  	_ =	shalt  }
0x44: {  	_ =	shalt  }
0x45: {  	_ =	shalt  }
0x46: {  	_ =	shalt  }
0x47: {  	_ =	shalt  }
0x48: {  	_ =	shalt  }
0x49: {  	_ =	shalt  }
0x4a: {  	_ =	shalt  }
0x4b: {  	_ =	shalt  }
0x4c: {  	_ =	shalt  }
0x4d: {  	_ =	shalt  }
0x4e: {  	_ =	shalt  }
0x4f: {  	_ =	shalt  }
0x50: {  	_ =	shalt  }
0x51: {  	_ =	shalt  }
0x52: {  	_ =	shalt  }
0x53: {  	_ =	shalt  }
0x54: {  	_ =	shalt  }
0x55: {  	_ =	shalt  }
0x56: {  	_ =	shalt  }
0x57: {  	_ =	shalt  }
0x58: {  	_ =	shalt  }
0x59: {  	_ =	shalt  }
0x5a: {  	_ =	shalt  }
0x5b: {  	_ =	shalt  }
0x5c: {  	_ =	shalt  }
0x5d: {  	_ =	shalt  }
0x5e: {  	_ =	shalt  }
0x5f: {  	_ =	shalt  }
0x60: {  	_ =	shalt  }
0x61: {  	_ =	shalt  }
0x62: {  	_ =	shalt  }
0x63: {  	_ =	shalt  }
0x64: {  	_ =	shalt  }
0x65: {  	_ =	shalt  }
0x66: {  	_ =	shalt  }
0x67: {  	_ =	shalt  }
0x68: {  	_ =	shalt  }
0x69: {  	_ =	shalt  }
0x6a: {  	_ =	shalt  }
0x6b: {  	_ =	shalt  }
0x6c: {  	_ =	shalt  }
0x6d: {  	_ =	shalt  }
0x6e: {  	_ =	shalt  }
0x6f: {  	_ =	shalt  }
0x70: {  	_ =	shalt  }
0x71: {  	_ =	shalt  }
0x72: {  	_ =	shalt  }
0x73: {  	_ =	shalt  }
0x74: {  	_ =	shalt  }
0x75: {  	_ =	shalt  }
0x76: {  	_ =	shalt  }
0x77: {  	_ =	shalt  }
0x78: {  	_ =	shalt  }
0x79: {  	_ =	shalt  }
0x7a: {  	_ =	shalt  }
0x7b: {  	_ =	shalt  }
0x7c: {  	_ =	shalt  }
0x7d: {  	_ =	shalt  }
0x7e: {  	_ =	shalt  }
0x7f: {  	_ =	shalt  }
0x80: {  	_ =	shalt  }
0x81: {  	_ =	shalt  }
0x82: {  	_ =	shalt  }
0x83: {  	_ =	shalt  }
0x84: {  	_ =	shalt  }
0x85: {  	_ =	shalt  }
0x86: {  	_ =	shalt  }
0x87: {  	_ =	shalt  }
.Lfunc_end0:
.L_simem_size_0:
called_computation.1_lowered:
.L_overlay_start_0:
0x88: {  	s2 =	sld [smem:$0x3FD9]  }
0x89: {  	s3 =	sld [smem:$0x3FFE];
	_ =	sdelay $0x1  }
0x8a: {  	s1 =	srdreg.scid  }
0x8b: {  	s0 =	sand.u32 $0x1, s1  }
0x8c: {  	s16 =	sshll.u32 s0, $0xA;
	s2 =	sadd.s32 s3, s2  }
0x8d: {  	s2 =	sadd.s32 s2, s16  }
0x8e: {  	[smem:$0x3FBD] =	sst s2  }
0x8f: {  	_ = 	snop  }
0x90: {  	(tm) =	ssettm $0x1  }
0x91: {  	s17 =	sld [smem:$0x3FFB];
	_ =	sdelay $0x3  }
0x92: {  	_ =	strace s17  }
0x93: {  	s2 =	sld [smem:$0x3FFC];
	_ =	sdelay $0x3  }
0x94: {  	_ =	strace s2  }
0x95: {  	s2 =	sld [smem:$0x3FFD];
	_ =	sdelay $0x3  }
0x96: {  	_ =	strace s2  }
0x97: {  	_ =	strace $0x8FFFFFFF  }
0x98: {  	s18 =	sld [smem:$0x3FDB];
	_ =	sdelay $0x1  }
0x99: {  	s19 =	simm.s32 $_scs_section_size  }
0x9a: {  	s4 =	simm.s32 $_size__tile_overlayer_lowered;
	s5 =	simm.s32 $_tile_overlayer_lowered  }
0x9b: {  	s22 =	simm.s32 $0x1BFF;
	s21 =	sshll.u32 s5, $0x1;
	s2 =	sadd.s32 s19, s18  }
0x9c: {  	s6 =	simm.s32 $0x0;
	s20 =	sshll.u32 s4, $0x1;
	s4 =	sadd.s32 s21, s2  }
0x9d: {  	[timem:s6], [sflag:s22] =	dma.local [hbm:s4], s20  }
0x9e: {  	_ =	swait.ge [sflag:s22], s20  }
0x9f: {  	s3 =	ssub.s32 $0x0, s20;
	[sflag:s22] =	ssyncset.done $0x0  }
0xa0: {  	[sflag:s22] =	ssyncadd.s32 s3;
	_ =	sdelay $0x1  }
0xa1: {  	s23 =	simm.s32 $0x1B8B  }
0xa2: {  	_ =	swait.ge [sflag:s23], $0x1  }
0xa3: {  	[sflag:s23] =	ssyncset.done $0x0  }
0xa4: {  	s25 =	simm.s32 $0x1B8E;
	s24 =	sld [smem:$0x3FFE];
	[sflag:s23] =	ssyncadd.s32 $0xFFFFFFFF  }
0xa5: {  	s26 =	simm.s32 $execute0_lowered;
	[smem:$0x3FD2] =	sst s25  }
0xa6: {  	s4 =	sshll.u32 s26, $0x1;
	_ =	strace $0x80000049;
	[dreg:$0x1] =	wrdreg $0xFFFFFFFF  }
0xa7: {  	s28 =	simm.s32 $_size_execute0_lowered;
	s2 =	sadd.s32 s2, s4;
	[dreg:$0x0] =	wrdreg $0x0  }
0xa8: {  	s4 =	sshll.u32 s28, $0x1;
	[dreg:$0x2] =	wrdreg s2  }
0xa9: {  	[dreg:$0x3] =	wrdreg s4  }
0xaa: {  	[dreg:$0x4] =	wrdreg $0xC0  }
0xab: {  	_ =	task [dreg:s6], $0x5FFFF  }
0xac: {  	[dreg:$0x1] =	wrdreg $0xFFFFFFFF  }
0xad: {  	[dreg:$0x0] =	wrdreg $0x60  }
0xae: {  	[dreg:$0x2] =	wrdreg s24  }
0xaf: {  	[dreg:$0x3] =	wrdreg $0x88000  }
0xb0: {  	[dreg:$0x4] =	wrdreg $0x9  }
0xb1: {  	_ =	task.clear_ibuf [dreg:s6], $0x5FFFF;
	_ =	strace $0x90000049  }
0xb2: {  	s29 =	simm.s32 $0x9;
	_ =	strace $0x8000004B  }
0xb3: {  	_ =	swait.ge [sflag:s29], $0x1  }
0xb4: {  	[sflag:s29] =	ssyncadd.s32 $0xFFFFFFFF  }
0xb5: {  	_ =	strace $0x9000004B  }
0xb6: {  	_ =	sfence  }
0xb7: {  	s30 =	sld [smem:$0x0];
	_ =	sdelay $0x2  }
0xb8: {  	s31 =	sshll.u32 s1, $0xD;
	s1 =	sshrl.u32 s1, $0x2  }
0xb9: {  	s3 =	sand.u32 $0x4000, s31;
	s1 =	sadd.s32 s1, s30  }
0xba: {  	s0 =	sor.u32 s3, s0;
	s1 =	sshll.u32 s1, $0x11  }
0xbb: {  	s0 =	sor.u32 s1, s0  }
0xbc: {  	s0 =	sadd.s32 $0x8F2B, s0  }
0xbd: {  	[sflag:s0] =	ssyncadd.remote.s32 $0x1  }
0xbe: {  	_ =	sfence.sel $0xFFFF  }
0xbf: {  	[dreg:$0x0] =	wrdreg $0xFFFFFFFF;
	(pc) =	sbr.abs _section_cstart, $3  }
0xc0: {  	[dreg:$0x1] =	wrdreg $0xFFFFFFFF  }
0xc1: {  	_ =	task.clear_ibuf [dreg:s6], $0x2FFFF;
	_ =	strace $0x9FFFFFFF  }
0xc2: {  	(tm) =	ssettm $0x7FFFFFFF  }
0xc3: {  	_ =	shalt  }
tec
execute0_lowered:
.L_overlay_start_1:
0x0: {  	(tag) =	ssettag $0x1  }
0x1: {  	s0 =	rddreg [dreg:$0x0]  }
0x2: {  	s2 =	rddreg [dreg:$0x1];
	s3 =	simm.s32 $0x0  }
0x3: {  	s1 =	srdreg.scid;
	s20 =	stileid.u32;
	s16 =	simm.s32 $0x24  }
0x4: {  	s22 =	simm.s32 $0x80;
	s30 =	simm.s32 $0x400;
	s31 =	simm.s32 $0x800  }
0x5: {  	s29 =	simm.s32 $0x5;
	s11 =	sand.u32 $0x1, s1;
	s1 =	smul.u32 $0x120, s20  }
0x6: {  	s4 =	sshll.u32 s20, $0x5;
	[smem:$0x7FF] =	sst s3;
	s15 =	smul.u32 $0x14000, s20  }
0x7: {  	s14 =	sadd.s32 $0x52C00, s0;
	p0 =	seq.s32 s11, $0x0;
	s4 =	sor.u32 $0x1200, s4  }
0x8: {  	_ =	strace $0x8000004A;
	s23 =	ssub.s32 $0x2, s11;
	s17 =	smul.u32 $0x140000, s11  }
0x9: {  	[dreg:$0x5] =	wrdreg s22;
	s22 =	simm.s32 $0x280;
	s4 =	smov.u32 @p0 s1  }
0xa: {  	s5 =	sshrl.u32 s23, $0x1;
	s16 =	simm.s32 @!p0 $0x4;
	s6 =	sadd.s32 $0x4000, s15  }
0xb: {  	s7 =	sadd.s32 $0x6000, s15;
	s8 =	sadd.s32 $0x8000, s15;
	s9 =	sadd.s32 $0xA000, s15  }
0xc: {  	s10 =	sadd.s32 $0xC000, s15;
	s11 =	sadd.s32 $0xE000, s15;
	s12 =	sadd.s32 $0x10000, s15  }
0xd: {  	s13 =	sadd.s32 $0x12000, s15;
	[dreg:$0xb] =	wrdreg s22;
	s4 =	sshll.u32 s4, $0x4  }
0xe: {  	s1 =	ssub.s32 s23, s5;
	s5 =	sor.u32 $0x2000, s15;
	s18 =	sadd.s32 $0xFFFFFFFF, s16  }
0xf: {  	s15 =	sadd.s32 s15, s17;
	s23 =	simm.s32 $0x100;
	[dreg:$0x3] =	wrdreg s18  }
0x10: {  	s19 =	sadd.s32 s17, s6;
	s28 =	sadd.s32 s13, s2;
	[dreg:$0x6] =	wrdreg s23  }
0x11: {  	s26 =	sshrl.u32 s19, $0x3;
	s19 =	sshll.u32 s16, $0x7;
	[smem:$0x7FC] =	sst s28  }
0x12: {  	s15 =	sshrl.u32 s15, $0x3;
	s23 =	simm.s32 $0x300;
	[dreg:$0x4] =	wrdreg s19  }
0x13: {  	s21 =	sadd.s32 s17, s7;
	s15 =	sadd.s32 s14, s15;
	[dreg:$0xc] =	wrdreg s23  }
0x14: {  	s16 =	sshrl.u32 s21, $0x3;
	s18 =	sadd.s32 s14, s26;
	[dreg:$0x11] =	wrdreg s15  }
0x15: {  	s24 =	sadd.s32 s17, s5;
	s16 =	sadd.s32 s14, s16;
	[dreg:$0x13] =	wrdreg s18  }
0x16: {  	s25 =	sshrl.u32 s24, $0x3;
	s24 =	simm.s32 $0x180;
	[dreg:$0x14] =	wrdreg s16  }
0x17: {  	s21 =	sadd.s32 s17, s9;
	s26 =	simm.s32 $0x480;
	[dreg:$0x7] =	wrdreg s24  }
0x18: {  	s4 =	sadd.s32 s4, s0;
	s19 =	simm.s32 $0x580;
	[dreg:$0x8] =	wrdreg s26  }
0x19: {  	s15 =	sadd.s32 s14, s25;
	s25 =	sadd.s32 s17, s8;
	[dreg:$0xa] =	wrdreg s19  }
0x1a: {  	s18 =	simm.s32 $0x500;
	s24 =	simm.s32 $0x380;
	[dreg:$0x12] =	wrdreg s15  }
0x1b: {  	s26 =	simm.s32 $0x680;
	s19 =	sadd.s32 s17, s11;
	[dreg:$0x9] =	wrdreg s18  }
0x1c: {  	s16 =	sshrl.u32 s25, $0x3;
	s25 =	sadd.s32 s17, s10;
	[dreg:$0xd] =	wrdreg s24  }
0x1d: {  	[dreg:$0xe] =	wrdreg s26;
	s18 =	simm.s32 $0x700;
	s15 =	sshrl.u32 s19, $0x3  }
0x1e: {  	s24 =	sadd.s32 s17, s13;
	s26 =	simm.s32 $0x780;
	s19 =	sadd.s32 s6, s2  }
0x1f: {  	s6 =	simm.s32 $0x40;
	s13 =	simm.s32 $0x4;
	[dreg:$0xf] =	wrdreg s18  }
0x20: {  	s16 =	sadd.s32 s14, s16;
	s15 =	sadd.s32 s14, s15;
	[dreg:$0x10] =	wrdreg s26  }
0x21: {  	s18 =	sadd.s32 s5, s2;
	[dreg:$0x1d] =	wrdreg s19;
	s5 =	simm.s32 $0x600  }
0x22: {  	s19 =	simm.s32 $0x7;
	[dreg:$0x15] =	wrdreg s16;
	s16 =	sshrl.u32 s21, $0x3  }
0x23: {  	s21 =	sadd.s32 s17, s12;
	[dreg:$0x18] =	wrdreg s15;
	s15 =	sshrl.u32 s24, $0x3  }
0x24: {  	s17 =	sadd.s32 $0x16800, s4;
	[dreg:$0x1c] =	wrdreg s18;
	s24 =	sadd.s32 s11, s2  }
0x25: {  	s11 =	simm.s32 $0x2;
	s18 =	simm.s32 $0x6;
	s16 =	sadd.s32 s14, s16  }
0x26: {  	s22 =	sshrl.u32 s21, $0x3;
	s21 =	sadd.s32 s8, s2;
	[smem:$0x7FA] =	sst s24  }
0x27: {  	s8 =	simm.s32 $0x4800;
	[dreg:$0x16] =	wrdreg s16;
	s16 =	sshrl.u32 s25, $0x3  }
0x28: {  	s23 =	sadd.s32 s14, s22;
	s25 =	smul.u32 $0x50000, s20;
	[dreg:$0x1f] =	wrdreg s21  }
0x29: {  	s20 =	sadd.s32 s7, s2;
	s21 =	sadd.s32 s9, s2;
	[dreg:$0x19] =	wrdreg s23  }
0x2a: {  	s22 =	smax.u32 s1, $0x1;
	s1 =	simm.s32 $0x9;
	[dreg:$0x1e] =	wrdreg s20  }
0x2b: {  	s7 =	simm.s32 $0x2800;
	s9 =	simm.s32 $0x6800;
	[smem:$0x7F6] =	sst s22  }
0x2c: {  	s16 =	sadd.s32 s14, s16;
	s14 =	sadd.s32 s14, s15;
	[smem:$0x7F8] =	sst s21  }
0x2d: {  	s23 =	sadd.s32 s10, s2;
	s10 =	simm.s32 $0x1;
	[dreg:$0x17] =	wrdreg s16  }
0x2e: {  	s20 =	simm.s32 $0x8;
	s22 =	simm.s32 $0x0;
	[dreg:$0x1a] =	wrdreg s14  }
0x2f: {  	s14 =	sadd.s32 $0x2A800, s0;
	s0 =	sadd.s32 $0x52800, s0;
	[smem:$0x7F7] =	sst s22  }
0x30: {  	s15 =	sshrl.u32 s25, $0x2;
	s16 =	sadd.s32 $0x2800, s4;
	[smem:$0x7F9] =	sst s23  }
0x31: {  	s25 =	sadd.s32 s12, s2;
	s4 =	simm.s32 $0x200;
	[dreg:$0x1b] =	wrdreg s0  }
0x32: {  	s12 =	simm.s32 $0x3;
	s26 =	sadd.s32 s15, s2;
	[smem:$0x7FB] =	sst s25  }
0x33: {  	s0 =	simm.s32 $0xB;
	s15 =	simm.s32 $0xA;
	[smem:$0x7FD] =	sst s26  }
.LBB2_1:
0x34: {  	[tilespmem:s3], [sflag:$0x9] =	stream.linear.gather [hbm4b:s16+s3], $0x200, $0x38;
	[tilespmem:$0x1C800] =	vst v63  }
0x35: {  	_ = 	snop  }
0x36: {  	[tilespmem:s30], [sflag:$0x9] =	stream.linear.gather [hbm4b:s17+s3], $0x200, $0x38;
	[tilespmem:$0x1C800] =	vst v63  }
0x37: {  	s22 =	rddreg [dreg:$0x1b]  }
0x38: {  	[tilespmem:s31], [sflag:$0xB] =	stream.linear.gather [hbm4b:s22+s3], $0x2000, $0x38;
	[tilespmem:$0x1C800] =	vst v63  }
0x39: {  	_ =	swait.ge [sflag:s0], $0x2000  }
0x3a: {  	[sflag:s0] =	ssyncset.done $0x0  }
0x3b: {  	[sflag:s0] =	ssyncadd.s32 $0xFFFFE000  }
0x3c: {  	[spmem:s26] =	stream.linear.scatter [tilespmem:s31], [sflag:$0xB], $0x2000, $0x38;
	[tilespmem:$0x1C800] =	vst v63  }
0x3d: {  	s22 =	rddreg [dreg:$0x1f];
	_ =	swait.ge [sflag:s0], $0x2000  }
0x3e: {  	[sflag:s0] =	ssyncset.done $0x0  }
0x3f: {  	s26 =	rddreg [dreg:$0x1c];
	[sflag:s0] =	ssyncadd.s32 $0xFFFFE000  }
0x40: {  	[spmem:s26] =	stream.linear.scatter [tilespmem:s31], [sflag:$0xB], $0x2000, $0x38;
	[tilespmem:$0x1C800] =	vst v63  }
0x41: {  	_ =	swait.ge [sflag:s0], $0x2000  }
0x42: {  	[sflag:s0] =	ssyncset.done $0x0  }
0x43: {  	s26 =	rddreg [dreg:$0x1d];
	[sflag:s0] =	ssyncadd.s32 $0xFFFFE000  }
0x44: {  	[spmem:s26] =	stream.linear.scatter [tilespmem:s31], [sflag:$0xB], $0x2000, $0x38;
	[tilespmem:$0x1C800] =	vst v63  }
0x45: {  	_ =	swait.ge [sflag:s0], $0x2000  }
0x46: {  	[sflag:s0] =	ssyncset.done $0x0  }
0x47: {  	s26 =	rddreg [dreg:$0x1e];
	[sflag:s0] =	ssyncadd.s32 $0xFFFFE000  }
0x48: {  	[spmem:s26] =	stream.linear.scatter [tilespmem:s31], [sflag:$0xB], $0x2000, $0x38;
	[tilespmem:$0x1C800] =	vst v63  }
0x49: {  	_ =	swait.ge [sflag:s0], $0x2000  }
0x4a: {  	[sflag:s0] =	ssyncset.done $0x0  }
0x4b: {  	[sflag:s0] =	ssyncadd.s32 $0xFFFFE000  }
0x4c: {  	[spmem:s22] =	stream.linear.scatter [tilespmem:s31], [sflag:$0xB], $0x2000, $0x38;
	[tilespmem:$0x1C800] =	vst v63  }
0x4d: {  	_ =	swait.ge [sflag:s0], $0x2000  }
0x4e: {  	[sflag:s0] =	ssyncset.done $0x0  }
0x4f: {  	[sflag:s0] =	ssyncadd.s32 $0xFFFFE000  }
0x50: {  	[spmem:s21] =	stream.linear.scatter [tilespmem:s31], [sflag:$0xB], $0x2000, $0x38;
	[tilespmem:$0x1C800] =	vst v63  }
0x51: {  	_ =	swait.ge [sflag:s0], $0x2000  }
0x52: {  	[sflag:s0] =	ssyncset.done $0x0  }
0x53: {  	[sflag:s0] =	ssyncadd.s32 $0xFFFFE000  }
0x54: {  	[spmem:s23] =	stream.linear.scatter [tilespmem:s31], [sflag:$0xB], $0x2000, $0x38;
	[tilespmem:$0x1C800] =	vst v63  }
0x55: {  	_ =	swait.ge [sflag:s0], $0x2000  }
0x56: {  	[sflag:s0] =	ssyncset.done $0x0  }
0x57: {  	[sflag:s0] =	ssyncadd.s32 $0xFFFFE000  }
0x58: {  	[spmem:s24] =	stream.linear.scatter [tilespmem:s31], [sflag:$0xB], $0x2000, $0x38;
	[tilespmem:$0x1C800] =	vst v63  }
0x59: {  	_ =	swait.ge [sflag:s0], $0x2000  }
0x5a: {  	[sflag:s0] =	ssyncset.done $0x0  }
0x5b: {  	[sflag:s0] =	ssyncadd.s32 $0xFFFFE000  }
0x5c: {  	[spmem:s25] =	stream.linear.scatter [tilespmem:s31], [sflag:$0xB], $0x2000, $0x38;
	[tilespmem:$0x1C800] =	vst v63  }
0x5d: {  	_ =	swait.ge [sflag:s0], $0x2000  }
0x5e: {  	[sflag:s0] =	ssyncset.done $0x0  }
0x5f: {  	[sflag:s0] =	ssyncadd.s32 $0xFFFFE000  }
0x60: {  	[spmem:s28] =	stream.linear.scatter [tilespmem:s31], [sflag:$0xB], $0x2000, $0x38;
	[tilespmem:$0x1C800] =	vst v63  }
0x61: {  	_ =	swait.ge [sflag:s0], $0x2000  }
0x62: {  	[sflag:s0] =	ssyncset.done $0x0  }
0x63: {  	[sflag:s0] =	ssyncadd.s32 $0xFFFFE000  }
0x64: {  	s22 =	simm.s32 $0x0;
	s23 =	simm.s32 $0x0;
	[bflag:$0x0] =	sbarrier.arrive $0xFFFF  }
.LBB2_2:
0x65: {  	_ =	swait.ge [sflag:s1], $0x200  }
0x66: {  	[sflag:s1] =	ssyncset.done $0x0  }
0x67: {  	[sflag:s1] =	ssyncadd.s32 $0xFFFFFE00  }
0x68: {  	_ =	swait.ge [sflag:s1], $0x200  }
0x69: {  	p0 =	seq.s32 s22, $0x0;
	[sflag:s1] =	ssyncset.done $0x0  }
0x6a: {  	s24 =	simm.s32 @!p0 $0x5;
	[sflag:s1] =	ssyncadd.s32 $0xFFFFFE00  }
0x6b: {  	_ =	swait.ge @!p0 [sflag:s24], $0x2000  }
0x6c: {  	[sflag:s24] =	ssyncset.done @!p0 $0x0  }
0x6d: {  	[sflag:s24] =	ssyncadd.s32 @!p0 $0xFFFFE000;
	s24 =	simm.s32 @!p0 $0x6  }
0x6e: {  	_ =	swait.ge @!p0 [sflag:s24], $0x2000  }
0x6f: {  	[sflag:s24] =	ssyncset.done @!p0 $0x0  }
0x70: {  	[sflag:s24] =	ssyncadd.s32 @!p0 $0xFFFFE000;
	s24 =	simm.s32 @!p0 $0x7  }
0x71: {  	_ =	swait.ge @!p0 [sflag:s24], $0x2000  }
0x72: {  	[sflag:s24] =	ssyncset.done @!p0 $0x0  }
0x73: {  	[sflag:s24] =	ssyncadd.s32 @!p0 $0xFFFFE000;
	s24 =	simm.s32 @!p0 $0x8  }
0x74: {  	_ =	swait.ge @!p0 [sflag:s24], $0x2000  }
0x75: {  	s25 =	sadd.s32 s22, s16;
	[sflag:s24] =	ssyncset.done @!p0 $0x0  }
0x76: {  	s21 =	sadd.s32 $0x40, s25;
	s25 =	sadd.s32 s22, s17;
	[sflag:s24] =	ssyncadd.s32 @!p0 $0xFFFFE000  }
0x77: {  	[tilespmem:s4], [sflag:$0xA] =	stream.linear.gather [hbm4b:s21+s3], $0x200, $0x38;
	[tilespmem:$0x1C800] =	vst v63  }
0x78: {  	s24 =	sadd.s32 $0x40, s25  }
0x79: {  	[tilespmem:s5], [sflag:$0xA] =	stream.linear.gather [hbm4b:s24+s3], $0x200, $0x38;
	[tilespmem:$0x1C800] =	vst v63  }
0x7a: {  	_ = 	snop  }
0x7b: {  	[tilespmem:s31], [sflag:$0x1] =	stream.indirect.gather [hbm4b:s14+s6], $0x80, s3, s6, $0xb8;
	[tilespmem:$0x1C800] =	vst v63  }
0x7c: {  	s26 =	rddreg [dreg:$0x5]  }
0x7d: {  	[tilespmem:s7], [sflag:$0x2] =	stream.indirect.gather [hbm4b:s14+s6], $0x80, s26, s6, $0xb8;
	[tilespmem:$0x1C800] =	vst v63  }
0x7e: {  	s28 =	rddreg [dreg:$0x6]  }
0x7f: {  	[tilespmem:s8], [sflag:$0x3] =	stream.indirect.gather [hbm4b:s14+s6], $0x80, s28, s6, $0xb8;
	[tilespmem:$0x1C800] =	vst v63  }
0x80: {  	s21 =	rddreg [dreg:$0x7]  }
0x81: {  	[tilespmem:s9], [sflag:$0x4] =	stream.indirect.gather [hbm4b:s14+s6], $0x80, s21, s6, $0xb8;
	[tilespmem:$0x1C800] =	vst v63  }
0x82: {  	_ =	swait.ge [sflag:s10], $0x2000  }
0x83: {  	[sflag:s10] =	ssyncset.done $0x0  }
0x84: {  	[sflag:s10] =	ssyncadd.s32 $0xFFFFE000  }
0x85: {  	[spmem:s2] =	stream.indirect.scatter.add.f32 [tilespmem:s31], [sflag:$0x5], $0x80, s30, s6, $0xb8;
	[tilespmem:$0x1C800] =	vst v63  }
0x86: {  	_ =	swait.ge [sflag:s11], $0x2000  }
0x87: {  	[sflag:s11] =	ssyncset.done $0x0  }
0x88: {  	s25 =	rddreg [dreg:$0x8];
	[sflag:s11] =	ssyncadd.s32 $0xFFFFE000  }
0x89: {  	[spmem:s2] =	stream.indirect.scatter.add.f32 [tilespmem:s7], [sflag:$0x6], $0x80, s25, s6, $0xb8;
	[tilespmem:$0x1C800] =	vst v63  }
0x8a: {  	_ =	swait.ge [sflag:s12], $0x2000  }
0x8b: {  	[sflag:s12] =	ssyncset.done $0x0  }
0x8c: {  	s26 =	rddreg [dreg:$0x9];
	[sflag:s12] =	ssyncadd.s32 $0xFFFFE000  }
0x8d: {  	[spmem:s2] =	stream.indirect.scatter.add.f32 [tilespmem:s8], [sflag:$0x7], $0x80, s26, s6, $0xb8;
	[tilespmem:$0x1C800] =	vst v63  }
0x8e: {  	_ =	swait.ge [sflag:s13], $0x2000  }
0x8f: {  	[sflag:s13] =	ssyncset.done $0x0  }
0x90: {  	s28 =	rddreg [dreg:$0xa];
	[sflag:s13] =	ssyncadd.s32 $0xFFFFE000  }
0x91: {  	[spmem:s2] =	stream.indirect.scatter.add.f32 [tilespmem:s9], [sflag:$0x8], $0x80, s28, s6, $0xb8;
	[tilespmem:$0x1C800] =	vst v63  }
0x92: {  	_ =	swait.ge [sflag:s15], $0x200  }
0x93: {  	[sflag:s15] =	ssyncset.done $0x0  }
0x94: {  	[sflag:s15] =	ssyncadd.s32 $0xFFFFFE00  }
0x95: {  	_ =	swait.ge [sflag:s15], $0x200  }
0x96: {  	[sflag:s15] =	ssyncset.done $0x0  }
0x97: {  	[sflag:s15] =	ssyncadd.s32 $0xFFFFFE00  }
0x98: {  	_ =	swait.ge [sflag:s29], $0x2000  }
0x99: {  	[sflag:s29] =	ssyncset.done $0x0  }
0x9a: {  	[sflag:s29] =	ssyncadd.s32 $0xFFFFE000  }
0x9b: {  	_ =	swait.ge [sflag:s18], $0x2000  }
0x9c: {  	[sflag:s18] =	ssyncset.done $0x0  }
0x9d: {  	[sflag:s18] =	ssyncadd.s32 $0xFFFFE000  }
0x9e: {  	_ =	swait.ge [sflag:s19], $0x2000  }
0x9f: {  	[sflag:s19] =	ssyncset.done $0x0  }
0xa0: {  	[sflag:s19] =	ssyncadd.s32 $0xFFFFE000  }
0xa1: {  	_ =	swait.ge [sflag:s20], $0x2000  }
0xa2: {  	s21 =	rddreg [dreg:$0x3]  }
0xa3: {  	p0 =	sge.u32 s23, s21  }
0xa4: {  	[sflag:s20] =	ssyncset.done $0x0;
	s24 =	sadd.s32 @!p0 s22, s16  }
0xa5: {  	[sflag:s20] =	ssyncadd.s32 $0xFFFFE000;
	s25 =	simm.s32 @!p0 $0x0;
	s24 =	sadd.s32 @!p0 $0x80, s24  }
0xa6: {  	[tilespmem:s25], [sflag:$0x9] =	stream.linear.gather @!p0 [hbm4b:s24+s25], $0x200, $0x38;
	[tilespmem:$0x1C800] =	vst v63  }
0xa7: {  	s24 =	sadd.s32 @!p0 s22, s17  }
0xa8: {  	s26 =	simm.s32 @!p0 $0x400;
	s24 =	sadd.s32 @!p0 $0x80, s24  }
0xa9: {  	[tilespmem:s26], [sflag:$0x9] =	stream.linear.gather @!p0 [hbm4b:s24+s25], $0x200, $0x38;
	[tilespmem:$0x1C800] =	vst v63  }
0xaa: {  	_ = 	snop  }
0xab: {  	[tilespmem:s31], [sflag:$0x1] =	stream.indirect.gather [hbm4b:s14+s6], $0x80, s4, s6, $0xb8;
	[tilespmem:$0x1C800] =	vst v63  }
0xac: {  	s25 =	rddreg [dreg:$0xb]  }
0xad: {  	[tilespmem:s7], [sflag:$0x2] =	stream.indirect.gather [hbm4b:s14+s6], $0x80, s25, s6, $0xb8;
	[tilespmem:$0x1C800] =	vst v63  }
0xae: {  	s26 =	rddreg [dreg:$0xc]  }
0xaf: {  	[tilespmem:s8], [sflag:$0x3] =	stream.indirect.gather [hbm4b:s14+s6], $0x80, s26, s6, $0xb8;
	[tilespmem:$0x1C800] =	vst v63  }
0xb0: {  	s28 =	rddreg [dreg:$0xd]  }
0xb1: {  	[tilespmem:s9], [sflag:$0x4] =	stream.indirect.gather [hbm4b:s14+s6], $0x80, s28, s6, $0xb8;
	[tilespmem:$0x1C800] =	vst v63  }
0xb2: {  	_ =	swait.ge [sflag:s10], $0x2000  }
0xb3: {  	[sflag:s10] =	ssyncset.done $0x0  }
0xb4: {  	[sflag:s10] =	ssyncadd.s32 $0xFFFFE000  }
0xb5: {  	[spmem:s2] =	stream.indirect.scatter.add.f32 [tilespmem:s31], [sflag:$0x5], $0x80, s5, s6, $0xb8;
	[tilespmem:$0x1C800] =	vst v63  }
0xb6: {  	_ =	swait.ge [sflag:s11], $0x2000  }
0xb7: {  	[sflag:s11] =	ssyncset.done $0x0  }
0xb8: {  	s21 =	rddreg [dreg:$0xe];
	[sflag:s11] =	ssyncadd.s32 $0xFFFFE000  }
0xb9: {  	[spmem:s2] =	stream.indirect.scatter.add.f32 [tilespmem:s7], [sflag:$0x6], $0x80, s21, s6, $0xb8;
	[tilespmem:$0x1C800] =	vst v63  }
0xba: {  	_ =	swait.ge [sflag:s12], $0x2000  }
0xbb: {  	[sflag:s12] =	ssyncset.done $0x0  }
0xbc: {  	s25 =	rddreg [dreg:$0xf];
	[sflag:s12] =	ssyncadd.s32 $0xFFFFE000  }
0xbd: {  	[spmem:s2] =	stream.indirect.scatter.add.f32 [tilespmem:s8], [sflag:$0x7], $0x80, s25, s6, $0xb8;
	[tilespmem:$0x1C800] =	vst v63  }
0xbe: {  	_ =	swait.ge [sflag:s13], $0x2000  }
0xbf: {  	s22 =	sadd.s32 $0x80, s22;
	s28 =	rddreg [dreg:$0x4]  }
0xc0: {  	p0 =	sne.s32 s28, s22  }
.Ltmp0:
0xc1: {  	_ = 	snop;
	(pc) =	sbr.rel @p0 .LBB2_2-.Ltmp0, $4  }
0xc2: {  	_ = 	snop  }
0xc3: {  	[sflag:s13] =	ssyncset.done $0x0  }
0xc4: {  	s23 =	sadd.s32 $0x1, s23;
	s26 =	rddreg [dreg:$0x10];
	[sflag:s13] =	ssyncadd.s32 $0xFFFFE000  }
0xc5: {  	[spmem:s2] =	stream.indirect.scatter.add.f32 [tilespmem:s9], [sflag:$0x8], $0x80, s26, s6, $0xb8;
	[tilespmem:$0x1C800] =	vst v63  }
0xc6: {  	_ =	swait.ge [sflag:s29], $0x2000  }
0xc7: {  	[sflag:s29] =	ssyncset.done $0x0  }
0xc8: {  	[sflag:s29] =	ssyncadd.s32 $0xFFFFE000  }
0xc9: {  	_ =	swait.ge [sflag:s18], $0x2000  }
0xca: {  	[sflag:s18] =	ssyncset.done $0x0  }
0xcb: {  	[sflag:s18] =	ssyncadd.s32 $0xFFFFE000  }
0xcc: {  	_ =	swait.ge [sflag:s19], $0x2000  }
0xcd: {  	[sflag:s19] =	ssyncset.done $0x0  }
0xce: {  	[sflag:s19] =	ssyncadd.s32 $0xFFFFE000  }
0xcf: {  	_ =	swait.ge [sflag:s20], $0x2000  }
0xd0: {  	[sflag:s20] =	ssyncset.done $0x0  }
0xd1: {  	[sflag:s20] =	ssyncadd.s32 $0xFFFFE000  }
0xd2: {  	[bflag:$0x0] =	sbarrier.arrive $0xFFFF  }
0xd3: {  	s21 =	sld [smem:$0x7FD];
	_ =	sdelay $0x2  }
0xd4: {  	[tilespmem:s31], [sflag:$0xB] =	stream.linear.gather [spmem:s21], $0x2000, $0x38;
	[tilespmem:$0x1C800] =	vst v63  }
0xd5: {  	_ =	swait.ge [sflag:s0], $0x2000  }
0xd6: {  	[sflag:s0] =	ssyncset.done $0x0  }
0xd7: {  	s22 =	rddreg [dreg:$0x11];
	[sflag:s0] =	ssyncadd.s32 $0xFFFFE000  }
0xd8: {  	[hbm4b:s22+s3] =	stream.linear.scatter [tilespmem:s31], [sflag:$0xB], $0x2000, $0x38;
	[tilespmem:$0x1C800] =	vst v63  }
0xd9: {  	_ =	swait.ge [sflag:s0], $0x2000  }
0xda: {  	[sflag:s0] =	ssyncset.done $0x0  }
0xdb: {  	s26 =	rddreg [dreg:$0x1c];
	[sflag:s0] =	ssyncadd.s32 $0xFFFFE000  }
0xdc: {  	[tilespmem:s31], [sflag:$0xB] =	stream.linear.gather [spmem:s26], $0x2000, $0x38;
	[tilespmem:$0x1C800] =	vst v63  }
0xdd: {  	_ =	swait.ge [sflag:s0], $0x2000  }
0xde: {  	[sflag:s0] =	ssyncset.done $0x0  }
0xdf: {  	s21 =	rddreg [dreg:$0x12];
	[sflag:s0] =	ssyncadd.s32 $0xFFFFE000  }
0xe0: {  	[hbm4b:s21+s3] =	stream.linear.scatter [tilespmem:s31], [sflag:$0xB], $0x2000, $0x38;
	[tilespmem:$0x1C800] =	vst v63  }
0xe1: {  	_ =	swait.ge [sflag:s0], $0x2000  }
0xe2: {  	[sflag:s0] =	ssyncset.done $0x0  }
0xe3: {  	s22 =	rddreg [dreg:$0x1d];
	[sflag:s0] =	ssyncadd.s32 $0xFFFFE000  }
0xe4: {  	[tilespmem:s31], [sflag:$0xB] =	stream.linear.gather [spmem:s22], $0x2000, $0x38;
	[tilespmem:$0x1C800] =	vst v63  }
0xe5: {  	_ =	swait.ge [sflag:s0], $0x2000  }
0xe6: {  	[sflag:s0] =	ssyncset.done $0x0  }
0xe7: {  	s23 =	rddreg [dreg:$0x13];
	[sflag:s0] =	ssyncadd.s32 $0xFFFFE000  }
0xe8: {  	[hbm4b:s23+s3] =	stream.linear.scatter [tilespmem:s31], [sflag:$0xB], $0x2000, $0x38;
	[tilespmem:$0x1C800] =	vst v63  }
0xe9: {  	_ =	swait.ge [sflag:s0], $0x2000  }
0xea: {  	[sflag:s0] =	ssyncset.done $0x0  }
0xeb: {  	s24 =	rddreg [dreg:$0x1e];
	[sflag:s0] =	ssyncadd.s32 $0xFFFFE000  }
0xec: {  	[tilespmem:s31], [sflag:$0xB] =	stream.linear.gather [spmem:s24], $0x2000, $0x38;
	[tilespmem:$0x1C800] =	vst v63  }
0xed: {  	_ =	swait.ge [sflag:s0], $0x2000  }
0xee: {  	[sflag:s0] =	ssyncset.done $0x0  }
0xef: {  	s25 =	rddreg [dreg:$0x14];
	[sflag:s0] =	ssyncadd.s32 $0xFFFFE000  }
0xf0: {  	[hbm4b:s25+s3] =	stream.linear.scatter [tilespmem:s31], [sflag:$0xB], $0x2000, $0x38;
	[tilespmem:$0x1C800] =	vst v63  }
0xf1: {  	_ =	swait.ge [sflag:s0], $0x2000  }
0xf2: {  	[sflag:s0] =	ssyncset.done $0x0  }
0xf3: {  	s26 =	rddreg [dreg:$0x1f];
	[sflag:s0] =	ssyncadd.s32 $0xFFFFE000  }
0xf4: {  	[tilespmem:s31], [sflag:$0xB] =	stream.linear.gather [spmem:s26], $0x2000, $0x38;
	[tilespmem:$0x1C800] =	vst v63  }
0xf5: {  	_ =	swait.ge [sflag:s0], $0x2000  }
0xf6: {  	[sflag:s0] =	ssyncset.done $0x0  }
0xf7: {  	s21 =	rddreg [dreg:$0x15];
	[sflag:s0] =	ssyncadd.s32 $0xFFFFE000  }
0xf8: {  	[hbm4b:s21+s3] =	stream.linear.scatter [tilespmem:s31], [sflag:$0xB], $0x2000, $0x38;
	[tilespmem:$0x1C800] =	vst v63  }
0xf9: {  	_ =	swait.ge [sflag:s0], $0x2000  }
0xfa: {  	s21 =	sld [smem:$0x7F8]  }
0xfb: {  	[sflag:s0] =	ssyncset.done $0x0  }
0xfc: {  	[sflag:s0] =	ssyncadd.s32 $0xFFFFE000  }
0xfd: {  	[tilespmem:s31], [sflag:$0xB] =	stream.linear.gather [spmem:s21], $0x2000, $0x38;
	[tilespmem:$0x1C800] =	vst v63  }
0xfe: {  	_ =	swait.ge [sflag:s0], $0x2000  }
0xff: {  	[sflag:s0] =	ssyncset.done $0x0  }
0x100: {  	s23 =	rddreg [dreg:$0x16];
	[sflag:s0] =	ssyncadd.s32 $0xFFFFE000  }
0x101: {  	[hbm4b:s23+s3] =	stream.linear.scatter [tilespmem:s31], [sflag:$0xB], $0x2000, $0x38;
	[tilespmem:$0x1C800] =	vst v63  }
0x102: {  	_ =	swait.ge [sflag:s0], $0x2000  }
0x103: {  	s23 =	sld [smem:$0x7F9]  }
0x104: {  	[sflag:s0] =	ssyncset.done $0x0  }
0x105: {  	[sflag:s0] =	ssyncadd.s32 $0xFFFFE000  }
0x106: {  	[tilespmem:s31], [sflag:$0xB] =	stream.linear.gather [spmem:s23], $0x2000, $0x38;
	[tilespmem:$0x1C800] =	vst v63  }
0x107: {  	_ =	swait.ge [sflag:s0], $0x2000  }
0x108: {  	[sflag:s0] =	ssyncset.done $0x0  }
0x109: {  	s24 =	rddreg [dreg:$0x17];
	[sflag:s0] =	ssyncadd.s32 $0xFFFFE000  }
0x10a: {  	[hbm4b:s24+s3] =	stream.linear.scatter [tilespmem:s31], [sflag:$0xB], $0x2000, $0x38;
	[tilespmem:$0x1C800] =	vst v63  }
0x10b: {  	_ =	swait.ge [sflag:s0], $0x2000  }
0x10c: {  	s24 =	sld [smem:$0x7FA]  }
0x10d: {  	[sflag:s0] =	ssyncset.done $0x0  }
0x10e: {  	[sflag:s0] =	ssyncadd.s32 $0xFFFFE000  }
0x10f: {  	[tilespmem:s31], [sflag:$0xB] =	stream.linear.gather [spmem:s24], $0x2000, $0x38;
	[tilespmem:$0x1C800] =	vst v63  }
0x110: {  	_ =	swait.ge [sflag:s0], $0x2000  }
0x111: {  	[sflag:s0] =	ssyncset.done $0x0  }
0x112: {  	s25 =	rddreg [dreg:$0x18];
	[sflag:s0] =	ssyncadd.s32 $0xFFFFE000  }
0x113: {  	[hbm4b:s25+s3] =	stream.linear.scatter [tilespmem:s31], [sflag:$0xB], $0x2000, $0x38;
	[tilespmem:$0x1C800] =	vst v63  }
0x114: {  	_ =	swait.ge [sflag:s0], $0x2000  }
0x115: {  	s25 =	sld [smem:$0x7FB]  }
0x116: {  	[sflag:s0] =	ssyncset.done $0x0  }
0x117: {  	[sflag:s0] =	ssyncadd.s32 $0xFFFFE000  }
0x118: {  	[tilespmem:s31], [sflag:$0xB] =	stream.linear.gather [spmem:s25], $0x2000, $0x38;
	[tilespmem:$0x1C800] =	vst v63  }
0x119: {  	_ =	swait.ge [sflag:s0], $0x2000  }
0x11a: {  	[sflag:s0] =	ssyncset.done $0x0  }
0x11b: {  	s26 =	rddreg [dreg:$0x19];
	[sflag:s0] =	ssyncadd.s32 $0xFFFFE000  }
0x11c: {  	[hbm4b:s26+s3] =	stream.linear.scatter [tilespmem:s31], [sflag:$0xB], $0x2000, $0x38;
	[tilespmem:$0x1C800] =	vst v63  }
0x11d: {  	_ =	swait.ge [sflag:s0], $0x2000  }
0x11e: {  	s28 =	sld [smem:$0x7FC]  }
0x11f: {  	[sflag:s0] =	ssyncset.done $0x0  }
0x120: {  	[sflag:s0] =	ssyncadd.s32 $0xFFFFE000  }
0x121: {  	[tilespmem:s31], [sflag:$0xB] =	stream.linear.gather [spmem:s28], $0x2000, $0x38;
	[tilespmem:$0x1C800] =	vst v63  }
0x122: {  	_ =	swait.ge [sflag:s0], $0x2000  }
0x123: {  	[sflag:s0] =	ssyncset.done $0x0  }
0x124: {  	s26 =	rddreg [dreg:$0x1a];
	[sflag:s0] =	ssyncadd.s32 $0xFFFFE000  }
0x125: {  	[hbm4b:s26+s3] =	stream.linear.scatter [tilespmem:s31], [sflag:$0xB], $0x2000, $0x38;
	[tilespmem:$0x1C800] =	vst v63  }
0x126: {  	_ =	swait.ge [sflag:s0], $0x2000  }
0x127: {  	s26 =	sld [smem:$0x7F7]  }
0x128: {  	s22 =	sld [smem:$0x7F6];
	_ =	sdelay $0x1  }
0x129: {  	s26 =	sadd.s32 $0x1, s26  }
0x12a: {  	p0 =	sne.s32 s26, s22  }
.Ltmp1:
0x12b: {  	_ = 	snop;
	(pc) =	sbr.rel @p0 .LBB2_1-.Ltmp1, $3  }
0x12c: {  	_ =	sdelay $0x1  }
0x12d: {  	[sflag:s0] =	ssyncset.done $0x0;
	[smem:$0x7F7] =	sst s26  }
0x12e: {  	[sflag:s0] =	ssyncadd.s32 $0xFFFFE000;
	s26 =	sld [smem:$0x7FD]  }
0x12f: {  	_ =	sfence.sel $0x180000  }
0x130: {  	[bflag:$0x0] =	sbarrier.arrive $0xFFFF  }
0x131: {  	_ =	strace $0x9000004A  }
0x132: {  	s0 =	stileid.u32;
	[bflag:$0x2] =	sbarrier.arrive $0xFFFF  }
0x133: {  	p0 =	sne.s32 s0, $0x0;
	s0 =	rddreg [dreg:$0x2]  }
0x134: {  	s0 =	sadd.s32 @!p0 $0x100000, s0  }
0x135: {  	[sflag:s0] =	ssyncadd.tile.s32 @!p0 $0x1;
	_ =	shalt  }
.Lfunc_end2:
_tile_overlayer_lowered:
.L_overlay_start_2:
0x136: {  	(tag) =	ssettag $0x2  }
0x137: {  	s0 =	rddreg [dreg:$0x0];
	s2 =	stileid.u32  }
0x138: {  	s1 =	rddreg [dreg:$0x1];
	p0 =	sne.s32 s2, $0x0  }
0x139: {  	s3 =	rddreg [dreg:$0x2];
	[bflag:$0x3] =	sbarrier.arrive $0xFFFF;
	s2 =	simm.s32 @!p0 $0x1C0B  }
0x13a: {  	[timem:s3], [sflag:s2] =	dma.local @!p0 [hbm:s0], s1  }
0x13b: {  	s0 =	simm.s32 @!p0 $0xB  }
0x13c: {  	_ =	swait.ge @!p0 [sflag:s0], s1  }
0x13d: {  	s1 =	ssub.s32 @!p0 $0x0, s1;
	[sflag:s0] =	ssyncset.done @!p0 $0x0  }
0x13e: {  	[sflag:s0] =	ssyncadd.s32 @!p0 s1  }
0x13f: {  	[bflag:$0x3] =	sbarrier.arrive $0xFFFF  }
0x140: {  	_ =	shalt  }

// kernel: kernel.7.cloned.1.call-start
scs
__scs_entry_jumppad:
0x0: {  	(pc) =	sbr.rel $0x88, $3  }
0x1: {  	(tag) =	ssettag $0x0;
	lr =	simm.s32 $0x1  }
0x2: {  	[smem:$0x3F96] =	sst lr;
	_ =	strace $0xD0000000  }
0x3: {  	_ = 	snop  }
0x4: {  	_ = 	snop  }
0x5: {  	_ = 	snop  }
0x6: {  	_ = 	snop  }
0x7: {  	_ = 	snop  }
__scs_overlays_trampoline_lowered:
0x8: {  	[smem:$0x3FA5] =	sst s0  }
0x9: {  	[smem:$0x3FA6] =	sst s1  }
0xa: {  	[smem:$0x3FA7] =	sst s2  }
0xb: {  	[smem:$0x3FA8] =	sst s3  }
0xc: {  	[smem:$0x3FA9] =	sst s4  }
0xd: {  	[smem:$0x3FAA] =	sst s5  }
0xe: {  	[smem:$0x3FAB] =	sst s6  }
0xf: {  	[smem:$0x3FAC] =	sst s7  }
0x10: {  	[smem:$0x3FAD] =	sst s8  }
0x11: {  	[smem:$0x3FAE] =	sst s9;
	s0 =	simm.s32 @!p0 $0x0  }
0x12: {  	s1 =	sld [smem:$0x3F94];
	s0 =	simm.s32 @p0 $0x1  }
0x13: {  	[smem:$0x3FAF] =	sst s0;
	s0 =	simm.s32 @!p1 $0x0  }
0x14: {  	s2 =	sld [smem:$0x3F93];
	s0 =	simm.s32 @p1 $0x1  }
0x15: {  	[smem:$0x3FB0] =	sst s0;
	s0 =	simm.s32 @!p2 $0x0  }
0x16: {  	s3 =	sld [smem:$0x3FDB];
	s0 =	simm.s32 @p2 $0x1  }
0x17: {  	s4 =	simm.s32 $0x1BF5;
	[smem:$0x3FB2] =	sst s0  }
0x18: {  	s0 =	sld [smem:$0x3F95];
	_ =	swait.ge [sflag:s4], $0x0  }
0x19: {  	s7 =	sld [smem:$0x3F96]  }
0x1a: {  	s8 =	sadd.s32 $0xFFFFE003, lr  }
0x1b: {  	s9 =	sadd.s32 $0xFFFFFEF7, lr;
	s5 =	simm.s32 $0xFFFFFFFF;
	p2 =	slt.u32 s8, $0xFFFFF086  }
0x1c: {  	p1 =	slt.u32 s9, $0xF7A;
	s5 =	simm.s32 @!p2 $0x0  }
0x1d: {  	s5 =	simm.s32 @p1 $0x1;
	p0 =	seq.s32 s7, s2  }
0x1e: {  	s7 =	smul.u32 @!p0 $0xF7A, s2;
	p2 =	seq.s32 @!p0 s5, $0x0  }
0x1f: {  	s9 =	smul.u32 $0xF7A, s1;
	s8 =	simm.s32 @!p0 $0x1BF5;
	p2 =	por !p2, p0  }
0x20: {  	[sflag:s8] =	ssyncset.s32 @!p0 $0xFFFFF086;
	s6 =	sadd.s32 @!p0 s3, s7;
	s7 =	simm.s32 @!p0 $0x108  }
0x21: {  	s3 =	sadd.s32 s3, s9;
	s6 =	sadd.s32 @!p0 $0x88, s6;
	s7 =	simm.s32 @p2 $0x1082  }
0x22: {  	[simem:s7], [sflag:s8] =	dma.local @!p0 [hbm:s6], $0xF7A  }
0x23: {  	s9 =	sor.u32 $0xD0000000, s2;
	s6 =	simm.s32 $0x108;
	_ =	swait.ge @!p0 [sflag:s8], $0x0  }
0x24: {  	s3 =	sadd.s32 $0x88, s3;
	s6 =	simm.s32 @!p1 $0x1082;
	[sflag:s4] =	ssyncset.s32 $0xFFFFF086  }
0x25: {  	[simem:s6], [sflag:s4] =	dma.local [hbm:s3], $0xF7A  }
0x26: {  	[smem:$0x3F96] =	sst s1;
	(tag) =	ssettag s2;
	_ =	strace s9  }
0x27: {  	s1 =	sld [smem:$0x3FA6]  }
0x28: {  	s2 =	sld [smem:$0x3FA7]  }
0x29: {  	s4 =	sld [smem:$0x3FA9]  }
0x2a: {  	p0 =	seq.s32 s5, $0x0;
	s5 =	sld [smem:$0x3FAA]  }
0x2b: {  	s6 =	sld [smem:$0x3FAB]  }
0x2c: {  	s7 =	sld [smem:$0x3FAC]  }
0x2d: {  	s3 =	simm.s32 $0x108;
	s8 =	sld [smem:$0x3FAD]  }
0x2e: {  	s3 =	simm.s32 @!p0 $0x1082;
	s9 =	sld [smem:$0x3FAE]  }
0x2f: {  	lr =	sadd.s32 s0, s3;
	s0 =	sld [smem:$0x3FA5]  }
0x30: {  	s3 =	sld [smem:$0x3FA8]  }
0x31: {  	[smem:$0x3FB1] =	sst s10  }
0x32: {  	s10 =	sld [smem:$0x3FAF];
	_ =	sdelay $0x3  }
0x33: {  	p0 =	seq.s32 s10, $0x1;
	s10 =	sld [smem:$0x3FB1];
	_ =	sdelay $0x3  }
0x34: {  	[smem:$0x3FB1] =	sst s10  }
0x35: {  	s10 =	sld [smem:$0x3FB0];
	_ =	sdelay $0x3  }
0x36: {  	p1 =	seq.s32 s10, $0x1;
	s10 =	sld [smem:$0x3FB1];
	_ =	sdelay $0x3  }
0x37: {  	[smem:$0x3FB1] =	sst s10  }
0x38: {  	s10 =	sld [smem:$0x3FB2]  }
0x39: {  	_ = 	snop;
	(pc) =	sbr.ind lr, $3  }
0x3a: {  	_ = 	snop  }
0x3b: {  	_ = 	snop  }
0x3c: {  	p2 =	seq.s32 s10, $0x1;
	s10 =	sld [smem:$0x3FB1]  }
0x3d: {  	_ =	shalt  }
0x3e: {  	_ =	shalt  }
0x3f: {  	_ =	shalt  }
0x40: {  	_ =	shalt  }
0x41: {  	_ =	shalt  }
0x42: {  	_ =	shalt  }
0x43: {  	_ =	shalt  }
0x44: {  	_ =	shalt  }
0x45: {  	_ =	shalt  }
0x46: {  	_ =	shalt  }
0x47: {  	_ =	shalt  }
0x48: {  	_ =	shalt  }
0x49: {  	_ =	shalt  }
0x4a: {  	_ =	shalt  }
0x4b: {  	_ =	shalt  }
0x4c: {  	_ =	shalt  }
0x4d: {  	_ =	shalt  }
0x4e: {  	_ =	shalt  }
0x4f: {  	_ =	shalt  }
0x50: {  	_ =	shalt  }
0x51: {  	_ =	shalt  }
0x52: {  	_ =	shalt  }
0x53: {  	_ =	shalt  }
0x54: {  	_ =	shalt  }
0x55: {  	_ =	shalt  }
0x56: {  	_ =	shalt  }
0x57: {  	_ =	shalt  }
0x58: {  	_ =	shalt  }
0x59: {  	_ =	shalt  }
0x5a: {  	_ =	shalt  }
0x5b: {  	_ =	shalt  }
0x5c: {  	_ =	shalt  }
0x5d: {  	_ =	shalt  }
0x5e: {  	_ =	shalt  }
0x5f: {  	_ =	shalt  }
0x60: {  	_ =	shalt  }
0x61: {  	_ =	shalt  }
0x62: {  	_ =	shalt  }
0x63: {  	_ =	shalt  }
0x64: {  	_ =	shalt  }
0x65: {  	_ =	shalt  }
0x66: {  	_ =	shalt  }
0x67: {  	_ =	shalt  }
0x68: {  	_ =	shalt  }
0x69: {  	_ =	shalt  }
0x6a: {  	_ =	shalt  }
0x6b: {  	_ =	shalt  }
0x6c: {  	_ =	shalt  }
0x6d: {  	_ =	shalt  }
0x6e: {  	_ =	shalt  }
0x6f: {  	_ =	shalt  }
0x70: {  	_ =	shalt  }
0x71: {  	_ =	shalt  }
0x72: {  	_ =	shalt  }
0x73: {  	_ =	shalt  }
0x74: {  	_ =	shalt  }
0x75: {  	_ =	shalt  }
0x76: {  	_ =	shalt  }
0x77: {  	_ =	shalt  }
0x78: {  	_ =	shalt  }
0x79: {  	_ =	shalt  }
0x7a: {  	_ =	shalt  }
0x7b: {  	_ =	shalt  }
0x7c: {  	_ =	shalt  }
0x7d: {  	_ =	shalt  }
0x7e: {  	_ =	shalt  }
0x7f: {  	_ =	shalt  }
0x80: {  	_ =	shalt  }
0x81: {  	_ =	shalt  }
0x82: {  	_ =	shalt  }
0x83: {  	_ =	shalt  }
0x84: {  	_ =	shalt  }
0x85: {  	_ =	shalt  }
0x86: {  	_ =	shalt  }
0x87: {  	_ =	shalt  }
.Lfunc_end0:
.L_simem_size_0:
called_computation_lowered:
.L_overlay_start_0:
0x88: {  	s2 =	sld [smem:$0x3FD9]  }
0x89: {  	s3 =	sld [smem:$0x3FFE];
	_ =	sdelay $0x1  }
0x8a: {  	s1 =	srdreg.scid  }
0x8b: {  	s0 =	sand.u32 $0x1, s1  }
0x8c: {  	s16 =	sshll.u32 s0, $0xA;
	s2 =	sadd.s32 s3, s2  }
0x8d: {  	s2 =	sadd.s32 s2, s16  }
0x8e: {  	[smem:$0x3FBD] =	sst s2  }
0x8f: {  	_ = 	snop  }
0x90: {  	(tm) =	ssettm $0x1  }
0x91: {  	s17 =	sld [smem:$0x3FFB];
	_ =	sdelay $0x3  }
0x92: {  	_ =	strace s17  }
0x93: {  	s2 =	sld [smem:$0x3FFC];
	_ =	sdelay $0x3  }
0x94: {  	_ =	strace s2  }
0x95: {  	s2 =	sld [smem:$0x3FFD];
	_ =	sdelay $0x3  }
0x96: {  	_ =	strace s2  }
0x97: {  	_ =	strace $0x8FFFFFFF  }
0x98: {  	s18 =	sld [smem:$0x3FDB];
	_ =	sdelay $0x1  }
0x99: {  	s19 =	simm.s32 $_scs_section_size  }
0x9a: {  	s4 =	simm.s32 $_size__tile_overlayer_lowered;
	s5 =	simm.s32 $_tile_overlayer_lowered  }
0x9b: {  	s22 =	simm.s32 $0x1BFF;
	s21 =	sshll.u32 s5, $0x1;
	s2 =	sadd.s32 s19, s18  }
0x9c: {  	s6 =	simm.s32 $0x0;
	s20 =	sshll.u32 s4, $0x1;
	s4 =	sadd.s32 s21, s2  }
0x9d: {  	[timem:s6], [sflag:s22] =	dma.local [hbm:s4], s20  }
0x9e: {  	_ =	swait.ge [sflag:s22], s20  }
0x9f: {  	s3 =	ssub.s32 $0x0, s20;
	[sflag:s22] =	ssyncset.done $0x0  }
0xa0: {  	[sflag:s22] =	ssyncadd.s32 s3;
	_ =	sdelay $0x1  }
0xa1: {  	s23 =	simm.s32 $0x1B8B  }
0xa2: {  	_ =	swait.ge [sflag:s23], $0x1  }
0xa3: {  	[sflag:s23] =	ssyncset.done $0x0  }
0xa4: {  	s25 =	simm.s32 $0x1B8E;
	s24 =	sld [smem:$0x3FFE];
	[sflag:s23] =	ssyncadd.s32 $0xFFFFFFFF  }
0xa5: {  	s26 =	simm.s32 $execute0_lowered;
	[smem:$0x3FD2] =	sst s25  }
0xa6: {  	s4 =	sshll.u32 s26, $0x1;
	_ =	strace $0x80000046;
	[dreg:$0x1] =	wrdreg $0xFFFFFFFF  }
0xa7: {  	s28 =	simm.s32 $_size_execute0_lowered;
	s2 =	sadd.s32 s2, s4;
	[dreg:$0x0] =	wrdreg $0x0  }
0xa8: {  	s4 =	sshll.u32 s28, $0x1;
	[dreg:$0x2] =	wrdreg s2  }
0xa9: {  	[dreg:$0x3] =	wrdreg s4  }
0xaa: {  	[dreg:$0x4] =	wrdreg $0xC0  }
0xab: {  	_ =	task [dreg:s6], $0x5FFFF  }
0xac: {  	[dreg:$0x1] =	wrdreg $0xFFFFFFFF  }
0xad: {  	[dreg:$0x0] =	wrdreg $0x60  }
0xae: {  	[dreg:$0x2] =	wrdreg s24  }
0xaf: {  	[dreg:$0x3] =	wrdreg $0x88000  }
0xb0: {  	[dreg:$0x4] =	wrdreg $0x1CB000  }
0xb1: {  	[dreg:$0x5] =	wrdreg $0x9  }
0xb2: {  	_ =	task.clear_ibuf [dreg:s6], $0x6FFFF;
	_ =	strace $0x90000046  }
0xb3: {  	s29 =	simm.s32 $0x9;
	_ =	strace $0x80000048  }
0xb4: {  	_ =	swait.ge [sflag:s29], $0x1  }
0xb5: {  	[sflag:s29] =	ssyncadd.s32 $0xFFFFFFFF  }
0xb6: {  	_ =	strace $0x90000048  }
0xb7: {  	_ =	sfence  }
0xb8: {  	s30 =	sld [smem:$0x0];
	_ =	sdelay $0x2  }
0xb9: {  	s31 =	sshll.u32 s1, $0xD;
	s1 =	sshrl.u32 s1, $0x2  }
0xba: {  	s3 =	sand.u32 $0x4000, s31;
	s1 =	sadd.s32 s1, s30  }
0xbb: {  	s0 =	sor.u32 s3, s0;
	s1 =	sshll.u32 s1, $0x11  }
0xbc: {  	s0 =	sor.u32 s1, s0  }
0xbd: {  	s0 =	sadd.s32 $0x8F2B, s0  }
0xbe: {  	[sflag:s0] =	ssyncadd.remote.s32 $0x1  }
0xbf: {  	_ =	sfence.sel $0xFFFF  }
0xc0: {  	[dreg:$0x0] =	wrdreg $0xFFFFFFFF;
	(pc) =	sbr.abs _section_cstart, $3  }
0xc1: {  	[dreg:$0x1] =	wrdreg $0xFFFFFFFF  }
0xc2: {  	_ =	task.clear_ibuf [dreg:s6], $0x2FFFF;
	_ =	strace $0x9FFFFFFF  }
0xc3: {  	(tm) =	ssettm $0x7FFFFFFF  }
tec
execute0_lowered:
.L_overlay_start_1:
0x0: {  	(tag) =	ssettag $0x1  }
0x1: {  	s2 =	rddreg [dreg:$0x0]  }
0x2: {  	s1 =	rddreg [dreg:$0x1]  }
0x3: {  	s3 =	rddreg [dreg:$0x2];
	s6 =	simm.s32 $0x0  }
0x4: {  	s0 =	srdreg.scid;
	s4 =	stileid.u32;
	s18 =	simm.s32 $0x24  }
0x5: {  	s23 =	simm.s32 $0x280;
	s24 =	simm.s32 $0x300;
	s30 =	simm.s32 $0x380  }
0x6: {  	s9 =	sand.u32 $0x1, s0;
	s0 =	smul.u32 $0x120, s4;
	s5 =	sshll.u32 s4, $0x5  }
0x7: {  	[smem:$0x7FF] =	sst s6;
	s15 =	sadd.s32 $0x53600, s2;
	s19 =	smul.u32 $0x500, s4  }
0x8: {  	s21 =	smul.u32 $0x14000, s4;
	p0 =	seq.s32 s9, $0x0;
	s7 =	sor.u32 $0x1200, s5  }
0x9: {  	_ =	strace $0x80000047;
	s20 =	ssub.s32 $0x2, s9;
	[dreg:$0x7] =	wrdreg s23  }
0xa: {  	s8 =	sshll.u32 s9, $0x7;
	s5 =	smul.u32 $0x280, s4;
	[dreg:$0x8] =	wrdreg s24  }
0xb: {  	[dreg:$0x9] =	wrdreg s30;
	s7 =	smov.u32 @p0 s0;
	s10 =	sshrl.u32 s20, $0x1  }
0xc: {  	s17 =	sor.u32 s8, s19;
	s18 =	simm.s32 @!p0 $0x4;
	s0 =	ssub.s32 s20, s10  }
0xd: {  	s8 =	sor.u32 $0x40, s5;
	s6 =	sadd.s32 $0x80, s5;
	s20 =	smul.u32 $0x140000, s9  }
0xe: {  	s10 =	sadd.s32 $0xC0, s5;
	s9 =	sadd.s32 $0x100, s5;
	s13 =	sadd.s32 $0x140, s5  }
0xf: {  	s11 =	sadd.s32 $0x180, s5;
	s22 =	sadd.s32 $0xFFFFFFFF, s18;
	s18 =	sshll.u32 s18, $0x7  }
0x10: {  	s14 =	sshll.u32 s8, $0x7;
	s12 =	sshll.u32 s6, $0x7;
	[dreg:$0x4] =	wrdreg s22  }
0x11: {  	s19 =	sshll.u32 s10, $0x7;
	s16 =	sshll.u32 s9, $0x7;
	[dreg:$0x5] =	wrdreg s18  }
0x12: {  	s6 =	sadd.s32 s6, s3;
	s0 =	smax.u32 s0, $0x1;
	s21 =	sadd.s32 s21, s20  }
0x13: {  	s22 =	sadd.s32 s20, s14;
	s25 =	sadd.s32 s20, s12;
	s26 =	sadd.s32 s20, s19  }
0x14: {  	s24 =	sadd.s32 s20, s16;
	[dreg:$0x1a] =	wrdreg s6;
	s21 =	sshrl.u32 s21, $0x3  }
0x15: {  	[smem:$0x7FB] =	sst s0;
	s23 =	sshrl.u32 s25, $0x3;
	s21 =	sadd.s32 s15, s21  }
0x16: {  	s18 =	sshrl.u32 s26, $0x3;
	[dreg:$0xa] =	wrdreg s21;
	s21 =	simm.s32 $0x180  }
0x17: {  	s18 =	sadd.s32 s15, s18;
	[dreg:$0x6] =	wrdreg s21;
	s21 =	sshrl.u32 s22, $0x3  }
0x18: {  	[dreg:$0xd] =	wrdreg s18;
	s18 =	sshrl.u32 s24, $0x3;
	s21 =	sadd.s32 s15, s21  }
0x19: {  	s24 =	sadd.s32 $0x1C0, s5;
	[dreg:$0xb] =	wrdreg s21;
	s21 =	sadd.s32 s15, s23  }
0x1a: {  	s22 =	sshll.u32 s11, $0x7;
	[dreg:$0xc] =	wrdreg s21;
	s21 =	sshll.u32 s13, $0x7  }
0x1b: {  	s18 =	sadd.s32 s15, s18;
	s23 =	sadd.s32 s20, s22;
	s25 =	sadd.s32 s20, s21  }
0x1c: {  	[dreg:$0xe] =	wrdreg s18;
	s23 =	sshrl.u32 s23, $0x3;
	s18 =	sshrl.u32 s25, $0x3  }
0x1d: {  	s26 =	sadd.s32 s15, s23;
	s23 =	sshll.u32 s24, $0x7;
	s18 =	sadd.s32 s15, s18  }
0x1e: {  	s7 =	sshll.u32 s7, $0x4;
	[dreg:$0xf] =	wrdreg s18;
	s18 =	sadd.s32 s20, s23  }
0x1f: {  	[dreg:$0x10] =	wrdreg s26;
	s25 =	sadd.s32 $0x200, s5;
	s18 =	sshrl.u32 s18, $0x3  }
0x20: {  	s26 =	sadd.s32 $0x240, s5;
	s28 =	sshll.u32 s25, $0x7;
	s18 =	sadd.s32 s15, s18  }
0x21: {  	s29 =	sshll.u32 s26, $0x7;
	[dreg:$0x11] =	wrdreg s18;
	s18 =	sadd.s32 s20, s28  }
0x22: {  	s20 =	sadd.s32 s20, s29;
	s28 =	sadd.s32 s28, s1;
	s18 =	sshrl.u32 s18, $0x3  }
0x23: {  	s20 =	sshrl.u32 s20, $0x3;
	[smem:$0x7FC] =	sst s28;
	s18 =	sadd.s32 s15, s18  }
0x24: {  	s17 =	sshrl.u32 s17, $0x3;
	s15 =	sadd.s32 s15, s20;
	[dreg:$0x12] =	wrdreg s18  }
0x25: {  	s7 =	sadd.s32 s7, s2;
	s20 =	sadd.s32 s17, s2;
	[dreg:$0x13] =	wrdreg s15  }
0x26: {  	s18 =	smul.u32 $0x50000, s4;
	s15 =	sadd.s32 $0x2A800, s2;
	s2 =	sadd.s32 $0x52800, s2  }
0x27: {  	s17 =	sadd.s32 $0x2800, s7;
	[dreg:$0x14] =	wrdreg s2  }
0x28: {  	s4 =	sshrl.u32 s18, $0x2;
	s18 =	sadd.s32 $0x16800, s7;
	s7 =	sadd.s32 s14, s1  }
0x29: {  	s31 =	simm.s32 $0x40;
	s14 =	sadd.s32 s8, s3;
	[dreg:$0x17] =	wrdreg s7  }
0x2a: {  	s30 =	simm.s32 $0xA;
	s8 =	sadd.s32 s29, s1;
	[dreg:$0x18] =	wrdreg s14  }
0x2b: {  	s19 =	sadd.s32 s19, s1;
	s2 =	sadd.s32 s4, s1;
	[smem:$0x7FD] =	sst s8  }
0x2c: {  	s4 =	sadd.s32 s5, s3;
	s5 =	sadd.s32 s16, s1;
	[dreg:$0x15] =	wrdreg s2  }
0x2d: {  	s7 =	sadd.s32 s12, s1;
	s12 =	sadd.s32 s21, s1;
	[dreg:$0x1d] =	wrdreg s5  }
0x2e: {  	s0 =	simm.s32 $0x200;
	s14 =	sadd.s32 s13, s3;
	[dreg:$0x1f] =	wrdreg s12  }
0x2f: {  	s6 =	simm.s32 $0x2800;
	s16 =	sadd.s32 s22, s1;
	[smem:$0x7F3] =	sst s14  }
0x30: {  	s13 =	smov.u32 s19;
	s19 =	sadd.s32 s11, s3;
	[smem:$0x7F4] =	sst s16  }
0x31: {  	s21 =	sadd.s32 s23, s1;
	s22 =	sadd.s32 s24, s3;
	[smem:$0x7F5] =	sst s19  }
0x32: {  	s23 =	sadd.s32 s25, s3;
	s24 =	sadd.s32 s26, s3;
	[smem:$0x7F6] =	sst s21  }
0x33: {  	s25 =	sadd.s32 $0x52C00, s20;
	s20 =	simm.s32 $0x400;
	[smem:$0x7F7] =	sst s22  }
0x34: {  	s11 =	simm.s32 $0x6800;
	s2 =	sadd.s32 s10, s3;
	[smem:$0x7F8] =	sst s23  }
0x35: {  	s10 =	sadd.s32 s9, s3;
	s29 =	smov.u32 s7;
	[smem:$0x7F9] =	sst s24  }
0x36: {  	s26 =	smov.u32 s4;
	[smem:$0x7FA] =	sst s25;
	s14 =	simm.s32 $0x800  }
0x37: {  	s22 =	simm.s32 $0x1C800;
	s24 =	simm.s32 $0x9;
	s5 =	simm.s32 $0x600  }
0x38: {  	s12 =	simm.s32 $0x1;
	s19 =	simm.s32 $0x2;
	[dreg:$0x1b] =	wrdreg s13  }
0x39: {  	s7 =	simm.s32 $0x480;
	s21 =	simm.s32 $0x3;
	[dreg:$0x1c] =	wrdreg s2  }
0x3a: {  	s9 =	simm.s32 $0x500;
	s25 =	simm.s32 $0x4;
	[dreg:$0x1e] =	wrdreg s10  }
0x3b: {  	s16 =	simm.s32 $0x580;
	s23 =	simm.s32 $0x780;
	[dreg:$0x16] =	wrdreg s26  }
0x3c: {  	v0 =	vimm.f32 $0.0e+00;
	v1 =	vimm.f32 $1.000000000e+00;
	s10 =	simm.s32 $0x4800;
	s2 =	simm.s32 $0x0;
	[dreg:$0x19] =	wrdreg s29  }
.LBB2_1:
0x3d: {  	[smem:$0x7F2] =	sst s2;
	s2 =	simm.s32 $0x0  }
0x3e: {  	[tilespmem:s2], [sflag:$0x9] =	stream.linear.gather [hbm4b:s17+s2], $0x200, $0x38;
	[tilespmem:$0x1CD80] =	vst v63  }
0x3f: {  	_ = 	snop  }
0x40: {  	[tilespmem:s20], [sflag:$0x9] =	stream.linear.gather [hbm4b:s18+s2], $0x200, $0x38;
	[tilespmem:$0x1CD80] =	vst v63  }
0x41: {  	s4 =	simm.s32 $0xF;
	s20 =	rddreg [dreg:$0x14]  }
0x42: {  	[tilespmem:s14], [sflag:$0xF] =	stream.linear.gather [hbm4b:s20+s2], $0x2000, $0x38;
	[tilespmem:$0x1CD80] =	vst v63  }
0x43: {  	_ =	swait.ge [sflag:s4], $0x2000  }
0x44: {  	[sflag:s4] =	ssyncset.done $0x0  }
0x45: {  	[sflag:s4] =	ssyncadd.s32 $0xFFFFE000  }
0x46: {  	[tilespmem:$0x1C800] =	vst v0  }
0x47: {  	[tilespmem:$0x1C810] =	vst v0  }
0x48: {  	[tilespmem:$0x1C820] =	vst v0  }
0x49: {  	s20 =	rddreg [dreg:$0x15];
	[tilespmem:$0x1C830] =	vst v0  }
0x4a: {  	[spmem:s20] =	stream.linear.scatter [tilespmem:s14], [sflag:$0xF], $0x2000, $0x38;
	[tilespmem:$0x1CD80] =	vst v63  }
0x4b: {  	_ =	swait.ge [sflag:s4], $0x2000  }
0x4c: {  	[sflag:s4] =	ssyncset.done $0x0  }
0x4d: {  	[sflag:s4] =	ssyncadd.s32 $0xFFFFE000  }
0x4e: {  	[spmem:s26] =	stream.linear.scatter [tilespmem:s22], [sflag:$0xF], $0x40, $0x38;
	[tilespmem:$0x1CD80] =	vst v63  }
0x4f: {  	_ =	swait.ge [sflag:s4], $0x40  }
0x50: {  	[sflag:s4] =	ssyncset.done $0x0  }
0x51: {  	s26 =	rddreg [dreg:$0x17];
	[sflag:s4] =	ssyncadd.s32 $0xFFFFFFC0  }
0x52: {  	[spmem:s26] =	stream.linear.scatter [tilespmem:s14], [sflag:$0xF], $0x2000, $0x38;
	[tilespmem:$0x1CD80] =	vst v63  }
0x53: {  	_ =	swait.ge [sflag:s4], $0x2000  }
0x54: {  	[sflag:s4] =	ssyncset.done $0x0  }
0x55: {  	s26 =	rddreg [dreg:$0x18];
	[sflag:s4] =	ssyncadd.s32 $0xFFFFE000  }
0x56: {  	[spmem:s26] =	stream.linear.scatter [tilespmem:s22], [sflag:$0xF], $0x40, $0x38;
	[tilespmem:$0x1CD80] =	vst v63  }
0x57: {  	_ =	swait.ge [sflag:s4], $0x40  }
0x58: {  	[sflag:s4] =	ssyncset.done $0x0  }
0x59: {  	[sflag:s4] =	ssyncadd.s32 $0xFFFFFFC0  }
0x5a: {  	[spmem:s29] =	stream.linear.scatter [tilespmem:s14], [sflag:$0xF], $0x2000, $0x38;
	[tilespmem:$0x1CD80] =	vst v63  }
0x5b: {  	_ =	swait.ge [sflag:s4], $0x2000  }
0x5c: {  	[sflag:s4] =	ssyncset.done $0x0  }
0x5d: {  	s29 =	rddreg [dreg:$0x1a];
	[sflag:s4] =	ssyncadd.s32 $0xFFFFE000  }
0x5e: {  	[spmem:s29] =	stream.linear.scatter [tilespmem:s22], [sflag:$0xF], $0x40, $0x38;
	[tilespmem:$0x1CD80] =	vst v63  }
0x5f: {  	_ =	swait.ge [sflag:s4], $0x40  }
0x60: {  	[sflag:s4] =	ssyncset.done $0x0  }
0x61: {  	[sflag:s4] =	ssyncadd.s32 $0xFFFFFFC0  }
0x62: {  	[spmem:s13] =	stream.linear.scatter [tilespmem:s14], [sflag:$0xF], $0x2000, $0x38;
	[tilespmem:$0x1CD80] =	vst v63  }
0x63: {  	_ =	swait.ge [sflag:s4], $0x2000  }
0x64: {  	[sflag:s4] =	ssyncset.done $0x0  }
0x65: {  	s13 =	rddreg [dreg:$0x1c];
	[sflag:s4] =	ssyncadd.s32 $0xFFFFE000  }
0x66: {  	[spmem:s13] =	stream.linear.scatter [tilespmem:s22], [sflag:$0xF], $0x40, $0x38;
	[tilespmem:$0x1CD80] =	vst v63  }
0x67: {  	_ =	swait.ge [sflag:s4], $0x40  }
0x68: {  	[sflag:s4] =	ssyncset.done $0x0  }
0x69: {  	s20 =	rddreg [dreg:$0x1d];
	[sflag:s4] =	ssyncadd.s32 $0xFFFFFFC0  }
0x6a: {  	[spmem:s20] =	stream.linear.scatter [tilespmem:s14], [sflag:$0xF], $0x2000, $0x38;
	[tilespmem:$0x1CD80] =	vst v63  }
0x6b: {  	_ =	swait.ge [sflag:s4], $0x2000  }
0x6c: {  	[sflag:s4] =	ssyncset.done $0x0  }
0x6d: {  	s26 =	rddreg [dreg:$0x1e];
	[sflag:s4] =	ssyncadd.s32 $0xFFFFE000  }
0x6e: {  	[spmem:s26] =	stream.linear.scatter [tilespmem:s22], [sflag:$0xF], $0x40, $0x38;
	[tilespmem:$0x1CD80] =	vst v63  }
0x6f: {  	_ =	swait.ge [sflag:s4], $0x40  }
0x70: {  	[sflag:s4] =	ssyncset.done $0x0  }
0x71: {  	s29 =	rddreg [dreg:$0x1f];
	[sflag:s4] =	ssyncadd.s32 $0xFFFFFFC0  }
0x72: {  	[spmem:s29] =	stream.linear.scatter [tilespmem:s14], [sflag:$0xF], $0x2000, $0x38;
	[tilespmem:$0x1CD80] =	vst v63  }
0x73: {  	_ =	swait.ge [sflag:s4], $0x2000  }
0x74: {  	s13 =	sld [smem:$0x7F3]  }
0x75: {  	[sflag:s4] =	ssyncset.done $0x0  }
0x76: {  	[sflag:s4] =	ssyncadd.s32 $0xFFFFE000  }
0x77: {  	[spmem:s13] =	stream.linear.scatter [tilespmem:s22], [sflag:$0xF], $0x40, $0x38;
	[tilespmem:$0x1CD80] =	vst v63  }
0x78: {  	_ =	swait.ge [sflag:s4], $0x40  }
0x79: {  	s20 =	sld [smem:$0x7F4]  }
0x7a: {  	[sflag:s4] =	ssyncset.done $0x0  }
0x7b: {  	[sflag:s4] =	ssyncadd.s32 $0xFFFFFFC0  }
0x7c: {  	[spmem:s20] =	stream.linear.scatter [tilespmem:s14], [sflag:$0xF], $0x2000, $0x38;
	[tilespmem:$0x1CD80] =	vst v63  }
0x7d: {  	_ =	swait.ge [sflag:s4], $0x2000  }
0x7e: {  	s26 =	sld [smem:$0x7F5]  }
0x7f: {  	[sflag:s4] =	ssyncset.done $0x0  }
0x80: {  	[sflag:s4] =	ssyncadd.s32 $0xFFFFE000  }
0x81: {  	[spmem:s26] =	stream.linear.scatter [tilespmem:s22], [sflag:$0xF], $0x40, $0x38;
	[tilespmem:$0x1CD80] =	vst v63  }
0x82: {  	_ =	swait.ge [sflag:s4], $0x40  }
0x83: {  	s29 =	sld [smem:$0x7F6]  }
0x84: {  	[sflag:s4] =	ssyncset.done $0x0  }
0x85: {  	[sflag:s4] =	ssyncadd.s32 $0xFFFFFFC0  }
0x86: {  	[spmem:s29] =	stream.linear.scatter [tilespmem:s14], [sflag:$0xF], $0x2000, $0x38;
	[tilespmem:$0x1CD80] =	vst v63  }
0x87: {  	_ =	swait.ge [sflag:s4], $0x2000  }
0x88: {  	s13 =	sld [smem:$0x7F7]  }
0x89: {  	[sflag:s4] =	ssyncset.done $0x0  }
0x8a: {  	[sflag:s4] =	ssyncadd.s32 $0xFFFFE000  }
0x8b: {  	[spmem:s13] =	stream.linear.scatter [tilespmem:s22], [sflag:$0xF], $0x40, $0x38;
	[tilespmem:$0x1CD80] =	vst v63  }
0x8c: {  	_ =	swait.ge [sflag:s4], $0x40  }
0x8d: {  	[sflag:s4] =	ssyncset.done $0x0  }
0x8e: {  	[sflag:s4] =	ssyncadd.s32 $0xFFFFFFC0  }
0x8f: {  	[spmem:s28] =	stream.linear.scatter [tilespmem:s14], [sflag:$0xF], $0x2000, $0x38;
	[tilespmem:$0x1CD80] =	vst v63  }
0x90: {  	_ =	swait.ge [sflag:s4], $0x2000  }
0x91: {  	s26 =	sld [smem:$0x7F8]  }
0x92: {  	[sflag:s4] =	ssyncset.done $0x0  }
0x93: {  	[sflag:s4] =	ssyncadd.s32 $0xFFFFE000  }
0x94: {  	[spmem:s26] =	stream.linear.scatter [tilespmem:s22], [sflag:$0xF], $0x40, $0x38;
	[tilespmem:$0x1CD80] =	vst v63  }
0x95: {  	_ =	swait.ge [sflag:s4], $0x40  }
0x96: {  	[sflag:s4] =	ssyncset.done $0x0  }
0x97: {  	[sflag:s4] =	ssyncadd.s32 $0xFFFFFFC0  }
0x98: {  	[spmem:s8] =	stream.linear.scatter [tilespmem:s14], [sflag:$0xF], $0x2000, $0x38;
	[tilespmem:$0x1CD80] =	vst v63  }
0x99: {  	_ =	swait.ge [sflag:s4], $0x2000  }
0x9a: {  	s29 =	sld [smem:$0x7F9]  }
0x9b: {  	[sflag:s4] =	ssyncset.done $0x0  }
0x9c: {  	[sflag:s4] =	ssyncadd.s32 $0xFFFFE000  }
0x9d: {  	[spmem:s29] =	stream.linear.scatter [tilespmem:s22], [sflag:$0xF], $0x40, $0x38;
	[tilespmem:$0x1CD80] =	vst v63  }
0x9e: {  	_ =	swait.ge [sflag:s4], $0x40  }
0x9f: {  	[sflag:s4] =	ssyncset.done $0x0  }
0xa0: {  	[sflag:s4] =	ssyncadd.s32 $0xFFFFFFC0  }
0xa1: {  	[tilespmem:$0x1C800] =	vst v1  }
0xa2: {  	[tilespmem:$0x1C810] =	vst v1  }
0xa3: {  	[tilespmem:$0x1C820] =	vst v1  }
0xa4: {  	[tilespmem:$0x1C830] =	vst v1  }
0xa5: {  	[bflag:$0x0] =	sbarrier.arrive $0xFFFF  }
0xa6: {  	_ =	swait.ge [sflag:s24], $0x200  }
0xa7: {  	[sflag:s24] =	ssyncset.done $0x0  }
0xa8: {  	[sflag:s24] =	ssyncadd.s32 $0xFFFFFE00  }
0xa9: {  	_ =	swait.ge [sflag:s24], $0x200  }
0xaa: {  	p0 =	por $0x1, $0x1;
	[sflag:s24] =	ssyncset.done $0x0  }
0xab: {  	s20 =	simm.s32 @!p0 $0x5;
	[sflag:s24] =	ssyncadd.s32 $0xFFFFFE00  }
0xac: {  	_ =	swait.ge @!p0 [sflag:s20], $0x2000  }
0xad: {  	[sflag:s20] =	ssyncset.done @!p0 $0x0  }
0xae: {  	[sflag:s20] =	ssyncadd.s32 @!p0 $0xFFFFE000;
	s20 =	simm.s32 @!p0 $0xB  }
0xaf: {  	_ =	swait.ge @!p0 [sflag:s20], $0x40  }
0xb0: {  	[sflag:s20] =	ssyncset.done @!p0 $0x0  }
0xb1: {  	[sflag:s20] =	ssyncadd.s32 @!p0 $0xFFFFFFC0;
	s20 =	simm.s32 @!p0 $0x6  }
0xb2: {  	_ =	swait.ge @!p0 [sflag:s20], $0x2000  }
0xb3: {  	[sflag:s20] =	ssyncset.done @!p0 $0x0  }
0xb4: {  	[sflag:s20] =	ssyncadd.s32 @!p0 $0xFFFFE000;
	s20 =	simm.s32 @!p0 $0xC  }
0xb5: {  	_ =	swait.ge @!p0 [sflag:s20], $0x40  }
0xb6: {  	[sflag:s20] =	ssyncset.done @!p0 $0x0  }
0xb7: {  	[sflag:s20] =	ssyncadd.s32 @!p0 $0xFFFFFFC0;
	s20 =	simm.s32 @!p0 $0x7  }
0xb8: {  	_ =	swait.ge @!p0 [sflag:s20], $0x2000  }
0xb9: {  	[sflag:s20] =	ssyncset.done @!p0 $0x0  }
0xba: {  	[sflag:s20] =	ssyncadd.s32 @!p0 $0xFFFFE000;
	s20 =	simm.s32 @!p0 $0xD  }
0xbb: {  	_ =	swait.ge @!p0 [sflag:s20], $0x40  }
0xbc: {  	[sflag:s20] =	ssyncset.done @!p0 $0x0  }
0xbd: {  	[sflag:s20] =	ssyncadd.s32 @!p0 $0xFFFFFFC0;
	s20 =	simm.s32 @!p0 $0x8  }
0xbe: {  	_ =	swait.ge @!p0 [sflag:s20], $0x2000  }
0xbf: {  	[sflag:s20] =	ssyncset.done @!p0 $0x0  }
0xc0: {  	[sflag:s20] =	ssyncadd.s32 @!p0 $0xFFFFE000;
	s20 =	simm.s32 @!p0 $0xE  }
0xc1: {  	_ =	swait.ge @!p0 [sflag:s20], $0x40  }
0xc2: {  	s2 =	simm.s32 $0x0;
	s4 =	sadd.s32 $0x0, s17;
	[sflag:s20] =	ssyncset.done @!p0 $0x0  }
0xc3: {  	s13 =	sadd.s32 $0x0, s18;
	s8 =	sadd.s32 $0x40, s4;
	[sflag:s20] =	ssyncadd.s32 @!p0 $0xFFFFFFC0  }
0xc4: {  	[tilespmem:s0], [sflag:$0xA] =	stream.linear.gather [hbm4b:s8+s2], $0x200, $0x38;
	[tilespmem:$0x1CD80] =	vst v63  }
0xc5: {  	s26 =	sadd.s32 $0x40, s13  }
0xc6: {  	[tilespmem:s5], [sflag:$0xA] =	stream.linear.gather [hbm4b:s26+s2], $0x200, $0x38;
	[tilespmem:$0x1CD80] =	vst v63  }
0xc7: {  	_ = 	snop  }
0xc8: {  	[tilespmem:s14], [sflag:$0x1] =	stream.indirect.gather [hbm4b:s15+s31], $0x80, s2, s31, $0xb8;
	[tilespmem:$0x1CD80] =	vst v63  }
0xc9: {  	s29 =	simm.s32 $0x80  }
0xca: {  	[tilespmem:s6], [sflag:$0x2] =	stream.indirect.gather [hbm4b:s15+s31], $0x80, s29, s31, $0xb8;
	[tilespmem:$0x1CD80] =	vst v63  }
0xcb: {  	s4 =	simm.s32 $0x100  }
0xcc: {  	[tilespmem:s10], [sflag:$0x3] =	stream.indirect.gather [hbm4b:s15+s31], $0x80, s4, s31, $0xb8;
	[tilespmem:$0x1CD80] =	vst v63  }
0xcd: {  	s2 =	rddreg [dreg:$0x6]  }
0xce: {  	[tilespmem:s11], [sflag:$0x4] =	stream.indirect.gather [hbm4b:s15+s31], $0x80, s2, s31, $0xb8;
	[tilespmem:$0x1CD80] =	vst v63  }
0xcf: {  	_ =	swait.ge [sflag:s12], $0x2000  }
0xd0: {  	[sflag:s12] =	ssyncset.done $0x0  }
0xd1: {  	s5 =	simm.s32 $0x400;
	[sflag:s12] =	ssyncadd.s32 $0xFFFFE000  }
0xd2: {  	[spmem:s1] =	stream.indirect.scatter.add.f32 [tilespmem:s14], [sflag:$0x5], $0x80, s5, s31, $0xb8;
	[tilespmem:$0x1CD80] =	vst v63  }
0xd3: {  	_ = 	snop  }
0xd4: {  	[spmem:s3] =	stream.indirect.scatter.add.f32 [tilespmem:s22], [sflag:$0xB], $0x1, s5, s31, $0xb8;
	[tilespmem:$0x1CD80] =	vst v63  }
0xd5: {  	_ =	swait.ge [sflag:s19], $0x2000  }
0xd6: {  	[sflag:s19] =	ssyncset.done $0x0  }
0xd7: {  	[sflag:s19] =	ssyncadd.s32 $0xFFFFE000  }
0xd8: {  	[spmem:s1] =	stream.indirect.scatter.add.f32 [tilespmem:s6], [sflag:$0x6], $0x80, s7, s31, $0xb8;
	[tilespmem:$0x1CD80] =	vst v63  }
0xd9: {  	_ = 	snop  }
0xda: {  	[spmem:s3] =	stream.indirect.scatter.add.f32 [tilespmem:s22], [sflag:$0xC], $0x1, s7, s31, $0xb8;
	[tilespmem:$0x1CD80] =	vst v63  }
0xdb: {  	_ =	swait.ge [sflag:s21], $0x2000  }
0xdc: {  	[sflag:s21] =	ssyncset.done $0x0  }
0xdd: {  	[sflag:s21] =	ssyncadd.s32 $0xFFFFE000  }
0xde: {  	[spmem:s1] =	stream.indirect.scatter.add.f32 [tilespmem:s10], [sflag:$0x7], $0x80, s9, s31, $0xb8;
	[tilespmem:$0x1CD80] =	vst v63  }
0xdf: {  	_ = 	snop  }
0xe0: {  	[spmem:s3] =	stream.indirect.scatter.add.f32 [tilespmem:s22], [sflag:$0xD], $0x1, s9, s31, $0xb8;
	[tilespmem:$0x1CD80] =	vst v63  }
0xe1: {  	_ =	swait.ge [sflag:s25], $0x2000  }
0xe2: {  	[sflag:s25] =	ssyncset.done $0x0  }
0xe3: {  	[sflag:s25] =	ssyncadd.s32 $0xFFFFE000  }
0xe4: {  	[spmem:s1] =	stream.indirect.scatter.add.f32 [tilespmem:s11], [sflag:$0x8], $0x80, s16, s31, $0xb8;
	[tilespmem:$0x1CD80] =	vst v63  }
0xe5: {  	_ = 	snop  }
0xe6: {  	[spmem:s3] =	stream.indirect.scatter.add.f32 [tilespmem:s22], [sflag:$0xE], $0x1, s16, s31, $0xb8;
	[tilespmem:$0x1CD80] =	vst v63  }
0xe7: {  	_ =	swait.ge [sflag:s30], $0x200  }
0xe8: {  	[sflag:s30] =	ssyncset.done $0x0  }
0xe9: {  	[sflag:s30] =	ssyncadd.s32 $0xFFFFFE00  }
0xea: {  	_ =	swait.ge [sflag:s30], $0x200  }
0xeb: {  	[sflag:s30] =	ssyncset.done $0x0  }
0xec: {  	s7 =	simm.s32 $0x5;
	[sflag:s30] =	ssyncadd.s32 $0xFFFFFE00  }
0xed: {  	_ =	swait.ge [sflag:s7], $0x2000  }
0xee: {  	[sflag:s7] =	ssyncset.done $0x0  }
0xef: {  	s8 =	simm.s32 $0xB;
	[sflag:s7] =	ssyncadd.s32 $0xFFFFE000  }
0xf0: {  	_ =	swait.ge [sflag:s8], $0x40  }
0xf1: {  	[sflag:s8] =	ssyncset.done $0x0  }
0xf2: {  	s9 =	simm.s32 $0x6;
	[sflag:s8] =	ssyncadd.s32 $0xFFFFFFC0  }
0xf3: {  	_ =	swait.ge [sflag:s9], $0x2000  }
0xf4: {  	[sflag:s9] =	ssyncset.done $0x0  }
0xf5: {  	s13 =	simm.s32 $0xC;
	[sflag:s9] =	ssyncadd.s32 $0xFFFFE000  }
0xf6: {  	_ =	swait.ge [sflag:s13], $0x40  }
0xf7: {  	[sflag:s13] =	ssyncset.done $0x0  }
0xf8: {  	s16 =	simm.s32 $0x7;
	[sflag:s13] =	ssyncadd.s32 $0xFFFFFFC0  }
0xf9: {  	_ =	swait.ge [sflag:s16], $0x2000  }
0xfa: {  	[sflag:s16] =	ssyncset.done $0x0  }
0xfb: {  	s20 =	simm.s32 $0xD;
	[sflag:s16] =	ssyncadd.s32 $0xFFFFE000  }
0xfc: {  	_ =	swait.ge [sflag:s20], $0x40  }
0xfd: {  	[sflag:s20] =	ssyncset.done $0x0  }
0xfe: {  	s26 =	simm.s32 $0x8;
	[sflag:s20] =	ssyncadd.s32 $0xFFFFFFC0  }
0xff: {  	_ =	swait.ge [sflag:s26], $0x2000  }
0x100: {  	[sflag:s26] =	ssyncset.done $0x0  }
0x101: {  	s29 =	simm.s32 $0xE;
	[sflag:s26] =	ssyncadd.s32 $0xFFFFE000  }
0x102: {  	_ =	swait.ge [sflag:s29], $0x40  }
0x103: {  	s2 =	rddreg [dreg:$0x4]  }
0x104: {  	[sflag:s29] =	ssyncset.done $0x0;
	p0 =	sle.u32 s2, $0x0  }
0x105: {  	[sflag:s29] =	ssyncadd.s32 $0xFFFFFFC0;
	s20 =	sadd.s32 @!p0 $0x0, s17  }
0x106: {  	s26 =	sadd.s32 @!p0 $0x0, s18;
	s28 =	simm.s32 @!p0 $0x0;
	s20 =	sadd.s32 @!p0 $0x80, s20  }
0x107: {  	[tilespmem:s28], [sflag:$0x9] =	stream.linear.gather @!p0 [hbm4b:s20+s28], $0x200, $0x38;
	[tilespmem:$0x1CD80] =	vst v63  }
0x108: {  	s20 =	sadd.s32 @!p0 $0x80, s26;
	s26 =	simm.s32 @!p0 $0x400  }
0x109: {  	[tilespmem:s26], [sflag:$0x9] =	stream.linear.gather @!p0 [hbm4b:s20+s28], $0x200, $0x38;
	[tilespmem:$0x1CD80] =	vst v63  }
0x10a: {  	s0 =	simm.s32 $0x200  }
0x10b: {  	[tilespmem:s14], [sflag:$0x1] =	stream.indirect.gather [hbm4b:s15+s31], $0x80, s0, s31, $0xb8;
	[tilespmem:$0x1CD80] =	vst v63  }
0x10c: {  	s4 =	rddreg [dreg:$0x7]  }
0x10d: {  	[tilespmem:s6], [sflag:$0x2] =	stream.indirect.gather [hbm4b:s15+s31], $0x80, s4, s31, $0xb8;
	[tilespmem:$0x1CD80] =	vst v63  }
0x10e: {  	s8 =	rddreg [dreg:$0x8]  }
0x10f: {  	[tilespmem:s10], [sflag:$0x3] =	stream.indirect.gather [hbm4b:s15+s31], $0x80, s8, s31, $0xb8;
	[tilespmem:$0x1CD80] =	vst v63  }
0x110: {  	s13 =	rddreg [dreg:$0x9]  }
0x111: {  	[tilespmem:s11], [sflag:$0x4] =	stream.indirect.gather [hbm4b:s15+s31], $0x80, s13, s31, $0xb8;
	[tilespmem:$0x1CD80] =	vst v63  }
0x112: {  	_ =	swait.ge [sflag:s12], $0x2000  }
0x113: {  	[sflag:s12] =	ssyncset.done $0x0  }
0x114: {  	s5 =	simm.s32 $0x600;
	[sflag:s12] =	ssyncadd.s32 $0xFFFFE000  }
0x115: {  	[spmem:s1] =	stream.indirect.scatter.add.f32 [tilespmem:s14], [sflag:$0x5], $0x80, s5, s31, $0xb8;
	[tilespmem:$0x1CD80] =	vst v63  }
0x116: {  	_ = 	snop  }
0x117: {  	[spmem:s3] =	stream.indirect.scatter.add.f32 [tilespmem:s22], [sflag:$0xB], $0x1, s5, s31, $0xb8;
	[tilespmem:$0x1CD80] =	vst v63  }
0x118: {  	_ =	swait.ge [sflag:s19], $0x2000  }
0x119: {  	[sflag:s19] =	ssyncset.done $0x0  }
0x11a: {  	s2 =	simm.s32 $0x680;
	[sflag:s19] =	ssyncadd.s32 $0xFFFFE000  }
0x11b: {  	[spmem:s1] =	stream.indirect.scatter.add.f32 [tilespmem:s6], [sflag:$0x6], $0x80, s2, s31, $0xb8;
	[tilespmem:$0x1CD80] =	vst v63  }
0x11c: {  	_ = 	snop  }
0x11d: {  	[spmem:s3] =	stream.indirect.scatter.add.f32 [tilespmem:s22], [sflag:$0xC], $0x1, s2, s31, $0xb8;
	[tilespmem:$0x1CD80] =	vst v63  }
0x11e: {  	_ =	swait.ge [sflag:s21], $0x2000  }
0x11f: {  	[sflag:s21] =	ssyncset.done $0x0  }
0x120: {  	s8 =	simm.s32 $0x700;
	[sflag:s21] =	ssyncadd.s32 $0xFFFFE000  }
0x121: {  	[spmem:s1] =	stream.indirect.scatter.add.f32 [tilespmem:s10], [sflag:$0x7], $0x80, s8, s31, $0xb8;
	[tilespmem:$0x1CD80] =	vst v63  }
0x122: {  	_ = 	snop  }
0x123: {  	[spmem:s3] =	stream.indirect.scatter.add.f32 [tilespmem:s22], [sflag:$0xD], $0x1, s8, s31, $0xb8;
	[tilespmem:$0x1CD80] =	vst v63  }
0x124: {  	_ =	swait.ge [sflag:s25], $0x2000  }
0x125: {  	s29 =	rddreg [dreg:$0x5]  }
0x126: {  	p0 =	sne.s32 s29, $0x80  }
.Ltmp0:
0x127: {  	_ = 	snop;
	(pc) =	sbr.rel @!p0 .LBB2_3-.Ltmp0, $4  }
0x128: {  	s7 =	simm.s32 $0x480  }
0x129: {  	s9 =	simm.s32 $0x500;
	s16 =	simm.s32 $0x580;
	[sflag:s25] =	ssyncset.done $0x0  }
0x12a: {  	s28 =	simm.s32 $0x80;
	s26 =	simm.s32 $0x1;
	[sflag:s25] =	ssyncadd.s32 $0xFFFFE000  }
0x12b: {  	[spmem:s1] =	stream.indirect.scatter.add.f32 [tilespmem:s11], [sflag:$0x8], $0x80, s23, s31, $0xb8;
	[tilespmem:$0x1CD80] =	vst v63  }
.LBB2_2:
0x12c: {  	s13 =	simm.s32 $0x780  }
0x12d: {  	[spmem:s3] =	stream.indirect.scatter.add.f32 [tilespmem:s22], [sflag:$0xE], $0x1, s13, s31, $0xb8;
	[tilespmem:$0x1CD80] =	vst v63  }
0x12e: {  	_ =	swait.ge [sflag:s24], $0x200  }
0x12f: {  	[sflag:s24] =	ssyncset.done $0x0  }
0x130: {  	[sflag:s24] =	ssyncadd.s32 $0xFFFFFE00  }
0x131: {  	s20 =	smov.u32 s28;
	_ =	swait.ge [sflag:s24], $0x200  }
0x132: {  	p0 =	seq.s32 s20, $0x0;
	[sflag:s24] =	ssyncset.done $0x0  }
0x133: {  	s23 =	simm.s32 @!p0 $0x5;
	[sflag:s24] =	ssyncadd.s32 $0xFFFFFE00  }
0x134: {  	_ =	swait.ge @!p0 [sflag:s23], $0x2000  }
0x135: {  	[sflag:s23] =	ssyncset.done @!p0 $0x0  }
0x136: {  	[sflag:s23] =	ssyncadd.s32 @!p0 $0xFFFFE000;
	s23 =	simm.s32 @!p0 $0xB  }
0x137: {  	_ =	swait.ge @!p0 [sflag:s23], $0x40  }
0x138: {  	[sflag:s23] =	ssyncset.done @!p0 $0x0  }
0x139: {  	[sflag:s23] =	ssyncadd.s32 @!p0 $0xFFFFFFC0;
	s23 =	simm.s32 @!p0 $0x6  }
0x13a: {  	_ =	swait.ge @!p0 [sflag:s23], $0x2000  }
0x13b: {  	[sflag:s23] =	ssyncset.done @!p0 $0x0  }
0x13c: {  	[sflag:s23] =	ssyncadd.s32 @!p0 $0xFFFFE000;
	s23 =	simm.s32 @!p0 $0xC  }
0x13d: {  	_ =	swait.ge @!p0 [sflag:s23], $0x40  }
0x13e: {  	[sflag:s23] =	ssyncset.done @!p0 $0x0  }
0x13f: {  	[sflag:s23] =	ssyncadd.s32 @!p0 $0xFFFFFFC0;
	s23 =	simm.s32 @!p0 $0x7  }
0x140: {  	_ =	swait.ge @!p0 [sflag:s23], $0x2000  }
0x141: {  	[sflag:s23] =	ssyncset.done @!p0 $0x0  }
0x142: {  	[sflag:s23] =	ssyncadd.s32 @!p0 $0xFFFFE000;
	s23 =	simm.s32 @!p0 $0xD  }
0x143: {  	_ =	swait.ge @!p0 [sflag:s23], $0x40  }
0x144: {  	[sflag:s23] =	ssyncset.done @!p0 $0x0  }
0x145: {  	[sflag:s23] =	ssyncadd.s32 @!p0 $0xFFFFFFC0;
	s23 =	simm.s32 @!p0 $0x8  }
0x146: {  	_ =	swait.ge @!p0 [sflag:s23], $0x2000  }
0x147: {  	[sflag:s23] =	ssyncset.done @!p0 $0x0  }
0x148: {  	[sflag:s23] =	ssyncadd.s32 @!p0 $0xFFFFE000;
	s23 =	simm.s32 @!p0 $0xE  }
0x149: {  	_ =	swait.ge @!p0 [sflag:s23], $0x40  }
0x14a: {  	s29 =	simm.s32 $0x0;
	s4 =	sadd.s32 s20, s17;
	[sflag:s23] =	ssyncset.done @!p0 $0x0  }
0x14b: {  	s4 =	sadd.s32 $0x40, s4;
	[sflag:s23] =	ssyncadd.s32 @!p0 $0xFFFFFFC0;
	s23 =	sadd.s32 s20, s18  }
0x14c: {  	[tilespmem:s0], [sflag:$0xA] =	stream.linear.gather [hbm4b:s4+s29], $0x200, $0x38;
	[tilespmem:$0x1CD80] =	vst v63  }
0x14d: {  	s23 =	sadd.s32 $0x40, s23  }
0x14e: {  	[tilespmem:s5], [sflag:$0xA] =	stream.linear.gather [hbm4b:s23+s29], $0x200, $0x38;
	[tilespmem:$0x1CD80] =	vst v63  }
0x14f: {  	_ = 	snop  }
0x150: {  	[tilespmem:s14], [sflag:$0x1] =	stream.indirect.gather [hbm4b:s15+s31], $0x80, s29, s31, $0xb8;
	[tilespmem:$0x1CD80] =	vst v63  }
0x151: {  	s23 =	simm.s32 $0x80  }
0x152: {  	[tilespmem:s6], [sflag:$0x2] =	stream.indirect.gather [hbm4b:s15+s31], $0x80, s23, s31, $0xb8;
	[tilespmem:$0x1CD80] =	vst v63  }
0x153: {  	s29 =	simm.s32 $0x100  }
0x154: {  	[tilespmem:s10], [sflag:$0x3] =	stream.indirect.gather [hbm4b:s15+s31], $0x80, s29, s31, $0xb8;
	[tilespmem:$0x1CD80] =	vst v63  }
0x155: {  	s4 =	rddreg [dreg:$0x6]  }
0x156: {  	[tilespmem:s11], [sflag:$0x4] =	stream.indirect.gather [hbm4b:s15+s31], $0x80, s4, s31, $0xb8;
	[tilespmem:$0x1CD80] =	vst v63  }
0x157: {  	_ =	swait.ge [sflag:s12], $0x2000  }
0x158: {  	[sflag:s12] =	ssyncset.done $0x0  }
0x159: {  	s29 =	simm.s32 $0x400;
	[sflag:s12] =	ssyncadd.s32 $0xFFFFE000  }
0x15a: {  	[spmem:s1] =	stream.indirect.scatter.add.f32 [tilespmem:s14], [sflag:$0x5], $0x80, s29, s31, $0xb8;
	[tilespmem:$0x1CD80] =	vst v63  }
0x15b: {  	_ = 	snop  }
0x15c: {  	[spmem:s3] =	stream.indirect.scatter.add.f32 [tilespmem:s22], [sflag:$0xB], $0x1, s29, s31, $0xb8;
	[tilespmem:$0x1CD80] =	vst v63  }
0x15d: {  	_ =	swait.ge [sflag:s19], $0x2000  }
0x15e: {  	[sflag:s19] =	ssyncset.done $0x0  }
0x15f: {  	[sflag:s19] =	ssyncadd.s32 $0xFFFFE000  }
0x160: {  	[spmem:s1] =	stream.indirect.scatter.add.f32 [tilespmem:s6], [sflag:$0x6], $0x80, s7, s31, $0xb8;
	[tilespmem:$0x1CD80] =	vst v63  }
0x161: {  	_ = 	snop  }
0x162: {  	[spmem:s3] =	stream.indirect.scatter.add.f32 [tilespmem:s22], [sflag:$0xC], $0x1, s7, s31, $0xb8;
	[tilespmem:$0x1CD80] =	vst v63  }
0x163: {  	_ =	swait.ge [sflag:s21], $0x2000  }
0x164: {  	[sflag:s21] =	ssyncset.done $0x0  }
0x165: {  	[sflag:s21] =	ssyncadd.s32 $0xFFFFE000  }
0x166: {  	[spmem:s1] =	stream.indirect.scatter.add.f32 [tilespmem:s10], [sflag:$0x7], $0x80, s9, s31, $0xb8;
	[tilespmem:$0x1CD80] =	vst v63  }
0x167: {  	_ = 	snop  }
0x168: {  	[spmem:s3] =	stream.indirect.scatter.add.f32 [tilespmem:s22], [sflag:$0xD], $0x1, s9, s31, $0xb8;
	[tilespmem:$0x1CD80] =	vst v63  }
0x169: {  	_ =	swait.ge [sflag:s25], $0x2000  }
0x16a: {  	[sflag:s25] =	ssyncset.done $0x0  }
0x16b: {  	[sflag:s25] =	ssyncadd.s32 $0xFFFFE000  }
0x16c: {  	[spmem:s1] =	stream.indirect.scatter.add.f32 [tilespmem:s11], [sflag:$0x8], $0x80, s16, s31, $0xb8;
	[tilespmem:$0x1CD80] =	vst v63  }
0x16d: {  	_ = 	snop  }
0x16e: {  	[spmem:s3] =	stream.indirect.scatter.add.f32 [tilespmem:s22], [sflag:$0xE], $0x1, s16, s31, $0xb8;
	[tilespmem:$0x1CD80] =	vst v63  }
0x16f: {  	_ =	swait.ge [sflag:s30], $0x200  }
0x170: {  	[sflag:s30] =	ssyncset.done $0x0  }
0x171: {  	[sflag:s30] =	ssyncadd.s32 $0xFFFFFE00  }
0x172: {  	_ =	swait.ge [sflag:s30], $0x200  }
0x173: {  	[sflag:s30] =	ssyncset.done $0x0  }
0x174: {  	s23 =	simm.s32 $0x5;
	[sflag:s30] =	ssyncadd.s32 $0xFFFFFE00  }
0x175: {  	_ =	swait.ge [sflag:s23], $0x2000  }
0x176: {  	[sflag:s23] =	ssyncset.done $0x0  }
0x177: {  	s29 =	simm.s32 $0xB;
	[sflag:s23] =	ssyncadd.s32 $0xFFFFE000  }
0x178: {  	_ =	swait.ge [sflag:s29], $0x40  }
0x179: {  	[sflag:s29] =	ssyncset.done $0x0  }
0x17a: {  	s23 =	simm.s32 $0x6;
	[sflag:s29] =	ssyncadd.s32 $0xFFFFFFC0  }
0x17b: {  	_ =	swait.ge [sflag:s23], $0x2000  }
0x17c: {  	[sflag:s23] =	ssyncset.done $0x0  }
0x17d: {  	s29 =	simm.s32 $0xC;
	[sflag:s23] =	ssyncadd.s32 $0xFFFFE000  }
0x17e: {  	_ =	swait.ge [sflag:s29], $0x40  }
0x17f: {  	[sflag:s29] =	ssyncset.done $0x0  }
0x180: {  	s23 =	simm.s32 $0x7;
	[sflag:s29] =	ssyncadd.s32 $0xFFFFFFC0  }
0x181: {  	_ =	swait.ge [sflag:s23], $0x2000  }
0x182: {  	[sflag:s23] =	ssyncset.done $0x0  }
0x183: {  	s29 =	simm.s32 $0xD;
	[sflag:s23] =	ssyncadd.s32 $0xFFFFE000  }
0x184: {  	_ =	swait.ge [sflag:s29], $0x40  }
0x185: {  	[sflag:s29] =	ssyncset.done $0x0  }
0x186: {  	s23 =	simm.s32 $0x8;
	[sflag:s29] =	ssyncadd.s32 $0xFFFFFFC0  }
0x187: {  	_ =	swait.ge [sflag:s23], $0x2000  }
0x188: {  	[sflag:s23] =	ssyncset.done $0x0  }
0x189: {  	[sflag:s23] =	ssyncadd.s32 $0xFFFFE000;
	s23 =	simm.s32 $0xE  }
0x18a: {  	_ =	swait.ge [sflag:s23], $0x40  }
0x18b: {  	s29 =	rddreg [dreg:$0x4]  }
0x18c: {  	[sflag:s23] =	ssyncset.done $0x0;
	p0 =	sge.u32 s26, s29  }
0x18d: {  	[sflag:s23] =	ssyncadd.s32 $0xFFFFFFC0;
	s4 =	sadd.s32 @!p0 s20, s17  }
0x18e: {  	s20 =	sadd.s32 @!p0 s20, s18;
	s23 =	simm.s32 @!p0 $0x0;
	s4 =	sadd.s32 @!p0 $0x80, s4  }
0x18f: {  	[tilespmem:s23], [sflag:$0x9] =	stream.linear.gather @!p0 [hbm4b:s4+s23], $0x200, $0x38;
	[tilespmem:$0x1CD80] =	vst v63  }
0x190: {  	s4 =	sadd.s32 @!p0 $0x80, s20;
	s20 =	simm.s32 @!p0 $0x400  }
0x191: {  	[tilespmem:s20], [sflag:$0x9] =	stream.linear.gather @!p0 [hbm4b:s4+s23], $0x200, $0x38;
	[tilespmem:$0x1CD80] =	vst v63  }
0x192: {  	_ = 	snop  }
0x193: {  	[tilespmem:s14], [sflag:$0x1] =	stream.indirect.gather [hbm4b:s15+s31], $0x80, s0, s31, $0xb8;
	[tilespmem:$0x1CD80] =	vst v63  }
0x194: {  	s23 =	rddreg [dreg:$0x7]  }
0x195: {  	[tilespmem:s6], [sflag:$0x2] =	stream.indirect.gather [hbm4b:s15+s31], $0x80, s23, s31, $0xb8;
	[tilespmem:$0x1CD80] =	vst v63  }
0x196: {  	s29 =	rddreg [dreg:$0x8]  }
0x197: {  	[tilespmem:s10], [sflag:$0x3] =	stream.indirect.gather [hbm4b:s15+s31], $0x80, s29, s31, $0xb8;
	[tilespmem:$0x1CD80] =	vst v63  }
0x198: {  	s23 =	rddreg [dreg:$0x9]  }
0x199: {  	[tilespmem:s11], [sflag:$0x4] =	stream.indirect.gather [hbm4b:s15+s31], $0x80, s23, s31, $0xb8;
	[tilespmem:$0x1CD80] =	vst v63  }
0x19a: {  	_ =	swait.ge [sflag:s12], $0x2000  }
0x19b: {  	[sflag:s12] =	ssyncset.done $0x0  }
0x19c: {  	[sflag:s12] =	ssyncadd.s32 $0xFFFFE000  }
0x19d: {  	[spmem:s1] =	stream.indirect.scatter.add.f32 [tilespmem:s14], [sflag:$0x5], $0x80, s5, s31, $0xb8;
	[tilespmem:$0x1CD80] =	vst v63  }
0x19e: {  	_ = 	snop  }
0x19f: {  	[spmem:s3] =	stream.indirect.scatter.add.f32 [tilespmem:s22], [sflag:$0xB], $0x1, s5, s31, $0xb8;
	[tilespmem:$0x1CD80] =	vst v63  }
0x1a0: {  	_ =	swait.ge [sflag:s19], $0x2000  }
0x1a1: {  	[sflag:s19] =	ssyncset.done $0x0  }
0x1a2: {  	[sflag:s19] =	ssyncadd.s32 $0xFFFFE000  }
0x1a3: {  	[spmem:s1] =	stream.indirect.scatter.add.f32 [tilespmem:s6], [sflag:$0x6], $0x80, s2, s31, $0xb8;
	[tilespmem:$0x1CD80] =	vst v63  }
0x1a4: {  	_ = 	snop  }
0x1a5: {  	[spmem:s3] =	stream.indirect.scatter.add.f32 [tilespmem:s22], [sflag:$0xC], $0x1, s2, s31, $0xb8;
	[tilespmem:$0x1CD80] =	vst v63  }
0x1a6: {  	_ =	swait.ge [sflag:s21], $0x2000  }
0x1a7: {  	[sflag:s21] =	ssyncset.done $0x0  }
0x1a8: {  	[sflag:s21] =	ssyncadd.s32 $0xFFFFE000  }
0x1a9: {  	[spmem:s1] =	stream.indirect.scatter.add.f32 [tilespmem:s10], [sflag:$0x7], $0x80, s8, s31, $0xb8;
	[tilespmem:$0x1CD80] =	vst v63  }
0x1aa: {  	_ = 	snop  }
0x1ab: {  	[spmem:s3] =	stream.indirect.scatter.add.f32 [tilespmem:s22], [sflag:$0xD], $0x1, s8, s31, $0xb8;
	[tilespmem:$0x1CD80] =	vst v63  }
0x1ac: {  	_ =	swait.ge [sflag:s25], $0x2000  }
0x1ad: {  	s28 =	sadd.s32 $0x80, s28;
	s29 =	rddreg [dreg:$0x5]  }
0x1ae: {  	p0 =	sne.s32 s29, s28  }
.Ltmp1:
0x1af: {  	_ = 	snop;
	(pc) =	sbr.rel @p0 .LBB2_2-.Ltmp1, $4  }
0x1b0: {  	_ = 	snop  }
0x1b1: {  	[sflag:s25] =	ssyncset.done $0x0  }
0x1b2: {  	s26 =	sadd.s32 $0x1, s26;
	s23 =	simm.s32 $0x780;
	[sflag:s25] =	ssyncadd.s32 $0xFFFFE000  }
0x1b3: {  	[spmem:s1] =	stream.indirect.scatter.add.f32 [tilespmem:s11], [sflag:$0x8], $0x80, s13, s31, $0xb8;
	[tilespmem:$0x1CD80] =	vst v63  }
.LBB2_3:
0x1b4: {  	[spmem:s3] =	stream.indirect.scatter.add.f32 [tilespmem:s22], [sflag:$0xE], $0x1, s23, s31, $0xb8;
	[tilespmem:$0x1CD80] =	vst v63  }
0x1b5: {  	s0 =	simm.s32 $0x5  }
0x1b6: {  	_ =	swait.ge [sflag:s0], $0x2000  }
0x1b7: {  	[sflag:s0] =	ssyncset.done $0x0  }
0x1b8: {  	s4 =	simm.s32 $0xB;
	[sflag:s0] =	ssyncadd.s32 $0xFFFFE000  }
0x1b9: {  	_ =	swait.ge [sflag:s4], $0x40  }
0x1ba: {  	[sflag:s4] =	ssyncset.done $0x0  }
0x1bb: {  	s5 =	simm.s32 $0x6;
	[sflag:s4] =	ssyncadd.s32 $0xFFFFFFC0  }
0x1bc: {  	_ =	swait.ge [sflag:s5], $0x2000  }
0x1bd: {  	[sflag:s5] =	ssyncset.done $0x0  }
0x1be: {  	s7 =	simm.s32 $0xC;
	[sflag:s5] =	ssyncadd.s32 $0xFFFFE000  }
0x1bf: {  	_ =	swait.ge [sflag:s7], $0x40  }
0x1c0: {  	[sflag:s7] =	ssyncset.done $0x0  }
0x1c1: {  	s8 =	simm.s32 $0x7;
	[sflag:s7] =	ssyncadd.s32 $0xFFFFFFC0  }
0x1c2: {  	_ =	swait.ge [sflag:s8], $0x2000  }
0x1c3: {  	[sflag:s8] =	ssyncset.done $0x0  }
0x1c4: {  	s9 =	simm.s32 $0xD;
	[sflag:s8] =	ssyncadd.s32 $0xFFFFE000  }
0x1c5: {  	_ =	swait.ge [sflag:s9], $0x40  }
0x1c6: {  	[sflag:s9] =	ssyncset.done $0x0  }
0x1c7: {  	s13 =	simm.s32 $0x8;
	[sflag:s9] =	ssyncadd.s32 $0xFFFFFFC0  }
0x1c8: {  	_ =	swait.ge [sflag:s13], $0x2000  }
0x1c9: {  	[sflag:s13] =	ssyncset.done $0x0  }
0x1ca: {  	s16 =	simm.s32 $0xE;
	[sflag:s13] =	ssyncadd.s32 $0xFFFFE000  }
0x1cb: {  	_ =	swait.ge [sflag:s16], $0x40  }
0x1cc: {  	[sflag:s16] =	ssyncset.done $0x0  }
0x1cd: {  	[sflag:s16] =	ssyncadd.s32 $0xFFFFFFC0  }
0x1ce: {  	[bflag:$0x0] =	sbarrier.arrive $0xFFFF  }
0x1cf: {  	s28 =	simm.s32 $0xF;
	s20 =	rddreg [dreg:$0x15]  }
0x1d0: {  	[tilespmem:s14], [sflag:$0xF] =	stream.linear.gather [spmem:s20], $0x2000, $0x38;
	[tilespmem:$0x1CD80] =	vst v63  }
0x1d1: {  	_ =	swait.ge [sflag:s28], $0x2000  }
0x1d2: {  	[sflag:s28] =	ssyncset.done $0x0  }
0x1d3: {  	s4 =	simm.s32 $0x0;
	s20 =	rddreg [dreg:$0xa];
	[sflag:s28] =	ssyncadd.s32 $0xFFFFE000  }
0x1d4: {  	[hbm4b:s20+s4] =	stream.linear.scatter [tilespmem:s14], [sflag:$0xF], $0x2000, $0x38;
	[tilespmem:$0x1CD80] =	vst v63  }
0x1d5: {  	_ =	swait.ge [sflag:s28], $0x2000  }
0x1d6: {  	[sflag:s28] =	ssyncset.done $0x0  }
0x1d7: {  	s26 =	rddreg [dreg:$0x17];
	[sflag:s28] =	ssyncadd.s32 $0xFFFFE000  }
0x1d8: {  	[tilespmem:s14], [sflag:$0xF] =	stream.linear.gather [spmem:s26], $0x2000, $0x38;
	[tilespmem:$0x1CD80] =	vst v63  }
0x1d9: {  	_ =	swait.ge [sflag:s28], $0x2000  }
0x1da: {  	[sflag:s28] =	ssyncset.done $0x0  }
0x1db: {  	s0 =	rddreg [dreg:$0xb];
	[sflag:s28] =	ssyncadd.s32 $0xFFFFE000  }
0x1dc: {  	[hbm4b:s0+s4] =	stream.linear.scatter [tilespmem:s14], [sflag:$0xF], $0x2000, $0x38;
	[tilespmem:$0x1CD80] =	vst v63  }
0x1dd: {  	_ =	swait.ge [sflag:s28], $0x2000  }
0x1de: {  	[sflag:s28] =	ssyncset.done $0x0  }
0x1df: {  	s29 =	rddreg [dreg:$0x19];
	[sflag:s28] =	ssyncadd.s32 $0xFFFFE000  }
0x1e0: {  	[tilespmem:s14], [sflag:$0xF] =	stream.linear.gather [spmem:s29], $0x2000, $0x38;
	[tilespmem:$0x1CD80] =	vst v63  }
0x1e1: {  	_ =	swait.ge [sflag:s28], $0x2000  }
0x1e2: {  	[sflag:s28] =	ssyncset.done $0x0  }
0x1e3: {  	s2 =	rddreg [dreg:$0xc];
	[sflag:s28] =	ssyncadd.s32 $0xFFFFE000  }
0x1e4: {  	[hbm4b:s2+s4] =	stream.linear.scatter [tilespmem:s14], [sflag:$0xF], $0x2000, $0x38;
	[tilespmem:$0x1CD80] =	vst v63  }
0x1e5: {  	_ =	swait.ge [sflag:s28], $0x2000  }
0x1e6: {  	[sflag:s28] =	ssyncset.done $0x0  }
0x1e7: {  	s13 =	rddreg [dreg:$0x1b];
	[sflag:s28] =	ssyncadd.s32 $0xFFFFE000  }
0x1e8: {  	[tilespmem:s14], [sflag:$0xF] =	stream.linear.gather [spmem:s13], $0x2000, $0x38;
	[tilespmem:$0x1CD80] =	vst v63  }
0x1e9: {  	_ =	swait.ge [sflag:s28], $0x2000  }
0x1ea: {  	[sflag:s28] =	ssyncset.done $0x0  }
0x1eb: {  	s5 =	rddreg [dreg:$0xd];
	[sflag:s28] =	ssyncadd.s32 $0xFFFFE000  }
0x1ec: {  	[hbm4b:s5+s4] =	stream.linear.scatter [tilespmem:s14], [sflag:$0xF], $0x2000, $0x38;
	[tilespmem:$0x1CD80] =	vst v63  }
0x1ed: {  	_ =	swait.ge [sflag:s28], $0x2000  }
0x1ee: {  	[sflag:s28] =	ssyncset.done $0x0  }
0x1ef: {  	s7 =	rddreg [dreg:$0x1d];
	[sflag:s28] =	ssyncadd.s32 $0xFFFFE000  }
0x1f0: {  	[tilespmem:s14], [sflag:$0xF] =	stream.linear.gather [spmem:s7], $0x2000, $0x38;
	[tilespmem:$0x1CD80] =	vst v63  }
0x1f1: {  	_ =	swait.ge [sflag:s28], $0x2000  }
0x1f2: {  	[sflag:s28] =	ssyncset.done $0x0  }
0x1f3: {  	s8 =	rddreg [dreg:$0xe];
	[sflag:s28] =	ssyncadd.s32 $0xFFFFE000  }
0x1f4: {  	[hbm4b:s8+s4] =	stream.linear.scatter [tilespmem:s14], [sflag:$0xF], $0x2000, $0x38;
	[tilespmem:$0x1CD80] =	vst v63  }
0x1f5: {  	_ =	swait.ge [sflag:s28], $0x2000  }
0x1f6: {  	[sflag:s28] =	ssyncset.done $0x0  }
0x1f7: {  	s9 =	rddreg [dreg:$0x1f];
	[sflag:s28] =	ssyncadd.s32 $0xFFFFE000  }
0x1f8: {  	[tilespmem:s14], [sflag:$0xF] =	stream.linear.gather [spmem:s9], $0x2000, $0x38;
	[tilespmem:$0x1CD80] =	vst v63  }
0x1f9: {  	_ =	swait.ge [sflag:s28], $0x2000  }
0x1fa: {  	[sflag:s28] =	ssyncset.done $0x0  }
0x1fb: {  	s16 =	rddreg [dreg:$0xf];
	[sflag:s28] =	ssyncadd.s32 $0xFFFFE000  }
0x1fc: {  	[hbm4b:s16+s4] =	stream.linear.scatter [tilespmem:s14], [sflag:$0xF], $0x2000, $0x38;
	[tilespmem:$0x1CD80] =	vst v63  }
0x1fd: {  	_ =	swait.ge [sflag:s28], $0x2000  }
0x1fe: {  	s26 =	sld [smem:$0x7F4]  }
0x1ff: {  	[sflag:s28] =	ssyncset.done $0x0  }
0x200: {  	[sflag:s28] =	ssyncadd.s32 $0xFFFFE000  }
0x201: {  	[tilespmem:s14], [sflag:$0xF] =	stream.linear.gather [spmem:s26], $0x2000, $0x38;
	[tilespmem:$0x1CD80] =	vst v63  }
0x202: {  	_ =	swait.ge [sflag:s28], $0x2000  }
0x203: {  	[sflag:s28] =	ssyncset.done $0x0  }
0x204: {  	s2 =	rddreg [dreg:$0x10];
	[sflag:s28] =	ssyncadd.s32 $0xFFFFE000  }
0x205: {  	[hbm4b:s2+s4] =	stream.linear.scatter [tilespmem:s14], [sflag:$0xF], $0x2000, $0x38;
	[tilespmem:$0x1CD80] =	vst v63  }
0x206: {  	_ =	swait.ge [sflag:s28], $0x2000  }
0x207: {  	s5 =	sld [smem:$0x7F6]  }
0x208: {  	[sflag:s28] =	ssyncset.done $0x0  }
0x209: {  	[sflag:s28] =	ssyncadd.s32 $0xFFFFE000  }
0x20a: {  	[tilespmem:s14], [sflag:$0xF] =	stream.linear.gather [spmem:s5], $0x2000, $0x38;
	[tilespmem:$0x1CD80] =	vst v63  }
0x20b: {  	_ =	swait.ge [sflag:s28], $0x2000  }
0x20c: {  	[sflag:s28] =	ssyncset.done $0x0  }
0x20d: {  	s7 =	rddreg [dreg:$0x11];
	[sflag:s28] =	ssyncadd.s32 $0xFFFFE000  }
0x20e: {  	[hbm4b:s7+s4] =	stream.linear.scatter [tilespmem:s14], [sflag:$0xF], $0x2000, $0x38;
	[tilespmem:$0x1CD80] =	vst v63  }
0x20f: {  	_ =	swait.ge [sflag:s28], $0x2000  }
0x210: {  	s7 =	sld [smem:$0x7FC]  }
0x211: {  	[sflag:s28] =	ssyncset.done $0x0  }
0x212: {  	[sflag:s28] =	ssyncadd.s32 $0xFFFFE000  }
0x213: {  	[tilespmem:s14], [sflag:$0xF] =	stream.linear.gather [spmem:s7], $0x2000, $0x38;
	[tilespmem:$0x1CD80] =	vst v63  }
0x214: {  	_ =	swait.ge [sflag:s28], $0x2000  }
0x215: {  	[sflag:s28] =	ssyncset.done $0x0  }
0x216: {  	s8 =	rddreg [dreg:$0x12];
	[sflag:s28] =	ssyncadd.s32 $0xFFFFE000  }
0x217: {  	[hbm4b:s8+s4] =	stream.linear.scatter [tilespmem:s14], [sflag:$0xF], $0x2000, $0x38;
	[tilespmem:$0x1CD80] =	vst v63  }
0x218: {  	_ =	swait.ge [sflag:s28], $0x2000  }
0x219: {  	s8 =	sld [smem:$0x7FD]  }
0x21a: {  	[sflag:s28] =	ssyncset.done $0x0  }
0x21b: {  	[sflag:s28] =	ssyncadd.s32 $0xFFFFE000  }
0x21c: {  	[tilespmem:s14], [sflag:$0xF] =	stream.linear.gather [spmem:s8], $0x2000, $0x38;
	[tilespmem:$0x1CD80] =	vst v63  }
0x21d: {  	_ =	swait.ge [sflag:s28], $0x2000  }
0x21e: {  	[sflag:s28] =	ssyncset.done $0x0  }
0x21f: {  	s9 =	rddreg [dreg:$0x13];
	[sflag:s28] =	ssyncadd.s32 $0xFFFFE000  }
0x220: {  	[hbm4b:s9+s4] =	stream.linear.scatter [tilespmem:s14], [sflag:$0xF], $0x2000, $0x38;
	[tilespmem:$0x1CD80] =	vst v63  }
0x221: {  	_ =	swait.ge [sflag:s28], $0x2000  }
0x222: {  	[sflag:s28] =	ssyncset.done $0x0  }
0x223: {  	s2 =	simm.s32 $0x1C880;
	s26 =	rddreg [dreg:$0x16];
	[sflag:s28] =	ssyncadd.s32 $0xFFFFE000  }
0x224: {  	[tilespmem:s2], [sflag:$0xF] =	stream.linear.gather [spmem:s26], $0x280, $0x38;
	[tilespmem:$0x1CD80] =	vst v63  }
0x225: {  	_ =	swait.ge [sflag:s28], $0x280  }
0x226: {  	s16 =	sld [smem:$0x7FA]  }
0x227: {  	[sflag:s28] =	ssyncset.done $0x0  }
0x228: {  	s20 =	simm.s32 $0x80;
	s5 =	simm.s32 $0x100;
	[sflag:s28] =	ssyncadd.s32 $0xFFFFFD80  }
0x229: {  	[hbm4b:s16+s20] =	stream.strided.scatter [tilespmem:s2], [sflag:$0xF], $0x280, s5, s20, $0x38;
	[tilespmem:$0x1CD80] =	vst v63  }
0x22a: {  	_ =	swait.ge [sflag:s28], $0x280  }
0x22b: {  	s9 =	sld [smem:$0x7F2]  }
0x22c: {  	s16 =	sld [smem:$0x7FB];
	_ =	sdelay $0x1  }
0x22d: {  	s2 =	sadd.s32 $0x1, s9  }
0x22e: {  	p0 =	sne.s32 s2, s16  }
.Ltmp2:
0x22f: {  	_ = 	snop;
	(pc) =	sbr.rel @p0 .LBB2_1-.Ltmp2, $4  }
0x230: {  	s0 =	simm.s32 $0x200  }
0x231: {  	s20 =	simm.s32 $0xF;
	s5 =	simm.s32 $0x600;
	[sflag:s28] =	ssyncset.done $0x0  }
0x232: {  	s28 =	smov.u32 s7;
	s7 =	simm.s32 $0x480;
	[sflag:s20] =	ssyncadd.s32 $0xFFFFFD80  }
0x233: {  	s20 =	simm.s32 $0x400;
	s9 =	simm.s32 $0x500;
	s16 =	simm.s32 $0x580  }
0x234: {  	_ =	sfence.sel $0x180000  }
0x235: {  	[bflag:$0x0] =	sbarrier.arrive $0xFFFF  }
0x236: {  	_ =	strace $0x90000047  }
0x237: {  	s0 =	stileid.u32;
	[bflag:$0x2] =	sbarrier.arrive $0xFFFF  }
0x238: {  	p0 =	sne.s32 s0, $0x0;
	s0 =	rddreg [dreg:$0x3]  }
0x239: {  	s0 =	sadd.s32 @!p0 $0x100000, s0  }
0x23a: {  	[sflag:s0] =	ssyncadd.tile.s32 @!p0 $0x1;
	_ =	shalt  }
.Lfunc_end2:
_tile_overlayer_lowered:
.L_overlay_start_2:
0x23b: {  	(tag) =	ssettag $0x2  }
0x23c: {  	s0 =	rddreg [dreg:$0x0];
	s2 =	stileid.u32  }
0x23d: {  	s1 =	rddreg [dreg:$0x1];
	p0 =	sne.s32 s2, $0x0  }
0x23e: {  	s3 =	rddreg [dreg:$0x2];
	[bflag:$0x3] =	sbarrier.arrive $0xFFFF;
	s2 =	simm.s32 @!p0 $0x1C0F  }
0x23f: {  	[timem:s3], [sflag:s2] =	dma.local @!p0 [hbm:s0], s1  }
0x240: {  	s0 =	simm.s32 @!p0 $0xF  }
0x241: {  	_ =	swait.ge @!p0 [sflag:s0], s1  }
0x242: {  	s1 =	ssub.s32 @!p0 $0x0, s1;
	[sflag:s0] =	ssyncset.done @!p0 $0x0  }
0x243: {  	[sflag:s0] =	ssyncadd.s32 @!p0 s1  }
0x244: {  	[bflag:$0x3] =	sbarrier.arrive $0xFFFF  }
0x245: {  	_ =	shalt  }

</sc_bundles>
